<compile_context>
chip_gen: v7x
topology: tpu7x:2x2x1
jax: 0.10.2.dev20260603
libtpu: 0.0.44.dev20260713+nightly
codegen_flags: <defaults>
</compile_context>

<pallas_src>
import functools

import jax
import jax.numpy as jnp
from jax import lax
from jax.experimental import pallas as pl
from jax.experimental.pallas import tpu as pltpu
from jax.experimental.pallas import tpu_sc as plsc

N = 50000
E = 800000
A = 100
D = 64
B = 128
OUT = 10

NH = 32
NSC = 2
NTILE = 16
CH = 128
NCH = E // CH
NB = 25
BN_ROWS = N // NB
NPS = 50048
TROWS = NPS // NTILE
ZROWS = 136
_BN_SCALE = 1.0 / (1.0 + 1e-5) ** 0.5


def _argmax_rows(xb):
    mx = jnp.max(xb, axis=-1, keepdims=True)
    ii = lax.broadcasted_iota(jnp.int32, xb.shape, xb.ndim - 1)
    return jnp.min(jnp.where(xb == mx, ii, A), axis=-1).astype(jnp.int32)


def _stage_a_body(x_ref, emb_ref, typ_ref, r0_ref):
    i = pl.program_id(0)
    typ_ref[...] = _argmax_rows(x_ref[...].reshape(8, 250, A))

    @pl.when(i == 0)
    def _():
        e = emb_ref[...]
        m = jnp.maximum(2.0 * e[:, None, :] + e[None, :, :], 0.0)
        r0_ref[...] = jnp.stack(
            [m[:, :, :NH].reshape(A * A, NH), m[:, :, NH:].reshape(A * A, NH)], 0)


def _stage_a(x, embed):
    return pl.pallas_call(
        _stage_a_body,
        grid=(NB,),
        in_specs=[
            pl.BlockSpec((BN_ROWS, A), lambda i: (i, 0)),
            pl.BlockSpec((A, D), lambda i: (0, 0)),
        ],
        out_specs=[
            pl.BlockSpec((8, 250), lambda i: (i, 0)),
            pl.BlockSpec((NSC, A * A, NH), lambda i: (0, 0, 0)),
        ],
        out_shape=[
            jax.ShapeDtypeStruct((NB * 8, 250), jnp.int32),
            jax.ShapeDtypeStruct((NSC, A * A, NH), jnp.float32),
        ],
    )(x, embed)


def _edge_call(li, tbl_rows, K):
    mesh = plsc.VectorSubcoreMesh(core_axis_name="c", subcore_axis_name="s")

    scratch = [pltpu.VMEM_SHARED((NPS, NH), jnp.float32)]
    if li == 0:
        scratch += [pltpu.VMEM_SHARED((N,), jnp.int32)]
    else:
        scratch += [pltpu.VMEM_SHARED((tbl_rows, NH), jnp.float32)]
    for _ in range(K):
        scratch += [pltpu.VMEM((CH,), jnp.int32),
                    pltpu.VMEM((CH,), jnp.int32),
                    pltpu.VMEM((CH,), jnp.int32),
                    pltpu.VMEM((CH,), jnp.int32),
                    pltpu.VMEM((CH,), jnp.int32),
                    pltpu.VMEM((CH, NH), jnp.float32)]
        if li == 1:
            scratch += [pltpu.VMEM((CH, NH), jnp.float32)]
    per = 7 if li == 1 else 6
    nsem = K * 5
    scratch += [pltpu.SemaphoreType.DMA] * nsem

    def body(*refs):
        if li == 0:
            src_hbm, dst_hbm, typ_hbm, tbl_hbm = refs[:4]
            w_hbm = None
            agg_out, td_out = refs[4], refs[5]
            rest = list(refs[6:])
        else:
            src_hbm, dst_hbm, tdarr_hbm, tbl_hbm, w_hbm = refs[:5]
            agg_out = refs[5]
            rest = list(refs[6:])
        agg_sp = rest.pop(0)
        aux_sp = rest.pop(0)
        slots = [rest[k * per:(k + 1) * per] for k in range(K)]
        sems = rest[K * per:]
        slot_sems = [sems[k * 5:(k + 1) * 5] for k in range(K)]

        c = lax.axis_index("c")
        s = lax.axis_index("s")

        @pl.when(s == 0)
        def _():
            if li == 0:
                pltpu.sync_copy(typ_hbm, aux_sp)
            else:
                pltpu.sync_copy(tbl_hbm.at[pl.ds(c * tbl_rows, tbl_rows)],
                                aux_sp)

        zsrc = slots[0][5]

        def _zfill(r, _):
            zsrc[r, pl.ds(0, 16)] = jnp.zeros((16,), jnp.float32)
            zsrc[r, pl.ds(16, 16)] = jnp.zeros((16,), jnp.float32)
            return _
        lax.fori_loop(0, CH, _zfill, None)

        def _zcopy(j, _):
            pltpu.sync_copy(zsrc, agg_sp.at[pl.ds(s * TROWS + j * CH, CH)])
            return _
        lax.fori_loop(0, TROWS // CH, _zcopy, None)
        pltpu.sync_copy(zsrc.at[pl.ds(0, TROWS % CH)],
                        agg_sp.at[pl.ds(s * TROWS + TROWS - TROWS % CH,
                                        TROWS % CH)])
        plsc.subcore_barrier()

        base = s * 390 + jnp.minimum(s, 10)
        n = jnp.where(s < 10, 391, 390)

        def _iter(i4, _):
            i0 = i4 * K
            valid = [i0 + j < n for j in range(K)]
            lh = [[None] * 3 for _ in range(K)]

            for j in range(K):
                sv, dv, td = slots[j][0], slots[j][1], slots[j][2]
                sm = slot_sems[j]
                off = (base + i0 + j) * CH

                @pl.when(valid[j])
                def _(j=j, sv=sv, dv=dv, td=td, sm=sm, off=off):
                    lh[j][0] = pltpu.async_copy(
                        src_hbm.at[pl.ds(off, CH)], sv, sm[0])
                    lh[j][1] = pltpu.async_copy(
                        dst_hbm.at[pl.ds(off, CH)], dv, sm[1])
                    if li == 1:
                        lh[j][2] = pltpu.async_copy(
                            tdarr_hbm.at[pl.ds(off, CH)], td, sm[2])

            th = [[None, None] for _ in range(K)]
            if li == 0:
                for j in range(K):
                    sv, dv, ts, td = slots[j][:4]
                    sm = slot_sems[j]

                    @pl.when(valid[j])
                    def _(j=j, sv=sv, dv=dv, ts=ts, td=td, sm=sm):
                        lh[j][0].wait()
                        lh[j][1].wait()
                        th[j][0] = pltpu.async_copy(aux_sp.at[sv], ts, sm[2])
                        th[j][1] = pltpu.async_copy(aux_sp.at[dv], td, sm[3])

            gh = [[None, None] for _ in range(K)]
            for j in range(K):
                sv, dv, ts, td, gi, msg = slots[j][:6]
                sm = slot_sems[j]
                off = (base + i0 + j) * CH

                @pl.when(valid[j])
                def _(j=j, sv=sv, ts=ts, td=td, gi=gi, msg=msg, sm=sm,
                      off=off):
                    if li == 0:
                        th[j][0].wait()
                        th[j][1].wait()
                        coff = jnp.broadcast_to(c * tbl_rows,
                                                (16,)).astype(jnp.int32)
                        for g in range(CH // 16):
                            sl = pl.ds(g * 16, 16)
                            gi[sl] = ts[sl] * A + td[sl] + coff
                        gh[j][0] = pltpu.async_copy(tbl_hbm.at[gi], msg, sm[4])
                    else:
                        lh[j][0].wait()
                        lh[j][1].wait()
                        lh[j][2].wait()
                        coff = jnp.broadcast_to(c * N, (16,)).astype(jnp.int32)
                        for g in range(CH // 16):
                            sl = pl.ds(g * 16, 16)
                            gi[sl] = sv[sl] + coff
                        gh[j][0] = pltpu.async_copy(w_hbm.at[gi],
                                                    slots[j][6], sm[3])
                        gh[j][1] = pltpu.async_copy(aux_sp.at[slots[j][2]],
                                                    msg, sm[4])

            if li == 0:
                for j in range(K):
                    td = slots[j][3]
                    off = (base + i0 + j) * CH

                    @pl.when(valid[j] & (c == 0))
                    def _(j=j, td=td, off=off):
                        pltpu.sync_copy(td, td_out.at[pl.ds(off, CH)])

            sh = [None] * K
            for j in range(K):
                dv, msg = slots[j][1], slots[j][5]
                sm = slot_sems[j]

                @pl.when(valid[j])
                def _(j=j, dv=dv, msg=msg, sm=sm):
                    gh[j][0].wait()
                    if li == 1:
                        gh[j][1].wait()
                        wr = slots[j][6]

                        @plsc.parallel_loop(0, CH, 1, unroll=8)
                        def _relu_row(r):
                            for g in range(2):
                                sl = pl.ds(g * 16, 16)
                                msg[r, sl] = jnp.maximum(
                                    wr[r, sl] + msg[r, sl], 0.0)
                    sh[j] = pltpu.async_copy(msg, agg_sp.at[dv], sm[0],
                                             add=True)

            for j in range(K):
                @pl.when(valid[j])
                def _(j=j):
                    sh[j].wait()
            return _

        lax.fori_loop(0, (391 + K - 1) // K, _iter, None)
        plsc.subcore_barrier()

        def _drain(j, _):
            r = s * TROWS + j * ZROWS
            pltpu.sync_copy(agg_sp.at[pl.ds(r, ZROWS)],
                            agg_out.at[pl.ds(c * NPS + r, ZROWS)])
            return _
        lax.fori_loop(0, TROWS // ZROWS, _drain, None)

    out_type = jax.ShapeDtypeStruct((NSC * NPS, NH), jnp.float32)
    if li == 0:
        out_type = [out_type, jax.ShapeDtypeStruct((E,), jnp.int32)]
    return functools.partial(
        pl.kernel, body, out_type=out_type, mesh=mesh, scratch_types=scratch,
        compiler_params=pltpu.CompilerParams(use_tc_tiling_on_sc=False))()


def _mlp(z, li, cw1, cb1, g1, b1, cw2, cb2, g2, b2):
    inv = 1.0 / jnp.sqrt(jnp.float32(1.0 + 1e-5))
    z = jnp.dot(z, cw1[li]) + cb1[li][None, :]
    z = jnp.maximum(z * inv * g1[li][None, :] + b1[li][None, :], 0.0)
    z = jnp.dot(z, cw2[li]) + cb2[li][None, :]
    return jnp.maximum(z * inv * g2[li][None, :] + b2[li][None, :], 0.0)


def _onehot_embed(typ2d, emb):
    oh = (typ2d[:, :, None] == lax.broadcasted_iota(
        jnp.int32, typ2d.shape + (A,), 2))
    return jnp.dot(oh.reshape(BN_ROWS, A).astype(jnp.float32), emb)


def _c0_body(typ_ref, agg_ref, emb_ref, cw1_ref, cb1_ref, g1_ref, b1_ref,
             cw2_ref, cb2_ref, g2_ref, b2_ref, w_ref):
    vx = _onehot_embed(typ_ref[...], emb_ref[...])
    agg = agg_ref[...]
    z = vx + jnp.concatenate([agg[0], agg[1]], axis=1)
    h = _mlp(z, 0, cw1_ref[...], cb1_ref[...], g1_ref[...], b1_ref[...],
             cw2_ref[...], cb2_ref[...], g2_ref[...], b2_ref[...])
    w = h + vx
    w_ref[...] = jnp.stack([w[:, :NH], w[:, NH:]], 0)


def _stage_c0(typ2d, agg, embed, cw1, cb1, g1, b1, cw2, cb2, g2, b2):
    wfull = pl.BlockSpec((NSC, D, D), lambda i: (0, 0, 0))
    vfull = pl.BlockSpec((NSC, D), lambda i: (0, 0))
    return pl.pallas_call(
        _c0_body,
        grid=(NB,),
        in_specs=[
            pl.BlockSpec((8, 250), lambda i: (i, 0)),
            pl.BlockSpec((NSC, BN_ROWS, NH), lambda i: (0, i, 0)),
            pl.BlockSpec((A, D), lambda i: (0, 0)),
            wfull, vfull, vfull, vfull, wfull, vfull, vfull, vfull,
        ],
        out_specs=pl.BlockSpec((NSC, BN_ROWS, NH), lambda i: (0, i, 0)),
        out_shape=jax.ShapeDtypeStruct((NSC, N, NH), jnp.float32),
    )(typ2d, agg, embed, cw1, cb1, g1, b1, cw2, cb2, g2, b2)


def _c1_body(typ_ref, w_ref, agg_ref, batch_ref, emb_ref, cw1_ref, cb1_ref,
             g1_ref, b1_ref, cw2_ref, cb2_ref, g2_ref, b2_ref, l1w_ref,
             l1b_ref, l2w_ref, l2b_ref, o_ref, pool_ref):
    i = pl.program_id(0)
    vx = _onehot_embed(typ_ref[...], emb_ref[...])
    w = w_ref[...]
    h1 = jnp.concatenate([w[0], w[1]], axis=1) - vx
    agg = agg_ref[...]
    z = h1 + jnp.concatenate([agg[0], agg[1]], axis=1)
    h2 = _mlp(z, 1, cw1_ref[...], cb1_ref[...], g1_ref[...], b1_ref[...],
              cw2_ref[...], cb2_ref[...], g2_ref[...], b2_ref[...])
    bt = batch_ref[...]
    oh = (bt[:, :, None] == lax.broadcasted_iota(
        jnp.int32, bt.shape + (B,), 2)).reshape(BN_ROWS, B)
    part = lax.dot_general(oh.astype(jnp.float32), h2,
                           (((0,), (0,)), ((), ())))

    @pl.when(i == 0)
    def _():
        pool_ref[...] = jnp.zeros_like(pool_ref)

    pool_ref[...] += part

    @pl.when(i == NB - 1)
    def _():
        p = pool_ref[...]
        o = jnp.maximum(jnp.dot(p, l1w_ref[...]) + l1b_ref[...], 0.0)
        o_ref[...] = jnp.dot(o, l2w_ref[...]) + l2b_ref[...]


def _stage_c1(typ2d, w, agg, batch2d, embed, cw1, cb1, g1, b1, cw2, cb2, g2,
              b2, l1w, l1b, l2w, l2b):
    wfull = pl.BlockSpec((NSC, D, D), lambda i: (0, 0, 0))
    vfull = pl.BlockSpec((NSC, D), lambda i: (0, 0))
    return pl.pallas_call(
        _c1_body,
        grid=(NB,),
        in_specs=[
            pl.BlockSpec((8, 250), lambda i: (i, 0)),
            pl.BlockSpec((NSC, BN_ROWS, NH), lambda i: (0, i, 0)),
            pl.BlockSpec((NSC, BN_ROWS, NH), lambda i: (0, i, 0)),
            pl.BlockSpec((8, 250), lambda i: (i, 0)),
            pl.BlockSpec((A, D), lambda i: (0, 0)),
            wfull, vfull, vfull, vfull, wfull, vfull, vfull, vfull,
            pl.BlockSpec((D, D), lambda i: (0, 0)),
            pl.BlockSpec((1, D), lambda i: (0, 0)),
            pl.BlockSpec((D, OUT), lambda i: (0, 0)),
            pl.BlockSpec((1, OUT), lambda i: (0, 0)),
        ],
        out_specs=pl.BlockSpec((B, OUT), lambda i: (0, 0)),
        out_shape=jax.ShapeDtypeStruct((B, OUT), jnp.float32),
        scratch_shapes=[pltpu.VMEM((B, D), jnp.float32)],
    )(typ2d, w, agg, batch2d, embed, cw1, cb1, g1, b1, cw2, cb2, g2, b2,
      l1w, l1b, l2w, l2b)


def kernel(x, edge_index, batch, embed, conv_w1, conv_b1, bn1_g, bn1_b,
           conv_w2, conv_b2, bn2_g, bn2_b, lin1_w, lin1_b, lin2_w, lin2_b):
    typ2d, r0 = _stage_a(x, embed)
    typ = typ2d.reshape(N)
    src = edge_index[0]
    dst = edge_index[1]

    agg0, tdarr = _edge_call(0, A * A, 5)(src, dst, typ,
                                          r0.reshape(NSC * A * A, NH))
    w1 = _stage_c0(typ2d, agg0.reshape(NSC, NPS, NH), embed, conv_w1, conv_b1,
                   bn1_g, bn1_b, conv_w2, conv_b2, bn2_g, bn2_b)

    zpad = jnp.zeros((4, NH), jnp.float32)
    vt = jnp.concatenate([embed[:, :NH], zpad, embed[:, NH:], zpad], axis=0)
    agg1 = _edge_call(1, 104, 3)(src, dst, tdarr, vt, w1.reshape(NSC * N, NH))

    return _stage_c1(typ2d, w1, agg1.reshape(NSC, NPS, NH),
                     batch.reshape(NB * 8, 250), embed, conv_w1, conv_b1,
                     bn1_g, bn1_b, conv_w2, conv_b2, bn2_g, bn2_b,
                     lin1_w.reshape(D, D), lin1_b.reshape(1, D),
                     lin2_w.reshape(D, OUT), lin2_b.reshape(1, OUT))

# --- scband reference (transcript-rebuilt; emitter-appended) ---
"""Pipeline reference for scband-embed-gin-2104533975646 (READ-ONLY COPY).

The authoritative reference and input builder live on the scoring server;
editing this copy changes nothing except your own understanding.
"""

import jax, jax.numpy as jnp
import numpy as np

N = 50000
E = 800000
A = 100
D = 64
B = 128
OUT = 10
NUM_LAYERS = 2


def setup_inputs(seed: int = 0) -> dict:
    key = jax.random.key(seed)
    ks = jax.random.split(key, 16)
    inp = {}
    inp['x'] = jax.random.normal(ks[0], (N, A), dtype=jnp.float32)
    inp['edge_index'] = jax.random.randint(ks[1], (2, E), 0, N, dtype=jnp.int32)
    inp['batch'] = jnp.sort(jax.random.randint(ks[2], (N,), 0, B, dtype=jnp.int32))
    inp['embed'] = jax.random.normal(ks[3], (A, D), dtype=jnp.float32) * 0.1
    inp['conv_w1'] = jax.random.normal(ks[4], (NUM_LAYERS, D, D), dtype=jnp.float32) * 0.05
    inp['conv_b1'] = jnp.zeros((NUM_LAYERS, D), dtype=jnp.float32)
    inp['bn1_g'] = jnp.ones((NUM_LAYERS, D), dtype=jnp.float32)
    inp['bn1_b'] = jnp.zeros((NUM_LAYERS, D), dtype=jnp.float32)
    inp['conv_w2'] = jax.random.normal(ks[5], (NUM_LAYERS, D, D), dtype=jnp.float32) * 0.05
    inp['conv_b2'] = jnp.zeros((NUM_LAYERS, D), dtype=jnp.float32)
    inp['bn2_g'] = jnp.ones((NUM_LAYERS, D), dtype=jnp.float32)
    inp['bn2_b'] = jnp.zeros((NUM_LAYERS, D), dtype=jnp.float32)
    inp['lin1_w'] = jax.random.normal(ks[6], (D, D), dtype=jnp.float32) * 0.05
    inp['lin1_b'] = jnp.zeros((D,), dtype=jnp.float32)
    inp['lin2_w'] = jax.random.normal(ks[7], (D, OUT), dtype=jnp.float32) * 0.05
    inp['lin2_b'] = jnp.zeros((OUT,), dtype=jnp.float32)
    return inp


def _bn(h, g, b):
    # eval-mode BatchNorm1d with init running stats (mean=0, var=1)
    return (h - 0.0) / jnp.sqrt(1.0 + 1e-5) * g + b


def reference(x, edge_index, batch, embed, conv_w1, conv_b1, bn1_g, bn1_b,
              conv_w2, conv_b2, bn2_g, bn2_b, lin1_w, lin1_b, lin2_w, lin2_b):
    # EmbedVE: node_type = argmax of one-hot-like features, then embedding lookup
    node_type = jnp.argmax(x, axis=1)
    vx = jnp.take(embed, node_type, axis=0)
    src = edge_index[0]
    dst = edge_index[1]
    # boundary aggregation for edge cells: each edge cell e has boundary {src(e), dst(e)}
    cells = jnp.arange(E)
    ex = jnp.zeros((E, D), dtype=vx.dtype)
    ex = ex.at[cells].add(vx[src])
    ex = ex.at[cells].add(vx[dst])
    # dropout is identity in eval mode
    h = vx
    eps = 0.0  # train_eps=False
    for i in range(NUM_LAYERS):
        # GINEConv: message = relu(x_j + edge_attr), sum-aggregate at dst
        msg = jax.nn.relu(h[src] + ex)
        agg = jax.ops.segment_sum(msg, dst, num_segments=N)
        z = (1.0 + eps) * h + agg
        # nn = Linear -> BN -> ReLU -> Linear -> BN -> ReLU
        z = z @ conv_w1[i] + conv_b1[i]
        z = _bn(z, bn1_g[i], bn1_b[i])
        z = jax.nn.relu(z)
        z = z @ conv_w2[i] + conv_b2[i]
        z = _bn(z, bn2_g[i], bn2_b[i])
        h = jax.nn.relu(z)
    # sum readout over graphs in batch
    pooled = jax.ops.segment_sum(h, batch, num_segments=B)
    o = jax.nn.relu(pooled @ lin1_w + lin1_b)
    # dropout before lin2 is identity in eval mode
    o = o @ lin2_w + lin2_b
    return o

if __name__ == "__main__":
    import jax
    _d = setup_inputs()
    print(jax.jit(kernel)(*tuple(_d.values())))

</pallas_src>

<mosaic_0001>
#map = affine_map<(d0, d1) -> (0)>
#map1 = affine_map<(d0, d1) -> (0, 0)>
module attributes {stable_mosaic.version = 14 : i64} {
  func.func @body(%arg0: i32, %arg1: i32, %arg2: memref<800000xi32, #tpu.memory_space<hbm>>, %arg3: memref<800000xi32, #tpu.memory_space<hbm>>, %arg4: memref<800000xi32, #tpu.memory_space<hbm>>, %arg5: memref<208x32xf32, #tpu.memory_space<hbm>>, %arg6: memref<100000x32xf32, #tpu.memory_space<hbm>>, %arg7: memref<100096x32xf32, #tpu.memory_space<hbm>>, %arg8: memref<50048x32xf32, #tpu.memory_space<vmem_shared>>, %arg9: memref<104x32xf32, #tpu.memory_space<vmem_shared>>, %arg10: memref<128xi32, #tpu.memory_space<vmem>>, %arg11: memref<128xi32, #tpu.memory_space<vmem>>, %arg12: memref<128xi32, #tpu.memory_space<vmem>>, %arg13: memref<128xi32, #tpu.memory_space<vmem>>, %arg14: memref<128xi32, #tpu.memory_space<vmem>>, %arg15: memref<128x32xf32, #tpu.memory_space<vmem>>, %arg16: memref<128x32xf32, #tpu.memory_space<vmem>>, %arg17: memref<128xi32, #tpu.memory_space<vmem>>, %arg18: memref<128xi32, #tpu.memory_space<vmem>>, %arg19: memref<128xi32, #tpu.memory_space<vmem>>, %arg20: memref<128xi32, #tpu.memory_space<vmem>>, %arg21: memref<128xi32, #tpu.memory_space<vmem>>, %arg22: memref<128x32xf32, #tpu.memory_space<vmem>>, %arg23: memref<128x32xf32, #tpu.memory_space<vmem>>, %arg24: memref<128xi32, #tpu.memory_space<vmem>>, %arg25: memref<128xi32, #tpu.memory_space<vmem>>, %arg26: memref<128xi32, #tpu.memory_space<vmem>>, %arg27: memref<128xi32, #tpu.memory_space<vmem>>, %arg28: memref<128xi32, #tpu.memory_space<vmem>>, %arg29: memref<128x32xf32, #tpu.memory_space<vmem>>, %arg30: memref<128x32xf32, #tpu.memory_space<vmem>>, %arg31: memref<!tpu.dma_semaphore, #tpu.memory_space<semaphore_mem>>, %arg32: memref<!tpu.dma_semaphore, #tpu.memory_space<semaphore_mem>>, %arg33: memref<!tpu.dma_semaphore, #tpu.memory_space<semaphore_mem>>, %arg34: memref<!tpu.dma_semaphore, #tpu.memory_space<semaphore_mem>>, %arg35: memref<!tpu.dma_semaphore, #tpu.memory_space<semaphore_mem>>, %arg36: memref<!tpu.dma_semaphore, #tpu.memory_space<semaphore_mem>>, %arg37: memref<!tpu.dma_semaphore, #tpu.memory_space<semaphore_mem>>, %arg38: memref<!tpu.dma_semaphore, #tpu.memory_space<semaphore_mem>>, %arg39: memref<!tpu.dma_semaphore, #tpu.memory_space<semaphore_mem>>, %arg40: memref<!tpu.dma_semaphore, #tpu.memory_space<semaphore_mem>>, %arg41: memref<!tpu.dma_semaphore, #tpu.memory_space<semaphore_mem>>, %arg42: memref<!tpu.dma_semaphore, #tpu.memory_space<semaphore_mem>>, %arg43: memref<!tpu.dma_semaphore, #tpu.memory_space<semaphore_mem>>, %arg44: memref<!tpu.dma_semaphore, #tpu.memory_space<semaphore_mem>>, %arg45: memref<!tpu.dma_semaphore, #tpu.memory_space<semaphore_mem>>) attributes {dimension_semantics = [#tpu.dimension_semantics<core_parallel>, #tpu.dimension_semantics<subcore_parallel>], iteration_bounds = array<i64: 2, 16>, scalar_prefetch = 0 : i64, scratch_operands = 38 : i64, tpu.core_type = #tpu.core_type<sc_vector_subcore>, window_params = [{transform_indices = #map}, {transform_indices = #map}, {transform_indices = #map}, {transform_indices = #map1}, {transform_indices = #map1}, {transform_indices = #map1}]} {
    %eq3A = arith.constant 0 : i32
    %eq3A_0 = arith.cmpi eq, %arg1, %eq3A : i32
    %convert_element_type3A = arith.extui %eq3A_0 : i1 to i32
    %cond3A = arith.constant 0 : i32
    %cond3A_1 = arith.cmpi ne, %convert_element_type3A, %cond3A : i32
    scf.if %cond3A_1 {
      %mul3A_31 = arith.constant 104 : i32
      %mul3A_32 = arith.muli %arg0, %mul3A_31 : i32
      "tpu.region"() ({
        %run_scoped3A = tpu.sem_alloc : memref<!tpu.dma_semaphore, #tpu.memory_space<semaphore_mem>>
        %dma_start3A = arith.constant 0 : i32
        %dma_start3A_33 = tpu.memref_slice %arg5[%mul3A_32, %dma_start3A] : memref<208x32xf32, #tpu.memory_space<hbm>> -> memref<104x32xf32, #tpu.memory_space<hbm>>
        tpu.enqueue_dma source(%dma_start3A_33 : memref<104x32xf32, #tpu.memory_space<hbm>>) target(%arg9 : memref<104x32xf32, #tpu.memory_space<vmem_shared>>) target_semaphore(%run_scoped3A : memref<!tpu.dma_semaphore, #tpu.memory_space<semaphore_mem>>)
        %dma_wait3A = arith.constant 0 : i32
        %dma_wait3A_34 = tpu.memref_slice %arg5[%mul3A_32, %dma_wait3A] : memref<208x32xf32, #tpu.memory_space<hbm>> -> memref<104x32xf32, #tpu.memory_space<hbm>>
        tpu.wait_dma2 semaphore(%run_scoped3A : memref<!tpu.dma_semaphore, #tpu.memory_space<semaphore_mem>>) src(%dma_wait3A_34 : memref<104x32xf32, #tpu.memory_space<hbm>>) dst(%arg9 : memref<104x32xf32, #tpu.memory_space<vmem_shared>>)
        tpu.yield
      }) : () -> ()
    } else {
    }
    %scan3A = arith.constant 0 : i32
    %scan3A_2 = arith.constant 128 : i32
    %scan3A_3 = arith.addi %scan3A, %scan3A_2 : i32
    %scan3A_4 = arith.constant 1 : i32
    scf.for %scan3A_31 = %scan3A to %scan3A_3 step %scan3A_4  : i32 {
      %broadcast_in_dim3A = arith.constant 0.000000e+00 : f32
      %broadcast_in_dim3A_32 = vector.broadcast %broadcast_in_dim3A : f32 to vector<16xf32>
      %swap3A = arith.index_cast %scan3A_31 : i32 to index
      %swap3A_33 = arith.constant 0 : index
      %swap3A_34 = tpu.vector_load %arg15[%swap3A, %swap3A_33] {strides = array<i32>} : memref<128x32xf32, #tpu.memory_space<vmem>>, vector<1x16xf32>,
      %swap3A_35 = vector.shape_cast %swap3A_34 : vector<1x16xf32> to vector<16xf32>
      %swap3A_36 = vector.shape_cast %broadcast_in_dim3A_32 : vector<16xf32> to vector<1x16xf32>
      tpu.vector_store %arg15[%swap3A, %swap3A_33], %swap3A_36 {strides = array<i32>} : memref<128x32xf32, #tpu.memory_space<vmem>>, vector<1x16xf32>,
      %broadcast_in_dim3A_37 = arith.constant 0.000000e+00 : f32
      %broadcast_in_dim3A_38 = vector.broadcast %broadcast_in_dim3A_37 : f32 to vector<16xf32>
      %swap3A_39 = arith.index_cast %scan3A_31 : i32 to index
      %swap3A_40 = arith.constant 16 : index
      %swap3A_41 = tpu.vector_load %arg15[%swap3A_39, %swap3A_40] {strides = array<i32>} : memref<128x32xf32, #tpu.memory_space<vmem>>, vector<1x16xf32>,
      %swap3A_42 = vector.shape_cast %swap3A_41 : vector<1x16xf32> to vector<16xf32>
      %swap3A_43 = vector.shape_cast %broadcast_in_dim3A_38 : vector<16xf32> to vector<1x16xf32>
      tpu.vector_store %arg15[%swap3A_39, %swap3A_40], %swap3A_43 {strides = array<i32>} : memref<128x32xf32, #tpu.memory_space<vmem>>, vector<1x16xf32>,
    }
    %scan3A_5 = arith.constant 128 : i32
    %scan3A_6 = arith.constant 0 : i32
    %scan3A_7 = arith.constant 24 : i32
    %scan3A_8 = arith.addi %scan3A_6, %scan3A_7 : i32
    %scan3A_9 = arith.constant 1 : i32
    scf.for %scan3A_31 = %scan3A_6 to %scan3A_8 step %scan3A_9  : i32 {
      %mul3A_32 = arith.constant 3128 : i32
      %mul3A_33 = arith.muli %arg1, %mul3A_32 : i32
      %mul3A_34 = arith.constant 128 : i32
      %mul3A_35 = arith.muli %scan3A_31, %mul3A_34 : i32
      %add3A_36 = arith.addi %mul3A_33, %mul3A_35 : i32
      "tpu.region"() ({
        %run_scoped3A = tpu.sem_alloc : memref<!tpu.dma_semaphore, #tpu.memory_space<semaphore_mem>>
        %dma_start3A = arith.constant 0 : i32
        %dma_start3A_37 = tpu.memref_slice %arg8[%add3A_36, %dma_start3A] : memref<50048x32xf32, #tpu.memory_space<vmem_shared>> -> memref<128x32xf32, #tpu.memory_space<vmem_shared>>
        %dma_start3A_38 = arith.constant 0 : i32
        %dma_start3A_39 = tpu.memref_slice %arg8[%add3A_36, %dma_start3A_38] : memref<50048x32xf32, #tpu.memory_space<vmem_shared>> -> memref<128x32xf32, #tpu.memory_space<vmem_shared>>
        tpu.enqueue_dma source(%arg15 : memref<128x32xf32, #tpu.memory_space<vmem>>) target(%dma_start3A_39 : memref<128x32xf32, #tpu.memory_space<vmem_shared>>) target_semaphore(%run_scoped3A : memref<!tpu.dma_semaphore, #tpu.memory_space<semaphore_mem>>)
        %dma_wait3A = arith.constant 0 : i32
        %dma_wait3A_40 = tpu.memref_slice %arg8[%add3A_36, %dma_wait3A] : memref<50048x32xf32, #tpu.memory_space<vmem_shared>> -> memref<128x32xf32, #tpu.memory_space<vmem_shared>>
        %dma_wait3A_41 = arith.constant 0 : i32
        %dma_wait3A_42 = tpu.memref_slice %arg8[%add3A_36, %dma_wait3A_41] : memref<50048x32xf32, #tpu.memory_space<vmem_shared>> -> memref<128x32xf32, #tpu.memory_space<vmem_shared>>
        tpu.wait_dma2 semaphore(%run_scoped3A : memref<!tpu.dma_semaphore, #tpu.memory_space<semaphore_mem>>) src(%arg15 : memref<128x32xf32, #tpu.memory_space<vmem>>) dst(%dma_wait3A_42 : memref<128x32xf32, #tpu.memory_space<vmem_shared>>)
        tpu.yield
      }) : () -> ()
    }
    %scan3A_10 = arith.constant 24 : i32
    %mul3A = arith.constant 3128 : i32
    %mul3A_11 = arith.muli %arg1, %mul3A : i32
    %add3A = arith.constant 3128 : i32
    %add3A_12 = arith.addi %mul3A_11, %add3A : i32
    %sub3A = arith.constant 56 : i32
    %sub3A_13 = arith.subi %add3A_12, %sub3A : i32
    "tpu.region"() ({
      %run_scoped3A = tpu.sem_alloc : memref<!tpu.dma_semaphore, #tpu.memory_space<semaphore_mem>>
      %dma_start3A = arith.constant 0 : i32
      %dma_start3A_31 = arith.constant 0 : i32
      %dma_start3A_32 = tpu.memref_slice %arg15[%dma_start3A, %dma_start3A_31] : memref<128x32xf32, #tpu.memory_space<vmem>> -> memref<56x32xf32, #tpu.memory_space<vmem>>
      %dma_start3A_33 = arith.constant 0 : i32
      %dma_start3A_34 = tpu.memref_slice %arg8[%sub3A_13, %dma_start3A_33] : memref<50048x32xf32, #tpu.memory_space<vmem_shared>> -> memref<56x32xf32, #tpu.memory_space<vmem_shared>>
      %dma_start3A_35 = arith.constant 0 : i32
      %dma_start3A_36 = tpu.memref_slice %arg8[%sub3A_13, %dma_start3A_35] : memref<50048x32xf32, #tpu.memory_space<vmem_shared>> -> memref<56x32xf32, #tpu.memory_space<vmem_shared>>
      %dma_start3A_37 = arith.constant 0 : i32
      %dma_start3A_38 = arith.constant 0 : i32
      %dma_start3A_39 = tpu.memref_slice %arg15[%dma_start3A_37, %dma_start3A_38] : memref<128x32xf32, #tpu.memory_space<vmem>> -> memref<56x32xf32, #tpu.memory_space<vmem>>
      tpu.enqueue_dma source(%dma_start3A_39 : memref<56x32xf32, #tpu.memory_space<vmem>>) target(%dma_start3A_36 : memref<56x32xf32, #tpu.memory_space<vmem_shared>>) target_semaphore(%run_scoped3A : memref<!tpu.dma_semaphore, #tpu.memory_space<semaphore_mem>>)
      %dma_wait3A = arith.constant 0 : i32
      %dma_wait3A_40 = arith.constant 0 : i32
      %dma_wait3A_41 = tpu.memref_slice %arg15[%dma_wait3A, %dma_wait3A_40] : memref<128x32xf32, #tpu.memory_space<vmem>> -> memref<56x32xf32, #tpu.memory_space<vmem>>
      %dma_wait3A_42 = arith.constant 0 : i32
      %dma_wait3A_43 = tpu.memref_slice %arg8[%sub3A_13, %dma_wait3A_42] : memref<50048x32xf32, #tpu.memory_space<vmem_shared>> -> memref<56x32xf32, #tpu.memory_space<vmem_shared>>
      %dma_wait3A_44 = arith.constant 0 : i32
      %dma_wait3A_45 = tpu.memref_slice %arg8[%sub3A_13, %dma_wait3A_44] : memref<50048x32xf32, #tpu.memory_space<vmem_shared>> -> memref<56x32xf32, #tpu.memory_space<vmem_shared>>
      %dma_wait3A_46 = arith.constant 0 : i32
      %dma_wait3A_47 = arith.constant 0 : i32
      %dma_wait3A_48 = tpu.memref_slice %arg15[%dma_wait3A_46, %dma_wait3A_47] : memref<128x32xf32, #tpu.memory_space<vmem>> -> memref<56x32xf32, #tpu.memory_space<vmem>>
      tpu.wait_dma2 semaphore(%run_scoped3A : memref<!tpu.dma_semaphore, #tpu.memory_space<semaphore_mem>>) src(%dma_wait3A_48 : memref<56x32xf32, #tpu.memory_space<vmem>>) dst(%dma_wait3A_45 : memref<56x32xf32, #tpu.memory_space<vmem_shared>>)
      tpu.yield
    }) : () -> ()
    %barrier3A = arith.constant 0 : index
    tpu.barrier barrier_id(%barrier3A)
    %mul3A_14 = arith.constant 390 : i32
    %mul3A_15 = arith.muli %arg1, %mul3A_14 : i32
    %min3A = arith.constant 10 : i32
    %min3A_16 = arith.minsi %arg1, %min3A : i32
    %add3A_17 = arith.addi %mul3A_15, %min3A_16 : i32
    %lt3A = arith.constant 10 : i32
    %lt3A_18 = arith.cmpi slt, %arg1, %lt3A : i32
    %jit3A = arith.constant 391 : i32
    %jit3A_19 = arith.constant 390 : i32
    %select_n3A = arith.select %lt3A_18, %jit3A, %jit3A_19 : i32
    %scan3A_20 = arith.constant 0 : i32
    %scan3A_21 = arith.constant 131 : i32
    %scan3A_22 = arith.addi %scan3A_20, %scan3A_21 : i32
    %scan3A_23 = arith.constant 1 : i32
    scf.for %scan3A_31 = %scan3A_20 to %scan3A_22 step %scan3A_23  : i32 {
      %mul3A_32 = arith.constant 3 : i32
      %mul3A_33 = arith.muli %scan3A_31, %mul3A_32 : i32
      %add3A_34 = arith.constant 0 : i32
      %add3A_35 = arith.addi %mul3A_33, %add3A_34 : i32
      %lt3A_36 = arith.cmpi slt, %add3A_35, %select_n3A : i32
      %add3A_37 = arith.constant 1 : i32
      %add3A_38 = arith.addi %mul3A_33, %add3A_37 : i32
      %lt3A_39 = arith.cmpi slt, %add3A_38, %select_n3A : i32
      %add3A_40 = arith.constant 2 : i32
      %add3A_41 = arith.addi %mul3A_33, %add3A_40 : i32
      %lt3A_42 = arith.cmpi slt, %add3A_41, %select_n3A : i32
      %add3A_43 = arith.addi %add3A_17, %mul3A_33 : i32
      %add3A_44 = arith.constant 0 : i32
      %add3A_45 = arith.addi %add3A_43, %add3A_44 : i32
      %mul3A_46 = arith.constant 128 : i32
      %mul3A_47 = arith.muli %add3A_45, %mul3A_46 : i32
      %convert_element_type3A_48 = arith.extui %lt3A_36 : i1 to i32
      %cond3A_49 = arith.constant 0 : i32
      %cond3A_50 = arith.cmpi ne, %convert_element_type3A_48, %cond3A_49 : i32
      scf.if %cond3A_50 {
        %dma_start3A = tpu.memref_slice %arg2[%mul3A_47] : memref<800000xi32, #tpu.memory_space<hbm>> -> memref<128xi32, #tpu.memory_space<hbm>>
        %dma_start3A_109 = tpu.memref_slice %arg2[%mul3A_47] : memref<800000xi32, #tpu.memory_space<hbm>> -> memref<128xi32, #tpu.memory_space<hbm>>
        tpu.enqueue_dma source(%dma_start3A_109 : memref<128xi32, #tpu.memory_space<hbm>>) target(%arg10 : memref<128xi32, #tpu.memory_space<vmem>>) target_semaphore(%arg31 : memref<!tpu.dma_semaphore, #tpu.memory_space<semaphore_mem>>)
        %dma_start3A_110 = tpu.memref_slice %arg3[%mul3A_47] : memref<800000xi32, #tpu.memory_space<hbm>> -> memref<128xi32, #tpu.memory_space<hbm>>
        %dma_start3A_111 = tpu.memref_slice %arg3[%mul3A_47] : memref<800000xi32, #tpu.memory_space<hbm>> -> memref<128xi32, #tpu.memory_space<hbm>>
        tpu.enqueue_dma source(%dma_start3A_111 : memref<128xi32, #tpu.memory_space<hbm>>) target(%arg11 : memref<128xi32, #tpu.memory_space<vmem>>) target_semaphore(%arg32 : memref<!tpu.dma_semaphore, #tpu.memory_space<semaphore_mem>>)
        %dma_start3A_112 = tpu.memref_slice %arg4[%mul3A_47] : memref<800000xi32, #tpu.memory_space<hbm>> -> memref<128xi32, #tpu.memory_space<hbm>>
        %dma_start3A_113 = tpu.memref_slice %arg4[%mul3A_47] : memref<800000xi32, #tpu.memory_space<hbm>> -> memref<128xi32, #tpu.memory_space<hbm>>
        tpu.enqueue_dma source(%dma_start3A_113 : memref<128xi32, #tpu.memory_space<hbm>>) target(%arg12 : memref<128xi32, #tpu.memory_space<vmem>>) target_semaphore(%arg33 : memref<!tpu.dma_semaphore, #tpu.memory_space<semaphore_mem>>)
      } else {
      }
      %add3A_51 = arith.addi %add3A_17, %mul3A_33 : i32
      %add3A_52 = arith.constant 1 : i32
      %add3A_53 = arith.addi %add3A_51, %add3A_52 : i32
      %mul3A_54 = arith.constant 128 : i32
      %mul3A_55 = arith.muli %add3A_53, %mul3A_54 : i32
      %convert_element_type3A_56 = arith.extui %lt3A_39 : i1 to i32
      %cond3A_57 = arith.constant 0 : i32
      %cond3A_58 = arith.cmpi ne, %convert_element_type3A_56, %cond3A_57 : i32
      scf.if %cond3A_58 {
        %dma_start3A = tpu.memref_slice %arg2[%mul3A_55] : memref<800000xi32, #tpu.memory_space<hbm>> -> memref<128xi32, #tpu.memory_space<hbm>>
        %dma_start3A_109 = tpu.memref_slice %arg2[%mul3A_55] : memref<800000xi32, #tpu.memory_space<hbm>> -> memref<128xi32, #tpu.memory_space<hbm>>
        tpu.enqueue_dma source(%dma_start3A_109 : memref<128xi32, #tpu.memory_space<hbm>>) target(%arg17 : memref<128xi32, #tpu.memory_space<vmem>>) target_semaphore(%arg36 : memref<!tpu.dma_semaphore, #tpu.memory_space<semaphore_mem>>)
        %dma_start3A_110 = tpu.memref_slice %arg3[%mul3A_55] : memref<800000xi32, #tpu.memory_space<hbm>> -> memref<128xi32, #tpu.memory_space<hbm>>
        %dma_start3A_111 = tpu.memref_slice %arg3[%mul3A_55] : memref<800000xi32, #tpu.memory_space<hbm>> -> memref<128xi32, #tpu.memory_space<hbm>>
        tpu.enqueue_dma source(%dma_start3A_111 : memref<128xi32, #tpu.memory_space<hbm>>) target(%arg18 : memref<128xi32, #tpu.memory_space<vmem>>) target_semaphore(%arg37 : memref<!tpu.dma_semaphore, #tpu.memory_space<semaphore_mem>>)
        %dma_start3A_112 = tpu.memref_slice %arg4[%mul3A_55] : memref<800000xi32, #tpu.memory_space<hbm>> -> memref<128xi32, #tpu.memory_space<hbm>>
        %dma_start3A_113 = tpu.memref_slice %arg4[%mul3A_55] : memref<800000xi32, #tpu.memory_space<hbm>> -> memref<128xi32, #tpu.memory_space<hbm>>
        tpu.enqueue_dma source(%dma_start3A_113 : memref<128xi32, #tpu.memory_space<hbm>>) target(%arg19 : memref<128xi32, #tpu.memory_space<vmem>>) target_semaphore(%arg38 : memref<!tpu.dma_semaphore, #tpu.memory_space<semaphore_mem>>)
      } else {
      }
      %add3A_59 = arith.addi %add3A_17, %mul3A_33 : i32
      %add3A_60 = arith.constant 2 : i32
      %add3A_61 = arith.addi %add3A_59, %add3A_60 : i32
      %mul3A_62 = arith.constant 128 : i32
      %mul3A_63 = arith.muli %add3A_61, %mul3A_62 : i32
      %convert_element_type3A_64 = arith.extui %lt3A_42 : i1 to i32
      %cond3A_65 = arith.constant 0 : i32
      %cond3A_66 = arith.cmpi ne, %convert_element_type3A_64, %cond3A_65 : i32
      scf.if %cond3A_66 {
        %dma_start3A = tpu.memref_slice %arg2[%mul3A_63] : memref<800000xi32, #tpu.memory_space<hbm>> -> memref<128xi32, #tpu.memory_space<hbm>>
        %dma_start3A_109 = tpu.memref_slice %arg2[%mul3A_63] : memref<800000xi32, #tpu.memory_space<hbm>> -> memref<128xi32, #tpu.memory_space<hbm>>
        tpu.enqueue_dma source(%dma_start3A_109 : memref<128xi32, #tpu.memory_space<hbm>>) target(%arg24 : memref<128xi32, #tpu.memory_space<vmem>>) target_semaphore(%arg41 : memref<!tpu.dma_semaphore, #tpu.memory_space<semaphore_mem>>)
        %dma_start3A_110 = tpu.memref_slice %arg3[%mul3A_63] : memref<800000xi32, #tpu.memory_space<hbm>> -> memref<128xi32, #tpu.memory_space<hbm>>
        %dma_start3A_111 = tpu.memref_slice %arg3[%mul3A_63] : memref<800000xi32, #tpu.memory_space<hbm>> -> memref<128xi32, #tpu.memory_space<hbm>>
        tpu.enqueue_dma source(%dma_start3A_111 : memref<128xi32, #tpu.memory_space<hbm>>) target(%arg25 : memref<128xi32, #tpu.memory_space<vmem>>) target_semaphore(%arg42 : memref<!tpu.dma_semaphore, #tpu.memory_space<semaphore_mem>>)
        %dma_start3A_112 = tpu.memref_slice %arg4[%mul3A_63] : memref<800000xi32, #tpu.memory_space<hbm>> -> memref<128xi32, #tpu.memory_space<hbm>>
        %dma_start3A_113 = tpu.memref_slice %arg4[%mul3A_63] : memref<800000xi32, #tpu.memory_space<hbm>> -> memref<128xi32, #tpu.memory_space<hbm>>
        tpu.enqueue_dma source(%dma_start3A_113 : memref<128xi32, #tpu.memory_space<hbm>>) target(%arg26 : memref<128xi32, #tpu.memory_space<vmem>>) target_semaphore(%arg43 : memref<!tpu.dma_semaphore, #tpu.memory_space<semaphore_mem>>)
      } else {
      }
      %add3A_67 = arith.addi %add3A_17, %mul3A_33 : i32
      %add3A_68 = arith.constant 0 : i32
      %add3A_69 = arith.addi %add3A_67, %add3A_68 : i32
      %mul3A_70 = arith.constant 128 : i32
      %mul3A_71 = arith.muli %add3A_69, %mul3A_70 : i32
      %convert_element_type3A_72 = arith.extui %lt3A_36 : i1 to i32
      %cond3A_73 = arith.constant 0 : i32
      %cond3A_74 = arith.cmpi ne, %convert_element_type3A_72, %cond3A_73 : i32
      scf.if %cond3A_74 {
        %dma_wait3A = tpu.memref_slice %arg2[%mul3A_47] : memref<800000xi32, #tpu.memory_space<hbm>> -> memref<128xi32, #tpu.memory_space<hbm>>
        %dma_wait3A_109 = tpu.memref_slice %arg2[%mul3A_47] : memref<800000xi32, #tpu.memory_space<hbm>> -> memref<128xi32, #tpu.memory_space<hbm>>
        tpu.wait_dma2 semaphore(%arg31 : memref<!tpu.dma_semaphore, #tpu.memory_space<semaphore_mem>>) src(%dma_wait3A_109 : memref<128xi32, #tpu.memory_space<hbm>>) dst(%arg10 : memref<128xi32, #tpu.memory_space<vmem>>)
        %dma_wait3A_110 = tpu.memref_slice %arg3[%mul3A_47] : memref<800000xi32, #tpu.memory_space<hbm>> -> memref<128xi32, #tpu.memory_space<hbm>>
        %dma_wait3A_111 = tpu.memref_slice %arg3[%mul3A_47] : memref<800000xi32, #tpu.memory_space<hbm>> -> memref<128xi32, #tpu.memory_space<hbm>>
        tpu.wait_dma2 semaphore(%arg32 : memref<!tpu.dma_semaphore, #tpu.memory_space<semaphore_mem>>) src(%dma_wait3A_111 : memref<128xi32, #tpu.memory_space<hbm>>) dst(%arg11 : memref<128xi32, #tpu.memory_space<vmem>>)
        %dma_wait3A_112 = tpu.memref_slice %arg4[%mul3A_47] : memref<800000xi32, #tpu.memory_space<hbm>> -> memref<128xi32, #tpu.memory_space<hbm>>
        %dma_wait3A_113 = tpu.memref_slice %arg4[%mul3A_47] : memref<800000xi32, #tpu.memory_space<hbm>> -> memref<128xi32, #tpu.memory_space<hbm>>
        tpu.wait_dma2 semaphore(%arg33 : memref<!tpu.dma_semaphore, #tpu.memory_space<semaphore_mem>>) src(%dma_wait3A_113 : memref<128xi32, #tpu.memory_space<hbm>>) dst(%arg12 : memref<128xi32, #tpu.memory_space<vmem>>)
        %mul3A_114 = arith.constant 50000 : i32
        %mul3A_115 = arith.muli %arg0, %mul3A_114 : i32
        %broadcast_in_dim3A = vector.broadcast %mul3A_115 : i32 to vector<16xi32>
        %get3A = arith.constant 0 : index
        %get3A_116 = tpu.vector_load %arg10[%get3A] {strides = array<i32>} : memref<128xi32, #tpu.memory_space<vmem>>, vector<16xi32>,
        %get3A_117 = vector.shape_cast %get3A_116 : vector<16xi32> to vector<16xi32>
        %add3A_118 = arith.addi %get3A_117, %broadcast_in_dim3A : vector<16xi32>
        %swap3A = arith.constant 0 : index
        %swap3A_119 = tpu.vector_load %arg14[%swap3A] {strides = array<i32>} : memref<128xi32, #tpu.memory_space<vmem>>, vector<16xi32>,
        %swap3A_120 = vector.shape_cast %swap3A_119 : vector<16xi32> to vector<16xi32>
        %swap3A_121 = vector.shape_cast %add3A_118 : vector<16xi32> to vector<16xi32>
        tpu.vector_store %arg14[%swap3A], %swap3A_121 {strides = array<i32>} : memref<128xi32, #tpu.memory_space<vmem>>, vector<16xi32>,
        %get3A_122 = arith.constant 16 : index
        %get3A_123 = tpu.vector_load %arg10[%get3A_122] {strides = array<i32>} : memref<128xi32, #tpu.memory_space<vmem>>, vector<16xi32>,
        %get3A_124 = vector.shape_cast %get3A_123 : vector<16xi32> to vector<16xi32>
        %add3A_125 = arith.addi %get3A_124, %broadcast_in_dim3A : vector<16xi32>
        %swap3A_126 = arith.constant 16 : index
        %swap3A_127 = tpu.vector_load %arg14[%swap3A_126] {strides = array<i32>} : memref<128xi32, #tpu.memory_space<vmem>>, vector<16xi32>,
        %swap3A_128 = vector.shape_cast %swap3A_127 : vector<16xi32> to vector<16xi32>
        %swap3A_129 = vector.shape_cast %add3A_125 : vector<16xi32> to vector<16xi32>
        tpu.vector_store %arg14[%swap3A_126], %swap3A_129 {strides = array<i32>} : memref<128xi32, #tpu.memory_space<vmem>>, vector<16xi32>,
        %get3A_130 = arith.constant 32 : index
        %get3A_131 = tpu.vector_load %arg10[%get3A_130] {strides = array<i32>} : memref<128xi32, #tpu.memory_space<vmem>>, vector<16xi32>,
        %get3A_132 = vector.shape_cast %get3A_131 : vector<16xi32> to vector<16xi32>
        %add3A_133 = arith.addi %get3A_132, %broadcast_in_dim3A : vector<16xi32>
        %swap3A_134 = arith.constant 32 : index
        %swap3A_135 = tpu.vector_load %arg14[%swap3A_134] {strides = array<i32>} : memref<128xi32, #tpu.memory_space<vmem>>, vector<16xi32>,
        %swap3A_136 = vector.shape_cast %swap3A_135 : vector<16xi32> to vector<16xi32>
        %swap3A_137 = vector.shape_cast %add3A_133 : vector<16xi32> to vector<16xi32>
        tpu.vector_store %arg14[%swap3A_134], %swap3A_137 {strides = array<i32>} : memref<128xi32, #tpu.memory_space<vmem>>, vector<16xi32>,
        %get3A_138 = arith.constant 48 : index
        %get3A_139 = tpu.vector_load %arg10[%get3A_138] {strides = array<i32>} : memref<128xi32, #tpu.memory_space<vmem>>, vector<16xi32>,
        %get3A_140 = vector.shape_cast %get3A_139 : vector<16xi32> to vector<16xi32>
        %add3A_141 = arith.addi %get3A_140, %broadcast_in_dim3A : vector<16xi32>
        %swap3A_142 = arith.constant 48 : index
        %swap3A_143 = tpu.vector_load %arg14[%swap3A_142] {strides = array<i32>} : memref<128xi32, #tpu.memory_space<vmem>>, vector<16xi32>,
        %swap3A_144 = vector.shape_cast %swap3A_143 : vector<16xi32> to vector<16xi32>
        %swap3A_145 = vector.shape_cast %add3A_141 : vector<16xi32> to vector<16xi32>
        tpu.vector_store %arg14[%swap3A_142], %swap3A_145 {strides = array<i32>} : memref<128xi32, #tpu.memory_space<vmem>>, vector<16xi32>,
        %get3A_146 = arith.constant 64 : index
        %get3A_147 = tpu.vector_load %arg10[%get3A_146] {strides = array<i32>} : memref<128xi32, #tpu.memory_space<vmem>>, vector<16xi32>,
        %get3A_148 = vector.shape_cast %get3A_147 : vector<16xi32> to vector<16xi32>
        %add3A_149 = arith.addi %get3A_148, %broadcast_in_dim3A : vector<16xi32>
        %swap3A_150 = arith.constant 64 : index
        %swap3A_151 = tpu.vector_load %arg14[%swap3A_150] {strides = array<i32>} : memref<128xi32, #tpu.memory_space<vmem>>, vector<16xi32>,
        %swap3A_152 = vector.shape_cast %swap3A_151 : vector<16xi32> to vector<16xi32>
        %swap3A_153 = vector.shape_cast %add3A_149 : vector<16xi32> to vector<16xi32>
        tpu.vector_store %arg14[%swap3A_150], %swap3A_153 {strides = array<i32>} : memref<128xi32, #tpu.memory_space<vmem>>, vector<16xi32>,
        %get3A_154 = arith.constant 80 : index
        %get3A_155 = tpu.vector_load %arg10[%get3A_154] {strides = array<i32>} : memref<128xi32, #tpu.memory_space<vmem>>, vector<16xi32>,
        %get3A_156 = vector.shape_cast %get3A_155 : vector<16xi32> to vector<16xi32>
        %add3A_157 = arith.addi %get3A_156, %broadcast_in_dim3A : vector<16xi32>
        %swap3A_158 = arith.constant 80 : index
        %swap3A_159 = tpu.vector_load %arg14[%swap3A_158] {strides = array<i32>} : memref<128xi32, #tpu.memory_space<vmem>>, vector<16xi32>,
        %swap3A_160 = vector.shape_cast %swap3A_159 : vector<16xi32> to vector<16xi32>
        %swap3A_161 = vector.shape_cast %add3A_157 : vector<16xi32> to vector<16xi32>
        tpu.vector_store %arg14[%swap3A_158], %swap3A_161 {strides = array<i32>} : memref<128xi32, #tpu.memory_space<vmem>>, vector<16xi32>,
        %get3A_162 = arith.constant 96 : index
        %get3A_163 = tpu.vector_load %arg10[%get3A_162] {strides = array<i32>} : memref<128xi32, #tpu.memory_space<vmem>>, vector<16xi32>,
        %get3A_164 = vector.shape_cast %get3A_163 : vector<16xi32> to vector<16xi32>
        %add3A_165 = arith.addi %get3A_164, %broadcast_in_dim3A : vector<16xi32>
        %swap3A_166 = arith.constant 96 : index
        %swap3A_167 = tpu.vector_load %arg14[%swap3A_166] {strides = array<i32>} : memref<128xi32, #tpu.memory_space<vmem>>, vector<16xi32>,
        %swap3A_168 = vector.shape_cast %swap3A_167 : vector<16xi32> to vector<16xi32>
        %swap3A_169 = vector.shape_cast %add3A_165 : vector<16xi32> to vector<16xi32>
        tpu.vector_store %arg14[%swap3A_166], %swap3A_169 {strides = array<i32>} : memref<128xi32, #tpu.memory_space<vmem>>, vector<16xi32>,
        %get3A_170 = arith.constant 112 : index
        %get3A_171 = tpu.vector_load %arg10[%get3A_170] {strides = array<i32>} : memref<128xi32, #tpu.memory_space<vmem>>, vector<16xi32>,
        %get3A_172 = vector.shape_cast %get3A_171 : vector<16xi32> to vector<16xi32>
        %add3A_173 = arith.addi %get3A_172, %broadcast_in_dim3A : vector<16xi32>
        %swap3A_174 = arith.constant 112 : index
        %swap3A_175 = tpu.vector_load %arg14[%swap3A_174] {strides = array<i32>} : memref<128xi32, #tpu.memory_space<vmem>>, vector<16xi32>,
        %swap3A_176 = vector.shape_cast %swap3A_175 : vector<16xi32> to vector<16xi32>
        %swap3A_177 = vector.shape_cast %add3A_173 : vector<16xi32> to vector<16xi32>
        tpu.vector_store %arg14[%swap3A_174], %swap3A_177 {strides = array<i32>} : memref<128xi32, #tpu.memory_space<vmem>>, vector<16xi32>,
        %dma_start3A = arith.constant 0 : i32
        %dma_start3A_178 = arith.constant 0 : i32
        %dma_start3A_179 = tpu.memref_slice %arg6[%dma_start3A, %dma_start3A_178] : memref<100000x32xf32, #tpu.memory_space<hbm>> -> memref<100000x32xf32, #tpu.memory_space<hbm>>
        tpu.enqueue_indirect_dma source(%dma_start3A_179 : memref<100000x32xf32, #tpu.memory_space<hbm>>) target(%arg16 : memref<128x32xf32, #tpu.memory_space<vmem>>) offsets(%arg14 : memref<128xi32, #tpu.memory_space<vmem>>) semaphore(%arg34 : memref<!tpu.dma_semaphore, #tpu.memory_space<semaphore_mem>>)
        %dma_start3A_180 = arith.constant 0 : i32
        %dma_start3A_181 = arith.constant 0 : i32
        %dma_start3A_182 = tpu.memref_slice %arg9[%dma_start3A_180, %dma_start3A_181] : memref<104x32xf32, #tpu.memory_space<vmem_shared>> -> memref<104x32xf32, #tpu.memory_space<vmem_shared>>
        tpu.enqueue_indirect_dma source(%dma_start3A_182 : memref<104x32xf32, #tpu.memory_space<vmem_shared>>) target(%arg15 : memref<128x32xf32, #tpu.memory_space<vmem>>) offsets(%arg12 : memref<128xi32, #tpu.memory_space<vmem>>) semaphore(%arg35 : memref<!tpu.dma_semaphore, #tpu.memory_space<semaphore_mem>>)
      } else {
      }
      %add3A_75 = arith.addi %add3A_17, %mul3A_33 : i32
      %add3A_76 = arith.constant 1 : i32
      %add3A_77 = arith.addi %add3A_75, %add3A_76 : i32
      %mul3A_78 = arith.constant 128 : i32
      %mul3A_79 = arith.muli %add3A_77, %mul3A_78 : i32
      %convert_element_type3A_80 = arith.extui %lt3A_39 : i1 to i32
      %cond3A_81 = arith.constant 0 : i32
      %cond3A_82 = arith.cmpi ne, %convert_element_type3A_80, %cond3A_81 : i32
      scf.if %cond3A_82 {
        %dma_wait3A = tpu.memref_slice %arg2[%mul3A_55] : memref<800000xi32, #tpu.memory_space<hbm>> -> memref<128xi32, #tpu.memory_space<hbm>>
        %dma_wait3A_109 = tpu.memref_slice %arg2[%mul3A_55] : memref<800000xi32, #tpu.memory_space<hbm>> -> memref<128xi32, #tpu.memory_space<hbm>>
        tpu.wait_dma2 semaphore(%arg36 : memref<!tpu.dma_semaphore, #tpu.memory_space<semaphore_mem>>) src(%dma_wait3A_109 : memref<128xi32, #tpu.memory_space<hbm>>) dst(%arg17 : memref<128xi32, #tpu.memory_space<vmem>>)
        %dma_wait3A_110 = tpu.memref_slice %arg3[%mul3A_55] : memref<800000xi32, #tpu.memory_space<hbm>> -> memref<128xi32, #tpu.memory_space<hbm>>
        %dma_wait3A_111 = tpu.memref_slice %arg3[%mul3A_55] : memref<800000xi32, #tpu.memory_space<hbm>> -> memref<128xi32, #tpu.memory_space<hbm>>
        tpu.wait_dma2 semaphore(%arg37 : memref<!tpu.dma_semaphore, #tpu.memory_space<semaphore_mem>>) src(%dma_wait3A_111 : memref<128xi32, #tpu.memory_space<hbm>>) dst(%arg18 : memref<128xi32, #tpu.memory_space<vmem>>)
        %dma_wait3A_112 = tpu.memref_slice %arg4[%mul3A_55] : memref<800000xi32, #tpu.memory_space<hbm>> -> memref<128xi32, #tpu.memory_space<hbm>>
        %dma_wait3A_113 = tpu.memref_slice %arg4[%mul3A_55] : memref<800000xi32, #tpu.memory_space<hbm>> -> memref<128xi32, #tpu.memory_space<hbm>>
        tpu.wait_dma2 semaphore(%arg38 : memref<!tpu.dma_semaphore, #tpu.memory_space<semaphore_mem>>) src(%dma_wait3A_113 : memref<128xi32, #tpu.memory_space<hbm>>) dst(%arg19 : memref<128xi32, #tpu.memory_space<vmem>>)
        %mul3A_114 = arith.constant 50000 : i32
        %mul3A_115 = arith.muli %arg0, %mul3A_114 : i32
        %broadcast_in_dim3A = vector.broadcast %mul3A_115 : i32 to vector<16xi32>
        %get3A = arith.constant 0 : index
        %get3A_116 = tpu.vector_load %arg17[%get3A] {strides = array<i32>} : memref<128xi32, #tpu.memory_space<vmem>>, vector<16xi32>,
        %get3A_117 = vector.shape_cast %get3A_116 : vector<16xi32> to vector<16xi32>
        %add3A_118 = arith.addi %get3A_117, %broadcast_in_dim3A : vector<16xi32>
        %swap3A = arith.constant 0 : index
        %swap3A_119 = tpu.vector_load %arg21[%swap3A] {strides = array<i32>} : memref<128xi32, #tpu.memory_space<vmem>>, vector<16xi32>,
        %swap3A_120 = vector.shape_cast %swap3A_119 : vector<16xi32> to vector<16xi32>
        %swap3A_121 = vector.shape_cast %add3A_118 : vector<16xi32> to vector<16xi32>
        tpu.vector_store %arg21[%swap3A], %swap3A_121 {strides = array<i32>} : memref<128xi32, #tpu.memory_space<vmem>>, vector<16xi32>,
        %get3A_122 = arith.constant 16 : index
        %get3A_123 = tpu.vector_load %arg17[%get3A_122] {strides = array<i32>} : memref<128xi32, #tpu.memory_space<vmem>>, vector<16xi32>,
        %get3A_124 = vector.shape_cast %get3A_123 : vector<16xi32> to vector<16xi32>
        %add3A_125 = arith.addi %get3A_124, %broadcast_in_dim3A : vector<16xi32>
        %swap3A_126 = arith.constant 16 : index
        %swap3A_127 = tpu.vector_load %arg21[%swap3A_126] {strides = array<i32>} : memref<128xi32, #tpu.memory_space<vmem>>, vector<16xi32>,
        %swap3A_128 = vector.shape_cast %swap3A_127 : vector<16xi32> to vector<16xi32>
        %swap3A_129 = vector.shape_cast %add3A_125 : vector<16xi32> to vector<16xi32>
        tpu.vector_store %arg21[%swap3A_126], %swap3A_129 {strides = array<i32>} : memref<128xi32, #tpu.memory_space<vmem>>, vector<16xi32>,
        %get3A_130 = arith.constant 32 : index
        %get3A_131 = tpu.vector_load %arg17[%get3A_130] {strides = array<i32>} : memref<128xi32, #tpu.memory_space<vmem>>, vector<16xi32>,
        %get3A_132 = vector.shape_cast %get3A_131 : vector<16xi32> to vector<16xi32>
        %add3A_133 = arith.addi %get3A_132, %broadcast_in_dim3A : vector<16xi32>
        %swap3A_134 = arith.constant 32 : index
        %swap3A_135 = tpu.vector_load %arg21[%swap3A_134] {strides = array<i32>} : memref<128xi32, #tpu.memory_space<vmem>>, vector<16xi32>,
        %swap3A_136 = vector.shape_cast %swap3A_135 : vector<16xi32> to vector<16xi32>
        %swap3A_137 = vector.shape_cast %add3A_133 : vector<16xi32> to vector<16xi32>
        tpu.vector_store %arg21[%swap3A_134], %swap3A_137 {strides = array<i32>} : memref<128xi32, #tpu.memory_space<vmem>>, vector<16xi32>,
        %get3A_138 = arith.constant 48 : index
        %get3A_139 = tpu.vector_load %arg17[%get3A_138] {strides = array<i32>} : memref<128xi32, #tpu.memory_space<vmem>>, vector<16xi32>,
        %get3A_140 = vector.shape_cast %get3A_139 : vector<16xi32> to vector<16xi32>
        %add3A_141 = arith.addi %get3A_140, %broadcast_in_dim3A : vector<16xi32>
        %swap3A_142 = arith.constant 48 : index
        %swap3A_143 = tpu.vector_load %arg21[%swap3A_142] {strides = array<i32>} : memref<128xi32, #tpu.memory_space<vmem>>, vector<16xi32>,
        %swap3A_144 = vector.shape_cast %swap3A_143 : vector<16xi32> to vector<16xi32>
        %swap3A_145 = vector.shape_cast %add3A_141 : vector<16xi32> to vector<16xi32>
        tpu.vector_store %arg21[%swap3A_142], %swap3A_145 {strides = array<i32>} : memref<128xi32, #tpu.memory_space<vmem>>, vector<16xi32>,
        %get3A_146 = arith.constant 64 : index
        %get3A_147 = tpu.vector_load %arg17[%get3A_146] {strides = array<i32>} : memref<128xi32, #tpu.memory_space<vmem>>, vector<16xi32>,
        %get3A_148 = vector.shape_cast %get3A_147 : vector<16xi32> to vector<16xi32>
        %add3A_149 = arith.addi %get3A_148, %broadcast_in_dim3A : vector<16xi32>
        %swap3A_150 = arith.constant 64 : index
        %swap3A_151 = tpu.vector_load %arg21[%swap3A_150] {strides = array<i32>} : memref<128xi32, #tpu.memory_space<vmem>>, vector<16xi32>,
        %swap3A_152 = vector.shape_cast %swap3A_151 : vector<16xi32> to vector<16xi32>
        %swap3A_153 = vector.shape_cast %add3A_149 : vector<16xi32> to vector<16xi32>
        tpu.vector_store %arg21[%swap3A_150], %swap3A_153 {strides = array<i32>} : memref<128xi32, #tpu.memory_space<vmem>>, vector<16xi32>,
        %get3A_154 = arith.constant 80 : index
        %get3A_155 = tpu.vector_load %arg17[%get3A_154] {strides = array<i32>} : memref<128xi32, #tpu.memory_space<vmem>>, vector<16xi32>,
        %get3A_156 = vector.shape_cast %get3A_155 : vector<16xi32> to vector<16xi32>
        %add3A_157 = arith.addi %get3A_156, %broadcast_in_dim3A : vector<16xi32>
        %swap3A_158 = arith.constant 80 : index
        %swap3A_159 = tpu.vector_load %arg21[%swap3A_158] {strides = array<i32>} : memref<128xi32, #tpu.memory_space<vmem>>, vector<16xi32>,
        %swap3A_160 = vector.shape_cast %swap3A_159 : vector<16xi32> to vector<16xi32>
        %swap3A_161 = vector.shape_cast %add3A_157 : vector<16xi32> to vector<16xi32>
        tpu.vector_store %arg21[%swap3A_158], %swap3A_161 {strides = array<i32>} : memref<128xi32, #tpu.memory_space<vmem>>, vector<16xi32>,
        %get3A_162 = arith.constant 96 : index
        %get3A_163 = tpu.vector_load %arg17[%get3A_162] {strides = array<i32>} : memref<128xi32, #tpu.memory_space<vmem>>, vector<16xi32>,
        %get3A_164 = vector.shape_cast %get3A_163 : vector<16xi32> to vector<16xi32>
        %add3A_165 = arith.addi %get3A_164, %broadcast_in_dim3A : vector<16xi32>
        %swap3A_166 = arith.constant 96 : index
        %swap3A_167 = tpu.vector_load %arg21[%swap3A_166] {strides = array<i32>} : memref<128xi32, #tpu.memory_space<vmem>>, vector<16xi32>,
        %swap3A_168 = vector.shape_cast %swap3A_167 : vector<16xi32> to vector<16xi32>
        %swap3A_169 = vector.shape_cast %add3A_165 : vector<16xi32> to vector<16xi32>
        tpu.vector_store %arg21[%swap3A_166], %swap3A_169 {strides = array<i32>} : memref<128xi32, #tpu.memory_space<vmem>>, vector<16xi32>,
        %get3A_170 = arith.constant 112 : index
        %get3A_171 = tpu.vector_load %arg17[%get3A_170] {strides = array<i32>} : memref<128xi32, #tpu.memory_space<vmem>>, vector<16xi32>,
        %get3A_172 = vector.shape_cast %get3A_171 : vector<16xi32> to vector<16xi32>
        %add3A_173 = arith.addi %get3A_172, %broadcast_in_dim3A : vector<16xi32>
        %swap3A_174 = arith.constant 112 : index
        %swap3A_175 = tpu.vector_load %arg21[%swap3A_174] {strides = array<i32>} : memref<128xi32, #tpu.memory_space<vmem>>, vector<16xi32>,
        %swap3A_176 = vector.shape_cast %swap3A_175 : vector<16xi32> to vector<16xi32>
        %swap3A_177 = vector.shape_cast %add3A_173 : vector<16xi32> to vector<16xi32>
        tpu.vector_store %arg21[%swap3A_174], %swap3A_177 {strides = array<i32>} : memref<128xi32, #tpu.memory_space<vmem>>, vector<16xi32>,
        %dma_start3A = arith.constant 0 : i32
        %dma_start3A_178 = arith.constant 0 : i32
        %dma_start3A_179 = tpu.memref_slice %arg6[%dma_start3A, %dma_start3A_178] : memref<100000x32xf32, #tpu.memory_space<hbm>> -> memref<100000x32xf32, #tpu.memory_space<hbm>>
        tpu.enqueue_indirect_dma source(%dma_start3A_179 : memref<100000x32xf32, #tpu.memory_space<hbm>>) target(%arg23 : memref<128x32xf32, #tpu.memory_space<vmem>>) offsets(%arg21 : memref<128xi32, #tpu.memory_space<vmem>>) semaphore(%arg39 : memref<!tpu.dma_semaphore, #tpu.memory_space<semaphore_mem>>)
        %dma_start3A_180 = arith.constant 0 : i32
        %dma_start3A_181 = arith.constant 0 : i32
        %dma_start3A_182 = tpu.memref_slice %arg9[%dma_start3A_180, %dma_start3A_181] : memref<104x32xf32, #tpu.memory_space<vmem_shared>> -> memref<104x32xf32, #tpu.memory_space<vmem_shared>>
        tpu.enqueue_indirect_dma source(%dma_start3A_182 : memref<104x32xf32, #tpu.memory_space<vmem_shared>>) target(%arg22 : memref<128x32xf32, #tpu.memory_space<vmem>>) offsets(%arg19 : memref<128xi32, #tpu.memory_space<vmem>>) semaphore(%arg40 : memref<!tpu.dma_semaphore, #tpu.memory_space<semaphore_mem>>)
      } else {
      }
      %add3A_83 = arith.addi %add3A_17, %mul3A_33 : i32
      %add3A_84 = arith.constant 2 : i32
      %add3A_85 = arith.addi %add3A_83, %add3A_84 : i32
      %mul3A_86 = arith.constant 128 : i32
      %mul3A_87 = arith.muli %add3A_85, %mul3A_86 : i32
      %convert_element_type3A_88 = arith.extui %lt3A_42 : i1 to i32
      %cond3A_89 = arith.constant 0 : i32
      %cond3A_90 = arith.cmpi ne, %convert_element_type3A_88, %cond3A_89 : i32
      scf.if %cond3A_90 {
        %dma_wait3A = tpu.memref_slice %arg2[%mul3A_63] : memref<800000xi32, #tpu.memory_space<hbm>> -> memref<128xi32, #tpu.memory_space<hbm>>
        %dma_wait3A_109 = tpu.memref_slice %arg2[%mul3A_63] : memref<800000xi32, #tpu.memory_space<hbm>> -> memref<128xi32, #tpu.memory_space<hbm>>
        tpu.wait_dma2 semaphore(%arg41 : memref<!tpu.dma_semaphore, #tpu.memory_space<semaphore_mem>>) src(%dma_wait3A_109 : memref<128xi32, #tpu.memory_space<hbm>>) dst(%arg24 : memref<128xi32, #tpu.memory_space<vmem>>)
        %dma_wait3A_110 = tpu.memref_slice %arg3[%mul3A_63] : memref<800000xi32, #tpu.memory_space<hbm>> -> memref<128xi32, #tpu.memory_space<hbm>>
        %dma_wait3A_111 = tpu.memref_slice %arg3[%mul3A_63] : memref<800000xi32, #tpu.memory_space<hbm>> -> memref<128xi32, #tpu.memory_space<hbm>>
        tpu.wait_dma2 semaphore(%arg42 : memref<!tpu.dma_semaphore, #tpu.memory_space<semaphore_mem>>) src(%dma_wait3A_111 : memref<128xi32, #tpu.memory_space<hbm>>) dst(%arg25 : memref<128xi32, #tpu.memory_space<vmem>>)
        %dma_wait3A_112 = tpu.memref_slice %arg4[%mul3A_63] : memref<800000xi32, #tpu.memory_space<hbm>> -> memref<128xi32, #tpu.memory_space<hbm>>
        %dma_wait3A_113 = tpu.memref_slice %arg4[%mul3A_63] : memref<800000xi32, #tpu.memory_space<hbm>> -> memref<128xi32, #tpu.memory_space<hbm>>
        tpu.wait_dma2 semaphore(%arg43 : memref<!tpu.dma_semaphore, #tpu.memory_space<semaphore_mem>>) src(%dma_wait3A_113 : memref<128xi32, #tpu.memory_space<hbm>>) dst(%arg26 : memref<128xi32, #tpu.memory_space<vmem>>)
        %mul3A_114 = arith.constant 50000 : i32
        %mul3A_115 = arith.muli %arg0, %mul3A_114 : i32
        %broadcast_in_dim3A = vector.broadcast %mul3A_115 : i32 to vector<16xi32>
        %get3A = arith.constant 0 : index
        %get3A_116 = tpu.vector_load %arg24[%get3A] {strides = array<i32>} : memref<128xi32, #tpu.memory_space<vmem>>, vector<16xi32>,
        %get3A_117 = vector.shape_cast %get3A_116 : vector<16xi32> to vector<16xi32>
        %add3A_118 = arith.addi %get3A_117, %broadcast_in_dim3A : vector<16xi32>
        %swap3A = arith.constant 0 : index
        %swap3A_119 = tpu.vector_load %arg28[%swap3A] {strides = array<i32>} : memref<128xi32, #tpu.memory_space<vmem>>, vector<16xi32>,
        %swap3A_120 = vector.shape_cast %swap3A_119 : vector<16xi32> to vector<16xi32>
        %swap3A_121 = vector.shape_cast %add3A_118 : vector<16xi32> to vector<16xi32>
        tpu.vector_store %arg28[%swap3A], %swap3A_121 {strides = array<i32>} : memref<128xi32, #tpu.memory_space<vmem>>, vector<16xi32>,
        %get3A_122 = arith.constant 16 : index
        %get3A_123 = tpu.vector_load %arg24[%get3A_122] {strides = array<i32>} : memref<128xi32, #tpu.memory_space<vmem>>, vector<16xi32>,
        %get3A_124 = vector.shape_cast %get3A_123 : vector<16xi32> to vector<16xi32>
        %add3A_125 = arith.addi %get3A_124, %broadcast_in_dim3A : vector<16xi32>
        %swap3A_126 = arith.constant 16 : index
        %swap3A_127 = tpu.vector_load %arg28[%swap3A_126] {strides = array<i32>} : memref<128xi32, #tpu.memory_space<vmem>>, vector<16xi32>,
        %swap3A_128 = vector.shape_cast %swap3A_127 : vector<16xi32> to vector<16xi32>
        %swap3A_129 = vector.shape_cast %add3A_125 : vector<16xi32> to vector<16xi32>
        tpu.vector_store %arg28[%swap3A_126], %swap3A_129 {strides = array<i32>} : memref<128xi32, #tpu.memory_space<vmem>>, vector<16xi32>,
        %get3A_130 = arith.constant 32 : index
        %get3A_131 = tpu.vector_load %arg24[%get3A_130] {strides = array<i32>} : memref<128xi32, #tpu.memory_space<vmem>>, vector<16xi32>,
        %get3A_132 = vector.shape_cast %get3A_131 : vector<16xi32> to vector<16xi32>
        %add3A_133 = arith.addi %get3A_132, %broadcast_in_dim3A : vector<16xi32>
        %swap3A_134 = arith.constant 32 : index
        %swap3A_135 = tpu.vector_load %arg28[%swap3A_134] {strides = array<i32>} : memref<128xi32, #tpu.memory_space<vmem>>, vector<16xi32>,
        %swap3A_136 = vector.shape_cast %swap3A_135 : vector<16xi32> to vector<16xi32>
        %swap3A_137 = vector.shape_cast %add3A_133 : vector<16xi32> to vector<16xi32>
        tpu.vector_store %arg28[%swap3A_134], %swap3A_137 {strides = array<i32>} : memref<128xi32, #tpu.memory_space<vmem>>, vector<16xi32>,
        %get3A_138 = arith.constant 48 : index
        %get3A_139 = tpu.vector_load %arg24[%get3A_138] {strides = array<i32>} : memref<128xi32, #tpu.memory_space<vmem>>, vector<16xi32>,
        %get3A_140 = vector.shape_cast %get3A_139 : vector<16xi32> to vector<16xi32>
        %add3A_141 = arith.addi %get3A_140, %broadcast_in_dim3A : vector<16xi32>
        %swap3A_142 = arith.constant 48 : index
        %swap3A_143 = tpu.vector_load %arg28[%swap3A_142] {strides = array<i32>} : memref<128xi32, #tpu.memory_space<vmem>>, vector<16xi32>,
        %swap3A_144 = vector.shape_cast %swap3A_143 : vector<16xi32> to vector<16xi32>
        %swap3A_145 = vector.shape_cast %add3A_141 : vector<16xi32> to vector<16xi32>
        tpu.vector_store %arg28[%swap3A_142], %swap3A_145 {strides = array<i32>} : memref<128xi32, #tpu.memory_space<vmem>>, vector<16xi32>,
        %get3A_146 = arith.constant 64 : index
        %get3A_147 = tpu.vector_load %arg24[%get3A_146] {strides = array<i32>} : memref<128xi32, #tpu.memory_space<vmem>>, vector<16xi32>,
        %get3A_148 = vector.shape_cast %get3A_147 : vector<16xi32> to vector<16xi32>
        %add3A_149 = arith.addi %get3A_148, %broadcast_in_dim3A : vector<16xi32>
        %swap3A_150 = arith.constant 64 : index
        %swap3A_151 = tpu.vector_load %arg28[%swap3A_150] {strides = array<i32>} : memref<128xi32, #tpu.memory_space<vmem>>, vector<16xi32>,
        %swap3A_152 = vector.shape_cast %swap3A_151 : vector<16xi32> to vector<16xi32>
        %swap3A_153 = vector.shape_cast %add3A_149 : vector<16xi32> to vector<16xi32>
        tpu.vector_store %arg28[%swap3A_150], %swap3A_153 {strides = array<i32>} : memref<128xi32, #tpu.memory_space<vmem>>, vector<16xi32>,
        %get3A_154 = arith.constant 80 : index
        %get3A_155 = tpu.vector_load %arg24[%get3A_154] {strides = array<i32>} : memref<128xi32, #tpu.memory_space<vmem>>, vector<16xi32>,
        %get3A_156 = vector.shape_cast %get3A_155 : vector<16xi32> to vector<16xi32>
        %add3A_157 = arith.addi %get3A_156, %broadcast_in_dim3A : vector<16xi32>
        %swap3A_158 = arith.constant 80 : index
        %swap3A_159 = tpu.vector_load %arg28[%swap3A_158] {strides = array<i32>} : memref<128xi32, #tpu.memory_space<vmem>>, vector<16xi32>,
        %swap3A_160 = vector.shape_cast %swap3A_159 : vector<16xi32> to vector<16xi32>
        %swap3A_161 = vector.shape_cast %add3A_157 : vector<16xi32> to vector<16xi32>
        tpu.vector_store %arg28[%swap3A_158], %swap3A_161 {strides = array<i32>} : memref<128xi32, #tpu.memory_space<vmem>>, vector<16xi32>,
        %get3A_162 = arith.constant 96 : index
        %get3A_163 = tpu.vector_load %arg24[%get3A_162] {strides = array<i32>} : memref<128xi32, #tpu.memory_space<vmem>>, vector<16xi32>,
        %get3A_164 = vector.shape_cast %get3A_163 : vector<16xi32> to vector<16xi32>
        %add3A_165 = arith.addi %get3A_164, %broadcast_in_dim3A : vector<16xi32>
        %swap3A_166 = arith.constant 96 : index
        %swap3A_167 = tpu.vector_load %arg28[%swap3A_166] {strides = array<i32>} : memref<128xi32, #tpu.memory_space<vmem>>, vector<16xi32>,
        %swap3A_168 = vector.shape_cast %swap3A_167 : vector<16xi32> to vector<16xi32>
        %swap3A_169 = vector.shape_cast %add3A_165 : vector<16xi32> to vector<16xi32>
        tpu.vector_store %arg28[%swap3A_166], %swap3A_169 {strides = array<i32>} : memref<128xi32, #tpu.memory_space<vmem>>, vector<16xi32>,
        %get3A_170 = arith.constant 112 : index
        %get3A_171 = tpu.vector_load %arg24[%get3A_170] {strides = array<i32>} : memref<128xi32, #tpu.memory_space<vmem>>, vector<16xi32>,
        %get3A_172 = vector.shape_cast %get3A_171 : vector<16xi32> to vector<16xi32>
        %add3A_173 = arith.addi %get3A_172, %broadcast_in_dim3A : vector<16xi32>
        %swap3A_174 = arith.constant 112 : index
        %swap3A_175 = tpu.vector_load %arg28[%swap3A_174] {strides = array<i32>} : memref<128xi32, #tpu.memory_space<vmem>>, vector<16xi32>,
        %swap3A_176 = vector.shape_cast %swap3A_175 : vector<16xi32> to vector<16xi32>
        %swap3A_177 = vector.shape_cast %add3A_173 : vector<16xi32> to vector<16xi32>
        tpu.vector_store %arg28[%swap3A_174], %swap3A_177 {strides = array<i32>} : memref<128xi32, #tpu.memory_space<vmem>>, vector<16xi32>,
        %dma_start3A = arith.constant 0 : i32
        %dma_start3A_178 = arith.constant 0 : i32
        %dma_start3A_179 = tpu.memref_slice %arg6[%dma_start3A, %dma_start3A_178] : memref<100000x32xf32, #tpu.memory_space<hbm>> -> memref<100000x32xf32, #tpu.memory_space<hbm>>
        tpu.enqueue_indirect_dma source(%dma_start3A_179 : memref<100000x32xf32, #tpu.memory_space<hbm>>) target(%arg30 : memref<128x32xf32, #tpu.memory_space<vmem>>) offsets(%arg28 : memref<128xi32, #tpu.memory_space<vmem>>) semaphore(%arg44 : memref<!tpu.dma_semaphore, #tpu.memory_space<semaphore_mem>>)
        %dma_start3A_180 = arith.constant 0 : i32
        %dma_start3A_181 = arith.constant 0 : i32
        %dma_start3A_182 = tpu.memref_slice %arg9[%dma_start3A_180, %dma_start3A_181] : memref<104x32xf32, #tpu.memory_space<vmem_shared>> -> memref<104x32xf32, #tpu.memory_space<vmem_shared>>
        tpu.enqueue_indirect_dma source(%dma_start3A_182 : memref<104x32xf32, #tpu.memory_space<vmem_shared>>) target(%arg29 : memref<128x32xf32, #tpu.memory_space<vmem>>) offsets(%arg26 : memref<128xi32, #tpu.memory_space<vmem>>) semaphore(%arg45 : memref<!tpu.dma_semaphore, #tpu.memory_space<semaphore_mem>>)
      } else {
      }
      %convert_element_type3A_91 = arith.extui %lt3A_36 : i1 to i32
      %cond3A_92 = arith.constant 0 : i32
      %cond3A_93 = arith.cmpi ne, %convert_element_type3A_91, %cond3A_92 : i32
      scf.if %cond3A_93 {
        %dma_wait3A = arith.constant 0 : i32
        %dma_wait3A_109 = arith.constant 0 : i32
        %dma_wait3A_110 = tpu.memref_slice %arg6[%dma_wait3A, %dma_wait3A_109] : memref<100000x32xf32, #tpu.memory_space<hbm>> -> memref<100000x32xf32, #tpu.memory_space<hbm>>
        tpu.wait_indirect_dma semaphore(%arg34 : memref<!tpu.dma_semaphore, #tpu.memory_space<semaphore_mem>>) src(%dma_wait3A_110 : memref<100000x32xf32, #tpu.memory_space<hbm>>) dst(%arg16 : memref<128x32xf32, #tpu.memory_space<vmem>>)
        %dma_wait3A_111 = arith.constant 0 : i32
        %dma_wait3A_112 = arith.constant 0 : i32
        %dma_wait3A_113 = tpu.memref_slice %arg9[%dma_wait3A_111, %dma_wait3A_112] : memref<104x32xf32, #tpu.memory_space<vmem_shared>> -> memref<104x32xf32, #tpu.memory_space<vmem_shared>>
        tpu.wait_indirect_dma semaphore(%arg35 : memref<!tpu.dma_semaphore, #tpu.memory_space<semaphore_mem>>) src(%dma_wait3A_113 : memref<104x32xf32, #tpu.memory_space<vmem_shared>>) dst(%arg15 : memref<128x32xf32, #tpu.memory_space<vmem>>)
        %parallel_loop3A = arith.constant 0 : i32
        %parallel_loop3A_114 = arith.constant 128 : i32
        %parallel_loop3A_115 = arith.constant 1 : i32
        scf.for %parallel_loop3A_118 = %parallel_loop3A to %parallel_loop3A_114 step %parallel_loop3A_115  : i32 {
          %parallel_loop3A_119 = arith.index_cast %parallel_loop3A_118 : i32 to index
          %parallel_loop3A_120 = arith.constant 0 : index
          %parallel_loop3A_121 = tpu.vector_load %arg16[%parallel_loop3A_119, %parallel_loop3A_120] {strides = array<i32>} : memref<128x32xf32, #tpu.memory_space<vmem>>, vector<1x16xf32>,
          %parallel_loop3A_122 = vector.shape_cast %parallel_loop3A_121 : vector<1x16xf32> to vector<16xf32>
          %parallel_loop3A_123 = arith.index_cast %parallel_loop3A_118 : i32 to index
          %parallel_loop3A_124 = arith.constant 0 : index
          %parallel_loop3A_125 = tpu.vector_load %arg15[%parallel_loop3A_123, %parallel_loop3A_124] {strides = array<i32>} : memref<128x32xf32, #tpu.memory_space<vmem>>, vector<1x16xf32>,
          %parallel_loop3A_126 = vector.shape_cast %parallel_loop3A_125 : vector<1x16xf32> to vector<16xf32>
          %parallel_loop3A_127 = arith.addf %parallel_loop3A_122, %parallel_loop3A_126 : vector<16xf32>
          %parallel_loop3A_128 = arith.constant 0.000000e+00 : f32
          %parallel_loop3A_129 = vector.broadcast %parallel_loop3A_128 : f32 to vector<16xf32>
          %parallel_loop3A_130 = arith.maximumf %parallel_loop3A_127, %parallel_loop3A_129 : vector<16xf32>
          %parallel_loop3A_131 = arith.index_cast %parallel_loop3A_118 : i32 to index
          %parallel_loop3A_132 = arith.constant 0 : index
          %parallel_loop3A_133 = tpu.vector_load %arg15[%parallel_loop3A_131, %parallel_loop3A_132] {strides = array<i32>} : memref<128x32xf32, #tpu.memory_space<vmem>>, vector<1x16xf32>,
          %parallel_loop3A_134 = vector.shape_cast %parallel_loop3A_133 : vector<1x16xf32> to vector<16xf32>
          %parallel_loop3A_135 = vector.shape_cast %parallel_loop3A_130 : vector<16xf32> to vector<1x16xf32>
          tpu.vector_store %arg15[%parallel_loop3A_131, %parallel_loop3A_132], %parallel_loop3A_135 {strides = array<i32>} : memref<128x32xf32, #tpu.memory_space<vmem>>, vector<1x16xf32>,
          %parallel_loop3A_136 = arith.index_cast %parallel_loop3A_118 : i32 to index
          %parallel_loop3A_137 = arith.constant 16 : index
          %parallel_loop3A_138 = tpu.vector_load %arg16[%parallel_loop3A_136, %parallel_loop3A_137] {strides = array<i32>} : memref<128x32xf32, #tpu.memory_space<vmem>>, vector<1x16xf32>,
          %parallel_loop3A_139 = vector.shape_cast %parallel_loop3A_138 : vector<1x16xf32> to vector<16xf32>
          %parallel_loop3A_140 = arith.index_cast %parallel_loop3A_118 : i32 to index
          %parallel_loop3A_141 = arith.constant 16 : index
          %parallel_loop3A_142 = tpu.vector_load %arg15[%parallel_loop3A_140, %parallel_loop3A_141] {strides = array<i32>} : memref<128x32xf32, #tpu.memory_space<vmem>>, vector<1x16xf32>,
          %parallel_loop3A_143 = vector.shape_cast %parallel_loop3A_142 : vector<1x16xf32> to vector<16xf32>
          %parallel_loop3A_144 = arith.addf %parallel_loop3A_139, %parallel_loop3A_143 : vector<16xf32>
          %parallel_loop3A_145 = arith.constant 0.000000e+00 : f32
          %parallel_loop3A_146 = vector.broadcast %parallel_loop3A_145 : f32 to vector<16xf32>
          %parallel_loop3A_147 = arith.maximumf %parallel_loop3A_144, %parallel_loop3A_146 : vector<16xf32>
          %parallel_loop3A_148 = arith.index_cast %parallel_loop3A_118 : i32 to index
          %parallel_loop3A_149 = arith.constant 16 : index
          %parallel_loop3A_150 = tpu.vector_load %arg15[%parallel_loop3A_148, %parallel_loop3A_149] {strides = array<i32>} : memref<128x32xf32, #tpu.memory_space<vmem>>, vector<1x16xf32>,
          %parallel_loop3A_151 = vector.shape_cast %parallel_loop3A_150 : vector<1x16xf32> to vector<16xf32>
          %parallel_loop3A_152 = vector.shape_cast %parallel_loop3A_147 : vector<16xf32> to vector<1x16xf32>
          tpu.vector_store %arg15[%parallel_loop3A_148, %parallel_loop3A_149], %parallel_loop3A_152 {strides = array<i32>} : memref<128x32xf32, #tpu.memory_space<vmem>>, vector<1x16xf32>,
        } {sc.loop_unroll_factor = 8 : i64, sc.parallel_access}
        %dma_start3A = arith.constant 0 : i32
        %dma_start3A_116 = arith.constant 0 : i32
        %dma_start3A_117 = tpu.memref_slice %arg8[%dma_start3A, %dma_start3A_116] : memref<50048x32xf32, #tpu.memory_space<vmem_shared>> -> memref<50048x32xf32, #tpu.memory_space<vmem_shared>>
        tpu.enqueue_indirect_dma source(%arg15 : memref<128x32xf32, #tpu.memory_space<vmem>>) target(%dma_start3A_117 : memref<50048x32xf32, #tpu.memory_space<vmem_shared>>) offsets(%arg11 : memref<128xi32, #tpu.memory_space<vmem>>) semaphore(%arg31 : memref<!tpu.dma_semaphore, #tpu.memory_space<semaphore_mem>>) {add = true}
      } else {
      }
      %convert_element_type3A_94 = arith.extui %lt3A_39 : i1 to i32
      %cond3A_95 = arith.constant 0 : i32
      %cond3A_96 = arith.cmpi ne, %convert_element_type3A_94, %cond3A_95 : i32
      scf.if %cond3A_96 {
        %dma_wait3A = arith.constant 0 : i32
        %dma_wait3A_109 = arith.constant 0 : i32
        %dma_wait3A_110 = tpu.memref_slice %arg6[%dma_wait3A, %dma_wait3A_109] : memref<100000x32xf32, #tpu.memory_space<hbm>> -> memref<100000x32xf32, #tpu.memory_space<hbm>>
        tpu.wait_indirect_dma semaphore(%arg39 : memref<!tpu.dma_semaphore, #tpu.memory_space<semaphore_mem>>) src(%dma_wait3A_110 : memref<100000x32xf32, #tpu.memory_space<hbm>>) dst(%arg23 : memref<128x32xf32, #tpu.memory_space<vmem>>)
        %dma_wait3A_111 = arith.constant 0 : i32
        %dma_wait3A_112 = arith.constant 0 : i32
        %dma_wait3A_113 = tpu.memref_slice %arg9[%dma_wait3A_111, %dma_wait3A_112] : memref<104x32xf32, #tpu.memory_space<vmem_shared>> -> memref<104x32xf32, #tpu.memory_space<vmem_shared>>
        tpu.wait_indirect_dma semaphore(%arg40 : memref<!tpu.dma_semaphore, #tpu.memory_space<semaphore_mem>>) src(%dma_wait3A_113 : memref<104x32xf32, #tpu.memory_space<vmem_shared>>) dst(%arg22 : memref<128x32xf32, #tpu.memory_space<vmem>>)
        %parallel_loop3A = arith.constant 0 : i32
        %parallel_loop3A_114 = arith.constant 128 : i32
        %parallel_loop3A_115 = arith.constant 1 : i32
        scf.for %parallel_loop3A_118 = %parallel_loop3A to %parallel_loop3A_114 step %parallel_loop3A_115  : i32 {
          %parallel_loop3A_119 = arith.index_cast %parallel_loop3A_118 : i32 to index
          %parallel_loop3A_120 = arith.constant 0 : index
          %parallel_loop3A_121 = tpu.vector_load %arg23[%parallel_loop3A_119, %parallel_loop3A_120] {strides = array<i32>} : memref<128x32xf32, #tpu.memory_space<vmem>>, vector<1x16xf32>,
          %parallel_loop3A_122 = vector.shape_cast %parallel_loop3A_121 : vector<1x16xf32> to vector<16xf32>
          %parallel_loop3A_123 = arith.index_cast %parallel_loop3A_118 : i32 to index
          %parallel_loop3A_124 = arith.constant 0 : index
          %parallel_loop3A_125 = tpu.vector_load %arg22[%parallel_loop3A_123, %parallel_loop3A_124] {strides = array<i32>} : memref<128x32xf32, #tpu.memory_space<vmem>>, vector<1x16xf32>,
          %parallel_loop3A_126 = vector.shape_cast %parallel_loop3A_125 : vector<1x16xf32> to vector<16xf32>
          %parallel_loop3A_127 = arith.addf %parallel_loop3A_122, %parallel_loop3A_126 : vector<16xf32>
          %parallel_loop3A_128 = arith.constant 0.000000e+00 : f32
          %parallel_loop3A_129 = vector.broadcast %parallel_loop3A_128 : f32 to vector<16xf32>
          %parallel_loop3A_130 = arith.maximumf %parallel_loop3A_127, %parallel_loop3A_129 : vector<16xf32>
          %parallel_loop3A_131 = arith.index_cast %parallel_loop3A_118 : i32 to index
          %parallel_loop3A_132 = arith.constant 0 : index
          %parallel_loop3A_133 = tpu.vector_load %arg22[%parallel_loop3A_131, %parallel_loop3A_132] {strides = array<i32>} : memref<128x32xf32, #tpu.memory_space<vmem>>, vector<1x16xf32>,
          %parallel_loop3A_134 = vector.shape_cast %parallel_loop3A_133 : vector<1x16xf32> to vector<16xf32>
          %parallel_loop3A_135 = vector.shape_cast %parallel_loop3A_130 : vector<16xf32> to vector<1x16xf32>
          tpu.vector_store %arg22[%parallel_loop3A_131, %parallel_loop3A_132], %parallel_loop3A_135 {strides = array<i32>} : memref<128x32xf32, #tpu.memory_space<vmem>>, vector<1x16xf32>,
          %parallel_loop3A_136 = arith.index_cast %parallel_loop3A_118 : i32 to index
          %parallel_loop3A_137 = arith.constant 16 : index
          %parallel_loop3A_138 = tpu.vector_load %arg23[%parallel_loop3A_136, %parallel_loop3A_137] {strides = array<i32>} : memref<128x32xf32, #tpu.memory_space<vmem>>, vector<1x16xf32>,
          %parallel_loop3A_139 = vector.shape_cast %parallel_loop3A_138 : vector<1x16xf32> to vector<16xf32>
          %parallel_loop3A_140 = arith.index_cast %parallel_loop3A_118 : i32 to index
          %parallel_loop3A_141 = arith.constant 16 : index
          %parallel_loop3A_142 = tpu.vector_load %arg22[%parallel_loop3A_140, %parallel_loop3A_141] {strides = array<i32>} : memref<128x32xf32, #tpu.memory_space<vmem>>, vector<1x16xf32>,
          %parallel_loop3A_143 = vector.shape_cast %parallel_loop3A_142 : vector<1x16xf32> to vector<16xf32>
          %parallel_loop3A_144 = arith.addf %parallel_loop3A_139, %parallel_loop3A_143 : vector<16xf32>
          %parallel_loop3A_145 = arith.constant 0.000000e+00 : f32
          %parallel_loop3A_146 = vector.broadcast %parallel_loop3A_145 : f32 to vector<16xf32>
          %parallel_loop3A_147 = arith.maximumf %parallel_loop3A_144, %parallel_loop3A_146 : vector<16xf32>
          %parallel_loop3A_148 = arith.index_cast %parallel_loop3A_118 : i32 to index
          %parallel_loop3A_149 = arith.constant 16 : index
          %parallel_loop3A_150 = tpu.vector_load %arg22[%parallel_loop3A_148, %parallel_loop3A_149] {strides = array<i32>} : memref<128x32xf32, #tpu.memory_space<vmem>>, vector<1x16xf32>,
          %parallel_loop3A_151 = vector.shape_cast %parallel_loop3A_150 : vector<1x16xf32> to vector<16xf32>
          %parallel_loop3A_152 = vector.shape_cast %parallel_loop3A_147 : vector<16xf32> to vector<1x16xf32>
          tpu.vector_store %arg22[%parallel_loop3A_148, %parallel_loop3A_149], %parallel_loop3A_152 {strides = array<i32>} : memref<128x32xf32, #tpu.memory_space<vmem>>, vector<1x16xf32>,
        } {sc.loop_unroll_factor = 8 : i64, sc.parallel_access}
        %dma_start3A = arith.constant 0 : i32
        %dma_start3A_116 = arith.constant 0 : i32
        %dma_start3A_117 = tpu.memref_slice %arg8[%dma_start3A, %dma_start3A_116] : memref<50048x32xf32, #tpu.memory_space<vmem_shared>> -> memref<50048x32xf32, #tpu.memory_space<vmem_shared>>
        tpu.enqueue_indirect_dma source(%arg22 : memref<128x32xf32, #tpu.memory_space<vmem>>) target(%dma_start3A_117 : memref<50048x32xf32, #tpu.memory_space<vmem_shared>>) offsets(%arg18 : memref<128xi32, #tpu.memory_space<vmem>>) semaphore(%arg36 : memref<!tpu.dma_semaphore, #tpu.memory_space<semaphore_mem>>) {add = true}
      } else {
      }
      %convert_element_type3A_97 = arith.extui %lt3A_42 : i1 to i32
      %cond3A_98 = arith.constant 0 : i32
      %cond3A_99 = arith.cmpi ne, %convert_element_type3A_97, %cond3A_98 : i32
      scf.if %cond3A_99 {
        %dma_wait3A = arith.constant 0 : i32
        %dma_wait3A_109 = arith.constant 0 : i32
        %dma_wait3A_110 = tpu.memref_slice %arg6[%dma_wait3A, %dma_wait3A_109] : memref<100000x32xf32, #tpu.memory_space<hbm>> -> memref<100000x32xf32, #tpu.memory_space<hbm>>
        tpu.wait_indirect_dma semaphore(%arg44 : memref<!tpu.dma_semaphore, #tpu.memory_space<semaphore_mem>>) src(%dma_wait3A_110 : memref<100000x32xf32, #tpu.memory_space<hbm>>) dst(%arg30 : memref<128x32xf32, #tpu.memory_space<vmem>>)
        %dma_wait3A_111 = arith.constant 0 : i32
        %dma_wait3A_112 = arith.constant 0 : i32
        %dma_wait3A_113 = tpu.memref_slice %arg9[%dma_wait3A_111, %dma_wait3A_112] : memref<104x32xf32, #tpu.memory_space<vmem_shared>> -> memref<104x32xf32, #tpu.memory_space<vmem_shared>>
        tpu.wait_indirect_dma semaphore(%arg45 : memref<!tpu.dma_semaphore, #tpu.memory_space<semaphore_mem>>) src(%dma_wait3A_113 : memref<104x32xf32, #tpu.memory_space<vmem_shared>>) dst(%arg29 : memref<128x32xf32, #tpu.memory_space<vmem>>)
        %parallel_loop3A = arith.constant 0 : i32
        %parallel_loop3A_114 = arith.constant 128 : i32
        %parallel_loop3A_115 = arith.constant 1 : i32
        scf.for %parallel_loop3A_118 = %parallel_loop3A to %parallel_loop3A_114 step %parallel_loop3A_115  : i32 {
          %parallel_loop3A_119 = arith.index_cast %parallel_loop3A_118 : i32 to index
          %parallel_loop3A_120 = arith.constant 0 : index
          %parallel_loop3A_121 = tpu.vector_load %arg30[%parallel_loop3A_119, %parallel_loop3A_120] {strides = array<i32>} : memref<128x32xf32, #tpu.memory_space<vmem>>, vector<1x16xf32>,
          %parallel_loop3A_122 = vector.shape_cast %parallel_loop3A_121 : vector<1x16xf32> to vector<16xf32>
          %parallel_loop3A_123 = arith.index_cast %parallel_loop3A_118 : i32 to index
          %parallel_loop3A_124 = arith.constant 0 : index
          %parallel_loop3A_125 = tpu.vector_load %arg29[%parallel_loop3A_123, %parallel_loop3A_124] {strides = array<i32>} : memref<128x32xf32, #tpu.memory_space<vmem>>, vector<1x16xf32>,
          %parallel_loop3A_126 = vector.shape_cast %parallel_loop3A_125 : vector<1x16xf32> to vector<16xf32>
          %parallel_loop3A_127 = arith.addf %parallel_loop3A_122, %parallel_loop3A_126 : vector<16xf32>
          %parallel_loop3A_128 = arith.constant 0.000000e+00 : f32
          %parallel_loop3A_129 = vector.broadcast %parallel_loop3A_128 : f32 to vector<16xf32>
          %parallel_loop3A_130 = arith.maximumf %parallel_loop3A_127, %parallel_loop3A_129 : vector<16xf32>
          %parallel_loop3A_131 = arith.index_cast %parallel_loop3A_118 : i32 to index
          %parallel_loop3A_132 = arith.constant 0 : index
          %parallel_loop3A_133 = tpu.vector_load %arg29[%parallel_loop3A_131, %parallel_loop3A_132] {strides = array<i32>} : memref<128x32xf32, #tpu.memory_space<vmem>>, vector<1x16xf32>,
          %parallel_loop3A_134 = vector.shape_cast %parallel_loop3A_133 : vector<1x16xf32> to vector<16xf32>
          %parallel_loop3A_135 = vector.shape_cast %parallel_loop3A_130 : vector<16xf32> to vector<1x16xf32>
          tpu.vector_store %arg29[%parallel_loop3A_131, %parallel_loop3A_132], %parallel_loop3A_135 {strides = array<i32>} : memref<128x32xf32, #tpu.memory_space<vmem>>, vector<1x16xf32>,
          %parallel_loop3A_136 = arith.index_cast %parallel_loop3A_118 : i32 to index
          %parallel_loop3A_137 = arith.constant 16 : index
          %parallel_loop3A_138 = tpu.vector_load %arg30[%parallel_loop3A_136, %parallel_loop3A_137] {strides = array<i32>} : memref<128x32xf32, #tpu.memory_space<vmem>>, vector<1x16xf32>,
          %parallel_loop3A_139 = vector.shape_cast %parallel_loop3A_138 : vector<1x16xf32> to vector<16xf32>
          %parallel_loop3A_140 = arith.index_cast %parallel_loop3A_118 : i32 to index
          %parallel_loop3A_141 = arith.constant 16 : index
          %parallel_loop3A_142 = tpu.vector_load %arg29[%parallel_loop3A_140, %parallel_loop3A_141] {strides = array<i32>} : memref<128x32xf32, #tpu.memory_space<vmem>>, vector<1x16xf32>,
          %parallel_loop3A_143 = vector.shape_cast %parallel_loop3A_142 : vector<1x16xf32> to vector<16xf32>
          %parallel_loop3A_144 = arith.addf %parallel_loop3A_139, %parallel_loop3A_143 : vector<16xf32>
          %parallel_loop3A_145 = arith.constant 0.000000e+00 : f32
          %parallel_loop3A_146 = vector.broadcast %parallel_loop3A_145 : f32 to vector<16xf32>
          %parallel_loop3A_147 = arith.maximumf %parallel_loop3A_144, %parallel_loop3A_146 : vector<16xf32>
          %parallel_loop3A_148 = arith.index_cast %parallel_loop3A_118 : i32 to index
          %parallel_loop3A_149 = arith.constant 16 : index
          %parallel_loop3A_150 = tpu.vector_load %arg29[%parallel_loop3A_148, %parallel_loop3A_149] {strides = array<i32>} : memref<128x32xf32, #tpu.memory_space<vmem>>, vector<1x16xf32>,
          %parallel_loop3A_151 = vector.shape_cast %parallel_loop3A_150 : vector<1x16xf32> to vector<16xf32>
          %parallel_loop3A_152 = vector.shape_cast %parallel_loop3A_147 : vector<16xf32> to vector<1x16xf32>
          tpu.vector_store %arg29[%parallel_loop3A_148, %parallel_loop3A_149], %parallel_loop3A_152 {strides = array<i32>} : memref<128x32xf32, #tpu.memory_space<vmem>>, vector<1x16xf32>,
        } {sc.loop_unroll_factor = 8 : i64, sc.parallel_access}
        %dma_start3A = arith.constant 0 : i32
        %dma_start3A_116 = arith.constant 0 : i32
        %dma_start3A_117 = tpu.memref_slice %arg8[%dma_start3A, %dma_start3A_116] : memref<50048x32xf32, #tpu.memory_space<vmem_shared>> -> memref<50048x32xf32, #tpu.memory_space<vmem_shared>>
        tpu.enqueue_indirect_dma source(%arg29 : memref<128x32xf32, #tpu.memory_space<vmem>>) target(%dma_start3A_117 : memref<50048x32xf32, #tpu.memory_space<vmem_shared>>) offsets(%arg25 : memref<128xi32, #tpu.memory_space<vmem>>) semaphore(%arg41 : memref<!tpu.dma_semaphore, #tpu.memory_space<semaphore_mem>>) {add = true}
      } else {
      }
      %convert_element_type3A_100 = arith.extui %lt3A_36 : i1 to i32
      %cond3A_101 = arith.constant 0 : i32
      %cond3A_102 = arith.cmpi ne, %convert_element_type3A_100, %cond3A_101 : i32
      scf.if %cond3A_102 {
        %dma_wait3A = arith.constant 0 : i32
        %dma_wait3A_109 = arith.constant 0 : i32
        %dma_wait3A_110 = tpu.memref_slice %arg8[%dma_wait3A, %dma_wait3A_109] : memref<50048x32xf32, #tpu.memory_space<vmem_shared>> -> memref<50048x32xf32, #tpu.memory_space<vmem_shared>>
        tpu.wait_indirect_dma semaphore(%arg31 : memref<!tpu.dma_semaphore, #tpu.memory_space<semaphore_mem>>) src(%arg15 : memref<128x32xf32, #tpu.memory_space<vmem>>) dst(%dma_wait3A_110 : memref<50048x32xf32, #tpu.memory_space<vmem_shared>>)
      } else {
      }
      %convert_element_type3A_103 = arith.extui %lt3A_39 : i1 to i32
      %cond3A_104 = arith.constant 0 : i32
      %cond3A_105 = arith.cmpi ne, %convert_element_type3A_103, %cond3A_104 : i32
      scf.if %cond3A_105 {
        %dma_wait3A = arith.constant 0 : i32
        %dma_wait3A_109 = arith.constant 0 : i32
        %dma_wait3A_110 = tpu.memref_slice %arg8[%dma_wait3A, %dma_wait3A_109] : memref<50048x32xf32, #tpu.memory_space<vmem_shared>> -> memref<50048x32xf32, #tpu.memory_space<vmem_shared>>
        tpu.wait_indirect_dma semaphore(%arg36 : memref<!tpu.dma_semaphore, #tpu.memory_space<semaphore_mem>>) src(%arg22 : memref<128x32xf32, #tpu.memory_space<vmem>>) dst(%dma_wait3A_110 : memref<50048x32xf32, #tpu.memory_space<vmem_shared>>)
      } else {
      }
      %convert_element_type3A_106 = arith.extui %lt3A_42 : i1 to i32
      %cond3A_107 = arith.constant 0 : i32
      %cond3A_108 = arith.cmpi ne, %convert_element_type3A_106, %cond3A_107 : i32
      scf.if %cond3A_108 {
        %dma_wait3A = arith.constant 0 : i32
        %dma_wait3A_109 = arith.constant 0 : i32
        %dma_wait3A_110 = tpu.memref_slice %arg8[%dma_wait3A, %dma_wait3A_109] : memref<50048x32xf32, #tpu.memory_space<vmem_shared>> -> memref<50048x32xf32, #tpu.memory_space<vmem_shared>>
        tpu.wait_indirect_dma semaphore(%arg41 : memref<!tpu.dma_semaphore, #tpu.memory_space<semaphore_mem>>) src(%arg29 : memref<128x32xf32, #tpu.memory_space<vmem>>) dst(%dma_wait3A_110 : memref<50048x32xf32, #tpu.memory_space<vmem_shared>>)
      } else {
      }
    }
    %scan3A_24 = arith.constant 131 : i32
    %barrier3A_25 = arith.constant 0 : index
    tpu.barrier barrier_id(%barrier3A_25)
    %scan3A_26 = arith.constant 0 : i32
    %scan3A_27 = arith.constant 23 : i32
    %scan3A_28 = arith.addi %scan3A_26, %scan3A_27 : i32
    %scan3A_29 = arith.constant 1 : i32
    scf.for %scan3A_31 = %scan3A_26 to %scan3A_28 step %scan3A_29  : i32 {
      %mul3A_32 = arith.constant 3128 : i32
      %mul3A_33 = arith.muli %arg1, %mul3A_32 : i32
      %mul3A_34 = arith.constant 136 : i32
      %mul3A_35 = arith.muli %scan3A_31, %mul3A_34 : i32
      %add3A_36 = arith.addi %mul3A_33, %mul3A_35 : i32
      %mul3A_37 = arith.constant 50048 : i32
      %mul3A_38 = arith.muli %arg0, %mul3A_37 : i32
      %add3A_39 = arith.addi %mul3A_38, %add3A_36 : i32
      "tpu.region"() ({
        %run_scoped3A = tpu.sem_alloc : memref<!tpu.dma_semaphore, #tpu.memory_space<semaphore_mem>>
        %dma_start3A = arith.constant 0 : i32
        %dma_start3A_40 = tpu.memref_slice %arg7[%add3A_39, %dma_start3A] : memref<100096x32xf32, #tpu.memory_space<hbm>> -> memref<136x32xf32, #tpu.memory_space<hbm>>
        %dma_start3A_41 = arith.constant 0 : i32
        %dma_start3A_42 = tpu.memref_slice %arg8[%add3A_36, %dma_start3A_41] : memref<50048x32xf32, #tpu.memory_space<vmem_shared>> -> memref<136x32xf32, #tpu.memory_space<vmem_shared>>
        tpu.enqueue_dma source(%dma_start3A_42 : memref<136x32xf32, #tpu.memory_space<vmem_shared>>) target(%dma_start3A_40 : memref<136x32xf32, #tpu.memory_space<hbm>>) target_semaphore(%run_scoped3A : memref<!tpu.dma_semaphore, #tpu.memory_space<semaphore_mem>>)
        %dma_wait3A = arith.constant 0 : i32
        %dma_wait3A_43 = tpu.memref_slice %arg7[%add3A_39, %dma_wait3A] : memref<100096x32xf32, #tpu.memory_space<hbm>> -> memref<136x32xf32, #tpu.memory_space<hbm>>
        %dma_wait3A_44 = arith.constant 0 : i32
        %dma_wait3A_45 = tpu.memref_slice %arg8[%add3A_36, %dma_wait3A_44] : memref<50048x32xf32, #tpu.memory_space<vmem_shared>> -> memref<136x32xf32, #tpu.memory_space<vmem_shared>>
        tpu.wait_dma2 semaphore(%run_scoped3A : memref<!tpu.dma_semaphore, #tpu.memory_space<semaphore_mem>>) src(%dma_wait3A_45 : memref<136x32xf32, #tpu.memory_space<vmem_shared>>) dst(%dma_wait3A_43 : memref<136x32xf32, #tpu.memory_space<hbm>>)
        tpu.yield
      }) : () -> ()
    }
    %scan3A_30 = arith.constant 23 : i32
    return
  }
}

#map = affine_map<(d0, d1) -> (0)>
#map1 = affine_map<(d0, d1) -> (0, 0)>
module attributes {stable_mosaic.version = 14 : i64} {
  func.func @body(%arg0: i32, %arg1: i32, %arg2: memref<800000xi32, #tpu.memory_space<hbm>>, %arg3: memref<800000xi32, #tpu.memory_space<hbm>>, %arg4: memref<50000xi32, #tpu.memory_space<hbm>>, %arg5: memref<20000x32xf32, #tpu.memory_space<hbm>>, %arg6: memref<100096x32xf32, #tpu.memory_space<hbm>>, %arg7: memref<800000xi32, #tpu.memory_space<hbm>>, %arg8: memref<50048x32xf32, #tpu.memory_space<vmem_shared>>, %arg9: memref<50000xi32, #tpu.memory_space<vmem_shared>>, %arg10: memref<128xi32, #tpu.memory_space<vmem>>, %arg11: memref<128xi32, #tpu.memory_space<vmem>>, %arg12: memref<128xi32, #tpu.memory_space<vmem>>, %arg13: memref<128xi32, #tpu.memory_space<vmem>>, %arg14: memref<128xi32, #tpu.memory_space<vmem>>, %arg15: memref<128x32xf32, #tpu.memory_space<vmem>>, %arg16: memref<128xi32, #tpu.memory_space<vmem>>, %arg17: memref<128xi32, #tpu.memory_space<vmem>>, %arg18: memref<128xi32, #tpu.memory_space<vmem>>, %arg19: memref<128xi32, #tpu.memory_space<vmem>>, %arg20: memref<128xi32, #tpu.memory_space<vmem>>, %arg21: memref<128x32xf32, #tpu.memory_space<vmem>>, %arg22: memref<128xi32, #tpu.memory_space<vmem>>, %arg23: memref<128xi32, #tpu.memory_space<vmem>>, %arg24: memref<128xi32, #tpu.memory_space<vmem>>, %arg25: memref<128xi32, #tpu.memory_space<vmem>>, %arg26: memref<128xi32, #tpu.memory_space<vmem>>, %arg27: memref<128x32xf32, #tpu.memory_space<vmem>>, %arg28: memref<128xi32, #tpu.memory_space<vmem>>, %arg29: memref<128xi32, #tpu.memory_space<vmem>>, %arg30: memref<128xi32, #tpu.memory_space<vmem>>, %arg31: memref<128xi32, #tpu.memory_space<vmem>>, %arg32: memref<128xi32, #tpu.memory_space<vmem>>, %arg33: memref<128x32xf32, #tpu.memory_space<vmem>>, %arg34: memref<128xi32, #tpu.memory_space<vmem>>, %arg35: memref<128xi32, #tpu.memory_space<vmem>>, %arg36: memref<128xi32, #tpu.memory_space<vmem>>, %arg37: memref<128xi32, #tpu.memory_space<vmem>>, %arg38: memref<128xi32, #tpu.memory_space<vmem>>, %arg39: memref<128x32xf32, #tpu.memory_space<vmem>>, %arg40: memref<!tpu.dma_semaphore, #tpu.memory_space<semaphore_mem>>, %arg41: memref<!tpu.dma_semaphore, #tpu.memory_space<semaphore_mem>>, %arg42: memref<!tpu.dma_semaphore, #tpu.memory_space<semaphore_mem>>, %arg43: memref<!tpu.dma_semaphore, #tpu.memory_space<semaphore_mem>>, %arg44: memref<!tpu.dma_semaphore, #tpu.memory_space<semaphore_mem>>, %arg45: memref<!tpu.dma_semaphore, #tpu.memory_space<semaphore_mem>>, %arg46: memref<!tpu.dma_semaphore, #tpu.memory_space<semaphore_mem>>, %arg47: memref<!tpu.dma_semaphore, #tpu.memory_space<semaphore_mem>>, %arg48: memref<!tpu.dma_semaphore, #tpu.memory_space<semaphore_mem>>, %arg49: memref<!tpu.dma_semaphore, #tpu.memory_space<semaphore_mem>>, %arg50: memref<!tpu.dma_semaphore, #tpu.memory_space<semaphore_mem>>, %arg51: memref<!tpu.dma_semaphore, #tpu.memory_space<semaphore_mem>>, %arg52: memref<!tpu.dma_semaphore, #tpu.memory_space<semaphore_mem>>, %arg53: memref<!tpu.dma_semaphore, #tpu.memory_space<semaphore_mem>>, %arg54: memref<!tpu.dma_semaphore, #tpu.memory_space<semaphore_mem>>, %arg55: memref<!tpu.dma_semaphore, #tpu.memory_space<semaphore_mem>>, %arg56: memref<!tpu.dma_semaphore, #tpu.memory_space<semaphore_mem>>, %arg57: memref<!tpu.dma_semaphore, #tpu.memory_space<semaphore_mem>>, %arg58: memref<!tpu.dma_semaphore, #tpu.memory_space<semaphore_mem>>, %arg59: memref<!tpu.dma_semaphore, #tpu.memory_space<semaphore_mem>>, %arg60: memref<!tpu.dma_semaphore, #tpu.memory_space<semaphore_mem>>, %arg61: memref<!tpu.dma_semaphore, #tpu.memory_space<semaphore_mem>>, %arg62: memref<!tpu.dma_semaphore, #tpu.memory_space<semaphore_mem>>, %arg63: memref<!tpu.dma_semaphore, #tpu.memory_space<semaphore_mem>>, %arg64: memref<!tpu.dma_semaphore, #tpu.memory_space<semaphore_mem>>) attributes {dimension_semantics = [#tpu.dimension_semantics<core_parallel>, #tpu.dimension_semantics<subcore_parallel>], iteration_bounds = array<i64: 2, 16>, scalar_prefetch = 0 : i64, scratch_operands = 57 : i64, tpu.core_type = #tpu.core_type<sc_vector_subcore>, window_params = [{transform_indices = #map}, {transform_indices = #map}, {transform_indices = #map}, {transform_indices = #map1}, {transform_indices = #map1}, {transform_indices = #map}]} {
    %eq3A = arith.constant 0 : i32
    %eq3A_0 = arith.cmpi eq, %arg1, %eq3A : i32
    %convert_element_type3A = arith.extui %eq3A_0 : i1 to i32
    %cond3A = arith.constant 0 : i32
    %cond3A_1 = arith.cmpi ne, %convert_element_type3A, %cond3A : i32
    scf.if %cond3A_1 {
      "tpu.region"() ({
        %run_scoped3A = tpu.sem_alloc : memref<!tpu.dma_semaphore, #tpu.memory_space<semaphore_mem>>
        tpu.enqueue_dma source(%arg4 : memref<50000xi32, #tpu.memory_space<hbm>>) target(%arg9 : memref<50000xi32, #tpu.memory_space<vmem_shared>>) target_semaphore(%run_scoped3A : memref<!tpu.dma_semaphore, #tpu.memory_space<semaphore_mem>>)
        tpu.wait_dma2 semaphore(%run_scoped3A : memref<!tpu.dma_semaphore, #tpu.memory_space<semaphore_mem>>) src(%arg4 : memref<50000xi32, #tpu.memory_space<hbm>>) dst(%arg9 : memref<50000xi32, #tpu.memory_space<vmem_shared>>)
        tpu.yield
      }) : () -> ()
    } else {
    }
    %scan3A = arith.constant 0 : i32
    %scan3A_2 = arith.constant 128 : i32
    %scan3A_3 = arith.addi %scan3A, %scan3A_2 : i32
    %scan3A_4 = arith.constant 1 : i32
    scf.for %scan3A_31 = %scan3A to %scan3A_3 step %scan3A_4  : i32 {
      %broadcast_in_dim3A = arith.constant 0.000000e+00 : f32
      %broadcast_in_dim3A_32 = vector.broadcast %broadcast_in_dim3A : f32 to vector<16xf32>
      %swap3A = arith.index_cast %scan3A_31 : i32 to index
      %swap3A_33 = arith.constant 0 : index
      %swap3A_34 = tpu.vector_load %arg15[%swap3A, %swap3A_33] {strides = array<i32>} : memref<128x32xf32, #tpu.memory_space<vmem>>, vector<1x16xf32>,
      %swap3A_35 = vector.shape_cast %swap3A_34 : vector<1x16xf32> to vector<16xf32>
      %swap3A_36 = vector.shape_cast %broadcast_in_dim3A_32 : vector<16xf32> to vector<1x16xf32>
      tpu.vector_store %arg15[%swap3A, %swap3A_33], %swap3A_36 {strides = array<i32>} : memref<128x32xf32, #tpu.memory_space<vmem>>, vector<1x16xf32>,
      %broadcast_in_dim3A_37 = arith.constant 0.000000e+00 : f32
      %broadcast_in_dim3A_38 = vector.broadcast %broadcast_in_dim3A_37 : f32 to vector<16xf32>
      %swap3A_39 = arith.index_cast %scan3A_31 : i32 to index
      %swap3A_40 = arith.constant 16 : index
      %swap3A_41 = tpu.vector_load %arg15[%swap3A_39, %swap3A_40] {strides = array<i32>} : memref<128x32xf32, #tpu.memory_space<vmem>>, vector<1x16xf32>,
      %swap3A_42 = vector.shape_cast %swap3A_41 : vector<1x16xf32> to vector<16xf32>
      %swap3A_43 = vector.shape_cast %broadcast_in_dim3A_38 : vector<16xf32> to vector<1x16xf32>
      tpu.vector_store %arg15[%swap3A_39, %swap3A_40], %swap3A_43 {strides = array<i32>} : memref<128x32xf32, #tpu.memory_space<vmem>>, vector<1x16xf32>,
    }
    %scan3A_5 = arith.constant 128 : i32
    %scan3A_6 = arith.constant 0 : i32
    %scan3A_7 = arith.constant 24 : i32
    %scan3A_8 = arith.addi %scan3A_6, %scan3A_7 : i32
    %scan3A_9 = arith.constant 1 : i32
    scf.for %scan3A_31 = %scan3A_6 to %scan3A_8 step %scan3A_9  : i32 {
      %mul3A_32 = arith.constant 3128 : i32
      %mul3A_33 = arith.muli %arg1, %mul3A_32 : i32
      %mul3A_34 = arith.constant 128 : i32
      %mul3A_35 = arith.muli %scan3A_31, %mul3A_34 : i32
      %add3A_36 = arith.addi %mul3A_33, %mul3A_35 : i32
      "tpu.region"() ({
        %run_scoped3A = tpu.sem_alloc : memref<!tpu.dma_semaphore, #tpu.memory_space<semaphore_mem>>
        %dma_start3A = arith.constant 0 : i32
        %dma_start3A_37 = tpu.memref_slice %arg8[%add3A_36, %dma_start3A] : memref<50048x32xf32, #tpu.memory_space<vmem_shared>> -> memref<128x32xf32, #tpu.memory_space<vmem_shared>>
        %dma_start3A_38 = arith.constant 0 : i32
        %dma_start3A_39 = tpu.memref_slice %arg8[%add3A_36, %dma_start3A_38] : memref<50048x32xf32, #tpu.memory_space<vmem_shared>> -> memref<128x32xf32, #tpu.memory_space<vmem_shared>>
        tpu.enqueue_dma source(%arg15 : memref<128x32xf32, #tpu.memory_space<vmem>>) target(%dma_start3A_39 : memref<128x32xf32, #tpu.memory_space<vmem_shared>>) target_semaphore(%run_scoped3A : memref<!tpu.dma_semaphore, #tpu.memory_space<semaphore_mem>>)
        %dma_wait3A = arith.constant 0 : i32
        %dma_wait3A_40 = tpu.memref_slice %arg8[%add3A_36, %dma_wait3A] : memref<50048x32xf32, #tpu.memory_space<vmem_shared>> -> memref<128x32xf32, #tpu.memory_space<vmem_shared>>
        %dma_wait3A_41 = arith.constant 0 : i32
        %dma_wait3A_42 = tpu.memref_slice %arg8[%add3A_36, %dma_wait3A_41] : memref<50048x32xf32, #tpu.memory_space<vmem_shared>> -> memref<128x32xf32, #tpu.memory_space<vmem_shared>>
        tpu.wait_dma2 semaphore(%run_scoped3A : memref<!tpu.dma_semaphore, #tpu.memory_space<semaphore_mem>>) src(%arg15 : memref<128x32xf32, #tpu.memory_space<vmem>>) dst(%dma_wait3A_42 : memref<128x32xf32, #tpu.memory_space<vmem_shared>>)
        tpu.yield
      }) : () -> ()
    }
    %scan3A_10 = arith.constant 24 : i32
    %mul3A = arith.constant 3128 : i32
    %mul3A_11 = arith.muli %arg1, %mul3A : i32
    %add3A = arith.constant 3128 : i32
    %add3A_12 = arith.addi %mul3A_11, %add3A : i32
    %sub3A = arith.constant 56 : i32
    %sub3A_13 = arith.subi %add3A_12, %sub3A : i32
    "tpu.region"() ({
      %run_scoped3A = tpu.sem_alloc : memref<!tpu.dma_semaphore, #tpu.memory_space<semaphore_mem>>
      %dma_start3A = arith.constant 0 : i32
      %dma_start3A_31 = arith.constant 0 : i32
      %dma_start3A_32 = tpu.memref_slice %arg15[%dma_start3A, %dma_start3A_31] : memref<128x32xf32, #tpu.memory_space<vmem>> -> memref<56x32xf32, #tpu.memory_space<vmem>>
      %dma_start3A_33 = arith.constant 0 : i32
      %dma_start3A_34 = tpu.memref_slice %arg8[%sub3A_13, %dma_start3A_33] : memref<50048x32xf32, #tpu.memory_space<vmem_shared>> -> memref<56x32xf32, #tpu.memory_space<vmem_shared>>
      %dma_start3A_35 = arith.constant 0 : i32
      %dma_start3A_36 = tpu.memref_slice %arg8[%sub3A_13, %dma_start3A_35] : memref<50048x32xf32, #tpu.memory_space<vmem_shared>> -> memref<56x32xf32, #tpu.memory_space<vmem_shared>>
      %dma_start3A_37 = arith.constant 0 : i32
      %dma_start3A_38 = arith.constant 0 : i32
      %dma_start3A_39 = tpu.memref_slice %arg15[%dma_start3A_37, %dma_start3A_38] : memref<128x32xf32, #tpu.memory_space<vmem>> -> memref<56x32xf32, #tpu.memory_space<vmem>>
      tpu.enqueue_dma source(%dma_start3A_39 : memref<56x32xf32, #tpu.memory_space<vmem>>) target(%dma_start3A_36 : memref<56x32xf32, #tpu.memory_space<vmem_shared>>) target_semaphore(%run_scoped3A : memref<!tpu.dma_semaphore, #tpu.memory_space<semaphore_mem>>)
      %dma_wait3A = arith.constant 0 : i32
      %dma_wait3A_40 = arith.constant 0 : i32
      %dma_wait3A_41 = tpu.memref_slice %arg15[%dma_wait3A, %dma_wait3A_40] : memref<128x32xf32, #tpu.memory_space<vmem>> -> memref<56x32xf32, #tpu.memory_space<vmem>>
      %dma_wait3A_42 = arith.constant 0 : i32
      %dma_wait3A_43 = tpu.memref_slice %arg8[%sub3A_13, %dma_wait3A_42] : memref<50048x32xf32, #tpu.memory_space<vmem_shared>> -> memref<56x32xf32, #tpu.memory_space<vmem_shared>>
      %dma_wait3A_44 = arith.constant 0 : i32
      %dma_wait3A_45 = tpu.memref_slice %arg8[%sub3A_13, %dma_wait3A_44] : memref<50048x32xf32, #tpu.memory_space<vmem_shared>> -> memref<56x32xf32, #tpu.memory_space<vmem_shared>>
      %dma_wait3A_46 = arith.constant 0 : i32
      %dma_wait3A_47 = arith.constant 0 : i32
      %dma_wait3A_48 = tpu.memref_slice %arg15[%dma_wait3A_46, %dma_wait3A_47] : memref<128x32xf32, #tpu.memory_space<vmem>> -> memref<56x32xf32, #tpu.memory_space<vmem>>
      tpu.wait_dma2 semaphore(%run_scoped3A : memref<!tpu.dma_semaphore, #tpu.memory_space<semaphore_mem>>) src(%dma_wait3A_48 : memref<56x32xf32, #tpu.memory_space<vmem>>) dst(%dma_wait3A_45 : memref<56x32xf32, #tpu.memory_space<vmem_shared>>)
      tpu.yield
    }) : () -> ()
    %barrier3A = arith.constant 0 : index
    tpu.barrier barrier_id(%barrier3A)
    %mul3A_14 = arith.constant 390 : i32
    %mul3A_15 = arith.muli %arg1, %mul3A_14 : i32
    %min3A = arith.constant 10 : i32
    %min3A_16 = arith.minsi %arg1, %min3A : i32
    %add3A_17 = arith.addi %mul3A_15, %min3A_16 : i32
    %lt3A = arith.constant 10 : i32
    %lt3A_18 = arith.cmpi slt, %arg1, %lt3A : i32
    %jit3A = arith.constant 391 : i32
    %jit3A_19 = arith.constant 390 : i32
    %select_n3A = arith.select %lt3A_18, %jit3A, %jit3A_19 : i32
    %scan3A_20 = arith.constant 0 : i32
    %scan3A_21 = arith.constant 79 : i32
    %scan3A_22 = arith.addi %scan3A_20, %scan3A_21 : i32
    %scan3A_23 = arith.constant 1 : i32
    scf.for %scan3A_31 = %scan3A_20 to %scan3A_22 step %scan3A_23  : i32 {
      %mul3A_32 = arith.constant 5 : i32
      %mul3A_33 = arith.muli %scan3A_31, %mul3A_32 : i32
      %add3A_34 = arith.constant 0 : i32
      %add3A_35 = arith.addi %mul3A_33, %add3A_34 : i32
      %lt3A_36 = arith.cmpi slt, %add3A_35, %select_n3A : i32
      %add3A_37 = arith.constant 1 : i32
      %add3A_38 = arith.addi %mul3A_33, %add3A_37 : i32
      %lt3A_39 = arith.cmpi slt, %add3A_38, %select_n3A : i32
      %add3A_40 = arith.constant 2 : i32
      %add3A_41 = arith.addi %mul3A_33, %add3A_40 : i32
      %lt3A_42 = arith.cmpi slt, %add3A_41, %select_n3A : i32
      %add3A_43 = arith.constant 3 : i32
      %add3A_44 = arith.addi %mul3A_33, %add3A_43 : i32
      %lt3A_45 = arith.cmpi slt, %add3A_44, %select_n3A : i32
      %add3A_46 = arith.constant 4 : i32
      %add3A_47 = arith.addi %mul3A_33, %add3A_46 : i32
      %lt3A_48 = arith.cmpi slt, %add3A_47, %select_n3A : i32
      %add3A_49 = arith.addi %add3A_17, %mul3A_33 : i32
      %add3A_50 = arith.constant 0 : i32
      %add3A_51 = arith.addi %add3A_49, %add3A_50 : i32
      %mul3A_52 = arith.constant 128 : i32
      %mul3A_53 = arith.muli %add3A_51, %mul3A_52 : i32
      %convert_element_type3A_54 = arith.extui %lt3A_36 : i1 to i32
      %cond3A_55 = arith.constant 0 : i32
      %cond3A_56 = arith.cmpi ne, %convert_element_type3A_54, %cond3A_55 : i32
      scf.if %cond3A_56 {
        %dma_start3A = tpu.memref_slice %arg2[%mul3A_53] : memref<800000xi32, #tpu.memory_space<hbm>> -> memref<128xi32, #tpu.memory_space<hbm>>
        %dma_start3A_228 = tpu.memref_slice %arg2[%mul3A_53] : memref<800000xi32, #tpu.memory_space<hbm>> -> memref<128xi32, #tpu.memory_space<hbm>>
        tpu.enqueue_dma source(%dma_start3A_228 : memref<128xi32, #tpu.memory_space<hbm>>) target(%arg10 : memref<128xi32, #tpu.memory_space<vmem>>) target_semaphore(%arg40 : memref<!tpu.dma_semaphore, #tpu.memory_space<semaphore_mem>>)
        %dma_start3A_229 = tpu.memref_slice %arg3[%mul3A_53] : memref<800000xi32, #tpu.memory_space<hbm>> -> memref<128xi32, #tpu.memory_space<hbm>>
        %dma_start3A_230 = tpu.memref_slice %arg3[%mul3A_53] : memref<800000xi32, #tpu.memory_space<hbm>> -> memref<128xi32, #tpu.memory_space<hbm>>
        tpu.enqueue_dma source(%dma_start3A_230 : memref<128xi32, #tpu.memory_space<hbm>>) target(%arg11 : memref<128xi32, #tpu.memory_space<vmem>>) target_semaphore(%arg41 : memref<!tpu.dma_semaphore, #tpu.memory_space<semaphore_mem>>)
      } else {
      }
      %add3A_57 = arith.addi %add3A_17, %mul3A_33 : i32
      %add3A_58 = arith.constant 1 : i32
      %add3A_59 = arith.addi %add3A_57, %add3A_58 : i32
      %mul3A_60 = arith.constant 128 : i32
      %mul3A_61 = arith.muli %add3A_59, %mul3A_60 : i32
      %convert_element_type3A_62 = arith.extui %lt3A_39 : i1 to i32
      %cond3A_63 = arith.constant 0 : i32
      %cond3A_64 = arith.cmpi ne, %convert_element_type3A_62, %cond3A_63 : i32
      scf.if %cond3A_64 {
        %dma_start3A = tpu.memref_slice %arg2[%mul3A_61] : memref<800000xi32, #tpu.memory_space<hbm>> -> memref<128xi32, #tpu.memory_space<hbm>>
        %dma_start3A_228 = tpu.memref_slice %arg2[%mul3A_61] : memref<800000xi32, #tpu.memory_space<hbm>> -> memref<128xi32, #tpu.memory_space<hbm>>
        tpu.enqueue_dma source(%dma_start3A_228 : memref<128xi32, #tpu.memory_space<hbm>>) target(%arg16 : memref<128xi32, #tpu.memory_space<vmem>>) target_semaphore(%arg45 : memref<!tpu.dma_semaphore, #tpu.memory_space<semaphore_mem>>)
        %dma_start3A_229 = tpu.memref_slice %arg3[%mul3A_61] : memref<800000xi32, #tpu.memory_space<hbm>> -> memref<128xi32, #tpu.memory_space<hbm>>
        %dma_start3A_230 = tpu.memref_slice %arg3[%mul3A_61] : memref<800000xi32, #tpu.memory_space<hbm>> -> memref<128xi32, #tpu.memory_space<hbm>>
        tpu.enqueue_dma source(%dma_start3A_230 : memref<128xi32, #tpu.memory_space<hbm>>) target(%arg17 : memref<128xi32, #tpu.memory_space<vmem>>) target_semaphore(%arg46 : memref<!tpu.dma_semaphore, #tpu.memory_space<semaphore_mem>>)
      } else {
      }
      %add3A_65 = arith.addi %add3A_17, %mul3A_33 : i32
      %add3A_66 = arith.constant 2 : i32
      %add3A_67 = arith.addi %add3A_65, %add3A_66 : i32
      %mul3A_68 = arith.constant 128 : i32
      %mul3A_69 = arith.muli %add3A_67, %mul3A_68 : i32
      %convert_element_type3A_70 = arith.extui %lt3A_42 : i1 to i32
      %cond3A_71 = arith.constant 0 : i32
      %cond3A_72 = arith.cmpi ne, %convert_element_type3A_70, %cond3A_71 : i32
      scf.if %cond3A_72 {
        %dma_start3A = tpu.memref_slice %arg2[%mul3A_69] : memref<800000xi32, #tpu.memory_space<hbm>> -> memref<128xi32, #tpu.memory_space<hbm>>
        %dma_start3A_228 = tpu.memref_slice %arg2[%mul3A_69] : memref<800000xi32, #tpu.memory_space<hbm>> -> memref<128xi32, #tpu.memory_space<hbm>>
        tpu.enqueue_dma source(%dma_start3A_228 : memref<128xi32, #tpu.memory_space<hbm>>) target(%arg22 : memref<128xi32, #tpu.memory_space<vmem>>) target_semaphore(%arg50 : memref<!tpu.dma_semaphore, #tpu.memory_space<semaphore_mem>>)
        %dma_start3A_229 = tpu.memref_slice %arg3[%mul3A_69] : memref<800000xi32, #tpu.memory_space<hbm>> -> memref<128xi32, #tpu.memory_space<hbm>>
        %dma_start3A_230 = tpu.memref_slice %arg3[%mul3A_69] : memref<800000xi32, #tpu.memory_space<hbm>> -> memref<128xi32, #tpu.memory_space<hbm>>
        tpu.enqueue_dma source(%dma_start3A_230 : memref<128xi32, #tpu.memory_space<hbm>>) target(%arg23 : memref<128xi32, #tpu.memory_space<vmem>>) target_semaphore(%arg51 : memref<!tpu.dma_semaphore, #tpu.memory_space<semaphore_mem>>)
      } else {
      }
      %add3A_73 = arith.addi %add3A_17, %mul3A_33 : i32
      %add3A_74 = arith.constant 3 : i32
      %add3A_75 = arith.addi %add3A_73, %add3A_74 : i32
      %mul3A_76 = arith.constant 128 : i32
      %mul3A_77 = arith.muli %add3A_75, %mul3A_76 : i32
      %convert_element_type3A_78 = arith.extui %lt3A_45 : i1 to i32
      %cond3A_79 = arith.constant 0 : i32
      %cond3A_80 = arith.cmpi ne, %convert_element_type3A_78, %cond3A_79 : i32
      scf.if %cond3A_80 {
        %dma_start3A = tpu.memref_slice %arg2[%mul3A_77] : memref<800000xi32, #tpu.memory_space<hbm>> -> memref<128xi32, #tpu.memory_space<hbm>>
        %dma_start3A_228 = tpu.memref_slice %arg2[%mul3A_77] : memref<800000xi32, #tpu.memory_space<hbm>> -> memref<128xi32, #tpu.memory_space<hbm>>
        tpu.enqueue_dma source(%dma_start3A_228 : memref<128xi32, #tpu.memory_space<hbm>>) target(%arg28 : memref<128xi32, #tpu.memory_space<vmem>>) target_semaphore(%arg55 : memref<!tpu.dma_semaphore, #tpu.memory_space<semaphore_mem>>)
        %dma_start3A_229 = tpu.memref_slice %arg3[%mul3A_77] : memref<800000xi32, #tpu.memory_space<hbm>> -> memref<128xi32, #tpu.memory_space<hbm>>
        %dma_start3A_230 = tpu.memref_slice %arg3[%mul3A_77] : memref<800000xi32, #tpu.memory_space<hbm>> -> memref<128xi32, #tpu.memory_space<hbm>>
        tpu.enqueue_dma source(%dma_start3A_230 : memref<128xi32, #tpu.memory_space<hbm>>) target(%arg29 : memref<128xi32, #tpu.memory_space<vmem>>) target_semaphore(%arg56 : memref<!tpu.dma_semaphore, #tpu.memory_space<semaphore_mem>>)
      } else {
      }
      %add3A_81 = arith.addi %add3A_17, %mul3A_33 : i32
      %add3A_82 = arith.constant 4 : i32
      %add3A_83 = arith.addi %add3A_81, %add3A_82 : i32
      %mul3A_84 = arith.constant 128 : i32
      %mul3A_85 = arith.muli %add3A_83, %mul3A_84 : i32
      %convert_element_type3A_86 = arith.extui %lt3A_48 : i1 to i32
      %cond3A_87 = arith.constant 0 : i32
      %cond3A_88 = arith.cmpi ne, %convert_element_type3A_86, %cond3A_87 : i32
      scf.if %cond3A_88 {
        %dma_start3A = tpu.memref_slice %arg2[%mul3A_85] : memref<800000xi32, #tpu.memory_space<hbm>> -> memref<128xi32, #tpu.memory_space<hbm>>
        %dma_start3A_228 = tpu.memref_slice %arg2[%mul3A_85] : memref<800000xi32, #tpu.memory_space<hbm>> -> memref<128xi32, #tpu.memory_space<hbm>>
        tpu.enqueue_dma source(%dma_start3A_228 : memref<128xi32, #tpu.memory_space<hbm>>) target(%arg34 : memref<128xi32, #tpu.memory_space<vmem>>) target_semaphore(%arg60 : memref<!tpu.dma_semaphore, #tpu.memory_space<semaphore_mem>>)
        %dma_start3A_229 = tpu.memref_slice %arg3[%mul3A_85] : memref<800000xi32, #tpu.memory_space<hbm>> -> memref<128xi32, #tpu.memory_space<hbm>>
        %dma_start3A_230 = tpu.memref_slice %arg3[%mul3A_85] : memref<800000xi32, #tpu.memory_space<hbm>> -> memref<128xi32, #tpu.memory_space<hbm>>
        tpu.enqueue_dma source(%dma_start3A_230 : memref<128xi32, #tpu.memory_space<hbm>>) target(%arg35 : memref<128xi32, #tpu.memory_space<vmem>>) target_semaphore(%arg61 : memref<!tpu.dma_semaphore, #tpu.memory_space<semaphore_mem>>)
      } else {
      }
      %convert_element_type3A_89 = arith.extui %lt3A_36 : i1 to i32
      %cond3A_90 = arith.constant 0 : i32
      %cond3A_91 = arith.cmpi ne, %convert_element_type3A_89, %cond3A_90 : i32
      scf.if %cond3A_91 {
        %dma_wait3A = tpu.memref_slice %arg2[%mul3A_53] : memref<800000xi32, #tpu.memory_space<hbm>> -> memref<128xi32, #tpu.memory_space<hbm>>
        %dma_wait3A_228 = tpu.memref_slice %arg2[%mul3A_53] : memref<800000xi32, #tpu.memory_space<hbm>> -> memref<128xi32, #tpu.memory_space<hbm>>
        tpu.wait_dma2 semaphore(%arg40 : memref<!tpu.dma_semaphore, #tpu.memory_space<semaphore_mem>>) src(%dma_wait3A_228 : memref<128xi32, #tpu.memory_space<hbm>>) dst(%arg10 : memref<128xi32, #tpu.memory_space<vmem>>)
        %dma_wait3A_229 = tpu.memref_slice %arg3[%mul3A_53] : memref<800000xi32, #tpu.memory_space<hbm>> -> memref<128xi32, #tpu.memory_space<hbm>>
        %dma_wait3A_230 = tpu.memref_slice %arg3[%mul3A_53] : memref<800000xi32, #tpu.memory_space<hbm>> -> memref<128xi32, #tpu.memory_space<hbm>>
        tpu.wait_dma2 semaphore(%arg41 : memref<!tpu.dma_semaphore, #tpu.memory_space<semaphore_mem>>) src(%dma_wait3A_230 : memref<128xi32, #tpu.memory_space<hbm>>) dst(%arg11 : memref<128xi32, #tpu.memory_space<vmem>>)
        %dma_start3A = arith.constant 0 : i32
        %dma_start3A_231 = tpu.memref_slice %arg9[%dma_start3A] : memref<50000xi32, #tpu.memory_space<vmem_shared>> -> memref<50000xi32, #tpu.memory_space<vmem_shared>>
        tpu.enqueue_indirect_dma source(%dma_start3A_231 : memref<50000xi32, #tpu.memory_space<vmem_shared>>) target(%arg12 : memref<128xi32, #tpu.memory_space<vmem>>) offsets(%arg10 : memref<128xi32, #tpu.memory_space<vmem>>) semaphore(%arg42 : memref<!tpu.dma_semaphore, #tpu.memory_space<semaphore_mem>>)
        %dma_start3A_232 = arith.constant 0 : i32
        %dma_start3A_233 = tpu.memref_slice %arg9[%dma_start3A_232] : memref<50000xi32, #tpu.memory_space<vmem_shared>> -> memref<50000xi32, #tpu.memory_space<vmem_shared>>
        tpu.enqueue_indirect_dma source(%dma_start3A_233 : memref<50000xi32, #tpu.memory_space<vmem_shared>>) target(%arg13 : memref<128xi32, #tpu.memory_space<vmem>>) offsets(%arg11 : memref<128xi32, #tpu.memory_space<vmem>>) semaphore(%arg43 : memref<!tpu.dma_semaphore, #tpu.memory_space<semaphore_mem>>)
      } else {
      }
      %convert_element_type3A_92 = arith.extui %lt3A_39 : i1 to i32
      %cond3A_93 = arith.constant 0 : i32
      %cond3A_94 = arith.cmpi ne, %convert_element_type3A_92, %cond3A_93 : i32
      scf.if %cond3A_94 {
        %dma_wait3A = tpu.memref_slice %arg2[%mul3A_61] : memref<800000xi32, #tpu.memory_space<hbm>> -> memref<128xi32, #tpu.memory_space<hbm>>
        %dma_wait3A_228 = tpu.memref_slice %arg2[%mul3A_61] : memref<800000xi32, #tpu.memory_space<hbm>> -> memref<128xi32, #tpu.memory_space<hbm>>
        tpu.wait_dma2 semaphore(%arg45 : memref<!tpu.dma_semaphore, #tpu.memory_space<semaphore_mem>>) src(%dma_wait3A_228 : memref<128xi32, #tpu.memory_space<hbm>>) dst(%arg16 : memref<128xi32, #tpu.memory_space<vmem>>)
        %dma_wait3A_229 = tpu.memref_slice %arg3[%mul3A_61] : memref<800000xi32, #tpu.memory_space<hbm>> -> memref<128xi32, #tpu.memory_space<hbm>>
        %dma_wait3A_230 = tpu.memref_slice %arg3[%mul3A_61] : memref<800000xi32, #tpu.memory_space<hbm>> -> memref<128xi32, #tpu.memory_space<hbm>>
        tpu.wait_dma2 semaphore(%arg46 : memref<!tpu.dma_semaphore, #tpu.memory_space<semaphore_mem>>) src(%dma_wait3A_230 : memref<128xi32, #tpu.memory_space<hbm>>) dst(%arg17 : memref<128xi32, #tpu.memory_space<vmem>>)
        %dma_start3A = arith.constant 0 : i32
        %dma_start3A_231 = tpu.memref_slice %arg9[%dma_start3A] : memref<50000xi32, #tpu.memory_space<vmem_shared>> -> memref<50000xi32, #tpu.memory_space<vmem_shared>>
        tpu.enqueue_indirect_dma source(%dma_start3A_231 : memref<50000xi32, #tpu.memory_space<vmem_shared>>) target(%arg18 : memref<128xi32, #tpu.memory_space<vmem>>) offsets(%arg16 : memref<128xi32, #tpu.memory_space<vmem>>) semaphore(%arg47 : memref<!tpu.dma_semaphore, #tpu.memory_space<semaphore_mem>>)
        %dma_start3A_232 = arith.constant 0 : i32
        %dma_start3A_233 = tpu.memref_slice %arg9[%dma_start3A_232] : memref<50000xi32, #tpu.memory_space<vmem_shared>> -> memref<50000xi32, #tpu.memory_space<vmem_shared>>
        tpu.enqueue_indirect_dma source(%dma_start3A_233 : memref<50000xi32, #tpu.memory_space<vmem_shared>>) target(%arg19 : memref<128xi32, #tpu.memory_space<vmem>>) offsets(%arg17 : memref<128xi32, #tpu.memory_space<vmem>>) semaphore(%arg48 : memref<!tpu.dma_semaphore, #tpu.memory_space<semaphore_mem>>)
      } else {
      }
      %convert_element_type3A_95 = arith.extui %lt3A_42 : i1 to i32
      %cond3A_96 = arith.constant 0 : i32
      %cond3A_97 = arith.cmpi ne, %convert_element_type3A_95, %cond3A_96 : i32
      scf.if %cond3A_97 {
        %dma_wait3A = tpu.memref_slice %arg2[%mul3A_69] : memref<800000xi32, #tpu.memory_space<hbm>> -> memref<128xi32, #tpu.memory_space<hbm>>
        %dma_wait3A_228 = tpu.memref_slice %arg2[%mul3A_69] : memref<800000xi32, #tpu.memory_space<hbm>> -> memref<128xi32, #tpu.memory_space<hbm>>
        tpu.wait_dma2 semaphore(%arg50 : memref<!tpu.dma_semaphore, #tpu.memory_space<semaphore_mem>>) src(%dma_wait3A_228 : memref<128xi32, #tpu.memory_space<hbm>>) dst(%arg22 : memref<128xi32, #tpu.memory_space<vmem>>)
        %dma_wait3A_229 = tpu.memref_slice %arg3[%mul3A_69] : memref<800000xi32, #tpu.memory_space<hbm>> -> memref<128xi32, #tpu.memory_space<hbm>>
        %dma_wait3A_230 = tpu.memref_slice %arg3[%mul3A_69] : memref<800000xi32, #tpu.memory_space<hbm>> -> memref<128xi32, #tpu.memory_space<hbm>>
        tpu.wait_dma2 semaphore(%arg51 : memref<!tpu.dma_semaphore, #tpu.memory_space<semaphore_mem>>) src(%dma_wait3A_230 : memref<128xi32, #tpu.memory_space<hbm>>) dst(%arg23 : memref<128xi32, #tpu.memory_space<vmem>>)
        %dma_start3A = arith.constant 0 : i32
        %dma_start3A_231 = tpu.memref_slice %arg9[%dma_start3A] : memref<50000xi32, #tpu.memory_space<vmem_shared>> -> memref<50000xi32, #tpu.memory_space<vmem_shared>>
        tpu.enqueue_indirect_dma source(%dma_start3A_231 : memref<50000xi32, #tpu.memory_space<vmem_shared>>) target(%arg24 : memref<128xi32, #tpu.memory_space<vmem>>) offsets(%arg22 : memref<128xi32, #tpu.memory_space<vmem>>) semaphore(%arg52 : memref<!tpu.dma_semaphore, #tpu.memory_space<semaphore_mem>>)
        %dma_start3A_232 = arith.constant 0 : i32
        %dma_start3A_233 = tpu.memref_slice %arg9[%dma_start3A_232] : memref<50000xi32, #tpu.memory_space<vmem_shared>> -> memref<50000xi32, #tpu.memory_space<vmem_shared>>
        tpu.enqueue_indirect_dma source(%dma_start3A_233 : memref<50000xi32, #tpu.memory_space<vmem_shared>>) target(%arg25 : memref<128xi32, #tpu.memory_space<vmem>>) offsets(%arg23 : memref<128xi32, #tpu.memory_space<vmem>>) semaphore(%arg53 : memref<!tpu.dma_semaphore, #tpu.memory_space<semaphore_mem>>)
      } else {
      }
      %convert_element_type3A_98 = arith.extui %lt3A_45 : i1 to i32
      %cond3A_99 = arith.constant 0 : i32
      %cond3A_100 = arith.cmpi ne, %convert_element_type3A_98, %cond3A_99 : i32
      scf.if %cond3A_100 {
        %dma_wait3A = tpu.memref_slice %arg2[%mul3A_77] : memref<800000xi32, #tpu.memory_space<hbm>> -> memref<128xi32, #tpu.memory_space<hbm>>
        %dma_wait3A_228 = tpu.memref_slice %arg2[%mul3A_77] : memref<800000xi32, #tpu.memory_space<hbm>> -> memref<128xi32, #tpu.memory_space<hbm>>
        tpu.wait_dma2 semaphore(%arg55 : memref<!tpu.dma_semaphore, #tpu.memory_space<semaphore_mem>>) src(%dma_wait3A_228 : memref<128xi32, #tpu.memory_space<hbm>>) dst(%arg28 : memref<128xi32, #tpu.memory_space<vmem>>)
        %dma_wait3A_229 = tpu.memref_slice %arg3[%mul3A_77] : memref<800000xi32, #tpu.memory_space<hbm>> -> memref<128xi32, #tpu.memory_space<hbm>>
        %dma_wait3A_230 = tpu.memref_slice %arg3[%mul3A_77] : memref<800000xi32, #tpu.memory_space<hbm>> -> memref<128xi32, #tpu.memory_space<hbm>>
        tpu.wait_dma2 semaphore(%arg56 : memref<!tpu.dma_semaphore, #tpu.memory_space<semaphore_mem>>) src(%dma_wait3A_230 : memref<128xi32, #tpu.memory_space<hbm>>) dst(%arg29 : memref<128xi32, #tpu.memory_space<vmem>>)
        %dma_start3A = arith.constant 0 : i32
        %dma_start3A_231 = tpu.memref_slice %arg9[%dma_start3A] : memref<50000xi32, #tpu.memory_space<vmem_shared>> -> memref<50000xi32, #tpu.memory_space<vmem_shared>>
        tpu.enqueue_indirect_dma source(%dma_start3A_231 : memref<50000xi32, #tpu.memory_space<vmem_shared>>) target(%arg30 : memref<128xi32, #tpu.memory_space<vmem>>) offsets(%arg28 : memref<128xi32, #tpu.memory_space<vmem>>) semaphore(%arg57 : memref<!tpu.dma_semaphore, #tpu.memory_space<semaphore_mem>>)
        %dma_start3A_232 = arith.constant 0 : i32
        %dma_start3A_233 = tpu.memref_slice %arg9[%dma_start3A_232] : memref<50000xi32, #tpu.memory_space<vmem_shared>> -> memref<50000xi32, #tpu.memory_space<vmem_shared>>
        tpu.enqueue_indirect_dma source(%dma_start3A_233 : memref<50000xi32, #tpu.memory_space<vmem_shared>>) target(%arg31 : memref<128xi32, #tpu.memory_space<vmem>>) offsets(%arg29 : memref<128xi32, #tpu.memory_space<vmem>>) semaphore(%arg58 : memref<!tpu.dma_semaphore, #tpu.memory_space<semaphore_mem>>)
      } else {
      }
      %convert_element_type3A_101 = arith.extui %lt3A_48 : i1 to i32
      %cond3A_102 = arith.constant 0 : i32
      %cond3A_103 = arith.cmpi ne, %convert_element_type3A_101, %cond3A_102 : i32
      scf.if %cond3A_103 {
        %dma_wait3A = tpu.memref_slice %arg2[%mul3A_85] : memref<800000xi32, #tpu.memory_space<hbm>> -> memref<128xi32, #tpu.memory_space<hbm>>
        %dma_wait3A_228 = tpu.memref_slice %arg2[%mul3A_85] : memref<800000xi32, #tpu.memory_space<hbm>> -> memref<128xi32, #tpu.memory_space<hbm>>
        tpu.wait_dma2 semaphore(%arg60 : memref<!tpu.dma_semaphore, #tpu.memory_space<semaphore_mem>>) src(%dma_wait3A_228 : memref<128xi32, #tpu.memory_space<hbm>>) dst(%arg34 : memref<128xi32, #tpu.memory_space<vmem>>)
        %dma_wait3A_229 = tpu.memref_slice %arg3[%mul3A_85] : memref<800000xi32, #tpu.memory_space<hbm>> -> memref<128xi32, #tpu.memory_space<hbm>>
        %dma_wait3A_230 = tpu.memref_slice %arg3[%mul3A_85] : memref<800000xi32, #tpu.memory_space<hbm>> -> memref<128xi32, #tpu.memory_space<hbm>>
        tpu.wait_dma2 semaphore(%arg61 : memref<!tpu.dma_semaphore, #tpu.memory_space<semaphore_mem>>) src(%dma_wait3A_230 : memref<128xi32, #tpu.memory_space<hbm>>) dst(%arg35 : memref<128xi32, #tpu.memory_space<vmem>>)
        %dma_start3A = arith.constant 0 : i32
        %dma_start3A_231 = tpu.memref_slice %arg9[%dma_start3A] : memref<50000xi32, #tpu.memory_space<vmem_shared>> -> memref<50000xi32, #tpu.memory_space<vmem_shared>>
        tpu.enqueue_indirect_dma source(%dma_start3A_231 : memref<50000xi32, #tpu.memory_space<vmem_shared>>) target(%arg36 : memref<128xi32, #tpu.memory_space<vmem>>) offsets(%arg34 : memref<128xi32, #tpu.memory_space<vmem>>) semaphore(%arg62 : memref<!tpu.dma_semaphore, #tpu.memory_space<semaphore_mem>>)
        %dma_start3A_232 = arith.constant 0 : i32
        %dma_start3A_233 = tpu.memref_slice %arg9[%dma_start3A_232] : memref<50000xi32, #tpu.memory_space<vmem_shared>> -> memref<50000xi32, #tpu.memory_space<vmem_shared>>
        tpu.enqueue_indirect_dma source(%dma_start3A_233 : memref<50000xi32, #tpu.memory_space<vmem_shared>>) target(%arg37 : memref<128xi32, #tpu.memory_space<vmem>>) offsets(%arg35 : memref<128xi32, #tpu.memory_space<vmem>>) semaphore(%arg63 : memref<!tpu.dma_semaphore, #tpu.memory_space<semaphore_mem>>)
      } else {
      }
      %add3A_104 = arith.addi %add3A_17, %mul3A_33 : i32
      %add3A_105 = arith.constant 0 : i32
      %add3A_106 = arith.addi %add3A_104, %add3A_105 : i32
      %mul3A_107 = arith.constant 128 : i32
      %mul3A_108 = arith.muli %add3A_106, %mul3A_107 : i32
      %convert_element_type3A_109 = arith.extui %lt3A_36 : i1 to i32
      %cond3A_110 = arith.constant 0 : i32
      %cond3A_111 = arith.cmpi ne, %convert_element_type3A_109, %cond3A_110 : i32
      scf.if %cond3A_111 {
        %dma_wait3A = arith.constant 0 : i32
        %dma_wait3A_228 = tpu.memref_slice %arg9[%dma_wait3A] : memref<50000xi32, #tpu.memory_space<vmem_shared>> -> memref<50000xi32, #tpu.memory_space<vmem_shared>>
        tpu.wait_indirect_dma semaphore(%arg42 : memref<!tpu.dma_semaphore, #tpu.memory_space<semaphore_mem>>) src(%dma_wait3A_228 : memref<50000xi32, #tpu.memory_space<vmem_shared>>) dst(%arg12 : memref<128xi32, #tpu.memory_space<vmem>>)
        %dma_wait3A_229 = arith.constant 0 : i32
        %dma_wait3A_230 = tpu.memref_slice %arg9[%dma_wait3A_229] : memref<50000xi32, #tpu.memory_space<vmem_shared>> -> memref<50000xi32, #tpu.memory_space<vmem_shared>>
        tpu.wait_indirect_dma semaphore(%arg43 : memref<!tpu.dma_semaphore, #tpu.memory_space<semaphore_mem>>) src(%dma_wait3A_230 : memref<50000xi32, #tpu.memory_space<vmem_shared>>) dst(%arg13 : memref<128xi32, #tpu.memory_space<vmem>>)
        %mul3A_231 = arith.constant 10000 : i32
        %mul3A_232 = arith.muli %arg0, %mul3A_231 : i32
        %broadcast_in_dim3A = vector.broadcast %mul3A_232 : i32 to vector<16xi32>
        %get3A = arith.constant 0 : index
        %get3A_233 = tpu.vector_load %arg12[%get3A] {strides = array<i32>} : memref<128xi32, #tpu.memory_space<vmem>>, vector<16xi32>,
        %get3A_234 = vector.shape_cast %get3A_233 : vector<16xi32> to vector<16xi32>
        %mul3A_235 = arith.constant 100 : i32
        %mul3A_236 = vector.broadcast %mul3A_235 : i32 to vector<16xi32>
        %mul3A_237 = arith.muli %get3A_234, %mul3A_236 : vector<16xi32>
        %get3A_238 = arith.constant 0 : index
        %get3A_239 = tpu.vector_load %arg13[%get3A_238] {strides = array<i32>} : memref<128xi32, #tpu.memory_space<vmem>>, vector<16xi32>,
        %get3A_240 = vector.shape_cast %get3A_239 : vector<16xi32> to vector<16xi32>
        %add3A_241 = arith.addi %mul3A_237, %get3A_240 : vector<16xi32>
        %add3A_242 = arith.addi %add3A_241, %broadcast_in_dim3A : vector<16xi32>
        %swap3A = arith.constant 0 : index
        %swap3A_243 = tpu.vector_load %arg14[%swap3A] {strides = array<i32>} : memref<128xi32, #tpu.memory_space<vmem>>, vector<16xi32>,
        %swap3A_244 = vector.shape_cast %swap3A_243 : vector<16xi32> to vector<16xi32>
        %swap3A_245 = vector.shape_cast %add3A_242 : vector<16xi32> to vector<16xi32>
        tpu.vector_store %arg14[%swap3A], %swap3A_245 {strides = array<i32>} : memref<128xi32, #tpu.memory_space<vmem>>, vector<16xi32>,
        %get3A_246 = arith.constant 16 : index
        %get3A_247 = tpu.vector_load %arg12[%get3A_246] {strides = array<i32>} : memref<128xi32, #tpu.memory_space<vmem>>, vector<16xi32>,
        %get3A_248 = vector.shape_cast %get3A_247 : vector<16xi32> to vector<16xi32>
        %mul3A_249 = arith.constant 100 : i32
        %mul3A_250 = vector.broadcast %mul3A_249 : i32 to vector<16xi32>
        %mul3A_251 = arith.muli %get3A_248, %mul3A_250 : vector<16xi32>
        %get3A_252 = arith.constant 16 : index
        %get3A_253 = tpu.vector_load %arg13[%get3A_252] {strides = array<i32>} : memref<128xi32, #tpu.memory_space<vmem>>, vector<16xi32>,
        %get3A_254 = vector.shape_cast %get3A_253 : vector<16xi32> to vector<16xi32>
        %add3A_255 = arith.addi %mul3A_251, %get3A_254 : vector<16xi32>
        %add3A_256 = arith.addi %add3A_255, %broadcast_in_dim3A : vector<16xi32>
        %swap3A_257 = arith.constant 16 : index
        %swap3A_258 = tpu.vector_load %arg14[%swap3A_257] {strides = array<i32>} : memref<128xi32, #tpu.memory_space<vmem>>, vector<16xi32>,
        %swap3A_259 = vector.shape_cast %swap3A_258 : vector<16xi32> to vector<16xi32>
        %swap3A_260 = vector.shape_cast %add3A_256 : vector<16xi32> to vector<16xi32>
        tpu.vector_store %arg14[%swap3A_257], %swap3A_260 {strides = array<i32>} : memref<128xi32, #tpu.memory_space<vmem>>, vector<16xi32>,
        %get3A_261 = arith.constant 32 : index
        %get3A_262 = tpu.vector_load %arg12[%get3A_261] {strides = array<i32>} : memref<128xi32, #tpu.memory_space<vmem>>, vector<16xi32>,
        %get3A_263 = vector.shape_cast %get3A_262 : vector<16xi32> to vector<16xi32>
        %mul3A_264 = arith.constant 100 : i32
        %mul3A_265 = vector.broadcast %mul3A_264 : i32 to vector<16xi32>
        %mul3A_266 = arith.muli %get3A_263, %mul3A_265 : vector<16xi32>
        %get3A_267 = arith.constant 32 : index
        %get3A_268 = tpu.vector_load %arg13[%get3A_267] {strides = array<i32>} : memref<128xi32, #tpu.memory_space<vmem>>, vector<16xi32>,
        %get3A_269 = vector.shape_cast %get3A_268 : vector<16xi32> to vector<16xi32>
        %add3A_270 = arith.addi %mul3A_266, %get3A_269 : vector<16xi32>
        %add3A_271 = arith.addi %add3A_270, %broadcast_in_dim3A : vector<16xi32>
        %swap3A_272 = arith.constant 32 : index
        %swap3A_273 = tpu.vector_load %arg14[%swap3A_272] {strides = array<i32>} : memref<128xi32, #tpu.memory_space<vmem>>, vector<16xi32>,
        %swap3A_274 = vector.shape_cast %swap3A_273 : vector<16xi32> to vector<16xi32>
        %swap3A_275 = vector.shape_cast %add3A_271 : vector<16xi32> to vector<16xi32>
        tpu.vector_store %arg14[%swap3A_272], %swap3A_275 {strides = array<i32>} : memref<128xi32, #tpu.memory_space<vmem>>, vector<16xi32>,
        %get3A_276 = arith.constant 48 : index
        %get3A_277 = tpu.vector_load %arg12[%get3A_276] {strides = array<i32>} : memref<128xi32, #tpu.memory_space<vmem>>, vector<16xi32>,
        %get3A_278 = vector.shape_cast %get3A_277 : vector<16xi32> to vector<16xi32>
        %mul3A_279 = arith.constant 100 : i32
        %mul3A_280 = vector.broadcast %mul3A_279 : i32 to vector<16xi32>
        %mul3A_281 = arith.muli %get3A_278, %mul3A_280 : vector<16xi32>
        %get3A_282 = arith.constant 48 : index
        %get3A_283 = tpu.vector_load %arg13[%get3A_282] {strides = array<i32>} : memref<128xi32, #tpu.memory_space<vmem>>, vector<16xi32>,
        %get3A_284 = vector.shape_cast %get3A_283 : vector<16xi32> to vector<16xi32>
        %add3A_285 = arith.addi %mul3A_281, %get3A_284 : vector<16xi32>
        %add3A_286 = arith.addi %add3A_285, %broadcast_in_dim3A : vector<16xi32>
        %swap3A_287 = arith.constant 48 : index
        %swap3A_288 = tpu.vector_load %arg14[%swap3A_287] {strides = array<i32>} : memref<128xi32, #tpu.memory_space<vmem>>, vector<16xi32>,
        %swap3A_289 = vector.shape_cast %swap3A_288 : vector<16xi32> to vector<16xi32>
        %swap3A_290 = vector.shape_cast %add3A_286 : vector<16xi32> to vector<16xi32>
        tpu.vector_store %arg14[%swap3A_287], %swap3A_290 {strides = array<i32>} : memref<128xi32, #tpu.memory_space<vmem>>, vector<16xi32>,
        %get3A_291 = arith.constant 64 : index
        %get3A_292 = tpu.vector_load %arg12[%get3A_291] {strides = array<i32>} : memref<128xi32, #tpu.memory_space<vmem>>, vector<16xi32>,
        %get3A_293 = vector.shape_cast %get3A_292 : vector<16xi32> to vector<16xi32>
        %mul3A_294 = arith.constant 100 : i32
        %mul3A_295 = vector.broadcast %mul3A_294 : i32 to vector<16xi32>
        %mul3A_296 = arith.muli %get3A_293, %mul3A_295 : vector<16xi32>
        %get3A_297 = arith.constant 64 : index
        %get3A_298 = tpu.vector_load %arg13[%get3A_297] {strides = array<i32>} : memref<128xi32, #tpu.memory_space<vmem>>, vector<16xi32>,
        %get3A_299 = vector.shape_cast %get3A_298 : vector<16xi32> to vector<16xi32>
        %add3A_300 = arith.addi %mul3A_296, %get3A_299 : vector<16xi32>
        %add3A_301 = arith.addi %add3A_300, %broadcast_in_dim3A : vector<16xi32>
        %swap3A_302 = arith.constant 64 : index
        %swap3A_303 = tpu.vector_load %arg14[%swap3A_302] {strides = array<i32>} : memref<128xi32, #tpu.memory_space<vmem>>, vector<16xi32>,
        %swap3A_304 = vector.shape_cast %swap3A_303 : vector<16xi32> to vector<16xi32>
        %swap3A_305 = vector.shape_cast %add3A_301 : vector<16xi32> to vector<16xi32>
        tpu.vector_store %arg14[%swap3A_302], %swap3A_305 {strides = array<i32>} : memref<128xi32, #tpu.memory_space<vmem>>, vector<16xi32>,
        %get3A_306 = arith.constant 80 : index
        %get3A_307 = tpu.vector_load %arg12[%get3A_306] {strides = array<i32>} : memref<128xi32, #tpu.memory_space<vmem>>, vector<16xi32>,
        %get3A_308 = vector.shape_cast %get3A_307 : vector<16xi32> to vector<16xi32>
        %mul3A_309 = arith.constant 100 : i32
        %mul3A_310 = vector.broadcast %mul3A_309 : i32 to vector<16xi32>
        %mul3A_311 = arith.muli %get3A_308, %mul3A_310 : vector<16xi32>
        %get3A_312 = arith.constant 80 : index
        %get3A_313 = tpu.vector_load %arg13[%get3A_312] {strides = array<i32>} : memref<128xi32, #tpu.memory_space<vmem>>, vector<16xi32>,
        %get3A_314 = vector.shape_cast %get3A_313 : vector<16xi32> to vector<16xi32>
        %add3A_315 = arith.addi %mul3A_311, %get3A_314 : vector<16xi32>
        %add3A_316 = arith.addi %add3A_315, %broadcast_in_dim3A : vector<16xi32>
        %swap3A_317 = arith.constant 80 : index
        %swap3A_318 = tpu.vector_load %arg14[%swap3A_317] {strides = array<i32>} : memref<128xi32, #tpu.memory_space<vmem>>, vector<16xi32>,
        %swap3A_319 = vector.shape_cast %swap3A_318 : vector<16xi32> to vector<16xi32>
        %swap3A_320 = vector.shape_cast %add3A_316 : vector<16xi32> to vector<16xi32>
        tpu.vector_store %arg14[%swap3A_317], %swap3A_320 {strides = array<i32>} : memref<128xi32, #tpu.memory_space<vmem>>, vector<16xi32>,
        %get3A_321 = arith.constant 96 : index
        %get3A_322 = tpu.vector_load %arg12[%get3A_321] {strides = array<i32>} : memref<128xi32, #tpu.memory_space<vmem>>, vector<16xi32>,
        %get3A_323 = vector.shape_cast %get3A_322 : vector<16xi32> to vector<16xi32>
        %mul3A_324 = arith.constant 100 : i32
        %mul3A_325 = vector.broadcast %mul3A_324 : i32 to vector<16xi32>
        %mul3A_326 = arith.muli %get3A_323, %mul3A_325 : vector<16xi32>
        %get3A_327 = arith.constant 96 : index
        %get3A_328 = tpu.vector_load %arg13[%get3A_327] {strides = array<i32>} : memref<128xi32, #tpu.memory_space<vmem>>, vector<16xi32>,
        %get3A_329 = vector.shape_cast %get3A_328 : vector<16xi32> to vector<16xi32>
        %add3A_330 = arith.addi %mul3A_326, %get3A_329 : vector<16xi32>
        %add3A_331 = arith.addi %add3A_330, %broadcast_in_dim3A : vector<16xi32>
        %swap3A_332 = arith.constant 96 : index
        %swap3A_333 = tpu.vector_load %arg14[%swap3A_332] {strides = array<i32>} : memref<128xi32, #tpu.memory_space<vmem>>, vector<16xi32>,
        %swap3A_334 = vector.shape_cast %swap3A_333 : vector<16xi32> to vector<16xi32>
        %swap3A_335 = vector.shape_cast %add3A_331 : vector<16xi32> to vector<16xi32>
        tpu.vector_store %arg14[%swap3A_332], %swap3A_335 {strides = array<i32>} : memref<128xi32, #tpu.memory_space<vmem>>, vector<16xi32>,
        %get3A_336 = arith.constant 112 : index
        %get3A_337 = tpu.vector_load %arg12[%get3A_336] {strides = array<i32>} : memref<128xi32, #tpu.memory_space<vmem>>, vector<16xi32>,
        %get3A_338 = vector.shape_cast %get3A_337 : vector<16xi32> to vector<16xi32>
        %mul3A_339 = arith.constant 100 : i32
        %mul3A_340 = vector.broadcast %mul3A_339 : i32 to vector<16xi32>
        %mul3A_341 = arith.muli %get3A_338, %mul3A_340 : vector<16xi32>
        %get3A_342 = arith.constant 112 : index
        %get3A_343 = tpu.vector_load %arg13[%get3A_342] {strides = array<i32>} : memref<128xi32, #tpu.memory_space<vmem>>, vector<16xi32>,
        %get3A_344 = vector.shape_cast %get3A_343 : vector<16xi32> to vector<16xi32>
        %add3A_345 = arith.addi %mul3A_341, %get3A_344 : vector<16xi32>
        %add3A_346 = arith.addi %add3A_345, %broadcast_in_dim3A : vector<16xi32>
        %swap3A_347 = arith.constant 112 : index
        %swap3A_348 = tpu.vector_load %arg14[%swap3A_347] {strides = array<i32>} : memref<128xi32, #tpu.memory_space<vmem>>, vector<16xi32>,
        %swap3A_349 = vector.shape_cast %swap3A_348 : vector<16xi32> to vector<16xi32>
        %swap3A_350 = vector.shape_cast %add3A_346 : vector<16xi32> to vector<16xi32>
        tpu.vector_store %arg14[%swap3A_347], %swap3A_350 {strides = array<i32>} : memref<128xi32, #tpu.memory_space<vmem>>, vector<16xi32>,
        %dma_start3A = arith.constant 0 : i32
        %dma_start3A_351 = arith.constant 0 : i32
        %dma_start3A_352 = tpu.memref_slice %arg5[%dma_start3A, %dma_start3A_351] : memref<20000x32xf32, #tpu.memory_space<hbm>> -> memref<20000x32xf32, #tpu.memory_space<hbm>>
        tpu.enqueue_indirect_dma source(%dma_start3A_352 : memref<20000x32xf32, #tpu.memory_space<hbm>>) target(%arg15 : memref<128x32xf32, #tpu.memory_space<vmem>>) offsets(%arg14 : memref<128xi32, #tpu.memory_space<vmem>>) semaphore(%arg44 : memref<!tpu.dma_semaphore, #tpu.memory_space<semaphore_mem>>)
      } else {
      }
      %add3A_112 = arith.addi %add3A_17, %mul3A_33 : i32
      %add3A_113 = arith.constant 1 : i32
      %add3A_114 = arith.addi %add3A_112, %add3A_113 : i32
      %mul3A_115 = arith.constant 128 : i32
      %mul3A_116 = arith.muli %add3A_114, %mul3A_115 : i32
      %convert_element_type3A_117 = arith.extui %lt3A_39 : i1 to i32
      %cond3A_118 = arith.constant 0 : i32
      %cond3A_119 = arith.cmpi ne, %convert_element_type3A_117, %cond3A_118 : i32
      scf.if %cond3A_119 {
        %dma_wait3A = arith.constant 0 : i32
        %dma_wait3A_228 = tpu.memref_slice %arg9[%dma_wait3A] : memref<50000xi32, #tpu.memory_space<vmem_shared>> -> memref<50000xi32, #tpu.memory_space<vmem_shared>>
        tpu.wait_indirect_dma semaphore(%arg47 : memref<!tpu.dma_semaphore, #tpu.memory_space<semaphore_mem>>) src(%dma_wait3A_228 : memref<50000xi32, #tpu.memory_space<vmem_shared>>) dst(%arg18 : memref<128xi32, #tpu.memory_space<vmem>>)
        %dma_wait3A_229 = arith.constant 0 : i32
        %dma_wait3A_230 = tpu.memref_slice %arg9[%dma_wait3A_229] : memref<50000xi32, #tpu.memory_space<vmem_shared>> -> memref<50000xi32, #tpu.memory_space<vmem_shared>>
        tpu.wait_indirect_dma semaphore(%arg48 : memref<!tpu.dma_semaphore, #tpu.memory_space<semaphore_mem>>) src(%dma_wait3A_230 : memref<50000xi32, #tpu.memory_space<vmem_shared>>) dst(%arg19 : memref<128xi32, #tpu.memory_space<vmem>>)
        %mul3A_231 = arith.constant 10000 : i32
        %mul3A_232 = arith.muli %arg0, %mul3A_231 : i32
        %broadcast_in_dim3A = vector.broadcast %mul3A_232 : i32 to vector<16xi32>
        %get3A = arith.constant 0 : index
        %get3A_233 = tpu.vector_load %arg18[%get3A] {strides = array<i32>} : memref<128xi32, #tpu.memory_space<vmem>>, vector<16xi32>,
        %get3A_234 = vector.shape_cast %get3A_233 : vector<16xi32> to vector<16xi32>
        %mul3A_235 = arith.constant 100 : i32
        %mul3A_236 = vector.broadcast %mul3A_235 : i32 to vector<16xi32>
        %mul3A_237 = arith.muli %get3A_234, %mul3A_236 : vector<16xi32>
        %get3A_238 = arith.constant 0 : index
        %get3A_239 = tpu.vector_load %arg19[%get3A_238] {strides = array<i32>} : memref<128xi32, #tpu.memory_space<vmem>>, vector<16xi32>,
        %get3A_240 = vector.shape_cast %get3A_239 : vector<16xi32> to vector<16xi32>
        %add3A_241 = arith.addi %mul3A_237, %get3A_240 : vector<16xi32>
        %add3A_242 = arith.addi %add3A_241, %broadcast_in_dim3A : vector<16xi32>
        %swap3A = arith.constant 0 : index
        %swap3A_243 = tpu.vector_load %arg20[%swap3A] {strides = array<i32>} : memref<128xi32, #tpu.memory_space<vmem>>, vector<16xi32>,
        %swap3A_244 = vector.shape_cast %swap3A_243 : vector<16xi32> to vector<16xi32>
        %swap3A_245 = vector.shape_cast %add3A_242 : vector<16xi32> to vector<16xi32>
        tpu.vector_store %arg20[%swap3A], %swap3A_245 {strides = array<i32>} : memref<128xi32, #tpu.memory_space<vmem>>, vector<16xi32>,
        %get3A_246 = arith.constant 16 : index
        %get3A_247 = tpu.vector_load %arg18[%get3A_246] {strides = array<i32>} : memref<128xi32, #tpu.memory_space<vmem>>, vector<16xi32>,
        %get3A_248 = vector.shape_cast %get3A_247 : vector<16xi32> to vector<16xi32>
        %mul3A_249 = arith.constant 100 : i32
        %mul3A_250 = vector.broadcast %mul3A_249 : i32 to vector<16xi32>
        %mul3A_251 = arith.muli %get3A_248, %mul3A_250 : vector<16xi32>
        %get3A_252 = arith.constant 16 : index
        %get3A_253 = tpu.vector_load %arg19[%get3A_252] {strides = array<i32>} : memref<128xi32, #tpu.memory_space<vmem>>, vector<16xi32>,
        %get3A_254 = vector.shape_cast %get3A_253 : vector<16xi32> to vector<16xi32>
        %add3A_255 = arith.addi %mul3A_251, %get3A_254 : vector<16xi32>
        %add3A_256 = arith.addi %add3A_255, %broadcast_in_dim3A : vector<16xi32>
        %swap3A_257 = arith.constant 16 : index
        %swap3A_258 = tpu.vector_load %arg20[%swap3A_257] {strides = array<i32>} : memref<128xi32, #tpu.memory_space<vmem>>, vector<16xi32>,
        %swap3A_259 = vector.shape_cast %swap3A_258 : vector<16xi32> to vector<16xi32>
        %swap3A_260 = vector.shape_cast %add3A_256 : vector<16xi32> to vector<16xi32>
        tpu.vector_store %arg20[%swap3A_257], %swap3A_260 {strides = array<i32>} : memref<128xi32, #tpu.memory_space<vmem>>, vector<16xi32>,
        %get3A_261 = arith.constant 32 : index
        %get3A_262 = tpu.vector_load %arg18[%get3A_261] {strides = array<i32>} : memref<128xi32, #tpu.memory_space<vmem>>, vector<16xi32>,
        %get3A_263 = vector.shape_cast %get3A_262 : vector<16xi32> to vector<16xi32>
        %mul3A_264 = arith.constant 100 : i32
        %mul3A_265 = vector.broadcast %mul3A_264 : i32 to vector<16xi32>
        %mul3A_266 = arith.muli %get3A_263, %mul3A_265 : vector<16xi32>
        %get3A_267 = arith.constant 32 : index
        %get3A_268 = tpu.vector_load %arg19[%get3A_267] {strides = array<i32>} : memref<128xi32, #tpu.memory_space<vmem>>, vector<16xi32>,
        %get3A_269 = vector.shape_cast %get3A_268 : vector<16xi32> to vector<16xi32>
        %add3A_270 = arith.addi %mul3A_266, %get3A_269 : vector<16xi32>
        %add3A_271 = arith.addi %add3A_270, %broadcast_in_dim3A : vector<16xi32>
        %swap3A_272 = arith.constant 32 : index
        %swap3A_273 = tpu.vector_load %arg20[%swap3A_272] {strides = array<i32>} : memref<128xi32, #tpu.memory_space<vmem>>, vector<16xi32>,
        %swap3A_274 = vector.shape_cast %swap3A_273 : vector<16xi32> to vector<16xi32>
        %swap3A_275 = vector.shape_cast %add3A_271 : vector<16xi32> to vector<16xi32>
        tpu.vector_store %arg20[%swap3A_272], %swap3A_275 {strides = array<i32>} : memref<128xi32, #tpu.memory_space<vmem>>, vector<16xi32>,
        %get3A_276 = arith.constant 48 : index
        %get3A_277 = tpu.vector_load %arg18[%get3A_276] {strides = array<i32>} : memref<128xi32, #tpu.memory_space<vmem>>, vector<16xi32>,
        %get3A_278 = vector.shape_cast %get3A_277 : vector<16xi32> to vector<16xi32>
        %mul3A_279 = arith.constant 100 : i32
        %mul3A_280 = vector.broadcast %mul3A_279 : i32 to vector<16xi32>
        %mul3A_281 = arith.muli %get3A_278, %mul3A_280 : vector<16xi32>
        %get3A_282 = arith.constant 48 : index
        %get3A_283 = tpu.vector_load %arg19[%get3A_282] {strides = array<i32>} : memref<128xi32, #tpu.memory_space<vmem>>, vector<16xi32>,
        %get3A_284 = vector.shape_cast %get3A_283 : vector<16xi32> to vector<16xi32>
        %add3A_285 = arith.addi %mul3A_281, %get3A_284 : vector<16xi32>
        %add3A_286 = arith.addi %add3A_285, %broadcast_in_dim3A : vector<16xi32>
        %swap3A_287 = arith.constant 48 : index
        %swap3A_288 = tpu.vector_load %arg20[%swap3A_287] {strides = array<i32>} : memref<128xi32, #tpu.memory_space<vmem>>, vector<16xi32>,
        %swap3A_289 = vector.shape_cast %swap3A_288 : vector<16xi32> to vector<16xi32>
        %swap3A_290 = vector.shape_cast %add3A_286 : vector<16xi32> to vector<16xi32>
        tpu.vector_store %arg20[%swap3A_287], %swap3A_290 {strides = array<i32>} : memref<128xi32, #tpu.memory_space<vmem>>, vector<16xi32>,
        %get3A_291 = arith.constant 64 : index
        %get3A_292 = tpu.vector_load %arg18[%get3A_291] {strides = array<i32>} : memref<128xi32, #tpu.memory_space<vmem>>, vector<16xi32>,
        %get3A_293 = vector.shape_cast %get3A_292 : vector<16xi32> to vector<16xi32>
        %mul3A_294 = arith.constant 100 : i32
        %mul3A_295 = vector.broadcast %mul3A_294 : i32 to vector<16xi32>
        %mul3A_296 = arith.muli %get3A_293, %mul3A_295 : vector<16xi32>
        %get3A_297 = arith.constant 64 : index
        %get3A_298 = tpu.vector_load %arg19[%get3A_297] {strides = array<i32>} : memref<128xi32, #tpu.memory_space<vmem>>, vector<16xi32>,
        %get3A_299 = vector.shape_cast %get3A_298 : vector<16xi32> to vector<16xi32>
        %add3A_300 = arith.addi %mul3A_296, %get3A_299 : vector<16xi32>
        %add3A_301 = arith.addi %add3A_300, %broadcast_in_dim3A : vector<16xi32>
        %swap3A_302 = arith.constant 64 : index
        %swap3A_303 = tpu.vector_load %arg20[%swap3A_302] {strides = array<i32>} : memref<128xi32, #tpu.memory_space<vmem>>, vector<16xi32>,
        %swap3A_304 = vector.shape_cast %swap3A_303 : vector<16xi32> to vector<16xi32>
        %swap3A_305 = vector.shape_cast %add3A_301 : vector<16xi32> to vector<16xi32>
        tpu.vector_store %arg20[%swap3A_302], %swap3A_305 {strides = array<i32>} : memref<128xi32, #tpu.memory_space<vmem>>, vector<16xi32>,
        %get3A_306 = arith.constant 80 : index
        %get3A_307 = tpu.vector_load %arg18[%get3A_306] {strides = array<i32>} : memref<128xi32, #tpu.memory_space<vmem>>, vector<16xi32>,
        %get3A_308 = vector.shape_cast %get3A_307 : vector<16xi32> to vector<16xi32>
        %mul3A_309 = arith.constant 100 : i32
        %mul3A_310 = vector.broadcast %mul3A_309 : i32 to vector<16xi32>
        %mul3A_311 = arith.muli %get3A_308, %mul3A_310 : vector<16xi32>
        %get3A_312 = arith.constant 80 : index
        %get3A_313 = tpu.vector_load %arg19[%get3A_312] {strides = array<i32>} : memref<128xi32, #tpu.memory_space<vmem>>, vector<16xi32>,
        %get3A_314 = vector.shape_cast %get3A_313 : vector<16xi32> to vector<16xi32>
        %add3A_315 = arith.addi %mul3A_311, %get3A_314 : vector<16xi32>
        %add3A_316 = arith.addi %add3A_315, %broadcast_in_dim3A : vector<16xi32>
        %swap3A_317 = arith.constant 80 : index
        %swap3A_318 = tpu.vector_load %arg20[%swap3A_317] {strides = array<i32>} : memref<128xi32, #tpu.memory_space<vmem>>, vector<16xi32>,
        %swap3A_319 = vector.shape_cast %swap3A_318 : vector<16xi32> to vector<16xi32>
        %swap3A_320 = vector.shape_cast %add3A_316 : vector<16xi32> to vector<16xi32>
        tpu.vector_store %arg20[%swap3A_317], %swap3A_320 {strides = array<i32>} : memref<128xi32, #tpu.memory_space<vmem>>, vector<16xi32>,
        %get3A_321 = arith.constant 96 : index
        %get3A_322 = tpu.vector_load %arg18[%get3A_321] {strides = array<i32>} : memref<128xi32, #tpu.memory_space<vmem>>, vector<16xi32>,
        %get3A_323 = vector.shape_cast %get3A_322 : vector<16xi32> to vector<16xi32>
        %mul3A_324 = arith.constant 100 : i32
        %mul3A_325 = vector.broadcast %mul3A_324 : i32 to vector<16xi32>
        %mul3A_326 = arith.muli %get3A_323, %mul3A_325 : vector<16xi32>
        %get3A_327 = arith.constant 96 : index
        %get3A_328 = tpu.vector_load %arg19[%get3A_327] {strides = array<i32>} : memref<128xi32, #tpu.memory_space<vmem>>, vector<16xi32>,
        %get3A_329 = vector.shape_cast %get3A_328 : vector<16xi32> to vector<16xi32>
        %add3A_330 = arith.addi %mul3A_326, %get3A_329 : vector<16xi32>
        %add3A_331 = arith.addi %add3A_330, %broadcast_in_dim3A : vector<16xi32>
        %swap3A_332 = arith.constant 96 : index
        %swap3A_333 = tpu.vector_load %arg20[%swap3A_332] {strides = array<i32>} : memref<128xi32, #tpu.memory_space<vmem>>, vector<16xi32>,
        %swap3A_334 = vector.shape_cast %swap3A_333 : vector<16xi32> to vector<16xi32>
        %swap3A_335 = vector.shape_cast %add3A_331 : vector<16xi32> to vector<16xi32>
        tpu.vector_store %arg20[%swap3A_332], %swap3A_335 {strides = array<i32>} : memref<128xi32, #tpu.memory_space<vmem>>, vector<16xi32>,
        %get3A_336 = arith.constant 112 : index
        %get3A_337 = tpu.vector_load %arg18[%get3A_336] {strides = array<i32>} : memref<128xi32, #tpu.memory_space<vmem>>, vector<16xi32>,
        %get3A_338 = vector.shape_cast %get3A_337 : vector<16xi32> to vector<16xi32>
        %mul3A_339 = arith.constant 100 : i32
        %mul3A_340 = vector.broadcast %mul3A_339 : i32 to vector<16xi32>
        %mul3A_341 = arith.muli %get3A_338, %mul3A_340 : vector<16xi32>
        %get3A_342 = arith.constant 112 : index
        %get3A_343 = tpu.vector_load %arg19[%get3A_342] {strides = array<i32>} : memref<128xi32, #tpu.memory_space<vmem>>, vector<16xi32>,
        %get3A_344 = vector.shape_cast %get3A_343 : vector<16xi32> to vector<16xi32>
        %add3A_345 = arith.addi %mul3A_341, %get3A_344 : vector<16xi32>
        %add3A_346 = arith.addi %add3A_345, %broadcast_in_dim3A : vector<16xi32>
        %swap3A_347 = arith.constant 112 : index
        %swap3A_348 = tpu.vector_load %arg20[%swap3A_347] {strides = array<i32>} : memref<128xi32, #tpu.memory_space<vmem>>, vector<16xi32>,
        %swap3A_349 = vector.shape_cast %swap3A_348 : vector<16xi32> to vector<16xi32>
        %swap3A_350 = vector.shape_cast %add3A_346 : vector<16xi32> to vector<16xi32>
        tpu.vector_store %arg20[%swap3A_347], %swap3A_350 {strides = array<i32>} : memref<128xi32, #tpu.memory_space<vmem>>, vector<16xi32>,
        %dma_start3A = arith.constant 0 : i32
        %dma_start3A_351 = arith.constant 0 : i32
        %dma_start3A_352 = tpu.memref_slice %arg5[%dma_start3A, %dma_start3A_351] : memref<20000x32xf32, #tpu.memory_space<hbm>> -> memref<20000x32xf32, #tpu.memory_space<hbm>>
        tpu.enqueue_indirect_dma source(%dma_start3A_352 : memref<20000x32xf32, #tpu.memory_space<hbm>>) target(%arg21 : memref<128x32xf32, #tpu.memory_space<vmem>>) offsets(%arg20 : memref<128xi32, #tpu.memory_space<vmem>>) semaphore(%arg49 : memref<!tpu.dma_semaphore, #tpu.memory_space<semaphore_mem>>)
      } else {
      }
      %add3A_120 = arith.addi %add3A_17, %mul3A_33 : i32
      %add3A_121 = arith.constant 2 : i32
      %add3A_122 = arith.addi %add3A_120, %add3A_121 : i32
      %mul3A_123 = arith.constant 128 : i32
      %mul3A_124 = arith.muli %add3A_122, %mul3A_123 : i32
      %convert_element_type3A_125 = arith.extui %lt3A_42 : i1 to i32
      %cond3A_126 = arith.constant 0 : i32
      %cond3A_127 = arith.cmpi ne, %convert_element_type3A_125, %cond3A_126 : i32
      scf.if %cond3A_127 {
        %dma_wait3A = arith.constant 0 : i32
        %dma_wait3A_228 = tpu.memref_slice %arg9[%dma_wait3A] : memref<50000xi32, #tpu.memory_space<vmem_shared>> -> memref<50000xi32, #tpu.memory_space<vmem_shared>>
        tpu.wait_indirect_dma semaphore(%arg52 : memref<!tpu.dma_semaphore, #tpu.memory_space<semaphore_mem>>) src(%dma_wait3A_228 : memref<50000xi32, #tpu.memory_space<vmem_shared>>) dst(%arg24 : memref<128xi32, #tpu.memory_space<vmem>>)
        %dma_wait3A_229 = arith.constant 0 : i32
        %dma_wait3A_230 = tpu.memref_slice %arg9[%dma_wait3A_229] : memref<50000xi32, #tpu.memory_space<vmem_shared>> -> memref<50000xi32, #tpu.memory_space<vmem_shared>>
        tpu.wait_indirect_dma semaphore(%arg53 : memref<!tpu.dma_semaphore, #tpu.memory_space<semaphore_mem>>) src(%dma_wait3A_230 : memref<50000xi32, #tpu.memory_space<vmem_shared>>) dst(%arg25 : memref<128xi32, #tpu.memory_space<vmem>>)
        %mul3A_231 = arith.constant 10000 : i32
        %mul3A_232 = arith.muli %arg0, %mul3A_231 : i32
        %broadcast_in_dim3A = vector.broadcast %mul3A_232 : i32 to vector<16xi32>
        %get3A = arith.constant 0 : index
        %get3A_233 = tpu.vector_load %arg24[%get3A] {strides = array<i32>} : memref<128xi32, #tpu.memory_space<vmem>>, vector<16xi32>,
        %get3A_234 = vector.shape_cast %get3A_233 : vector<16xi32> to vector<16xi32>
        %mul3A_235 = arith.constant 100 : i32
        %mul3A_236 = vector.broadcast %mul3A_235 : i32 to vector<16xi32>
        %mul3A_237 = arith.muli %get3A_234, %mul3A_236 : vector<16xi32>
        %get3A_238 = arith.constant 0 : index
        %get3A_239 = tpu.vector_load %arg25[%get3A_238] {strides = array<i32>} : memref<128xi32, #tpu.memory_space<vmem>>, vector<16xi32>,
        %get3A_240 = vector.shape_cast %get3A_239 : vector<16xi32> to vector<16xi32>
        %add3A_241 = arith.addi %mul3A_237, %get3A_240 : vector<16xi32>
        %add3A_242 = arith.addi %add3A_241, %broadcast_in_dim3A : vector<16xi32>
        %swap3A = arith.constant 0 : index
        %swap3A_243 = tpu.vector_load %arg26[%swap3A] {strides = array<i32>} : memref<128xi32, #tpu.memory_space<vmem>>, vector<16xi32>,
        %swap3A_244 = vector.shape_cast %swap3A_243 : vector<16xi32> to vector<16xi32>
        %swap3A_245 = vector.shape_cast %add3A_242 : vector<16xi32> to vector<16xi32>
        tpu.vector_store %arg26[%swap3A], %swap3A_245 {strides = array<i32>} : memref<128xi32, #tpu.memory_space<vmem>>, vector<16xi32>,
        %get3A_246 = arith.constant 16 : index
        %get3A_247 = tpu.vector_load %arg24[%get3A_246] {strides = array<i32>} : memref<128xi32, #tpu.memory_space<vmem>>, vector<16xi32>,
        %get3A_248 = vector.shape_cast %get3A_247 : vector<16xi32> to vector<16xi32>
        %mul3A_249 = arith.constant 100 : i32
        %mul3A_250 = vector.broadcast %mul3A_249 : i32 to vector<16xi32>
        %mul3A_251 = arith.muli %get3A_248, %mul3A_250 : vector<16xi32>
        %get3A_252 = arith.constant 16 : index
        %get3A_253 = tpu.vector_load %arg25[%get3A_252] {strides = array<i32>} : memref<128xi32, #tpu.memory_space<vmem>>, vector<16xi32>,
        %get3A_254 = vector.shape_cast %get3A_253 : vector<16xi32> to vector<16xi32>
        %add3A_255 = arith.addi %mul3A_251, %get3A_254 : vector<16xi32>
        %add3A_256 = arith.addi %add3A_255, %broadcast_in_dim3A : vector<16xi32>
        %swap3A_257 = arith.constant 16 : index
        %swap3A_258 = tpu.vector_load %arg26[%swap3A_257] {strides = array<i32>} : memref<128xi32, #tpu.memory_space<vmem>>, vector<16xi32>,
        %swap3A_259 = vector.shape_cast %swap3A_258 : vector<16xi32> to vector<16xi32>
        %swap3A_260 = vector.shape_cast %add3A_256 : vector<16xi32> to vector<16xi32>
        tpu.vector_store %arg26[%swap3A_257], %swap3A_260 {strides = array<i32>} : memref<128xi32, #tpu.memory_space<vmem>>, vector<16xi32>,
        %get3A_261 = arith.constant 32 : index
        %get3A_262 = tpu.vector_load %arg24[%get3A_261] {strides = array<i32>} : memref<128xi32, #tpu.memory_space<vmem>>, vector<16xi32>,
        %get3A_263 = vector.shape_cast %get3A_262 : vector<16xi32> to vector<16xi32>
        %mul3A_264 = arith.constant 100 : i32
        %mul3A_265 = vector.broadcast %mul3A_264 : i32 to vector<16xi32>
        %mul3A_266 = arith.muli %get3A_263, %mul3A_265 : vector<16xi32>
        %get3A_267 = arith.constant 32 : index
        %get3A_268 = tpu.vector_load %arg25[%get3A_267] {strides = array<i32>} : memref<128xi32, #tpu.memory_space<vmem>>, vector<16xi32>,
        %get3A_269 = vector.shape_cast %get3A_268 : vector<16xi32> to vector<16xi32>
        %add3A_270 = arith.addi %mul3A_266, %get3A_269 : vector<16xi32>
        %add3A_271 = arith.addi %add3A_270, %broadcast_in_dim3A : vector<16xi32>
        %swap3A_272 = arith.constant 32 : index
        %swap3A_273 = tpu.vector_load %arg26[%swap3A_272] {strides = array<i32>} : memref<128xi32, #tpu.memory_space<vmem>>, vector<16xi32>,
        %swap3A_274 = vector.shape_cast %swap3A_273 : vector<16xi32> to vector<16xi32>
        %swap3A_275 = vector.shape_cast %add3A_271 : vector<16xi32> to vector<16xi32>
        tpu.vector_store %arg26[%swap3A_272], %swap3A_275 {strides = array<i32>} : memref<128xi32, #tpu.memory_space<vmem>>, vector<16xi32>,
        %get3A_276 = arith.constant 48 : index
        %get3A_277 = tpu.vector_load %arg24[%get3A_276] {strides = array<i32>} : memref<128xi32, #tpu.memory_space<vmem>>, vector<16xi32>,
        %get3A_278 = vector.shape_cast %get3A_277 : vector<16xi32> to vector<16xi32>
        %mul3A_279 = arith.constant 100 : i32
        %mul3A_280 = vector.broadcast %mul3A_279 : i32 to vector<16xi32>
        %mul3A_281 = arith.muli %get3A_278, %mul3A_280 : vector<16xi32>
        %get3A_282 = arith.constant 48 : index
        %get3A_283 = tpu.vector_load %arg25[%get3A_282] {strides = array<i32>} : memref<128xi32, #tpu.memory_space<vmem>>, vector<16xi32>,
        %get3A_284 = vector.shape_cast %get3A_283 : vector<16xi32> to vector<16xi32>
        %add3A_285 = arith.addi %mul3A_281, %get3A_284 : vector<16xi32>
        %add3A_286 = arith.addi %add3A_285, %broadcast_in_dim3A : vector<16xi32>
        %swap3A_287 = arith.constant 48 : index
        %swap3A_288 = tpu.vector_load %arg26[%swap3A_287] {strides = array<i32>} : memref<128xi32, #tpu.memory_space<vmem>>, vector<16xi32>,
        %swap3A_289 = vector.shape_cast %swap3A_288 : vector<16xi32> to vector<16xi32>
        %swap3A_290 = vector.shape_cast %add3A_286 : vector<16xi32> to vector<16xi32>
        tpu.vector_store %arg26[%swap3A_287], %swap3A_290 {strides = array<i32>} : memref<128xi32, #tpu.memory_space<vmem>>, vector<16xi32>,
        %get3A_291 = arith.constant 64 : index
        %get3A_292 = tpu.vector_load %arg24[%get3A_291] {strides = array<i32>} : memref<128xi32, #tpu.memory_space<vmem>>, vector<16xi32>,
        %get3A_293 = vector.shape_cast %get3A_292 : vector<16xi32> to vector<16xi32>
        %mul3A_294 = arith.constant 100 : i32
        %mul3A_295 = vector.broadcast %mul3A_294 : i32 to vector<16xi32>
        %mul3A_296 = arith.muli %get3A_293, %mul3A_295 : vector<16xi32>
        %get3A_297 = arith.constant 64 : index
        %get3A_298 = tpu.vector_load %arg25[%get3A_297] {strides = array<i32>} : memref<128xi32, #tpu.memory_space<vmem>>, vector<16xi32>,
        %get3A_299 = vector.shape_cast %get3A_298 : vector<16xi32> to vector<16xi32>
        %add3A_300 = arith.addi %mul3A_296, %get3A_299 : vector<16xi32>
        %add3A_301 = arith.addi %add3A_300, %broadcast_in_dim3A : vector<16xi32>
        %swap3A_302 = arith.constant 64 : index
        %swap3A_303 = tpu.vector_load %arg26[%swap3A_302] {strides = array<i32>} : memref<128xi32, #tpu.memory_space<vmem>>, vector<16xi32>,
        %swap3A_304 = vector.shape_cast %swap3A_303 : vector<16xi32> to vector<16xi32>
        %swap3A_305 = vector.shape_cast %add3A_301 : vector<16xi32> to vector<16xi32>
        tpu.vector_store %arg26[%swap3A_302], %swap3A_305 {strides = array<i32>} : memref<128xi32, #tpu.memory_space<vmem>>, vector<16xi32>,
        %get3A_306 = arith.constant 80 : index
        %get3A_307 = tpu.vector_load %arg24[%get3A_306] {strides = array<i32>} : memref<128xi32, #tpu.memory_space<vmem>>, vector<16xi32>,
        %get3A_308 = vector.shape_cast %get3A_307 : vector<16xi32> to vector<16xi32>
        %mul3A_309 = arith.constant 100 : i32
        %mul3A_310 = vector.broadcast %mul3A_309 : i32 to vector<16xi32>
        %mul3A_311 = arith.muli %get3A_308, %mul3A_310 : vector<16xi32>
        %get3A_312 = arith.constant 80 : index
        %get3A_313 = tpu.vector_load %arg25[%get3A_312] {strides = array<i32>} : memref<128xi32, #tpu.memory_space<vmem>>, vector<16xi32>,
        %get3A_314 = vector.shape_cast %get3A_313 : vector<16xi32> to vector<16xi32>
        %add3A_315 = arith.addi %mul3A_311, %get3A_314 : vector<16xi32>
        %add3A_316 = arith.addi %add3A_315, %broadcast_in_dim3A : vector<16xi32>
        %swap3A_317 = arith.constant 80 : index
        %swap3A_318 = tpu.vector_load %arg26[%swap3A_317] {strides = array<i32>} : memref<128xi32, #tpu.memory_space<vmem>>, vector<16xi32>,
        %swap3A_319 = vector.shape_cast %swap3A_318 : vector<16xi32> to vector<16xi32>
        %swap3A_320 = vector.shape_cast %add3A_316 : vector<16xi32> to vector<16xi32>
        tpu.vector_store %arg26[%swap3A_317], %swap3A_320 {strides = array<i32>} : memref<128xi32, #tpu.memory_space<vmem>>, vector<16xi32>,
        %get3A_321 = arith.constant 96 : index
        %get3A_322 = tpu.vector_load %arg24[%get3A_321] {strides = array<i32>} : memref<128xi32, #tpu.memory_space<vmem>>, vector<16xi32>,
        %get3A_323 = vector.shape_cast %get3A_322 : vector<16xi32> to vector<16xi32>
        %mul3A_324 = arith.constant 100 : i32
        %mul3A_325 = vector.broadcast %mul3A_324 : i32 to vector<16xi32>
        %mul3A_326 = arith.muli %get3A_323, %mul3A_325 : vector<16xi32>
        %get3A_327 = arith.constant 96 : index
        %get3A_328 = tpu.vector_load %arg25[%get3A_327] {strides = array<i32>} : memref<128xi32, #tpu.memory_space<vmem>>, vector<16xi32>,
        %get3A_329 = vector.shape_cast %get3A_328 : vector<16xi32> to vector<16xi32>
        %add3A_330 = arith.addi %mul3A_326, %get3A_329 : vector<16xi32>
        %add3A_331 = arith.addi %add3A_330, %broadcast_in_dim3A : vector<16xi32>
        %swap3A_332 = arith.constant 96 : index
        %swap3A_333 = tpu.vector_load %arg26[%swap3A_332] {strides = array<i32>} : memref<128xi32, #tpu.memory_space<vmem>>, vector<16xi32>,
        %swap3A_334 = vector.shape_cast %swap3A_333 : vector<16xi32> to vector<16xi32>
        %swap3A_335 = vector.shape_cast %add3A_331 : vector<16xi32> to vector<16xi32>
        tpu.vector_store %arg26[%swap3A_332], %swap3A_335 {strides = array<i32>} : memref<128xi32, #tpu.memory_space<vmem>>, vector<16xi32>,
        %get3A_336 = arith.constant 112 : index
        %get3A_337 = tpu.vector_load %arg24[%get3A_336] {strides = array<i32>} : memref<128xi32, #tpu.memory_space<vmem>>, vector<16xi32>,
        %get3A_338 = vector.shape_cast %get3A_337 : vector<16xi32> to vector<16xi32>
        %mul3A_339 = arith.constant 100 : i32
        %mul3A_340 = vector.broadcast %mul3A_339 : i32 to vector<16xi32>
        %mul3A_341 = arith.muli %get3A_338, %mul3A_340 : vector<16xi32>
        %get3A_342 = arith.constant 112 : index
        %get3A_343 = tpu.vector_load %arg25[%get3A_342] {strides = array<i32>} : memref<128xi32, #tpu.memory_space<vmem>>, vector<16xi32>,
        %get3A_344 = vector.shape_cast %get3A_343 : vector<16xi32> to vector<16xi32>
        %add3A_345 = arith.addi %mul3A_341, %get3A_344 : vector<16xi32>
        %add3A_346 = arith.addi %add3A_345, %broadcast_in_dim3A : vector<16xi32>
        %swap3A_347 = arith.constant 112 : index
        %swap3A_348 = tpu.vector_load %arg26[%swap3A_347] {strides = array<i32>} : memref<128xi32, #tpu.memory_space<vmem>>, vector<16xi32>,
        %swap3A_349 = vector.shape_cast %swap3A_348 : vector<16xi32> to vector<16xi32>
        %swap3A_350 = vector.shape_cast %add3A_346 : vector<16xi32> to vector<16xi32>
        tpu.vector_store %arg26[%swap3A_347], %swap3A_350 {strides = array<i32>} : memref<128xi32, #tpu.memory_space<vmem>>, vector<16xi32>,
        %dma_start3A = arith.constant 0 : i32
        %dma_start3A_351 = arith.constant 0 : i32
        %dma_start3A_352 = tpu.memref_slice %arg5[%dma_start3A, %dma_start3A_351] : memref<20000x32xf32, #tpu.memory_space<hbm>> -> memref<20000x32xf32, #tpu.memory_space<hbm>>
        tpu.enqueue_indirect_dma source(%dma_start3A_352 : memref<20000x32xf32, #tpu.memory_space<hbm>>) target(%arg27 : memref<128x32xf32, #tpu.memory_space<vmem>>) offsets(%arg26 : memref<128xi32, #tpu.memory_space<vmem>>) semaphore(%arg54 : memref<!tpu.dma_semaphore, #tpu.memory_space<semaphore_mem>>)
      } else {
      }
      %add3A_128 = arith.addi %add3A_17, %mul3A_33 : i32
      %add3A_129 = arith.constant 3 : i32
      %add3A_130 = arith.addi %add3A_128, %add3A_129 : i32
      %mul3A_131 = arith.constant 128 : i32
      %mul3A_132 = arith.muli %add3A_130, %mul3A_131 : i32
      %convert_element_type3A_133 = arith.extui %lt3A_45 : i1 to i32
      %cond3A_134 = arith.constant 0 : i32
      %cond3A_135 = arith.cmpi ne, %convert_element_type3A_133, %cond3A_134 : i32
      scf.if %cond3A_135 {
        %dma_wait3A = arith.constant 0 : i32
        %dma_wait3A_228 = tpu.memref_slice %arg9[%dma_wait3A] : memref<50000xi32, #tpu.memory_space<vmem_shared>> -> memref<50000xi32, #tpu.memory_space<vmem_shared>>
        tpu.wait_indirect_dma semaphore(%arg57 : memref<!tpu.dma_semaphore, #tpu.memory_space<semaphore_mem>>) src(%dma_wait3A_228 : memref<50000xi32, #tpu.memory_space<vmem_shared>>) dst(%arg30 : memref<128xi32, #tpu.memory_space<vmem>>)
        %dma_wait3A_229 = arith.constant 0 : i32
        %dma_wait3A_230 = tpu.memref_slice %arg9[%dma_wait3A_229] : memref<50000xi32, #tpu.memory_space<vmem_shared>> -> memref<50000xi32, #tpu.memory_space<vmem_shared>>
        tpu.wait_indirect_dma semaphore(%arg58 : memref<!tpu.dma_semaphore, #tpu.memory_space<semaphore_mem>>) src(%dma_wait3A_230 : memref<50000xi32, #tpu.memory_space<vmem_shared>>) dst(%arg31 : memref<128xi32, #tpu.memory_space<vmem>>)
        %mul3A_231 = arith.constant 10000 : i32
        %mul3A_232 = arith.muli %arg0, %mul3A_231 : i32
        %broadcast_in_dim3A = vector.broadcast %mul3A_232 : i32 to vector<16xi32>
        %get3A = arith.constant 0 : index
        %get3A_233 = tpu.vector_load %arg30[%get3A] {strides = array<i32>} : memref<128xi32, #tpu.memory_space<vmem>>, vector<16xi32>,
        %get3A_234 = vector.shape_cast %get3A_233 : vector<16xi32> to vector<16xi32>
        %mul3A_235 = arith.constant 100 : i32
        %mul3A_236 = vector.broadcast %mul3A_235 : i32 to vector<16xi32>
        %mul3A_237 = arith.muli %get3A_234, %mul3A_236 : vector<16xi32>
        %get3A_238 = arith.constant 0 : index
        %get3A_239 = tpu.vector_load %arg31[%get3A_238] {strides = array<i32>} : memref<128xi32, #tpu.memory_space<vmem>>, vector<16xi32>,
        %get3A_240 = vector.shape_cast %get3A_239 : vector<16xi32> to vector<16xi32>
        %add3A_241 = arith.addi %mul3A_237, %get3A_240 : vector<16xi32>
        %add3A_242 = arith.addi %add3A_241, %broadcast_in_dim3A : vector<16xi32>
        %swap3A = arith.constant 0 : index
        %swap3A_243 = tpu.vector_load %arg32[%swap3A] {strides = array<i32>} : memref<128xi32, #tpu.memory_space<vmem>>, vector<16xi32>,
        %swap3A_244 = vector.shape_cast %swap3A_243 : vector<16xi32> to vector<16xi32>
        %swap3A_245 = vector.shape_cast %add3A_242 : vector<16xi32> to vector<16xi32>
        tpu.vector_store %arg32[%swap3A], %swap3A_245 {strides = array<i32>} : memref<128xi32, #tpu.memory_space<vmem>>, vector<16xi32>,
        %get3A_246 = arith.constant 16 : index
        %get3A_247 = tpu.vector_load %arg30[%get3A_246] {strides = array<i32>} : memref<128xi32, #tpu.memory_space<vmem>>, vector<16xi32>,
        %get3A_248 = vector.shape_cast %get3A_247 : vector<16xi32> to vector<16xi32>
        %mul3A_249 = arith.constant 100 : i32
        %mul3A_250 = vector.broadcast %mul3A_249 : i32 to vector<16xi32>
        %mul3A_251 = arith.muli %get3A_248, %mul3A_250 : vector<16xi32>
        %get3A_252 = arith.constant 16 : index
        %get3A_253 = tpu.vector_load %arg31[%get3A_252] {strides = array<i32>} : memref<128xi32, #tpu.memory_space<vmem>>, vector<16xi32>,
        %get3A_254 = vector.shape_cast %get3A_253 : vector<16xi32> to vector<16xi32>
        %add3A_255 = arith.addi %mul3A_251, %get3A_254 : vector<16xi32>
        %add3A_256 = arith.addi %add3A_255, %broadcast_in_dim3A : vector<16xi32>
        %swap3A_257 = arith.constant 16 : index
        %swap3A_258 = tpu.vector_load %arg32[%swap3A_257] {strides = array<i32>} : memref<128xi32, #tpu.memory_space<vmem>>, vector<16xi32>,
        %swap3A_259 = vector.shape_cast %swap3A_258 : vector<16xi32> to vector<16xi32>
        %swap3A_260 = vector.shape_cast %add3A_256 : vector<16xi32> to vector<16xi32>
        tpu.vector_store %arg32[%swap3A_257], %swap3A_260 {strides = array<i32>} : memref<128xi32, #tpu.memory_space<vmem>>, vector<16xi32>,
        %get3A_261 = arith.constant 32 : index
        %get3A_262 = tpu.vector_load %arg30[%get3A_261] {strides = array<i32>} : memref<128xi32, #tpu.memory_space<vmem>>, vector<16xi32>,
        %get3A_263 = vector.shape_cast %get3A_262 : vector<16xi32> to vector<16xi32>
        %mul3A_264 = arith.constant 100 : i32
        %mul3A_265 = vector.broadcast %mul3A_264 : i32 to vector<16xi32>
        %mul3A_266 = arith.muli %get3A_263, %mul3A_265 : vector<16xi32>
        %get3A_267 = arith.constant 32 : index
        %get3A_268 = tpu.vector_load %arg31[%get3A_267] {strides = array<i32>} : memref<128xi32, #tpu.memory_space<vmem>>, vector<16xi32>,
        %get3A_269 = vector.shape_cast %get3A_268 : vector<16xi32> to vector<16xi32>
        %add3A_270 = arith.addi %mul3A_266, %get3A_269 : vector<16xi32>
        %add3A_271 = arith.addi %add3A_270, %broadcast_in_dim3A : vector<16xi32>
        %swap3A_272 = arith.constant 32 : index
        %swap3A_273 = tpu.vector_load %arg32[%swap3A_272] {strides = array<i32>} : memref<128xi32, #tpu.memory_space<vmem>>, vector<16xi32>,
        %swap3A_274 = vector.shape_cast %swap3A_273 : vector<16xi32> to vector<16xi32>
        %swap3A_275 = vector.shape_cast %add3A_271 : vector<16xi32> to vector<16xi32>
        tpu.vector_store %arg32[%swap3A_272], %swap3A_275 {strides = array<i32>} : memref<128xi32, #tpu.memory_space<vmem>>, vector<16xi32>,
        %get3A_276 = arith.constant 48 : index
        %get3A_277 = tpu.vector_load %arg30[%get3A_276] {strides = array<i32>} : memref<128xi32, #tpu.memory_space<vmem>>, vector<16xi32>,
        %get3A_278 = vector.shape_cast %get3A_277 : vector<16xi32> to vector<16xi32>
        %mul3A_279 = arith.constant 100 : i32
        %mul3A_280 = vector.broadcast %mul3A_279 : i32 to vector<16xi32>
        %mul3A_281 = arith.muli %get3A_278, %mul3A_280 : vector<16xi32>
        %get3A_282 = arith.constant 48 : index
        %get3A_283 = tpu.vector_load %arg31[%get3A_282] {strides = array<i32>} : memref<128xi32, #tpu.memory_space<vmem>>, vector<16xi32>,
        %get3A_284 = vector.shape_cast %get3A_283 : vector<16xi32> to vector<16xi32>
        %add3A_285 = arith.addi %mul3A_281, %get3A_284 : vector<16xi32>
        %add3A_286 = arith.addi %add3A_285, %broadcast_in_dim3A : vector<16xi32>
        %swap3A_287 = arith.constant 48 : index
        %swap3A_288 = tpu.vector_load %arg32[%swap3A_287] {strides = array<i32>} : memref<128xi32, #tpu.memory_space<vmem>>, vector<16xi32>,
        %swap3A_289 = vector.shape_cast %swap3A_288 : vector<16xi32> to vector<16xi32>
        %swap3A_290 = vector.shape_cast %add3A_286 : vector<16xi32> to vector<16xi32>
        tpu.vector_store %arg32[%swap3A_287], %swap3A_290 {strides = array<i32>} : memref<128xi32, #tpu.memory_space<vmem>>, vector<16xi32>,
        %get3A_291 = arith.constant 64 : index
        %get3A_292 = tpu.vector_load %arg30[%get3A_291] {strides = array<i32>} : memref<128xi32, #tpu.memory_space<vmem>>, vector<16xi32>,
        %get3A_293 = vector.shape_cast %get3A_292 : vector<16xi32> to vector<16xi32>
        %mul3A_294 = arith.constant 100 : i32
        %mul3A_295 = vector.broadcast %mul3A_294 : i32 to vector<16xi32>
        %mul3A_296 = arith.muli %get3A_293, %mul3A_295 : vector<16xi32>
        %get3A_297 = arith.constant 64 : index
        %get3A_298 = tpu.vector_load %arg31[%get3A_297] {strides = array<i32>} : memref<128xi32, #tpu.memory_space<vmem>>, vector<16xi32>,
        %get3A_299 = vector.shape_cast %get3A_298 : vector<16xi32> to vector<16xi32>
        %add3A_300 = arith.addi %mul3A_296, %get3A_299 : vector<16xi32>
        %add3A_301 = arith.addi %add3A_300, %broadcast_in_dim3A : vector<16xi32>
        %swap3A_302 = arith.constant 64 : index
        %swap3A_303 = tpu.vector_load %arg32[%swap3A_302] {strides = array<i32>} : memref<128xi32, #tpu.memory_space<vmem>>, vector<16xi32>,
        %swap3A_304 = vector.shape_cast %swap3A_303 : vector<16xi32> to vector<16xi32>
        %swap3A_305 = vector.shape_cast %add3A_301 : vector<16xi32> to vector<16xi32>
        tpu.vector_store %arg32[%swap3A_302], %swap3A_305 {strides = array<i32>} : memref<128xi32, #tpu.memory_space<vmem>>, vector<16xi32>,
        %get3A_306 = arith.constant 80 : index
        %get3A_307 = tpu.vector_load %arg30[%get3A_306] {strides = array<i32>} : memref<128xi32, #tpu.memory_space<vmem>>, vector<16xi32>,
        %get3A_308 = vector.shape_cast %get3A_307 : vector<16xi32> to vector<16xi32>
        %mul3A_309 = arith.constant 100 : i32
        %mul3A_310 = vector.broadcast %mul3A_309 : i32 to vector<16xi32>
        %mul3A_311 = arith.muli %get3A_308, %mul3A_310 : vector<16xi32>
        %get3A_312 = arith.constant 80 : index
        %get3A_313 = tpu.vector_load %arg31[%get3A_312] {strides = array<i32>} : memref<128xi32, #tpu.memory_space<vmem>>, vector<16xi32>,
        %get3A_314 = vector.shape_cast %get3A_313 : vector<16xi32> to vector<16xi32>
        %add3A_315 = arith.addi %mul3A_311, %get3A_314 : vector<16xi32>
        %add3A_316 = arith.addi %add3A_315, %broadcast_in_dim3A : vector<16xi32>
        %swap3A_317 = arith.constant 80 : index
        %swap3A_318 = tpu.vector_load %arg32[%swap3A_317] {strides = array<i32>} : memref<128xi32, #tpu.memory_space<vmem>>, vector<16xi32>,
        %swap3A_319 = vector.shape_cast %swap3A_318 : vector<16xi32> to vector<16xi32>
        %swap3A_320 = vector.shape_cast %add3A_316 : vector<16xi32> to vector<16xi32>
        tpu.vector_store %arg32[%swap3A_317], %swap3A_320 {strides = array<i32>} : memref<128xi32, #tpu.memory_space<vmem>>, vector<16xi32>,
        %get3A_321 = arith.constant 96 : index
        %get3A_322 = tpu.vector_load %arg30[%get3A_321] {strides = array<i32>} : memref<128xi32, #tpu.memory_space<vmem>>, vector<16xi32>,
        %get3A_323 = vector.shape_cast %get3A_322 : vector<16xi32> to vector<16xi32>
        %mul3A_324 = arith.constant 100 : i32
        %mul3A_325 = vector.broadcast %mul3A_324 : i32 to vector<16xi32>
        %mul3A_326 = arith.muli %get3A_323, %mul3A_325 : vector<16xi32>
        %get3A_327 = arith.constant 96 : index
        %get3A_328 = tpu.vector_load %arg31[%get3A_327] {strides = array<i32>} : memref<128xi32, #tpu.memory_space<vmem>>, vector<16xi32>,
        %get3A_329 = vector.shape_cast %get3A_328 : vector<16xi32> to vector<16xi32>
        %add3A_330 = arith.addi %mul3A_326, %get3A_329 : vector<16xi32>
        %add3A_331 = arith.addi %add3A_330, %broadcast_in_dim3A : vector<16xi32>
        %swap3A_332 = arith.constant 96 : index
        %swap3A_333 = tpu.vector_load %arg32[%swap3A_332] {strides = array<i32>} : memref<128xi32, #tpu.memory_space<vmem>>, vector<16xi32>,
        %swap3A_334 = vector.shape_cast %swap3A_333 : vector<16xi32> to vector<16xi32>
        %swap3A_335 = vector.shape_cast %add3A_331 : vector<16xi32> to vector<16xi32>
        tpu.vector_store %arg32[%swap3A_332], %swap3A_335 {strides = array<i32>} : memref<128xi32, #tpu.memory_space<vmem>>, vector<16xi32>,
        %get3A_336 = arith.constant 112 : index
        %get3A_337 = tpu.vector_load %arg30[%get3A_336] {strides = array<i32>} : memref<128xi32, #tpu.memory_space<vmem>>, vector<16xi32>,
        %get3A_338 = vector.shape_cast %get3A_337 : vector<16xi32> to vector<16xi32>
        %mul3A_339 = arith.constant 100 : i32
        %mul3A_340 = vector.broadcast %mul3A_339 : i32 to vector<16xi32>
        %mul3A_341 = arith.muli %get3A_338, %mul3A_340 : vector<16xi32>
        %get3A_342 = arith.constant 112 : index
        %get3A_343 = tpu.vector_load %arg31[%get3A_342] {strides = array<i32>} : memref<128xi32, #tpu.memory_space<vmem>>, vector<16xi32>,
        %get3A_344 = vector.shape_cast %get3A_343 : vector<16xi32> to vector<16xi32>
        %add3A_345 = arith.addi %mul3A_341, %get3A_344 : vector<16xi32>
        %add3A_346 = arith.addi %add3A_345, %broadcast_in_dim3A : vector<16xi32>
        %swap3A_347 = arith.constant 112 : index
        %swap3A_348 = tpu.vector_load %arg32[%swap3A_347] {strides = array<i32>} : memref<128xi32, #tpu.memory_space<vmem>>, vector<16xi32>,
        %swap3A_349 = vector.shape_cast %swap3A_348 : vector<16xi32> to vector<16xi32>
        %swap3A_350 = vector.shape_cast %add3A_346 : vector<16xi32> to vector<16xi32>
        tpu.vector_store %arg32[%swap3A_347], %swap3A_350 {strides = array<i32>} : memref<128xi32, #tpu.memory_space<vmem>>, vector<16xi32>,
        %dma_start3A = arith.constant 0 : i32
        %dma_start3A_351 = arith.constant 0 : i32
        %dma_start3A_352 = tpu.memref_slice %arg5[%dma_start3A, %dma_start3A_351] : memref<20000x32xf32, #tpu.memory_space<hbm>> -> memref<20000x32xf32, #tpu.memory_space<hbm>>
        tpu.enqueue_indirect_dma source(%dma_start3A_352 : memref<20000x32xf32, #tpu.memory_space<hbm>>) target(%arg33 : memref<128x32xf32, #tpu.memory_space<vmem>>) offsets(%arg32 : memref<128xi32, #tpu.memory_space<vmem>>) semaphore(%arg59 : memref<!tpu.dma_semaphore, #tpu.memory_space<semaphore_mem>>)
      } else {
      }
      %add3A_136 = arith.addi %add3A_17, %mul3A_33 : i32
      %add3A_137 = arith.constant 4 : i32
      %add3A_138 = arith.addi %add3A_136, %add3A_137 : i32
      %mul3A_139 = arith.constant 128 : i32
      %mul3A_140 = arith.muli %add3A_138, %mul3A_139 : i32
      %convert_element_type3A_141 = arith.extui %lt3A_48 : i1 to i32
      %cond3A_142 = arith.constant 0 : i32
      %cond3A_143 = arith.cmpi ne, %convert_element_type3A_141, %cond3A_142 : i32
      scf.if %cond3A_143 {
        %dma_wait3A = arith.constant 0 : i32
        %dma_wait3A_228 = tpu.memref_slice %arg9[%dma_wait3A] : memref<50000xi32, #tpu.memory_space<vmem_shared>> -> memref<50000xi32, #tpu.memory_space<vmem_shared>>
        tpu.wait_indirect_dma semaphore(%arg62 : memref<!tpu.dma_semaphore, #tpu.memory_space<semaphore_mem>>) src(%dma_wait3A_228 : memref<50000xi32, #tpu.memory_space<vmem_shared>>) dst(%arg36 : memref<128xi32, #tpu.memory_space<vmem>>)
        %dma_wait3A_229 = arith.constant 0 : i32
        %dma_wait3A_230 = tpu.memref_slice %arg9[%dma_wait3A_229] : memref<50000xi32, #tpu.memory_space<vmem_shared>> -> memref<50000xi32, #tpu.memory_space<vmem_shared>>
        tpu.wait_indirect_dma semaphore(%arg63 : memref<!tpu.dma_semaphore, #tpu.memory_space<semaphore_mem>>) src(%dma_wait3A_230 : memref<50000xi32, #tpu.memory_space<vmem_shared>>) dst(%arg37 : memref<128xi32, #tpu.memory_space<vmem>>)
        %mul3A_231 = arith.constant 10000 : i32
        %mul3A_232 = arith.muli %arg0, %mul3A_231 : i32
        %broadcast_in_dim3A = vector.broadcast %mul3A_232 : i32 to vector<16xi32>
        %get3A = arith.constant 0 : index
        %get3A_233 = tpu.vector_load %arg36[%get3A] {strides = array<i32>} : memref<128xi32, #tpu.memory_space<vmem>>, vector<16xi32>,
        %get3A_234 = vector.shape_cast %get3A_233 : vector<16xi32> to vector<16xi32>
        %mul3A_235 = arith.constant 100 : i32
        %mul3A_236 = vector.broadcast %mul3A_235 : i32 to vector<16xi32>
        %mul3A_237 = arith.muli %get3A_234, %mul3A_236 : vector<16xi32>
        %get3A_238 = arith.constant 0 : index
        %get3A_239 = tpu.vector_load %arg37[%get3A_238] {strides = array<i32>} : memref<128xi32, #tpu.memory_space<vmem>>, vector<16xi32>,
        %get3A_240 = vector.shape_cast %get3A_239 : vector<16xi32> to vector<16xi32>
        %add3A_241 = arith.addi %mul3A_237, %get3A_240 : vector<16xi32>
        %add3A_242 = arith.addi %add3A_241, %broadcast_in_dim3A : vector<16xi32>
        %swap3A = arith.constant 0 : index
        %swap3A_243 = tpu.vector_load %arg38[%swap3A] {strides = array<i32>} : memref<128xi32, #tpu.memory_space<vmem>>, vector<16xi32>,
        %swap3A_244 = vector.shape_cast %swap3A_243 : vector<16xi32> to vector<16xi32>
        %swap3A_245 = vector.shape_cast %add3A_242 : vector<16xi32> to vector<16xi32>
        tpu.vector_store %arg38[%swap3A], %swap3A_245 {strides = array<i32>} : memref<128xi32, #tpu.memory_space<vmem>>, vector<16xi32>,
        %get3A_246 = arith.constant 16 : index
        %get3A_247 = tpu.vector_load %arg36[%get3A_246] {strides = array<i32>} : memref<128xi32, #tpu.memory_space<vmem>>, vector<16xi32>,
        %get3A_248 = vector.shape_cast %get3A_247 : vector<16xi32> to vector<16xi32>
        %mul3A_249 = arith.constant 100 : i32
        %mul3A_250 = vector.broadcast %mul3A_249 : i32 to vector<16xi32>
        %mul3A_251 = arith.muli %get3A_248, %mul3A_250 : vector<16xi32>
        %get3A_252 = arith.constant 16 : index
        %get3A_253 = tpu.vector_load %arg37[%get3A_252] {strides = array<i32>} : memref<128xi32, #tpu.memory_space<vmem>>, vector<16xi32>,
        %get3A_254 = vector.shape_cast %get3A_253 : vector<16xi32> to vector<16xi32>
        %add3A_255 = arith.addi %mul3A_251, %get3A_254 : vector<16xi32>
        %add3A_256 = arith.addi %add3A_255, %broadcast_in_dim3A : vector<16xi32>
        %swap3A_257 = arith.constant 16 : index
        %swap3A_258 = tpu.vector_load %arg38[%swap3A_257] {strides = array<i32>} : memref<128xi32, #tpu.memory_space<vmem>>, vector<16xi32>,
        %swap3A_259 = vector.shape_cast %swap3A_258 : vector<16xi32> to vector<16xi32>
        %swap3A_260 = vector.shape_cast %add3A_256 : vector<16xi32> to vector<16xi32>
        tpu.vector_store %arg38[%swap3A_257], %swap3A_260 {strides = array<i32>} : memref<128xi32, #tpu.memory_space<vmem>>, vector<16xi32>,
        %get3A_261 = arith.constant 32 : index
        %get3A_262 = tpu.vector_load %arg36[%get3A_261] {strides = array<i32>} : memref<128xi32, #tpu.memory_space<vmem>>, vector<16xi32>,
        %get3A_263 = vector.shape_cast %get3A_262 : vector<16xi32> to vector<16xi32>
        %mul3A_264 = arith.constant 100 : i32
        %mul3A_265 = vector.broadcast %mul3A_264 : i32 to vector<16xi32>
        %mul3A_266 = arith.muli %get3A_263, %mul3A_265 : vector<16xi32>
        %get3A_267 = arith.constant 32 : index
        %get3A_268 = tpu.vector_load %arg37[%get3A_267] {strides = array<i32>} : memref<128xi32, #tpu.memory_space<vmem>>, vector<16xi32>,
        %get3A_269 = vector.shape_cast %get3A_268 : vector<16xi32> to vector<16xi32>
        %add3A_270 = arith.addi %mul3A_266, %get3A_269 : vector<16xi32>
        %add3A_271 = arith.addi %add3A_270, %broadcast_in_dim3A : vector<16xi32>
        %swap3A_272 = arith.constant 32 : index
        %swap3A_273 = tpu.vector_load %arg38[%swap3A_272] {strides = array<i32>} : memref<128xi32, #tpu.memory_space<vmem>>, vector<16xi32>,
        %swap3A_274 = vector.shape_cast %swap3A_273 : vector<16xi32> to vector<16xi32>
        %swap3A_275 = vector.shape_cast %add3A_271 : vector<16xi32> to vector<16xi32>
        tpu.vector_store %arg38[%swap3A_272], %swap3A_275 {strides = array<i32>} : memref<128xi32, #tpu.memory_space<vmem>>, vector<16xi32>,
        %get3A_276 = arith.constant 48 : index
        %get3A_277 = tpu.vector_load %arg36[%get3A_276] {strides = array<i32>} : memref<128xi32, #tpu.memory_space<vmem>>, vector<16xi32>,
        %get3A_278 = vector.shape_cast %get3A_277 : vector<16xi32> to vector<16xi32>
        %mul3A_279 = arith.constant 100 : i32
        %mul3A_280 = vector.broadcast %mul3A_279 : i32 to vector<16xi32>
        %mul3A_281 = arith.muli %get3A_278, %mul3A_280 : vector<16xi32>
        %get3A_282 = arith.constant 48 : index
        %get3A_283 = tpu.vector_load %arg37[%get3A_282] {strides = array<i32>} : memref<128xi32, #tpu.memory_space<vmem>>, vector<16xi32>,
        %get3A_284 = vector.shape_cast %get3A_283 : vector<16xi32> to vector<16xi32>
        %add3A_285 = arith.addi %mul3A_281, %get3A_284 : vector<16xi32>
        %add3A_286 = arith.addi %add3A_285, %broadcast_in_dim3A : vector<16xi32>
        %swap3A_287 = arith.constant 48 : index
        %swap3A_288 = tpu.vector_load %arg38[%swap3A_287] {strides = array<i32>} : memref<128xi32, #tpu.memory_space<vmem>>, vector<16xi32>,
        %swap3A_289 = vector.shape_cast %swap3A_288 : vector<16xi32> to vector<16xi32>
        %swap3A_290 = vector.shape_cast %add3A_286 : vector<16xi32> to vector<16xi32>
        tpu.vector_store %arg38[%swap3A_287], %swap3A_290 {strides = array<i32>} : memref<128xi32, #tpu.memory_space<vmem>>, vector<16xi32>,
        %get3A_291 = arith.constant 64 : index
        %get3A_292 = tpu.vector_load %arg36[%get3A_291] {strides = array<i32>} : memref<128xi32, #tpu.memory_space<vmem>>, vector<16xi32>,
        %get3A_293 = vector.shape_cast %get3A_292 : vector<16xi32> to vector<16xi32>
        %mul3A_294 = arith.constant 100 : i32
        %mul3A_295 = vector.broadcast %mul3A_294 : i32 to vector<16xi32>
        %mul3A_296 = arith.muli %get3A_293, %mul3A_295 : vector<16xi32>
        %get3A_297 = arith.constant 64 : index
        %get3A_298 = tpu.vector_load %arg37[%get3A_297] {strides = array<i32>} : memref<128xi32, #tpu.memory_space<vmem>>, vector<16xi32>,
        %get3A_299 = vector.shape_cast %get3A_298 : vector<16xi32> to vector<16xi32>
        %add3A_300 = arith.addi %mul3A_296, %get3A_299 : vector<16xi32>
        %add3A_301 = arith.addi %add3A_300, %broadcast_in_dim3A : vector<16xi32>
        %swap3A_302 = arith.constant 64 : index
        %swap3A_303 = tpu.vector_load %arg38[%swap3A_302] {strides = array<i32>} : memref<128xi32, #tpu.memory_space<vmem>>, vector<16xi32>,
        %swap3A_304 = vector.shape_cast %swap3A_303 : vector<16xi32> to vector<16xi32>
        %swap3A_305 = vector.shape_cast %add3A_301 : vector<16xi32> to vector<16xi32>
        tpu.vector_store %arg38[%swap3A_302], %swap3A_305 {strides = array<i32>} : memref<128xi32, #tpu.memory_space<vmem>>, vector<16xi32>,
        %get3A_306 = arith.constant 80 : index
        %get3A_307 = tpu.vector_load %arg36[%get3A_306] {strides = array<i32>} : memref<128xi32, #tpu.memory_space<vmem>>, vector<16xi32>,
        %get3A_308 = vector.shape_cast %get3A_307 : vector<16xi32> to vector<16xi32>
        %mul3A_309 = arith.constant 100 : i32
        %mul3A_310 = vector.broadcast %mul3A_309 : i32 to vector<16xi32>
        %mul3A_311 = arith.muli %get3A_308, %mul3A_310 : vector<16xi32>
        %get3A_312 = arith.constant 80 : index
        %get3A_313 = tpu.vector_load %arg37[%get3A_312] {strides = array<i32>} : memref<128xi32, #tpu.memory_space<vmem>>, vector<16xi32>,
        %get3A_314 = vector.shape_cast %get3A_313 : vector<16xi32> to vector<16xi32>
        %add3A_315 = arith.addi %mul3A_311, %get3A_314 : vector<16xi32>
        %add3A_316 = arith.addi %add3A_315, %broadcast_in_dim3A : vector<16xi32>
        %swap3A_317 = arith.constant 80 : index
        %swap3A_318 = tpu.vector_load %arg38[%swap3A_317] {strides = array<i32>} : memref<128xi32, #tpu.memory_space<vmem>>, vector<16xi32>,
        %swap3A_319 = vector.shape_cast %swap3A_318 : vector<16xi32> to vector<16xi32>
        %swap3A_320 = vector.shape_cast %add3A_316 : vector<16xi32> to vector<16xi32>
        tpu.vector_store %arg38[%swap3A_317], %swap3A_320 {strides = array<i32>} : memref<128xi32, #tpu.memory_space<vmem>>, vector<16xi32>,
        %get3A_321 = arith.constant 96 : index
        %get3A_322 = tpu.vector_load %arg36[%get3A_321] {strides = array<i32>} : memref<128xi32, #tpu.memory_space<vmem>>, vector<16xi32>,
        %get3A_323 = vector.shape_cast %get3A_322 : vector<16xi32> to vector<16xi32>
        %mul3A_324 = arith.constant 100 : i32
        %mul3A_325 = vector.broadcast %mul3A_324 : i32 to vector<16xi32>
        %mul3A_326 = arith.muli %get3A_323, %mul3A_325 : vector<16xi32>
        %get3A_327 = arith.constant 96 : index
        %get3A_328 = tpu.vector_load %arg37[%get3A_327] {strides = array<i32>} : memref<128xi32, #tpu.memory_space<vmem>>, vector<16xi32>,
        %get3A_329 = vector.shape_cast %get3A_328 : vector<16xi32> to vector<16xi32>
        %add3A_330 = arith.addi %mul3A_326, %get3A_329 : vector<16xi32>
        %add3A_331 = arith.addi %add3A_330, %broadcast_in_dim3A : vector<16xi32>
        %swap3A_332 = arith.constant 96 : index
        %swap3A_333 = tpu.vector_load %arg38[%swap3A_332] {strides = array<i32>} : memref<128xi32, #tpu.memory_space<vmem>>, vector<16xi32>,
        %swap3A_334 = vector.shape_cast %swap3A_333 : vector<16xi32> to vector<16xi32>
        %swap3A_335 = vector.shape_cast %add3A_331 : vector<16xi32> to vector<16xi32>
        tpu.vector_store %arg38[%swap3A_332], %swap3A_335 {strides = array<i32>} : memref<128xi32, #tpu.memory_space<vmem>>, vector<16xi32>,
        %get3A_336 = arith.constant 112 : index
        %get3A_337 = tpu.vector_load %arg36[%get3A_336] {strides = array<i32>} : memref<128xi32, #tpu.memory_space<vmem>>, vector<16xi32>,
        %get3A_338 = vector.shape_cast %get3A_337 : vector<16xi32> to vector<16xi32>
        %mul3A_339 = arith.constant 100 : i32
        %mul3A_340 = vector.broadcast %mul3A_339 : i32 to vector<16xi32>
        %mul3A_341 = arith.muli %get3A_338, %mul3A_340 : vector<16xi32>
        %get3A_342 = arith.constant 112 : index
        %get3A_343 = tpu.vector_load %arg37[%get3A_342] {strides = array<i32>} : memref<128xi32, #tpu.memory_space<vmem>>, vector<16xi32>,
        %get3A_344 = vector.shape_cast %get3A_343 : vector<16xi32> to vector<16xi32>
        %add3A_345 = arith.addi %mul3A_341, %get3A_344 : vector<16xi32>
        %add3A_346 = arith.addi %add3A_345, %broadcast_in_dim3A : vector<16xi32>
        %swap3A_347 = arith.constant 112 : index
        %swap3A_348 = tpu.vector_load %arg38[%swap3A_347] {strides = array<i32>} : memref<128xi32, #tpu.memory_space<vmem>>, vector<16xi32>,
        %swap3A_349 = vector.shape_cast %swap3A_348 : vector<16xi32> to vector<16xi32>
        %swap3A_350 = vector.shape_cast %add3A_346 : vector<16xi32> to vector<16xi32>
        tpu.vector_store %arg38[%swap3A_347], %swap3A_350 {strides = array<i32>} : memref<128xi32, #tpu.memory_space<vmem>>, vector<16xi32>,
        %dma_start3A = arith.constant 0 : i32
        %dma_start3A_351 = arith.constant 0 : i32
        %dma_start3A_352 = tpu.memref_slice %arg5[%dma_start3A, %dma_start3A_351] : memref<20000x32xf32, #tpu.memory_space<hbm>> -> memref<20000x32xf32, #tpu.memory_space<hbm>>
        tpu.enqueue_indirect_dma source(%dma_start3A_352 : memref<20000x32xf32, #tpu.memory_space<hbm>>) target(%arg39 : memref<128x32xf32, #tpu.memory_space<vmem>>) offsets(%arg38 : memref<128xi32, #tpu.memory_space<vmem>>) semaphore(%arg64 : memref<!tpu.dma_semaphore, #tpu.memory_space<semaphore_mem>>)
      } else {
      }
      %add3A_144 = arith.addi %add3A_17, %mul3A_33 : i32
      %add3A_145 = arith.constant 0 : i32
      %add3A_146 = arith.addi %add3A_144, %add3A_145 : i32
      %mul3A_147 = arith.constant 128 : i32
      %mul3A_148 = arith.muli %add3A_146, %mul3A_147 : i32
      %eq3A_149 = arith.constant 0 : i32
      %eq3A_150 = arith.cmpi eq, %arg0, %eq3A_149 : i32
      %and3A = arith.andi %lt3A_36, %eq3A_150 : i1
      %convert_element_type3A_151 = arith.extui %and3A : i1 to i32
      %cond3A_152 = arith.constant 0 : i32
      %cond3A_153 = arith.cmpi ne, %convert_element_type3A_151, %cond3A_152 : i32
      scf.if %cond3A_153 {
        "tpu.region"() ({
          %run_scoped3A = tpu.sem_alloc : memref<!tpu.dma_semaphore, #tpu.memory_space<semaphore_mem>>
          %dma_start3A = tpu.memref_slice %arg7[%mul3A_148] : memref<800000xi32, #tpu.memory_space<hbm>> -> memref<128xi32, #tpu.memory_space<hbm>>
          %dma_start3A_228 = tpu.memref_slice %arg7[%mul3A_148] : memref<800000xi32, #tpu.memory_space<hbm>> -> memref<128xi32, #tpu.memory_space<hbm>>
          tpu.enqueue_dma source(%arg13 : memref<128xi32, #tpu.memory_space<vmem>>) target(%dma_start3A_228 : memref<128xi32, #tpu.memory_space<hbm>>) target_semaphore(%run_scoped3A : memref<!tpu.dma_semaphore, #tpu.memory_space<semaphore_mem>>)
          %dma_wait3A = tpu.memref_slice %arg7[%mul3A_148] : memref<800000xi32, #tpu.memory_space<hbm>> -> memref<128xi32, #tpu.memory_space<hbm>>
          %dma_wait3A_229 = tpu.memref_slice %arg7[%mul3A_148] : memref<800000xi32, #tpu.memory_space<hbm>> -> memref<128xi32, #tpu.memory_space<hbm>>
          tpu.wait_dma2 semaphore(%run_scoped3A : memref<!tpu.dma_semaphore, #tpu.memory_space<semaphore_mem>>) src(%arg13 : memref<128xi32, #tpu.memory_space<vmem>>) dst(%dma_wait3A_229 : memref<128xi32, #tpu.memory_space<hbm>>)
          tpu.yield
        }) : () -> ()
      } else {
      }
      %add3A_154 = arith.addi %add3A_17, %mul3A_33 : i32
      %add3A_155 = arith.constant 1 : i32
      %add3A_156 = arith.addi %add3A_154, %add3A_155 : i32
      %mul3A_157 = arith.constant 128 : i32
      %mul3A_158 = arith.muli %add3A_156, %mul3A_157 : i32
      %eq3A_159 = arith.constant 0 : i32
      %eq3A_160 = arith.cmpi eq, %arg0, %eq3A_159 : i32
      %and3A_161 = arith.andi %lt3A_39, %eq3A_160 : i1
      %convert_element_type3A_162 = arith.extui %and3A_161 : i1 to i32
      %cond3A_163 = arith.constant 0 : i32
      %cond3A_164 = arith.cmpi ne, %convert_element_type3A_162, %cond3A_163 : i32
      scf.if %cond3A_164 {
        "tpu.region"() ({
          %run_scoped3A = tpu.sem_alloc : memref<!tpu.dma_semaphore, #tpu.memory_space<semaphore_mem>>
          %dma_start3A = tpu.memref_slice %arg7[%mul3A_158] : memref<800000xi32, #tpu.memory_space<hbm>> -> memref<128xi32, #tpu.memory_space<hbm>>
          %dma_start3A_228 = tpu.memref_slice %arg7[%mul3A_158] : memref<800000xi32, #tpu.memory_space<hbm>> -> memref<128xi32, #tpu.memory_space<hbm>>
          tpu.enqueue_dma source(%arg19 : memref<128xi32, #tpu.memory_space<vmem>>) target(%dma_start3A_228 : memref<128xi32, #tpu.memory_space<hbm>>) target_semaphore(%run_scoped3A : memref<!tpu.dma_semaphore, #tpu.memory_space<semaphore_mem>>)
          %dma_wait3A = tpu.memref_slice %arg7[%mul3A_158] : memref<800000xi32, #tpu.memory_space<hbm>> -> memref<128xi32, #tpu.memory_space<hbm>>
          %dma_wait3A_229 = tpu.memref_slice %arg7[%mul3A_158] : memref<800000xi32, #tpu.memory_space<hbm>> -> memref<128xi32, #tpu.memory_space<hbm>>
          tpu.wait_dma2 semaphore(%run_scoped3A : memref<!tpu.dma_semaphore, #tpu.memory_space<semaphore_mem>>) src(%arg19 : memref<128xi32, #tpu.memory_space<vmem>>) dst(%dma_wait3A_229 : memref<128xi32, #tpu.memory_space<hbm>>)
          tpu.yield
        }) : () -> ()
      } else {
      }
      %add3A_165 = arith.addi %add3A_17, %mul3A_33 : i32
      %add3A_166 = arith.constant 2 : i32
      %add3A_167 = arith.addi %add3A_165, %add3A_166 : i32
      %mul3A_168 = arith.constant 128 : i32
      %mul3A_169 = arith.muli %add3A_167, %mul3A_168 : i32
      %eq3A_170 = arith.constant 0 : i32
      %eq3A_171 = arith.cmpi eq, %arg0, %eq3A_170 : i32
      %and3A_172 = arith.andi %lt3A_42, %eq3A_171 : i1
      %convert_element_type3A_173 = arith.extui %and3A_172 : i1 to i32
      %cond3A_174 = arith.constant 0 : i32
      %cond3A_175 = arith.cmpi ne, %convert_element_type3A_173, %cond3A_174 : i32
      scf.if %cond3A_175 {
        "tpu.region"() ({
          %run_scoped3A = tpu.sem_alloc : memref<!tpu.dma_semaphore, #tpu.memory_space<semaphore_mem>>
          %dma_start3A = tpu.memref_slice %arg7[%mul3A_169] : memref<800000xi32, #tpu.memory_space<hbm>> -> memref<128xi32, #tpu.memory_space<hbm>>
          %dma_start3A_228 = tpu.memref_slice %arg7[%mul3A_169] : memref<800000xi32, #tpu.memory_space<hbm>> -> memref<128xi32, #tpu.memory_space<hbm>>
          tpu.enqueue_dma source(%arg25 : memref<128xi32, #tpu.memory_space<vmem>>) target(%dma_start3A_228 : memref<128xi32, #tpu.memory_space<hbm>>) target_semaphore(%run_scoped3A : memref<!tpu.dma_semaphore, #tpu.memory_space<semaphore_mem>>)
          %dma_wait3A = tpu.memref_slice %arg7[%mul3A_169] : memref<800000xi32, #tpu.memory_space<hbm>> -> memref<128xi32, #tpu.memory_space<hbm>>
          %dma_wait3A_229 = tpu.memref_slice %arg7[%mul3A_169] : memref<800000xi32, #tpu.memory_space<hbm>> -> memref<128xi32, #tpu.memory_space<hbm>>
          tpu.wait_dma2 semaphore(%run_scoped3A : memref<!tpu.dma_semaphore, #tpu.memory_space<semaphore_mem>>) src(%arg25 : memref<128xi32, #tpu.memory_space<vmem>>) dst(%dma_wait3A_229 : memref<128xi32, #tpu.memory_space<hbm>>)
          tpu.yield
        }) : () -> ()
      } else {
      }
      %add3A_176 = arith.addi %add3A_17, %mul3A_33 : i32
      %add3A_177 = arith.constant 3 : i32
      %add3A_178 = arith.addi %add3A_176, %add3A_177 : i32
      %mul3A_179 = arith.constant 128 : i32
      %mul3A_180 = arith.muli %add3A_178, %mul3A_179 : i32
      %eq3A_181 = arith.constant 0 : i32
      %eq3A_182 = arith.cmpi eq, %arg0, %eq3A_181 : i32
      %and3A_183 = arith.andi %lt3A_45, %eq3A_182 : i1
      %convert_element_type3A_184 = arith.extui %and3A_183 : i1 to i32
      %cond3A_185 = arith.constant 0 : i32
      %cond3A_186 = arith.cmpi ne, %convert_element_type3A_184, %cond3A_185 : i32
      scf.if %cond3A_186 {
        "tpu.region"() ({
          %run_scoped3A = tpu.sem_alloc : memref<!tpu.dma_semaphore, #tpu.memory_space<semaphore_mem>>
          %dma_start3A = tpu.memref_slice %arg7[%mul3A_180] : memref<800000xi32, #tpu.memory_space<hbm>> -> memref<128xi32, #tpu.memory_space<hbm>>
          %dma_start3A_228 = tpu.memref_slice %arg7[%mul3A_180] : memref<800000xi32, #tpu.memory_space<hbm>> -> memref<128xi32, #tpu.memory_space<hbm>>
          tpu.enqueue_dma source(%arg31 : memref<128xi32, #tpu.memory_space<vmem>>) target(%dma_start3A_228 : memref<128xi32, #tpu.memory_space<hbm>>) target_semaphore(%run_scoped3A : memref<!tpu.dma_semaphore, #tpu.memory_space<semaphore_mem>>)
          %dma_wait3A = tpu.memref_slice %arg7[%mul3A_180] : memref<800000xi32, #tpu.memory_space<hbm>> -> memref<128xi32, #tpu.memory_space<hbm>>
          %dma_wait3A_229 = tpu.memref_slice %arg7[%mul3A_180] : memref<800000xi32, #tpu.memory_space<hbm>> -> memref<128xi32, #tpu.memory_space<hbm>>
          tpu.wait_dma2 semaphore(%run_scoped3A : memref<!tpu.dma_semaphore, #tpu.memory_space<semaphore_mem>>) src(%arg31 : memref<128xi32, #tpu.memory_space<vmem>>) dst(%dma_wait3A_229 : memref<128xi32, #tpu.memory_space<hbm>>)
          tpu.yield
        }) : () -> ()
      } else {
      }
      %add3A_187 = arith.addi %add3A_17, %mul3A_33 : i32
      %add3A_188 = arith.constant 4 : i32
      %add3A_189 = arith.addi %add3A_187, %add3A_188 : i32
      %mul3A_190 = arith.constant 128 : i32
      %mul3A_191 = arith.muli %add3A_189, %mul3A_190 : i32
      %eq3A_192 = arith.constant 0 : i32
      %eq3A_193 = arith.cmpi eq, %arg0, %eq3A_192 : i32
      %and3A_194 = arith.andi %lt3A_48, %eq3A_193 : i1
      %convert_element_type3A_195 = arith.extui %and3A_194 : i1 to i32
      %cond3A_196 = arith.constant 0 : i32
      %cond3A_197 = arith.cmpi ne, %convert_element_type3A_195, %cond3A_196 : i32
      scf.if %cond3A_197 {
        "tpu.region"() ({
          %run_scoped3A = tpu.sem_alloc : memref<!tpu.dma_semaphore, #tpu.memory_space<semaphore_mem>>
          %dma_start3A = tpu.memref_slice %arg7[%mul3A_191] : memref<800000xi32, #tpu.memory_space<hbm>> -> memref<128xi32, #tpu.memory_space<hbm>>
          %dma_start3A_228 = tpu.memref_slice %arg7[%mul3A_191] : memref<800000xi32, #tpu.memory_space<hbm>> -> memref<128xi32, #tpu.memory_space<hbm>>
          tpu.enqueue_dma source(%arg37 : memref<128xi32, #tpu.memory_space<vmem>>) target(%dma_start3A_228 : memref<128xi32, #tpu.memory_space<hbm>>) target_semaphore(%run_scoped3A : memref<!tpu.dma_semaphore, #tpu.memory_space<semaphore_mem>>)
          %dma_wait3A = tpu.memref_slice %arg7[%mul3A_191] : memref<800000xi32, #tpu.memory_space<hbm>> -> memref<128xi32, #tpu.memory_space<hbm>>
          %dma_wait3A_229 = tpu.memref_slice %arg7[%mul3A_191] : memref<800000xi32, #tpu.memory_space<hbm>> -> memref<128xi32, #tpu.memory_space<hbm>>
          tpu.wait_dma2 semaphore(%run_scoped3A : memref<!tpu.dma_semaphore, #tpu.memory_space<semaphore_mem>>) src(%arg37 : memref<128xi32, #tpu.memory_space<vmem>>) dst(%dma_wait3A_229 : memref<128xi32, #tpu.memory_space<hbm>>)
          tpu.yield
        }) : () -> ()
      } else {
      }
      %convert_element_type3A_198 = arith.extui %lt3A_36 : i1 to i32
      %cond3A_199 = arith.constant 0 : i32
      %cond3A_200 = arith.cmpi ne, %convert_element_type3A_198, %cond3A_199 : i32
      scf.if %cond3A_200 {
        %dma_wait3A = arith.constant 0 : i32
        %dma_wait3A_228 = arith.constant 0 : i32
        %dma_wait3A_229 = tpu.memref_slice %arg5[%dma_wait3A, %dma_wait3A_228] : memref<20000x32xf32, #tpu.memory_space<hbm>> -> memref<20000x32xf32, #tpu.memory_space<hbm>>
        tpu.wait_indirect_dma semaphore(%arg44 : memref<!tpu.dma_semaphore, #tpu.memory_space<semaphore_mem>>) src(%dma_wait3A_229 : memref<20000x32xf32, #tpu.memory_space<hbm>>) dst(%arg15 : memref<128x32xf32, #tpu.memory_space<vmem>>)
        %dma_start3A = arith.constant 0 : i32
        %dma_start3A_230 = arith.constant 0 : i32
        %dma_start3A_231 = tpu.memref_slice %arg8[%dma_start3A, %dma_start3A_230] : memref<50048x32xf32, #tpu.memory_space<vmem_shared>> -> memref<50048x32xf32, #tpu.memory_space<vmem_shared>>
        tpu.enqueue_indirect_dma source(%arg15 : memref<128x32xf32, #tpu.memory_space<vmem>>) target(%dma_start3A_231 : memref<50048x32xf32, #tpu.memory_space<vmem_shared>>) offsets(%arg11 : memref<128xi32, #tpu.memory_space<vmem>>) semaphore(%arg40 : memref<!tpu.dma_semaphore, #tpu.memory_space<semaphore_mem>>) {add = true}
      } else {
      }
      %convert_element_type3A_201 = arith.extui %lt3A_39 : i1 to i32
      %cond3A_202 = arith.constant 0 : i32
      %cond3A_203 = arith.cmpi ne, %convert_element_type3A_201, %cond3A_202 : i32
      scf.if %cond3A_203 {
        %dma_wait3A = arith.constant 0 : i32
        %dma_wait3A_228 = arith.constant 0 : i32
        %dma_wait3A_229 = tpu.memref_slice %arg5[%dma_wait3A, %dma_wait3A_228] : memref<20000x32xf32, #tpu.memory_space<hbm>> -> memref<20000x32xf32, #tpu.memory_space<hbm>>
        tpu.wait_indirect_dma semaphore(%arg49 : memref<!tpu.dma_semaphore, #tpu.memory_space<semaphore_mem>>) src(%dma_wait3A_229 : memref<20000x32xf32, #tpu.memory_space<hbm>>) dst(%arg21 : memref<128x32xf32, #tpu.memory_space<vmem>>)
        %dma_start3A = arith.constant 0 : i32
        %dma_start3A_230 = arith.constant 0 : i32
        %dma_start3A_231 = tpu.memref_slice %arg8[%dma_start3A, %dma_start3A_230] : memref<50048x32xf32, #tpu.memory_space<vmem_shared>> -> memref<50048x32xf32, #tpu.memory_space<vmem_shared>>
        tpu.enqueue_indirect_dma source(%arg21 : memref<128x32xf32, #tpu.memory_space<vmem>>) target(%dma_start3A_231 : memref<50048x32xf32, #tpu.memory_space<vmem_shared>>) offsets(%arg17 : memref<128xi32, #tpu.memory_space<vmem>>) semaphore(%arg45 : memref<!tpu.dma_semaphore, #tpu.memory_space<semaphore_mem>>) {add = true}
      } else {
      }
      %convert_element_type3A_204 = arith.extui %lt3A_42 : i1 to i32
      %cond3A_205 = arith.constant 0 : i32
      %cond3A_206 = arith.cmpi ne, %convert_element_type3A_204, %cond3A_205 : i32
      scf.if %cond3A_206 {
        %dma_wait3A = arith.constant 0 : i32
        %dma_wait3A_228 = arith.constant 0 : i32
        %dma_wait3A_229 = tpu.memref_slice %arg5[%dma_wait3A, %dma_wait3A_228] : memref<20000x32xf32, #tpu.memory_space<hbm>> -> memref<20000x32xf32, #tpu.memory_space<hbm>>
        tpu.wait_indirect_dma semaphore(%arg54 : memref<!tpu.dma_semaphore, #tpu.memory_space<semaphore_mem>>) src(%dma_wait3A_229 : memref<20000x32xf32, #tpu.memory_space<hbm>>) dst(%arg27 : memref<128x32xf32, #tpu.memory_space<vmem>>)
        %dma_start3A = arith.constant 0 : i32
        %dma_start3A_230 = arith.constant 0 : i32
        %dma_start3A_231 = tpu.memref_slice %arg8[%dma_start3A, %dma_start3A_230] : memref<50048x32xf32, #tpu.memory_space<vmem_shared>> -> memref<50048x32xf32, #tpu.memory_space<vmem_shared>>
        tpu.enqueue_indirect_dma source(%arg27 : memref<128x32xf32, #tpu.memory_space<vmem>>) target(%dma_start3A_231 : memref<50048x32xf32, #tpu.memory_space<vmem_shared>>) offsets(%arg23 : memref<128xi32, #tpu.memory_space<vmem>>) semaphore(%arg50 : memref<!tpu.dma_semaphore, #tpu.memory_space<semaphore_mem>>) {add = true}
      } else {
      }
      %convert_element_type3A_207 = arith.extui %lt3A_45 : i1 to i32
      %cond3A_208 = arith.constant 0 : i32
      %cond3A_209 = arith.cmpi ne, %convert_element_type3A_207, %cond3A_208 : i32
      scf.if %cond3A_209 {
        %dma_wait3A = arith.constant 0 : i32
        %dma_wait3A_228 = arith.constant 0 : i32
        %dma_wait3A_229 = tpu.memref_slice %arg5[%dma_wait3A, %dma_wait3A_228] : memref<20000x32xf32, #tpu.memory_space<hbm>> -> memref<20000x32xf32, #tpu.memory_space<hbm>>
        tpu.wait_indirect_dma semaphore(%arg59 : memref<!tpu.dma_semaphore, #tpu.memory_space<semaphore_mem>>) src(%dma_wait3A_229 : memref<20000x32xf32, #tpu.memory_space<hbm>>) dst(%arg33 : memref<128x32xf32, #tpu.memory_space<vmem>>)
        %dma_start3A = arith.constant 0 : i32
        %dma_start3A_230 = arith.constant 0 : i32
        %dma_start3A_231 = tpu.memref_slice %arg8[%dma_start3A, %dma_start3A_230] : memref<50048x32xf32, #tpu.memory_space<vmem_shared>> -> memref<50048x32xf32, #tpu.memory_space<vmem_shared>>
        tpu.enqueue_indirect_dma source(%arg33 : memref<128x32xf32, #tpu.memory_space<vmem>>) target(%dma_start3A_231 : memref<50048x32xf32, #tpu.memory_space<vmem_shared>>) offsets(%arg29 : memref<128xi32, #tpu.memory_space<vmem>>) semaphore(%arg55 : memref<!tpu.dma_semaphore, #tpu.memory_space<semaphore_mem>>) {add = true}
      } else {
      }
      %convert_element_type3A_210 = arith.extui %lt3A_48 : i1 to i32
      %cond3A_211 = arith.constant 0 : i32
      %cond3A_212 = arith.cmpi ne, %convert_element_type3A_210, %cond3A_211 : i32
      scf.if %cond3A_212 {
        %dma_wait3A = arith.constant 0 : i32
        %dma_wait3A_228 = arith.constant 0 : i32
        %dma_wait3A_229 = tpu.memref_slice %arg5[%dma_wait3A, %dma_wait3A_228] : memref<20000x32xf32, #tpu.memory_space<hbm>> -> memref<20000x32xf32, #tpu.memory_space<hbm>>
        tpu.wait_indirect_dma semaphore(%arg64 : memref<!tpu.dma_semaphore, #tpu.memory_space<semaphore_mem>>) src(%dma_wait3A_229 : memref<20000x32xf32, #tpu.memory_space<hbm>>) dst(%arg39 : memref<128x32xf32, #tpu.memory_space<vmem>>)
        %dma_start3A = arith.constant 0 : i32
        %dma_start3A_230 = arith.constant 0 : i32
        %dma_start3A_231 = tpu.memref_slice %arg8[%dma_start3A, %dma_start3A_230] : memref<50048x32xf32, #tpu.memory_space<vmem_shared>> -> memref<50048x32xf32, #tpu.memory_space<vmem_shared>>
        tpu.enqueue_indirect_dma source(%arg39 : memref<128x32xf32, #tpu.memory_space<vmem>>) target(%dma_start3A_231 : memref<50048x32xf32, #tpu.memory_space<vmem_shared>>) offsets(%arg35 : memref<128xi32, #tpu.memory_space<vmem>>) semaphore(%arg60 : memref<!tpu.dma_semaphore, #tpu.memory_space<semaphore_mem>>) {add = true}
      } else {
      }
      %convert_element_type3A_213 = arith.extui %lt3A_36 : i1 to i32
      %cond3A_214 = arith.constant 0 : i32
      %cond3A_215 = arith.cmpi ne, %convert_element_type3A_213, %cond3A_214 : i32
      scf.if %cond3A_215 {
        %dma_wait3A = arith.constant 0 : i32
        %dma_wait3A_228 = arith.constant 0 : i32
        %dma_wait3A_229 = tpu.memref_slice %arg8[%dma_wait3A, %dma_wait3A_228] : memref<50048x32xf32, #tpu.memory_space<vmem_shared>> -> memref<50048x32xf32, #tpu.memory_space<vmem_shared>>
        tpu.wait_indirect_dma semaphore(%arg40 : memref<!tpu.dma_semaphore, #tpu.memory_space<semaphore_mem>>) src(%arg15 : memref<128x32xf32, #tpu.memory_space<vmem>>) dst(%dma_wait3A_229 : memref<50048x32xf32, #tpu.memory_space<vmem_shared>>)
      } else {
      }
      %convert_element_type3A_216 = arith.extui %lt3A_39 : i1 to i32
      %cond3A_217 = arith.constant 0 : i32
      %cond3A_218 = arith.cmpi ne, %convert_element_type3A_216, %cond3A_217 : i32
      scf.if %cond3A_218 {
        %dma_wait3A = arith.constant 0 : i32
        %dma_wait3A_228 = arith.constant 0 : i32
        %dma_wait3A_229 = tpu.memref_slice %arg8[%dma_wait3A, %dma_wait3A_228] : memref<50048x32xf32, #tpu.memory_space<vmem_shared>> -> memref<50048x32xf32, #tpu.memory_space<vmem_shared>>
        tpu.wait_indirect_dma semaphore(%arg45 : memref<!tpu.dma_semaphore, #tpu.memory_space<semaphore_mem>>) src(%arg21 : memref<128x32xf32, #tpu.memory_space<vmem>>) dst(%dma_wait3A_229 : memref<50048x32xf32, #tpu.memory_space<vmem_shared>>)
      } else {
      }
      %convert_element_type3A_219 = arith.extui %lt3A_42 : i1 to i32
      %cond3A_220 = arith.constant 0 : i32
      %cond3A_221 = arith.cmpi ne, %convert_element_type3A_219, %cond3A_220 : i32
      scf.if %cond3A_221 {
        %dma_wait3A = arith.constant 0 : i32
        %dma_wait3A_228 = arith.constant 0 : i32
        %dma_wait3A_229 = tpu.memref_slice %arg8[%dma_wait3A, %dma_wait3A_228] : memref<50048x32xf32, #tpu.memory_space<vmem_shared>> -> memref<50048x32xf32, #tpu.memory_space<vmem_shared>>
        tpu.wait_indirect_dma semaphore(%arg50 : memref<!tpu.dma_semaphore, #tpu.memory_space<semaphore_mem>>) src(%arg27 : memref<128x32xf32, #tpu.memory_space<vmem>>) dst(%dma_wait3A_229 : memref<50048x32xf32, #tpu.memory_space<vmem_shared>>)
      } else {
      }
      %convert_element_type3A_222 = arith.extui %lt3A_45 : i1 to i32
      %cond3A_223 = arith.constant 0 : i32
      %cond3A_224 = arith.cmpi ne, %convert_element_type3A_222, %cond3A_223 : i32
      scf.if %cond3A_224 {
        %dma_wait3A = arith.constant 0 : i32
        %dma_wait3A_228 = arith.constant 0 : i32
        %dma_wait3A_229 = tpu.memref_slice %arg8[%dma_wait3A, %dma_wait3A_228] : memref<50048x32xf32, #tpu.memory_space<vmem_shared>> -> memref<50048x32xf32, #tpu.memory_space<vmem_shared>>
        tpu.wait_indirect_dma semaphore(%arg55 : memref<!tpu.dma_semaphore, #tpu.memory_space<semaphore_mem>>) src(%arg33 : memref<128x32xf32, #tpu.memory_space<vmem>>) dst(%dma_wait3A_229 : memref<50048x32xf32, #tpu.memory_space<vmem_shared>>)
      } else {
      }
      %convert_element_type3A_225 = arith.extui %lt3A_48 : i1 to i32
      %cond3A_226 = arith.constant 0 : i32
      %cond3A_227 = arith.cmpi ne, %convert_element_type3A_225, %cond3A_226 : i32
      scf.if %cond3A_227 {
        %dma_wait3A = arith.constant 0 : i32
        %dma_wait3A_228 = arith.constant 0 : i32
        %dma_wait3A_229 = tpu.memref_slice %arg8[%dma_wait3A, %dma_wait3A_228] : memref<50048x32xf32, #tpu.memory_space<vmem_shared>> -> memref<50048x32xf32, #tpu.memory_space<vmem_shared>>
        tpu.wait_indirect_dma semaphore(%arg60 : memref<!tpu.dma_semaphore, #tpu.memory_space<semaphore_mem>>) src(%arg39 : memref<128x32xf32, #tpu.memory_space<vmem>>) dst(%dma_wait3A_229 : memref<50048x32xf32, #tpu.memory_space<vmem_shared>>)
      } else {
      }
    }
    %scan3A_24 = arith.constant 79 : i32
    %barrier3A_25 = arith.constant 0 : index
    tpu.barrier barrier_id(%barrier3A_25)
    %scan3A_26 = arith.constant 0 : i32
    %scan3A_27 = arith.constant 23 : i32
    %scan3A_28 = arith.addi %scan3A_26, %scan3A_27 : i32
    %scan3A_29 = arith.constant 1 : i32
    scf.for %scan3A_31 = %scan3A_26 to %scan3A_28 step %scan3A_29  : i32 {
      %mul3A_32 = arith.constant 3128 : i32
      %mul3A_33 = arith.muli %arg1, %mul3A_32 : i32
      %mul3A_34 = arith.constant 136 : i32
      %mul3A_35 = arith.muli %scan3A_31, %mul3A_34 : i32
      %add3A_36 = arith.addi %mul3A_33, %mul3A_35 : i32
      %mul3A_37 = arith.constant 50048 : i32
      %mul3A_38 = arith.muli %arg0, %mul3A_37 : i32
      %add3A_39 = arith.addi %mul3A_38, %add3A_36 : i32
      "tpu.region"() ({
        %run_scoped3A = tpu.sem_alloc : memref<!tpu.dma_semaphore, #tpu.memory_space<semaphore_mem>>
        %dma_start3A = arith.constant 0 : i32
        %dma_start3A_40 = tpu.memref_slice %arg6[%add3A_39, %dma_start3A] : memref<100096x32xf32, #tpu.memory_space<hbm>> -> memref<136x32xf32, #tpu.memory_space<hbm>>
        %dma_start3A_41 = arith.constant 0 : i32
        %dma_start3A_42 = tpu.memref_slice %arg8[%add3A_36, %dma_start3A_41] : memref<50048x32xf32, #tpu.memory_space<vmem_shared>> -> memref<136x32xf32, #tpu.memory_space<vmem_shared>>
        tpu.enqueue_dma source(%dma_start3A_42 : memref<136x32xf32, #tpu.memory_space<vmem_shared>>) target(%dma_start3A_40 : memref<136x32xf32, #tpu.memory_space<hbm>>) target_semaphore(%run_scoped3A : memref<!tpu.dma_semaphore, #tpu.memory_space<semaphore_mem>>)
        %dma_wait3A = arith.constant 0 : i32
        %dma_wait3A_43 = tpu.memref_slice %arg6[%add3A_39, %dma_wait3A] : memref<100096x32xf32, #tpu.memory_space<hbm>> -> memref<136x32xf32, #tpu.memory_space<hbm>>
        %dma_wait3A_44 = arith.constant 0 : i32
        %dma_wait3A_45 = tpu.memref_slice %arg8[%add3A_36, %dma_wait3A_44] : memref<50048x32xf32, #tpu.memory_space<vmem_shared>> -> memref<136x32xf32, #tpu.memory_space<vmem_shared>>
        tpu.wait_dma2 semaphore(%run_scoped3A : memref<!tpu.dma_semaphore, #tpu.memory_space<semaphore_mem>>) src(%dma_wait3A_45 : memref<136x32xf32, #tpu.memory_space<vmem_shared>>) dst(%dma_wait3A_43 : memref<136x32xf32, #tpu.memory_space<hbm>>)
        tpu.yield
      }) : () -> ()
    }
    %scan3A_30 = arith.constant 23 : i32
    return
  }
}

module attributes {stable_mosaic.version = 14 : i64} {
  func.func @_stage_a_body(%arg0: i32, %arg1: memref<2000x100xf32, #tpu.memory_space<vmem>>, %arg2: memref<100x64xf32, #tpu.memory_space<vmem>>, %arg3: memref<8x250xi32, #tpu.memory_space<vmem>>, %arg4: memref<2x10000x32xf32, #tpu.memory_space<vmem>>) attributes {dimension_semantics = [#tpu.dimension_semantics<arbitrary>], iteration_bounds = array<i64: 25>, scalar_prefetch = 0 : i64, scratch_operands = 0 : i64, tpu.core_type = #tpu.core_type<tc>, window_params = [{transform_indices = @transform_0, window_bounds = array<i64: 2000, 100>}, {pipeline_mode = #tpu.pipeline_mode<synchronous>, transform_indices = @transform_1, window_bounds = array<i64: 100, 64>}, {transform_indices = @transform_2, window_bounds = array<i64: 8, 250>}, {pipeline_mode = #tpu.pipeline_mode<synchronous>, transform_indices = @transform_3, window_bounds = array<i64: 2, 10000, 32>}]} {
    %get3A = arith.constant 0 : index
    %get3A_0 = arith.constant 0 : index
    %get3A_1 = vector.load %arg1[%get3A, %get3A_0] : memref<2000x100xf32, #tpu.memory_space<vmem>>, vector<2000x100xf32>
    %reshape3A = vector.shape_cast %get3A_1 : vector<2000x100xf32> to vector<8x250x100xf32>
    %reduce_max3A = arith.constant dense<0xFF800000> : vector<8x250xf32>
    %reduce_max3A_2 = vector.multi_reduction <maximumf>, %reshape3A, %reduce_max3A [2] : vector<8x250x100xf32> to vector<8x250xf32>
    %broadcast_in_dim3A = vector.shape_cast %reduce_max3A_2 : vector<8x250xf32> to vector<8x250x1xf32>
    %iota3A = tpu.iota {dimensions = array<i32: 2>} : vector<8x250x100xi32>
    %eq3A = vector.broadcast %broadcast_in_dim3A : vector<8x250x1xf32> to vector<8x250x100xf32>
    %eq3A_3 = arith.cmpf oeq, %reshape3A, %eq3A : vector<8x250x100xf32>
    %jit3A = arith.constant 100 : i32
    %broadcast_in_dim3A_4 = vector.broadcast %jit3A : i32 to vector<8x250x100xi32>
    %select_n3A = arith.select %eq3A_3, %iota3A, %broadcast_in_dim3A_4 : vector<8x250x100xi1>, vector<8x250x100xi32>
    %reduce_min3A = arith.constant dense<2147483647> : vector<8x250xi32>
    %reduce_min3A_5 = vector.multi_reduction <minsi>, %select_n3A, %reduce_min3A [2] : vector<8x250x100xi32> to vector<8x250xi32>
    %swap3A = arith.constant 0 : index
    %swap3A_6 = arith.constant 0 : index
    %swap3A_7 = vector.load %arg3[%swap3A, %swap3A_6] : memref<8x250xi32, #tpu.memory_space<vmem>>, vector<8x250xi32>
    tpu.vector_store %arg3[%swap3A, %swap3A_6], %reduce_min3A_5 {strides = array<i32>} : memref<8x250xi32, #tpu.memory_space<vmem>>, vector<8x250xi32>,
    %eq3A_8 = arith.constant 0 : i32
    %eq3A_9 = arith.cmpi eq, %arg0, %eq3A_8 : i32
    %convert_element_type3A = arith.extui %eq3A_9 : i1 to i32
    %cond3A = arith.constant 0 : i32
    %cond3A_10 = arith.cmpi ne, %convert_element_type3A, %cond3A : i32
    scf.if %cond3A_10 {
      %get3A_11 = arith.constant 0 : index
      %get3A_12 = arith.constant 0 : index
      %get3A_13 = vector.load %arg2[%get3A_11, %get3A_12] : memref<100x64xf32, #tpu.memory_space<vmem>>, vector<100x64xf32>
      %broadcast_in_dim3A_14 = vector.shape_cast %get3A_13 : vector<100x64xf32> to vector<100x1x64xf32>
      %mul3A = arith.constant 2.000000e+00 : f32
      %mul3A_15 = vector.broadcast %mul3A : f32 to vector<100x1x64xf32>
      %mul3A_16 = arith.mulf %mul3A_15, %broadcast_in_dim3A_14 : vector<100x1x64xf32>
      %broadcast_in_dim3A_17 = vector.shape_cast %get3A_13 : vector<100x64xf32> to vector<1x100x64xf32>
      %add3A = vector.broadcast %mul3A_16 : vector<100x1x64xf32> to vector<100x100x64xf32>
      %add3A_18 = vector.broadcast %broadcast_in_dim3A_17 : vector<1x100x64xf32> to vector<100x100x64xf32>
      %add3A_19 = arith.addf %add3A, %add3A_18 : vector<100x100x64xf32>
      %max3A = arith.constant 0.000000e+00 : f32
      %max3A_20 = vector.broadcast %max3A : f32 to vector<100x100x64xf32>
      %max3A_21 = arith.maximumf %add3A_19, %max3A_20 : vector<100x100x64xf32>
      %slice3A = vector.extract_strided_slice %max3A_21 {offsets = [0, 0, 0], sizes = [100, 100, 32], strides = [1, 1, 1]} : vector<100x100x64xf32> to vector<100x100x32xf32>
      %reshape3A_22 = vector.shape_cast %slice3A : vector<100x100x32xf32> to vector<10000x32xf32>
      %slice3A_23 = vector.extract_strided_slice %max3A_21 {offsets = [0, 0, 32], sizes = [100, 100, 32], strides = [1, 1, 1]} : vector<100x100x64xf32> to vector<100x100x32xf32>
      %reshape3A_24 = vector.shape_cast %slice3A_23 : vector<100x100x32xf32> to vector<10000x32xf32>
      %stack3A = vector.shape_cast %reshape3A_22 : vector<10000x32xf32> to vector<1x10000x32xf32>
      %stack3A_25 = vector.shape_cast %reshape3A_24 : vector<10000x32xf32> to vector<1x10000x32xf32>
      %stack3A_26 = tpu.concatenate %stack3A, %stack3A_25 in 0 : vector<1x10000x32xf32>, vector<1x10000x32xf32> -> vector<2x10000x32xf32>
      %swap3A_27 = arith.constant 0 : index
      %swap3A_28 = arith.constant 0 : index
      %swap3A_29 = arith.constant 0 : index
      %swap3A_30 = vector.load %arg4[%swap3A_27, %swap3A_28, %swap3A_29] : memref<2x10000x32xf32, #tpu.memory_space<vmem>>, vector<2x10000x32xf32>
      tpu.vector_store %arg4[%swap3A_27, %swap3A_28, %swap3A_29], %stack3A_26 {strides = array<i32>} : memref<2x10000x32xf32, #tpu.memory_space<vmem>>, vector<2x10000x32xf32>,
    } else {
    }
    return
  }
  func.func @transform_0(%arg0: i32) -> (i32, i32) {
    %c0_i32 = arith.constant 0 : i32
    %c0_i32_0 = arith.constant 0 : i32
    return %arg0, %c0_i32 : i32, i32
  }
  func.func @transform_1(%arg0: i32) -> (i32, i32) {
    %c0_i32 = arith.constant 0 : i32
    %c0_i32_0 = arith.constant 0 : i32
    %c0_i32_1 = arith.constant 0 : i32
    return %c0_i32, %c0_i32_0 : i32, i32
  }
  func.func @transform_2(%arg0: i32) -> (i32, i32) {
    %c0_i32 = arith.constant 0 : i32
    %c0_i32_0 = arith.constant 0 : i32
    return %arg0, %c0_i32 : i32, i32
  }
  func.func @transform_3(%arg0: i32) -> (i32, i32, i32) {
    %c0_i32 = arith.constant 0 : i32
    %c0_i32_0 = arith.constant 0 : i32
    %c0_i32_1 = arith.constant 0 : i32
    %c0_i32_2 = arith.constant 0 : i32
    return %c0_i32, %c0_i32_0, %c0_i32_1 : i32, i32, i32
  }
}

module attributes {stable_mosaic.version = 14 : i64} {
  func.func @_c0_body(%arg0: i32, %arg1: memref<8x250xi32, #tpu.memory_space<vmem>>, %arg2: memref<2x2000x32xf32, #tpu.memory_space<vmem>>, %arg3: memref<100x64xf32, #tpu.memory_space<vmem>>, %arg4: memref<2x64x64xf32, #tpu.memory_space<vmem>>, %arg5: memref<2x64xf32, #tpu.memory_space<vmem>>, %arg6: memref<2x64xf32, #tpu.memory_space<vmem>>, %arg7: memref<2x64xf32, #tpu.memory_space<vmem>>, %arg8: memref<2x64x64xf32, #tpu.memory_space<vmem>>, %arg9: memref<2x64xf32, #tpu.memory_space<vmem>>, %arg10: memref<2x64xf32, #tpu.memory_space<vmem>>, %arg11: memref<2x64xf32, #tpu.memory_space<vmem>>, %arg12: memref<2x2000x32xf32, #tpu.memory_space<vmem>>) attributes {dimension_semantics = [#tpu.dimension_semantics<arbitrary>], iteration_bounds = array<i64: 25>, scalar_prefetch = 0 : i64, scratch_operands = 0 : i64, tpu.core_type = #tpu.core_type<tc>, window_params = [{transform_indices = @transform_0, window_bounds = array<i64: 8, 250>}, {transform_indices = @transform_1, window_bounds = array<i64: 2, 2000, 32>}, {pipeline_mode = #tpu.pipeline_mode<synchronous>, transform_indices = @transform_2, window_bounds = array<i64: 100, 64>}, {pipeline_mode = #tpu.pipeline_mode<synchronous>, transform_indices = @transform_3, window_bounds = array<i64: 2, 64, 64>}, {pipeline_mode = #tpu.pipeline_mode<synchronous>, transform_indices = @transform_4, window_bounds = array<i64: 2, 64>}, {pipeline_mode = #tpu.pipeline_mode<synchronous>, transform_indices = @transform_5, window_bounds = array<i64: 2, 64>}, {pipeline_mode = #tpu.pipeline_mode<synchronous>, transform_indices = @transform_6, window_bounds = array<i64: 2, 64>}, {pipeline_mode = #tpu.pipeline_mode<synchronous>, transform_indices = @transform_7, window_bounds = array<i64: 2, 64, 64>}, {pipeline_mode = #tpu.pipeline_mode<synchronous>, transform_indices = @transform_8, window_bounds = array<i64: 2, 64>}, {pipeline_mode = #tpu.pipeline_mode<synchronous>, transform_indices = @transform_9, window_bounds = array<i64: 2, 64>}, {pipeline_mode = #tpu.pipeline_mode<synchronous>, transform_indices = @transform_10, window_bounds = array<i64: 2, 64>}, {transform_indices = @transform_11, window_bounds = array<i64: 2, 2000, 32>}]} {
    %get3A = arith.constant 0 : index
    %get3A_0 = arith.constant 0 : index
    %get3A_1 = vector.load %arg1[%get3A, %get3A_0] : memref<8x250xi32, #tpu.memory_space<vmem>>, vector<8x250xi32>
    %get3A_2 = arith.constant 0 : index
    %get3A_3 = arith.constant 0 : index
    %get3A_4 = vector.load %arg3[%get3A_2, %get3A_3] : memref<100x64xf32, #tpu.memory_space<vmem>>, vector<100x64xf32>
    %broadcast_in_dim3A = vector.shape_cast %get3A_1 : vector<8x250xi32> to vector<8x250x1xi32>
    %iota3A = tpu.iota {dimensions = array<i32: 2>} : vector<8x250x100xi32>
    %eq3A = vector.broadcast %broadcast_in_dim3A : vector<8x250x1xi32> to vector<8x250x100xi32>
    %eq3A_5 = arith.cmpi eq, %eq3A, %iota3A : vector<8x250x100xi32>
    %reshape3A = vector.shape_cast %eq3A_5 : vector<8x250x100xi1> to vector<2000x100xi1>
    %convert_element_type3A = arith.extui %reshape3A : vector<2000x100xi1> to vector<2000x100xi32>
    %convert_element_type3A_6 = arith.sitofp %convert_element_type3A : vector<2000x100xi32> to vector<2000x100xf32>
    %dot_general3A = arith.constant dense<0.000000e+00> : vector<2000x64xf32>
    %dot_general3A_7 = tpu.matmul %convert_element_type3A_6, %get3A_4, %dot_general3A {dimension_numbers = #tpu.dot_dimension_numbers<[1], [0], [0], [1], [0, 0, 1, 1], [], []>, transpose_lhs_hint = false} : vector<2000x100xf32>, vector<100x64xf32>, vector<2000x64xf32> -> vector<2000x64xf32>
    %get3A_8 = arith.constant 0 : index
    %get3A_9 = arith.constant 0 : index
    %get3A_10 = arith.constant 0 : index
    %get3A_11 = vector.load %arg2[%get3A_8, %get3A_9, %get3A_10] : memref<2x2000x32xf32, #tpu.memory_space<vmem>>, vector<2x2000x32xf32>
    %slice3A = vector.extract_strided_slice %get3A_11 {offsets = [0, 0, 0], sizes = [1, 2000, 32], strides = [1, 1, 1]} : vector<2x2000x32xf32> to vector<1x2000x32xf32>
    %squeeze3A = vector.shape_cast %slice3A : vector<1x2000x32xf32> to vector<2000x32xf32>
    %slice3A_12 = vector.extract_strided_slice %get3A_11 {offsets = [1, 0, 0], sizes = [1, 2000, 32], strides = [1, 1, 1]} : vector<2x2000x32xf32> to vector<1x2000x32xf32>
    %squeeze3A_13 = vector.shape_cast %slice3A_12 : vector<1x2000x32xf32> to vector<2000x32xf32>
    %concatenate3A = tpu.concatenate %squeeze3A, %squeeze3A_13 in 1 : vector<2000x32xf32>, vector<2000x32xf32> -> vector<2000x64xf32>
    %add3A = arith.addf %dot_general3A_7, %concatenate3A : vector<2000x64xf32>
    %get3A_14 = arith.constant 0 : index
    %get3A_15 = arith.constant 0 : index
    %get3A_16 = arith.constant 0 : index
    %get3A_17 = vector.load %arg4[%get3A_14, %get3A_15, %get3A_16] : memref<2x64x64xf32, #tpu.memory_space<vmem>>, vector<2x64x64xf32>
    %get3A_18 = arith.constant 0 : index
    %get3A_19 = arith.constant 0 : index
    %get3A_20 = vector.load %arg5[%get3A_18, %get3A_19] : memref<2x64xf32, #tpu.memory_space<vmem>>, vector<2x64xf32>
    %get3A_21 = arith.constant 0 : index
    %get3A_22 = arith.constant 0 : index
    %get3A_23 = vector.load %arg6[%get3A_21, %get3A_22] : memref<2x64xf32, #tpu.memory_space<vmem>>, vector<2x64xf32>
    %get3A_24 = arith.constant 0 : index
    %get3A_25 = arith.constant 0 : index
    %get3A_26 = vector.load %arg7[%get3A_24, %get3A_25] : memref<2x64xf32, #tpu.memory_space<vmem>>, vector<2x64xf32>
    %get3A_27 = arith.constant 0 : index
    %get3A_28 = arith.constant 0 : index
    %get3A_29 = arith.constant 0 : index
    %get3A_30 = vector.load %arg8[%get3A_27, %get3A_28, %get3A_29] : memref<2x64x64xf32, #tpu.memory_space<vmem>>, vector<2x64x64xf32>
    %get3A_31 = arith.constant 0 : index
    %get3A_32 = arith.constant 0 : index
    %get3A_33 = vector.load %arg9[%get3A_31, %get3A_32] : memref<2x64xf32, #tpu.memory_space<vmem>>, vector<2x64xf32>
    %get3A_34 = arith.constant 0 : index
    %get3A_35 = arith.constant 0 : index
    %get3A_36 = vector.load %arg10[%get3A_34, %get3A_35] : memref<2x64xf32, #tpu.memory_space<vmem>>, vector<2x64xf32>
    %get3A_37 = arith.constant 0 : index
    %get3A_38 = arith.constant 0 : index
    %get3A_39 = vector.load %arg11[%get3A_37, %get3A_38] : memref<2x64xf32, #tpu.memory_space<vmem>>, vector<2x64xf32>
    %sqrt3A = arith.constant 1.000010e+00 : f32
    %sqrt3A_40 = math.sqrt %sqrt3A : f32
    %div3A = arith.constant 1.000000e+00 : f32
    %div3A_41 = arith.divf %div3A, %sqrt3A_40 : f32
    %slice3A_42 = vector.extract_strided_slice %get3A_17 {offsets = [0, 0, 0], sizes = [1, 64, 64], strides = [1, 1, 1]} : vector<2x64x64xf32> to vector<1x64x64xf32>
    %squeeze3A_43 = vector.shape_cast %slice3A_42 : vector<1x64x64xf32> to vector<64x64xf32>
    %dot_general3A_44 = arith.constant dense<0.000000e+00> : vector<2000x64xf32>
    %dot_general3A_45 = tpu.matmul %add3A, %squeeze3A_43, %dot_general3A_44 {dimension_numbers = #tpu.dot_dimension_numbers<[1], [0], [0], [1], [0, 0, 1, 1], [], []>, transpose_lhs_hint = false} : vector<2000x64xf32>, vector<64x64xf32>, vector<2000x64xf32> -> vector<2000x64xf32>
    %slice3A_46 = vector.extract_strided_slice %get3A_20 {offsets = [0, 0], sizes = [1, 64], strides = [1, 1]} : vector<2x64xf32> to vector<1x64xf32>
    %squeeze3A_47 = vector.shape_cast %slice3A_46 : vector<1x64xf32> to vector<64xf32>
    %broadcast_in_dim3A_48 = vector.shape_cast %squeeze3A_47 : vector<64xf32> to vector<1x64xf32>
    %add3A_49 = vector.broadcast %broadcast_in_dim3A_48 : vector<1x64xf32> to vector<2000x64xf32>
    %add3A_50 = arith.addf %dot_general3A_45, %add3A_49 : vector<2000x64xf32>
    %mul3A = vector.broadcast %div3A_41 : f32 to vector<2000x64xf32>
    %mul3A_51 = arith.mulf %add3A_50, %mul3A : vector<2000x64xf32>
    %slice3A_52 = vector.extract_strided_slice %get3A_23 {offsets = [0, 0], sizes = [1, 64], strides = [1, 1]} : vector<2x64xf32> to vector<1x64xf32>
    %squeeze3A_53 = vector.shape_cast %slice3A_52 : vector<1x64xf32> to vector<64xf32>
    %broadcast_in_dim3A_54 = vector.shape_cast %squeeze3A_53 : vector<64xf32> to vector<1x64xf32>
    %mul3A_55 = vector.broadcast %broadcast_in_dim3A_54 : vector<1x64xf32> to vector<2000x64xf32>
    %mul3A_56 = arith.mulf %mul3A_51, %mul3A_55 : vector<2000x64xf32>
    %slice3A_57 = vector.extract_strided_slice %get3A_26 {offsets = [0, 0], sizes = [1, 64], strides = [1, 1]} : vector<2x64xf32> to vector<1x64xf32>
    %squeeze3A_58 = vector.shape_cast %slice3A_57 : vector<1x64xf32> to vector<64xf32>
    %broadcast_in_dim3A_59 = vector.shape_cast %squeeze3A_58 : vector<64xf32> to vector<1x64xf32>
    %add3A_60 = vector.broadcast %broadcast_in_dim3A_59 : vector<1x64xf32> to vector<2000x64xf32>
    %add3A_61 = arith.addf %mul3A_56, %add3A_60 : vector<2000x64xf32>
    %max3A = arith.constant 0.000000e+00 : f32
    %max3A_62 = vector.broadcast %max3A : f32 to vector<2000x64xf32>
    %max3A_63 = arith.maximumf %add3A_61, %max3A_62 : vector<2000x64xf32>
    %slice3A_64 = vector.extract_strided_slice %get3A_30 {offsets = [0, 0, 0], sizes = [1, 64, 64], strides = [1, 1, 1]} : vector<2x64x64xf32> to vector<1x64x64xf32>
    %squeeze3A_65 = vector.shape_cast %slice3A_64 : vector<1x64x64xf32> to vector<64x64xf32>
    %dot_general3A_66 = arith.constant dense<0.000000e+00> : vector<2000x64xf32>
    %dot_general3A_67 = tpu.matmul %max3A_63, %squeeze3A_65, %dot_general3A_66 {dimension_numbers = #tpu.dot_dimension_numbers<[1], [0], [0], [1], [0, 0, 1, 1], [], []>, transpose_lhs_hint = false} : vector<2000x64xf32>, vector<64x64xf32>, vector<2000x64xf32> -> vector<2000x64xf32>
    %slice3A_68 = vector.extract_strided_slice %get3A_33 {offsets = [0, 0], sizes = [1, 64], strides = [1, 1]} : vector<2x64xf32> to vector<1x64xf32>
    %squeeze3A_69 = vector.shape_cast %slice3A_68 : vector<1x64xf32> to vector<64xf32>
    %broadcast_in_dim3A_70 = vector.shape_cast %squeeze3A_69 : vector<64xf32> to vector<1x64xf32>
    %add3A_71 = vector.broadcast %broadcast_in_dim3A_70 : vector<1x64xf32> to vector<2000x64xf32>
    %add3A_72 = arith.addf %dot_general3A_67, %add3A_71 : vector<2000x64xf32>
    %mul3A_73 = vector.broadcast %div3A_41 : f32 to vector<2000x64xf32>
    %mul3A_74 = arith.mulf %add3A_72, %mul3A_73 : vector<2000x64xf32>
    %slice3A_75 = vector.extract_strided_slice %get3A_36 {offsets = [0, 0], sizes = [1, 64], strides = [1, 1]} : vector<2x64xf32> to vector<1x64xf32>
    %squeeze3A_76 = vector.shape_cast %slice3A_75 : vector<1x64xf32> to vector<64xf32>
    %broadcast_in_dim3A_77 = vector.shape_cast %squeeze3A_76 : vector<64xf32> to vector<1x64xf32>
    %mul3A_78 = vector.broadcast %broadcast_in_dim3A_77 : vector<1x64xf32> to vector<2000x64xf32>
    %mul3A_79 = arith.mulf %mul3A_74, %mul3A_78 : vector<2000x64xf32>
    %slice3A_80 = vector.extract_strided_slice %get3A_39 {offsets = [0, 0], sizes = [1, 64], strides = [1, 1]} : vector<2x64xf32> to vector<1x64xf32>
    %squeeze3A_81 = vector.shape_cast %slice3A_80 : vector<1x64xf32> to vector<64xf32>
    %broadcast_in_dim3A_82 = vector.shape_cast %squeeze3A_81 : vector<64xf32> to vector<1x64xf32>
    %add3A_83 = vector.broadcast %broadcast_in_dim3A_82 : vector<1x64xf32> to vector<2000x64xf32>
    %add3A_84 = arith.addf %mul3A_79, %add3A_83 : vector<2000x64xf32>
    %max3A_85 = arith.constant 0.000000e+00 : f32
    %max3A_86 = vector.broadcast %max3A_85 : f32 to vector<2000x64xf32>
    %max3A_87 = arith.maximumf %add3A_84, %max3A_86 : vector<2000x64xf32>
    %add3A_88 = arith.addf %max3A_87, %dot_general3A_7 : vector<2000x64xf32>
    %slice3A_89 = vector.extract_strided_slice %add3A_88 {offsets = [0, 0], sizes = [2000, 32], strides = [1, 1]} : vector<2000x64xf32> to vector<2000x32xf32>
    %slice3A_90 = vector.extract_strided_slice %add3A_88 {offsets = [0, 32], sizes = [2000, 32], strides = [1, 1]} : vector<2000x64xf32> to vector<2000x32xf32>
    %stack3A = vector.shape_cast %slice3A_89 : vector<2000x32xf32> to vector<1x2000x32xf32>
    %stack3A_91 = vector.shape_cast %slice3A_90 : vector<2000x32xf32> to vector<1x2000x32xf32>
    %stack3A_92 = tpu.concatenate %stack3A, %stack3A_91 in 0 : vector<1x2000x32xf32>, vector<1x2000x32xf32> -> vector<2x2000x32xf32>
    %swap3A = arith.constant 0 : index
    %swap3A_93 = arith.constant 0 : index
    %swap3A_94 = arith.constant 0 : index
    %swap3A_95 = vector.load %arg12[%swap3A, %swap3A_93, %swap3A_94] : memref<2x2000x32xf32, #tpu.memory_space<vmem>>, vector<2x2000x32xf32>
    tpu.vector_store %arg12[%swap3A, %swap3A_93, %swap3A_94], %stack3A_92 {strides = array<i32>} : memref<2x2000x32xf32, #tpu.memory_space<vmem>>, vector<2x2000x32xf32>,
    return
  }
  func.func @transform_0(%arg0: i32) -> (i32, i32) {
    %c0_i32 = arith.constant 0 : i32
    %c0_i32_0 = arith.constant 0 : i32
    return %arg0, %c0_i32 : i32, i32
  }
  func.func @transform_1(%arg0: i32) -> (i32, i32, i32) {
    %c0_i32 = arith.constant 0 : i32
    %c0_i32_0 = arith.constant 0 : i32
    %c0_i32_1 = arith.constant 0 : i32
    return %c0_i32, %arg0, %c0_i32_0 : i32, i32, i32
  }
  func.func @transform_2(%arg0: i32) -> (i32, i32) {
    %c0_i32 = arith.constant 0 : i32
    %c0_i32_0 = arith.constant 0 : i32
    %c0_i32_1 = arith.constant 0 : i32
    return %c0_i32, %c0_i32_0 : i32, i32
  }
  func.func @transform_3(%arg0: i32) -> (i32, i32, i32) {
    %c0_i32 = arith.constant 0 : i32
    %c0_i32_0 = arith.constant 0 : i32
    %c0_i32_1 = arith.constant 0 : i32
    %c0_i32_2 = arith.constant 0 : i32
    return %c0_i32, %c0_i32_0, %c0_i32_1 : i32, i32, i32
  }
  func.func @transform_4(%arg0: i32) -> (i32, i32) {
    %c0_i32 = arith.constant 0 : i32
    %c0_i32_0 = arith.constant 0 : i32
    %c0_i32_1 = arith.constant 0 : i32
    return %c0_i32, %c0_i32_0 : i32, i32
  }
  func.func @transform_5(%arg0: i32) -> (i32, i32) {
    %c0_i32 = arith.constant 0 : i32
    %c0_i32_0 = arith.constant 0 : i32
    %c0_i32_1 = arith.constant 0 : i32
    return %c0_i32, %c0_i32_0 : i32, i32
  }
  func.func @transform_6(%arg0: i32) -> (i32, i32) {
    %c0_i32 = arith.constant 0 : i32
    %c0_i32_0 = arith.constant 0 : i32
    %c0_i32_1 = arith.constant 0 : i32
    return %c0_i32, %c0_i32_0 : i32, i32
  }
  func.func @transform_7(%arg0: i32) -> (i32, i32, i32) {
    %c0_i32 = arith.constant 0 : i32
    %c0_i32_0 = arith.constant 0 : i32
    %c0_i32_1 = arith.constant 0 : i32
    %c0_i32_2 = arith.constant 0 : i32
    return %c0_i32, %c0_i32_0, %c0_i32_1 : i32, i32, i32
  }
  func.func @transform_8(%arg0: i32) -> (i32, i32) {
    %c0_i32 = arith.constant 0 : i32
    %c0_i32_0 = arith.constant 0 : i32
    %c0_i32_1 = arith.constant 0 : i32
    return %c0_i32, %c0_i32_0 : i32, i32
  }
  func.func @transform_9(%arg0: i32) -> (i32, i32) {
    %c0_i32 = arith.constant 0 : i32
    %c0_i32_0 = arith.constant 0 : i32
    %c0_i32_1 = arith.constant 0 : i32
    return %c0_i32, %c0_i32_0 : i32, i32
  }
  func.func @transform_10(%arg0: i32) -> (i32, i32) {
    %c0_i32 = arith.constant 0 : i32
    %c0_i32_0 = arith.constant 0 : i32
    %c0_i32_1 = arith.constant 0 : i32
    return %c0_i32, %c0_i32_0 : i32, i32
  }
  func.func @transform_11(%arg0: i32) -> (i32, i32, i32) {
    %c0_i32 = arith.constant 0 : i32
    %c0_i32_0 = arith.constant 0 : i32
    %c0_i32_1 = arith.constant 0 : i32
    return %c0_i32, %arg0, %c0_i32_0 : i32, i32, i32
  }
}

module attributes {stable_mosaic.version = 14 : i64} {
  func.func @_c1_body(%arg0: i32, %arg1: memref<8x250xi32, #tpu.memory_space<vmem>>, %arg2: memref<2x2000x32xf32, #tpu.memory_space<vmem>>, %arg3: memref<2x2000x32xf32, #tpu.memory_space<vmem>>, %arg4: memref<8x250xi32, #tpu.memory_space<vmem>>, %arg5: memref<100x64xf32, #tpu.memory_space<vmem>>, %arg6: memref<2x64x64xf32, #tpu.memory_space<vmem>>, %arg7: memref<2x64xf32, #tpu.memory_space<vmem>>, %arg8: memref<2x64xf32, #tpu.memory_space<vmem>>, %arg9: memref<2x64xf32, #tpu.memory_space<vmem>>, %arg10: memref<2x64x64xf32, #tpu.memory_space<vmem>>, %arg11: memref<2x64xf32, #tpu.memory_space<vmem>>, %arg12: memref<2x64xf32, #tpu.memory_space<vmem>>, %arg13: memref<2x64xf32, #tpu.memory_space<vmem>>, %arg14: memref<64x64xf32, #tpu.memory_space<vmem>>, %arg15: memref<1x64xf32, #tpu.memory_space<vmem>>, %arg16: memref<64x10xf32, #tpu.memory_space<vmem>>, %arg17: memref<1x10xf32, #tpu.memory_space<vmem>>, %arg18: memref<128x10xf32, #tpu.memory_space<vmem>>, %arg19: memref<128x64xf32, #tpu.memory_space<vmem>>) attributes {dimension_semantics = [#tpu.dimension_semantics<arbitrary>], iteration_bounds = array<i64: 25>, scalar_prefetch = 0 : i64, scratch_operands = 1 : i64, tpu.core_type = #tpu.core_type<tc>, window_params = [{transform_indices = @transform_0, window_bounds = array<i64: 8, 250>}, {transform_indices = @transform_1, window_bounds = array<i64: 2, 2000, 32>}, {transform_indices = @transform_2, window_bounds = array<i64: 2, 2000, 32>}, {transform_indices = @transform_3, window_bounds = array<i64: 8, 250>}, {pipeline_mode = #tpu.pipeline_mode<synchronous>, transform_indices = @transform_4, window_bounds = array<i64: 100, 64>}, {pipeline_mode = #tpu.pipeline_mode<synchronous>, transform_indices = @transform_5, window_bounds = array<i64: 2, 64, 64>}, {pipeline_mode = #tpu.pipeline_mode<synchronous>, transform_indices = @transform_6, window_bounds = array<i64: 2, 64>}, {pipeline_mode = #tpu.pipeline_mode<synchronous>, transform_indices = @transform_7, window_bounds = array<i64: 2, 64>}, {pipeline_mode = #tpu.pipeline_mode<synchronous>, transform_indices = @transform_8, window_bounds = array<i64: 2, 64>}, {pipeline_mode = #tpu.pipeline_mode<synchronous>, transform_indices = @transform_9, window_bounds = array<i64: 2, 64, 64>}, {pipeline_mode = #tpu.pipeline_mode<synchronous>, transform_indices = @transform_10, window_bounds = array<i64: 2, 64>}, {pipeline_mode = #tpu.pipeline_mode<synchronous>, transform_indices = @transform_11, window_bounds = array<i64: 2, 64>}, {pipeline_mode = #tpu.pipeline_mode<synchronous>, transform_indices = @transform_12, window_bounds = array<i64: 2, 64>}, {pipeline_mode = #tpu.pipeline_mode<synchronous>, transform_indices = @transform_13, window_bounds = array<i64: 64, 64>}, {pipeline_mode = #tpu.pipeline_mode<synchronous>, transform_indices = @transform_14, window_bounds = array<i64: 1, 64>}, {pipeline_mode = #tpu.pipeline_mode<synchronous>, transform_indices = @transform_15, window_bounds = array<i64: 64, 10>}, {pipeline_mode = #tpu.pipeline_mode<synchronous>, transform_indices = @transform_16, window_bounds = array<i64: 1, 10>}, {pipeline_mode = #tpu.pipeline_mode<synchronous>, transform_indices = @transform_17, window_bounds = array<i64: 128, 10>}]} {
    %get3A = arith.constant 0 : index
    %get3A_0 = arith.constant 0 : index
    %get3A_1 = vector.load %arg1[%get3A, %get3A_0] : memref<8x250xi32, #tpu.memory_space<vmem>>, vector<8x250xi32>
    %get3A_2 = arith.constant 0 : index
    %get3A_3 = arith.constant 0 : index
    %get3A_4 = vector.load %arg5[%get3A_2, %get3A_3] : memref<100x64xf32, #tpu.memory_space<vmem>>, vector<100x64xf32>
    %broadcast_in_dim3A = vector.shape_cast %get3A_1 : vector<8x250xi32> to vector<8x250x1xi32>
    %iota3A = tpu.iota {dimensions = array<i32: 2>} : vector<8x250x100xi32>
    %eq3A = vector.broadcast %broadcast_in_dim3A : vector<8x250x1xi32> to vector<8x250x100xi32>
    %eq3A_5 = arith.cmpi eq, %eq3A, %iota3A : vector<8x250x100xi32>
    %reshape3A = vector.shape_cast %eq3A_5 : vector<8x250x100xi1> to vector<2000x100xi1>
    %convert_element_type3A = arith.extui %reshape3A : vector<2000x100xi1> to vector<2000x100xi32>
    %convert_element_type3A_6 = arith.sitofp %convert_element_type3A : vector<2000x100xi32> to vector<2000x100xf32>
    %dot_general3A = arith.constant dense<0.000000e+00> : vector<2000x64xf32>
    %dot_general3A_7 = tpu.matmul %convert_element_type3A_6, %get3A_4, %dot_general3A {dimension_numbers = #tpu.dot_dimension_numbers<[1], [0], [0], [1], [0, 0, 1, 1], [], []>, transpose_lhs_hint = false} : vector<2000x100xf32>, vector<100x64xf32>, vector<2000x64xf32> -> vector<2000x64xf32>
    %get3A_8 = arith.constant 0 : index
    %get3A_9 = arith.constant 0 : index
    %get3A_10 = arith.constant 0 : index
    %get3A_11 = vector.load %arg2[%get3A_8, %get3A_9, %get3A_10] : memref<2x2000x32xf32, #tpu.memory_space<vmem>>, vector<2x2000x32xf32>
    %slice3A = vector.extract_strided_slice %get3A_11 {offsets = [0, 0, 0], sizes = [1, 2000, 32], strides = [1, 1, 1]} : vector<2x2000x32xf32> to vector<1x2000x32xf32>
    %squeeze3A = vector.shape_cast %slice3A : vector<1x2000x32xf32> to vector<2000x32xf32>
    %slice3A_12 = vector.extract_strided_slice %get3A_11 {offsets = [1, 0, 0], sizes = [1, 2000, 32], strides = [1, 1, 1]} : vector<2x2000x32xf32> to vector<1x2000x32xf32>
    %squeeze3A_13 = vector.shape_cast %slice3A_12 : vector<1x2000x32xf32> to vector<2000x32xf32>
    %concatenate3A = tpu.concatenate %squeeze3A, %squeeze3A_13 in 1 : vector<2000x32xf32>, vector<2000x32xf32> -> vector<2000x64xf32>
    %sub3A = arith.subf %concatenate3A, %dot_general3A_7 : vector<2000x64xf32>
    %get3A_14 = arith.constant 0 : index
    %get3A_15 = arith.constant 0 : index
    %get3A_16 = arith.constant 0 : index
    %get3A_17 = vector.load %arg3[%get3A_14, %get3A_15, %get3A_16] : memref<2x2000x32xf32, #tpu.memory_space<vmem>>, vector<2x2000x32xf32>
    %slice3A_18 = vector.extract_strided_slice %get3A_17 {offsets = [0, 0, 0], sizes = [1, 2000, 32], strides = [1, 1, 1]} : vector<2x2000x32xf32> to vector<1x2000x32xf32>
    %squeeze3A_19 = vector.shape_cast %slice3A_18 : vector<1x2000x32xf32> to vector<2000x32xf32>
    %slice3A_20 = vector.extract_strided_slice %get3A_17 {offsets = [1, 0, 0], sizes = [1, 2000, 32], strides = [1, 1, 1]} : vector<2x2000x32xf32> to vector<1x2000x32xf32>
    %squeeze3A_21 = vector.shape_cast %slice3A_20 : vector<1x2000x32xf32> to vector<2000x32xf32>
    %concatenate3A_22 = tpu.concatenate %squeeze3A_19, %squeeze3A_21 in 1 : vector<2000x32xf32>, vector<2000x32xf32> -> vector<2000x64xf32>
    %add3A = arith.addf %sub3A, %concatenate3A_22 : vector<2000x64xf32>
    %get3A_23 = arith.constant 0 : index
    %get3A_24 = arith.constant 0 : index
    %get3A_25 = arith.constant 0 : index
    %get3A_26 = vector.load %arg6[%get3A_23, %get3A_24, %get3A_25] : memref<2x64x64xf32, #tpu.memory_space<vmem>>, vector<2x64x64xf32>
    %get3A_27 = arith.constant 0 : index
    %get3A_28 = arith.constant 0 : index
    %get3A_29 = vector.load %arg7[%get3A_27, %get3A_28] : memref<2x64xf32, #tpu.memory_space<vmem>>, vector<2x64xf32>
    %get3A_30 = arith.constant 0 : index
    %get3A_31 = arith.constant 0 : index
    %get3A_32 = vector.load %arg8[%get3A_30, %get3A_31] : memref<2x64xf32, #tpu.memory_space<vmem>>, vector<2x64xf32>
    %get3A_33 = arith.constant 0 : index
    %get3A_34 = arith.constant 0 : index
    %get3A_35 = vector.load %arg9[%get3A_33, %get3A_34] : memref<2x64xf32, #tpu.memory_space<vmem>>, vector<2x64xf32>
    %get3A_36 = arith.constant 0 : index
    %get3A_37 = arith.constant 0 : index
    %get3A_38 = arith.constant 0 : index
    %get3A_39 = vector.load %arg10[%get3A_36, %get3A_37, %get3A_38] : memref<2x64x64xf32, #tpu.memory_space<vmem>>, vector<2x64x64xf32>
    %get3A_40 = arith.constant 0 : index
    %get3A_41 = arith.constant 0 : index
    %get3A_42 = vector.load %arg11[%get3A_40, %get3A_41] : memref<2x64xf32, #tpu.memory_space<vmem>>, vector<2x64xf32>
    %get3A_43 = arith.constant 0 : index
    %get3A_44 = arith.constant 0 : index
    %get3A_45 = vector.load %arg12[%get3A_43, %get3A_44] : memref<2x64xf32, #tpu.memory_space<vmem>>, vector<2x64xf32>
    %get3A_46 = arith.constant 0 : index
    %get3A_47 = arith.constant 0 : index
    %get3A_48 = vector.load %arg13[%get3A_46, %get3A_47] : memref<2x64xf32, #tpu.memory_space<vmem>>, vector<2x64xf32>
    %sqrt3A = arith.constant 1.000010e+00 : f32
    %sqrt3A_49 = math.sqrt %sqrt3A : f32
    %div3A = arith.constant 1.000000e+00 : f32
    %div3A_50 = arith.divf %div3A, %sqrt3A_49 : f32
    %slice3A_51 = vector.extract_strided_slice %get3A_26 {offsets = [1, 0, 0], sizes = [1, 64, 64], strides = [1, 1, 1]} : vector<2x64x64xf32> to vector<1x64x64xf32>
    %squeeze3A_52 = vector.shape_cast %slice3A_51 : vector<1x64x64xf32> to vector<64x64xf32>
    %dot_general3A_53 = arith.constant dense<0.000000e+00> : vector<2000x64xf32>
    %dot_general3A_54 = tpu.matmul %add3A, %squeeze3A_52, %dot_general3A_53 {dimension_numbers = #tpu.dot_dimension_numbers<[1], [0], [0], [1], [0, 0, 1, 1], [], []>, transpose_lhs_hint = false} : vector<2000x64xf32>, vector<64x64xf32>, vector<2000x64xf32> -> vector<2000x64xf32>
    %slice3A_55 = vector.extract_strided_slice %get3A_29 {offsets = [1, 0], sizes = [1, 64], strides = [1, 1]} : vector<2x64xf32> to vector<1x64xf32>
    %squeeze3A_56 = vector.shape_cast %slice3A_55 : vector<1x64xf32> to vector<64xf32>
    %broadcast_in_dim3A_57 = vector.shape_cast %squeeze3A_56 : vector<64xf32> to vector<1x64xf32>
    %add3A_58 = vector.broadcast %broadcast_in_dim3A_57 : vector<1x64xf32> to vector<2000x64xf32>
    %add3A_59 = arith.addf %dot_general3A_54, %add3A_58 : vector<2000x64xf32>
    %mul3A = vector.broadcast %div3A_50 : f32 to vector<2000x64xf32>
    %mul3A_60 = arith.mulf %add3A_59, %mul3A : vector<2000x64xf32>
    %slice3A_61 = vector.extract_strided_slice %get3A_32 {offsets = [1, 0], sizes = [1, 64], strides = [1, 1]} : vector<2x64xf32> to vector<1x64xf32>
    %squeeze3A_62 = vector.shape_cast %slice3A_61 : vector<1x64xf32> to vector<64xf32>
    %broadcast_in_dim3A_63 = vector.shape_cast %squeeze3A_62 : vector<64xf32> to vector<1x64xf32>
    %mul3A_64 = vector.broadcast %broadcast_in_dim3A_63 : vector<1x64xf32> to vector<2000x64xf32>
    %mul3A_65 = arith.mulf %mul3A_60, %mul3A_64 : vector<2000x64xf32>
    %slice3A_66 = vector.extract_strided_slice %get3A_35 {offsets = [1, 0], sizes = [1, 64], strides = [1, 1]} : vector<2x64xf32> to vector<1x64xf32>
    %squeeze3A_67 = vector.shape_cast %slice3A_66 : vector<1x64xf32> to vector<64xf32>
    %broadcast_in_dim3A_68 = vector.shape_cast %squeeze3A_67 : vector<64xf32> to vector<1x64xf32>
    %add3A_69 = vector.broadcast %broadcast_in_dim3A_68 : vector<1x64xf32> to vector<2000x64xf32>
    %add3A_70 = arith.addf %mul3A_65, %add3A_69 : vector<2000x64xf32>
    %max3A = arith.constant 0.000000e+00 : f32
    %max3A_71 = vector.broadcast %max3A : f32 to vector<2000x64xf32>
    %max3A_72 = arith.maximumf %add3A_70, %max3A_71 : vector<2000x64xf32>
    %slice3A_73 = vector.extract_strided_slice %get3A_39 {offsets = [1, 0, 0], sizes = [1, 64, 64], strides = [1, 1, 1]} : vector<2x64x64xf32> to vector<1x64x64xf32>
    %squeeze3A_74 = vector.shape_cast %slice3A_73 : vector<1x64x64xf32> to vector<64x64xf32>
    %dot_general3A_75 = arith.constant dense<0.000000e+00> : vector<2000x64xf32>
    %dot_general3A_76 = tpu.matmul %max3A_72, %squeeze3A_74, %dot_general3A_75 {dimension_numbers = #tpu.dot_dimension_numbers<[1], [0], [0], [1], [0, 0, 1, 1], [], []>, transpose_lhs_hint = false} : vector<2000x64xf32>, vector<64x64xf32>, vector<2000x64xf32> -> vector<2000x64xf32>
    %slice3A_77 = vector.extract_strided_slice %get3A_42 {offsets = [1, 0], sizes = [1, 64], strides = [1, 1]} : vector<2x64xf32> to vector<1x64xf32>
    %squeeze3A_78 = vector.shape_cast %slice3A_77 : vector<1x64xf32> to vector<64xf32>
    %broadcast_in_dim3A_79 = vector.shape_cast %squeeze3A_78 : vector<64xf32> to vector<1x64xf32>
    %add3A_80 = vector.broadcast %broadcast_in_dim3A_79 : vector<1x64xf32> to vector<2000x64xf32>
    %add3A_81 = arith.addf %dot_general3A_76, %add3A_80 : vector<2000x64xf32>
    %mul3A_82 = vector.broadcast %div3A_50 : f32 to vector<2000x64xf32>
    %mul3A_83 = arith.mulf %add3A_81, %mul3A_82 : vector<2000x64xf32>
    %slice3A_84 = vector.extract_strided_slice %get3A_45 {offsets = [1, 0], sizes = [1, 64], strides = [1, 1]} : vector<2x64xf32> to vector<1x64xf32>
    %squeeze3A_85 = vector.shape_cast %slice3A_84 : vector<1x64xf32> to vector<64xf32>
    %broadcast_in_dim3A_86 = vector.shape_cast %squeeze3A_85 : vector<64xf32> to vector<1x64xf32>
    %mul3A_87 = vector.broadcast %broadcast_in_dim3A_86 : vector<1x64xf32> to vector<2000x64xf32>
    %mul3A_88 = arith.mulf %mul3A_83, %mul3A_87 : vector<2000x64xf32>
    %slice3A_89 = vector.extract_strided_slice %get3A_48 {offsets = [1, 0], sizes = [1, 64], strides = [1, 1]} : vector<2x64xf32> to vector<1x64xf32>
    %squeeze3A_90 = vector.shape_cast %slice3A_89 : vector<1x64xf32> to vector<64xf32>
    %broadcast_in_dim3A_91 = vector.shape_cast %squeeze3A_90 : vector<64xf32> to vector<1x64xf32>
    %add3A_92 = vector.broadcast %broadcast_in_dim3A_91 : vector<1x64xf32> to vector<2000x64xf32>
    %add3A_93 = arith.addf %mul3A_88, %add3A_92 : vector<2000x64xf32>
    %max3A_94 = arith.constant 0.000000e+00 : f32
    %max3A_95 = vector.broadcast %max3A_94 : f32 to vector<2000x64xf32>
    %max3A_96 = arith.maximumf %add3A_93, %max3A_95 : vector<2000x64xf32>
    %get3A_97 = arith.constant 0 : index
    %get3A_98 = arith.constant 0 : index
    %get3A_99 = vector.load %arg4[%get3A_97, %get3A_98] : memref<8x250xi32, #tpu.memory_space<vmem>>, vector<8x250xi32>
    %broadcast_in_dim3A_100 = vector.shape_cast %get3A_99 : vector<8x250xi32> to vector<8x250x1xi32>
    %iota3A_101 = tpu.iota {dimensions = array<i32: 2>} : vector<8x250x128xi32>
    %eq3A_102 = vector.broadcast %broadcast_in_dim3A_100 : vector<8x250x1xi32> to vector<8x250x128xi32>
    %eq3A_103 = arith.cmpi eq, %eq3A_102, %iota3A_101 : vector<8x250x128xi32>
    %reshape3A_104 = vector.shape_cast %eq3A_103 : vector<8x250x128xi1> to vector<2000x128xi1>
    %convert_element_type3A_105 = arith.extui %reshape3A_104 : vector<2000x128xi1> to vector<2000x128xi32>
    %convert_element_type3A_106 = arith.sitofp %convert_element_type3A_105 : vector<2000x128xi32> to vector<2000x128xf32>
    %dot_general3A_107 = arith.constant dense<0.000000e+00> : vector<128x64xf32>
    %dot_general3A_108 = tpu.matmul %convert_element_type3A_106, %max3A_96, %dot_general3A_107 {dimension_numbers = #tpu.dot_dimension_numbers<[0], [0], [1], [1], [0, 1, 1, 1], [], []>, transpose_lhs_hint = false} : vector<2000x128xf32>, vector<2000x64xf32>, vector<128x64xf32> -> vector<128x64xf32>
    %eq3A_109 = arith.constant 0 : i32
    %eq3A_110 = arith.cmpi eq, %arg0, %eq3A_109 : i32
    %convert_element_type3A_111 = arith.extui %eq3A_110 : i1 to i32
    %cond3A = arith.constant 0 : i32
    %cond3A_112 = arith.cmpi ne, %convert_element_type3A_111, %cond3A : i32
    scf.if %cond3A_112 {
      %broadcast_in_dim3A_124 = arith.constant 0.000000e+00 : f32
      %broadcast_in_dim3A_125 = vector.broadcast %broadcast_in_dim3A_124 : f32 to vector<128x64xf32>
      %swap3A_126 = arith.constant 0 : index
      %swap3A_127 = arith.constant 0 : index
      %swap3A_128 = vector.load %arg19[%swap3A_126, %swap3A_127] : memref<128x64xf32, #tpu.memory_space<vmem>>, vector<128x64xf32>
      tpu.vector_store %arg19[%swap3A_126, %swap3A_127], %broadcast_in_dim3A_125 {strides = array<i32>} : memref<128x64xf32, #tpu.memory_space<vmem>>, vector<128x64xf32>,
    } else {
    }
    %get3A_113 = arith.constant 0 : index
    %get3A_114 = arith.constant 0 : index
    %get3A_115 = vector.load %arg19[%get3A_113, %get3A_114] : memref<128x64xf32, #tpu.memory_space<vmem>>, vector<128x64xf32>
    %add3A_116 = arith.addf %get3A_115, %dot_general3A_108 : vector<128x64xf32>
    %swap3A = arith.constant 0 : index
    %swap3A_117 = arith.constant 0 : index
    %swap3A_118 = vector.load %arg19[%swap3A, %swap3A_117] : memref<128x64xf32, #tpu.memory_space<vmem>>, vector<128x64xf32>
    tpu.vector_store %arg19[%swap3A, %swap3A_117], %add3A_116 {strides = array<i32>} : memref<128x64xf32, #tpu.memory_space<vmem>>, vector<128x64xf32>,
    %eq3A_119 = arith.constant 24 : i32
    %eq3A_120 = arith.cmpi eq, %arg0, %eq3A_119 : i32
    %convert_element_type3A_121 = arith.extui %eq3A_120 : i1 to i32
    %cond3A_122 = arith.constant 0 : i32
    %cond3A_123 = arith.cmpi ne, %convert_element_type3A_121, %cond3A_122 : i32
    scf.if %cond3A_123 {
      %get3A_124 = arith.constant 0 : index
      %get3A_125 = arith.constant 0 : index
      %get3A_126 = vector.load %arg19[%get3A_124, %get3A_125] : memref<128x64xf32, #tpu.memory_space<vmem>>, vector<128x64xf32>
      %get3A_127 = arith.constant 0 : index
      %get3A_128 = arith.constant 0 : index
      %get3A_129 = vector.load %arg14[%get3A_127, %get3A_128] : memref<64x64xf32, #tpu.memory_space<vmem>>, vector<64x64xf32>
      %dot_general3A_130 = arith.constant dense<0.000000e+00> : vector<128x64xf32>
      %dot_general3A_131 = tpu.matmul %get3A_126, %get3A_129, %dot_general3A_130 {dimension_numbers = #tpu.dot_dimension_numbers<[1], [0], [0], [1], [0, 0, 1, 1], [], []>, transpose_lhs_hint = false} : vector<128x64xf32>, vector<64x64xf32>, vector<128x64xf32> -> vector<128x64xf32>
      %get3A_132 = arith.constant 0 : index
      %get3A_133 = arith.constant 0 : index
      %get3A_134 = vector.load %arg15[%get3A_132, %get3A_133] : memref<1x64xf32, #tpu.memory_space<vmem>>, vector<1x64xf32>
      %add3A_135 = vector.broadcast %get3A_134 : vector<1x64xf32> to vector<128x64xf32>
      %add3A_136 = arith.addf %dot_general3A_131, %add3A_135 : vector<128x64xf32>
      %max3A_137 = arith.constant 0.000000e+00 : f32
      %max3A_138 = vector.broadcast %max3A_137 : f32 to vector<128x64xf32>
      %max3A_139 = arith.maximumf %add3A_136, %max3A_138 : vector<128x64xf32>
      %get3A_140 = arith.constant 0 : index
      %get3A_141 = arith.constant 0 : index
      %get3A_142 = vector.load %arg16[%get3A_140, %get3A_141] : memref<64x10xf32, #tpu.memory_space<vmem>>, vector<64x10xf32>
      %dot_general3A_143 = arith.constant dense<0.000000e+00> : vector<128x10xf32>
      %dot_general3A_144 = tpu.matmul %max3A_139, %get3A_142, %dot_general3A_143 {dimension_numbers = #tpu.dot_dimension_numbers<[1], [0], [0], [1], [0, 0, 1, 1], [], []>, transpose_lhs_hint = false} : vector<128x64xf32>, vector<64x10xf32>, vector<128x10xf32> -> vector<128x10xf32>
      %get3A_145 = arith.constant 0 : index
      %get3A_146 = arith.constant 0 : index
      %get3A_147 = vector.load %arg17[%get3A_145, %get3A_146] : memref<1x10xf32, #tpu.memory_space<vmem>>, vector<1x10xf32>
      %add3A_148 = vector.broadcast %get3A_147 : vector<1x10xf32> to vector<128x10xf32>
      %add3A_149 = arith.addf %dot_general3A_144, %add3A_148 : vector<128x10xf32>
      %swap3A_150 = arith.constant 0 : index
      %swap3A_151 = arith.constant 0 : index
      %swap3A_152 = vector.load %arg18[%swap3A_150, %swap3A_151] : memref<128x10xf32, #tpu.memory_space<vmem>>, vector<128x10xf32>
      tpu.vector_store %arg18[%swap3A_150, %swap3A_151], %add3A_149 {strides = array<i32>} : memref<128x10xf32, #tpu.memory_space<vmem>>, vector<128x10xf32>,
    } else {
    }
    return
  }
  func.func @transform_0(%arg0: i32) -> (i32, i32) {
    %c0_i32 = arith.constant 0 : i32
    %c0_i32_0 = arith.constant 0 : i32
    return %arg0, %c0_i32 : i32, i32
  }
  func.func @transform_1(%arg0: i32) -> (i32, i32, i32) {
    %c0_i32 = arith.constant 0 : i32
    %c0_i32_0 = arith.constant 0 : i32
    %c0_i32_1 = arith.constant 0 : i32
    return %c0_i32, %arg0, %c0_i32_0 : i32, i32, i32
  }
  func.func @transform_2(%arg0: i32) -> (i32, i32, i32) {
    %c0_i32 = arith.constant 0 : i32
    %c0_i32_0 = arith.constant 0 : i32
    %c0_i32_1 = arith.constant 0 : i32
    return %c0_i32, %arg0, %c0_i32_0 : i32, i32, i32
  }
  func.func @transform_3(%arg0: i32) -> (i32, i32) {
    %c0_i32 = arith.constant 0 : i32
    %c0_i32_0 = arith.constant 0 : i32
    return %arg0, %c0_i32 : i32, i32
  }
  func.func @transform_4(%arg0: i32) -> (i32, i32) {
    %c0_i32 = arith.constant 0 : i32
    %c0_i32_0 = arith.constant 0 : i32
    %c0_i32_1 = arith.constant 0 : i32
    return %c0_i32, %c0_i32_0 : i32, i32
  }
  func.func @transform_5(%arg0: i32) -> (i32, i32, i32) {
    %c0_i32 = arith.constant 0 : i32
    %c0_i32_0 = arith.constant 0 : i32
    %c0_i32_1 = arith.constant 0 : i32
    %c0_i32_2 = arith.constant 0 : i32
    return %c0_i32, %c0_i32_0, %c0_i32_1 : i32, i32, i32
  }
  func.func @transform_6(%arg0: i32) -> (i32, i32) {
    %c0_i32 = arith.constant 0 : i32
    %c0_i32_0 = arith.constant 0 : i32
    %c0_i32_1 = arith.constant 0 : i32
    return %c0_i32, %c0_i32_0 : i32, i32
  }
  func.func @transform_7(%arg0: i32) -> (i32, i32) {
    %c0_i32 = arith.constant 0 : i32
    %c0_i32_0 = arith.constant 0 : i32
    %c0_i32_1 = arith.constant 0 : i32
    return %c0_i32, %c0_i32_0 : i32, i32
  }
  func.func @transform_8(%arg0: i32) -> (i32, i32) {
    %c0_i32 = arith.constant 0 : i32
    %c0_i32_0 = arith.constant 0 : i32
    %c0_i32_1 = arith.constant 0 : i32
    return %c0_i32, %c0_i32_0 : i32, i32
  }
  func.func @transform_9(%arg0: i32) -> (i32, i32, i32) {
    %c0_i32 = arith.constant 0 : i32
    %c0_i32_0 = arith.constant 0 : i32
    %c0_i32_1 = arith.constant 0 : i32
    %c0_i32_2 = arith.constant 0 : i32
    return %c0_i32, %c0_i32_0, %c0_i32_1 : i32, i32, i32
  }
  func.func @transform_10(%arg0: i32) -> (i32, i32) {
    %c0_i32 = arith.constant 0 : i32
    %c0_i32_0 = arith.constant 0 : i32
    %c0_i32_1 = arith.constant 0 : i32
    return %c0_i32, %c0_i32_0 : i32, i32
  }
  func.func @transform_11(%arg0: i32) -> (i32, i32) {
    %c0_i32 = arith.constant 0 : i32
    %c0_i32_0 = arith.constant 0 : i32
    %c0_i32_1 = arith.constant 0 : i32
    return %c0_i32, %c0_i32_0 : i32, i32
  }
  func.func @transform_12(%arg0: i32) -> (i32, i32) {
    %c0_i32 = arith.constant 0 : i32
    %c0_i32_0 = arith.constant 0 : i32
    %c0_i32_1 = arith.constant 0 : i32
    return %c0_i32, %c0_i32_0 : i32, i32
  }
  func.func @transform_13(%arg0: i32) -> (i32, i32) {
    %c0_i32 = arith.constant 0 : i32
    %c0_i32_0 = arith.constant 0 : i32
    %c0_i32_1 = arith.constant 0 : i32
    return %c0_i32, %c0_i32_0 : i32, i32
  }
  func.func @transform_14(%arg0: i32) -> (i32, i32) {
    %c0_i32 = arith.constant 0 : i32
    %c0_i32_0 = arith.constant 0 : i32
    %c0_i32_1 = arith.constant 0 : i32
    return %c0_i32, %c0_i32_0 : i32, i32
  }
  func.func @transform_15(%arg0: i32) -> (i32, i32) {
    %c0_i32 = arith.constant 0 : i32
    %c0_i32_0 = arith.constant 0 : i32
    %c0_i32_1 = arith.constant 0 : i32
    return %c0_i32, %c0_i32_0 : i32, i32
  }
  func.func @transform_16(%arg0: i32) -> (i32, i32) {
    %c0_i32 = arith.constant 0 : i32
    %c0_i32_0 = arith.constant 0 : i32
    %c0_i32_1 = arith.constant 0 : i32
    return %c0_i32, %c0_i32_0 : i32, i32
  }
  func.func @transform_17(%arg0: i32) -> (i32, i32) {
    %c0_i32 = arith.constant 0 : i32
    %c0_i32_0 = arith.constant 0 : i32
    %c0_i32_1 = arith.constant 0 : i32
    return %c0_i32, %c0_i32_0 : i32, i32
  }
}

</mosaic_0001>

<sc_bundles>
// kernel: kernel.10.cloned.1.call-start
scs
__scs_entry_jumppad:
0x0: {  	(pc) =	sbr.rel $0x88, $3  }
0x1: {  	(tag) =	ssettag $0x0;
	lr =	simm.s32 $0x1  }
0x2: {  	[smem:$0x3F91] =	sst lr;
	_ =	strace $0xD0000000  }
0x3: {  	_ = 	snop  }
0x4: {  	_ = 	snop  }
0x5: {  	_ = 	snop  }
0x6: {  	_ = 	snop  }
0x7: {  	_ = 	snop  }
__scs_overlays_trampoline_lowered:
0x8: {  	[smem:$0x3FA0] =	sst s0  }
0x9: {  	[smem:$0x3FA1] =	sst s1  }
0xa: {  	[smem:$0x3FA2] =	sst s2  }
0xb: {  	[smem:$0x3FA3] =	sst s3  }
0xc: {  	[smem:$0x3FA4] =	sst s4  }
0xd: {  	[smem:$0x3FA5] =	sst s5  }
0xe: {  	[smem:$0x3FA6] =	sst s6  }
0xf: {  	[smem:$0x3FA7] =	sst s7  }
0x10: {  	[smem:$0x3FA8] =	sst s8  }
0x11: {  	[smem:$0x3FA9] =	sst s9;
	s0 =	simm.s32 @!p0 $0x0  }
0x12: {  	s1 =	sld [smem:$0x3F8F];
	s0 =	simm.s32 @p0 $0x1  }
0x13: {  	[smem:$0x3FAA] =	sst s0;
	s0 =	simm.s32 @!p1 $0x0  }
0x14: {  	s2 =	sld [smem:$0x3F8E];
	s0 =	simm.s32 @p1 $0x1  }
0x15: {  	[smem:$0x3FAB] =	sst s0;
	s0 =	simm.s32 @!p2 $0x0  }
0x16: {  	s3 =	sld [smem:$0x3FDB];
	s0 =	simm.s32 @p2 $0x1  }
0x17: {  	s4 =	simm.s32 $0x1BF5;
	[smem:$0x3FAD] =	sst s0  }
0x18: {  	s0 =	sld [smem:$0x3F90];
	_ =	swait.ge [sflag:s4], $0x0  }
0x19: {  	s7 =	sld [smem:$0x3F91]  }
0x1a: {  	s8 =	sadd.s32 $0xFFFFE003, lr  }
0x1b: {  	s9 =	sadd.s32 $0xFFFFFEF7, lr;
	s5 =	simm.s32 $0xFFFFFFFF;
	p2 =	slt.u32 s8, $0xFFFFF086  }
0x1c: {  	p1 =	slt.u32 s9, $0xF7A;
	s5 =	simm.s32 @!p2 $0x0  }
0x1d: {  	s5 =	simm.s32 @p1 $0x1;
	p0 =	seq.s32 s7, s2  }
0x1e: {  	s7 =	smul.u32 @!p0 $0xF7A, s2;
	p2 =	seq.s32 @!p0 s5, $0x0  }
0x1f: {  	s9 =	smul.u32 $0xF7A, s1;
	s8 =	simm.s32 @!p0 $0x1BF5;
	p2 =	por !p2, p0  }
0x20: {  	[sflag:s8] =	ssyncset.s32 @!p0 $0xFFFFF086;
	s6 =	sadd.s32 @!p0 s3, s7;
	s7 =	simm.s32 @!p0 $0x108  }
0x21: {  	s3 =	sadd.s32 s3, s9;
	s6 =	sadd.s32 @!p0 $0x88, s6;
	s7 =	simm.s32 @p2 $0x1082  }
0x22: {  	[simem:s7], [sflag:s8] =	dma.local @!p0 [hbm:s6], $0xF7A  }
0x23: {  	s9 =	sor.u32 $0xD0000000, s2;
	s6 =	simm.s32 $0x108;
	_ =	swait.ge @!p0 [sflag:s8], $0x0  }
0x24: {  	s3 =	sadd.s32 $0x88, s3;
	s6 =	simm.s32 @!p1 $0x1082;
	[sflag:s4] =	ssyncset.s32 $0xFFFFF086  }
0x25: {  	[simem:s6], [sflag:s4] =	dma.local [hbm:s3], $0xF7A  }
0x26: {  	[smem:$0x3F91] =	sst s1;
	(tag) =	ssettag s2;
	_ =	strace s9  }
0x27: {  	s1 =	sld [smem:$0x3FA1]  }
0x28: {  	s2 =	sld [smem:$0x3FA2]  }
0x29: {  	s4 =	sld [smem:$0x3FA4]  }
0x2a: {  	p0 =	seq.s32 s5, $0x0;
	s5 =	sld [smem:$0x3FA5]  }
0x2b: {  	s6 =	sld [smem:$0x3FA6]  }
0x2c: {  	s7 =	sld [smem:$0x3FA7]  }
0x2d: {  	s3 =	simm.s32 $0x108;
	s8 =	sld [smem:$0x3FA8]  }
0x2e: {  	s3 =	simm.s32 @!p0 $0x1082;
	s9 =	sld [smem:$0x3FA9]  }
0x2f: {  	lr =	sadd.s32 s0, s3;
	s0 =	sld [smem:$0x3FA0]  }
0x30: {  	s3 =	sld [smem:$0x3FA3]  }
0x31: {  	[smem:$0x3FAC] =	sst s10  }
0x32: {  	s10 =	sld [smem:$0x3FAA];
	_ =	sdelay $0x3  }
0x33: {  	p0 =	seq.s32 s10, $0x1;
	s10 =	sld [smem:$0x3FAC];
	_ =	sdelay $0x3  }
0x34: {  	[smem:$0x3FAC] =	sst s10  }
0x35: {  	s10 =	sld [smem:$0x3FAB];
	_ =	sdelay $0x3  }
0x36: {  	p1 =	seq.s32 s10, $0x1;
	s10 =	sld [smem:$0x3FAC];
	_ =	sdelay $0x3  }
0x37: {  	[smem:$0x3FAC] =	sst s10  }
0x38: {  	s10 =	sld [smem:$0x3FAD]  }
0x39: {  	_ = 	snop;
	(pc) =	sbr.ind lr, $3  }
0x3a: {  	_ = 	snop  }
0x3b: {  	_ = 	snop  }
0x3c: {  	p2 =	seq.s32 s10, $0x1;
	s10 =	sld [smem:$0x3FAC]  }
0x3d: {  	_ =	shalt  }
0x3e: {  	_ =	shalt  }
0x3f: {  	_ =	shalt  }
0x40: {  	_ =	shalt  }
0x41: {  	_ =	shalt  }
0x42: {  	_ =	shalt  }
0x43: {  	_ =	shalt  }
0x44: {  	_ =	shalt  }
0x45: {  	_ =	shalt  }
0x46: {  	_ =	shalt  }
0x47: {  	_ =	shalt  }
0x48: {  	_ =	shalt  }
0x49: {  	_ =	shalt  }
0x4a: {  	_ =	shalt  }
0x4b: {  	_ =	shalt  }
0x4c: {  	_ =	shalt  }
0x4d: {  	_ =	shalt  }
0x4e: {  	_ =	shalt  }
0x4f: {  	_ =	shalt  }
0x50: {  	_ =	shalt  }
0x51: {  	_ =	shalt  }
0x52: {  	_ =	shalt  }
0x53: {  	_ =	shalt  }
0x54: {  	_ =	shalt  }
0x55: {  	_ =	shalt  }
0x56: {  	_ =	shalt  }
0x57: {  	_ =	shalt  }
0x58: {  	_ =	shalt  }
0x59: {  	_ =	shalt  }
0x5a: {  	_ =	shalt  }
0x5b: {  	_ =	shalt  }
0x5c: {  	_ =	shalt  }
0x5d: {  	_ =	shalt  }
0x5e: {  	_ =	shalt  }
0x5f: {  	_ =	shalt  }
0x60: {  	_ =	shalt  }
0x61: {  	_ =	shalt  }
0x62: {  	_ =	shalt  }
0x63: {  	_ =	shalt  }
0x64: {  	_ =	shalt  }
0x65: {  	_ =	shalt  }
0x66: {  	_ =	shalt  }
0x67: {  	_ =	shalt  }
0x68: {  	_ =	shalt  }
0x69: {  	_ =	shalt  }
0x6a: {  	_ =	shalt  }
0x6b: {  	_ =	shalt  }
0x6c: {  	_ =	shalt  }
0x6d: {  	_ =	shalt  }
0x6e: {  	_ =	shalt  }
0x6f: {  	_ =	shalt  }
0x70: {  	_ =	shalt  }
0x71: {  	_ =	shalt  }
0x72: {  	_ =	shalt  }
0x73: {  	_ =	shalt  }
0x74: {  	_ =	shalt  }
0x75: {  	_ =	shalt  }
0x76: {  	_ =	shalt  }
0x77: {  	_ =	shalt  }
0x78: {  	_ =	shalt  }
0x79: {  	_ =	shalt  }
0x7a: {  	_ =	shalt  }
0x7b: {  	_ =	shalt  }
0x7c: {  	_ =	shalt  }
0x7d: {  	_ =	shalt  }
0x7e: {  	_ =	shalt  }
0x7f: {  	_ =	shalt  }
0x80: {  	_ =	shalt  }
0x81: {  	_ =	shalt  }
0x82: {  	_ =	shalt  }
0x83: {  	_ =	shalt  }
0x84: {  	_ =	shalt  }
0x85: {  	_ =	shalt  }
0x86: {  	_ =	shalt  }
0x87: {  	_ =	shalt  }
.Lfunc_end0:
.L_simem_size_0:
called_computation.1_lowered:
.L_overlay_start_0:
0x88: {  	s2 =	sld [smem:$0x3FD9]  }
0x89: {  	s3 =	sld [smem:$0x3FFE];
	_ =	sdelay $0x1  }
0x8a: {  	s1 =	srdreg.scid  }
0x8b: {  	s0 =	sand.u32 $0x1, s1  }
0x8c: {  	s16 =	sshll.u32 s0, $0xA;
	s2 =	sadd.s32 s3, s2  }
0x8d: {  	s2 =	sadd.s32 s2, s16  }
0x8e: {  	[smem:$0x3FB8] =	sst s2  }
0x8f: {  	_ = 	snop  }
0x90: {  	(tm) =	ssettm $0x1  }
0x91: {  	s17 =	sld [smem:$0x3FFB];
	_ =	sdelay $0x3  }
0x92: {  	_ =	strace s17  }
0x93: {  	s2 =	sld [smem:$0x3FFC];
	_ =	sdelay $0x3  }
0x94: {  	_ =	strace s2  }
0x95: {  	s2 =	sld [smem:$0x3FFD];
	_ =	sdelay $0x3  }
0x96: {  	_ =	strace s2  }
0x97: {  	_ =	strace $0x8FFFFFFF  }
0x98: {  	s18 =	sld [smem:$0x3FDB];
	_ =	sdelay $0x1  }
0x99: {  	s19 =	simm.s32 $_scs_section_size  }
0x9a: {  	s4 =	simm.s32 $_size__tile_overlayer_lowered;
	s5 =	simm.s32 $_tile_overlayer_lowered  }
0x9b: {  	s22 =	simm.s32 $0x1BFF;
	s21 =	sshll.u32 s5, $0x1;
	s2 =	sadd.s32 s19, s18  }
0x9c: {  	s6 =	simm.s32 $0x0;
	s20 =	sshll.u32 s4, $0x1;
	s4 =	sadd.s32 s21, s2  }
0x9d: {  	[timem:s6], [sflag:s22] =	dma.local [hbm:s4], s20  }
0x9e: {  	_ =	swait.ge [sflag:s22], s20  }
0x9f: {  	s3 =	ssub.s32 $0x0, s20;
	[sflag:s22] =	ssyncset.done $0x0  }
0xa0: {  	[sflag:s22] =	ssyncadd.s32 s3;
	_ =	sdelay $0x1  }
0xa1: {  	s23 =	simm.s32 $0x1B8B  }
0xa2: {  	_ =	swait.ge [sflag:s23], $0x1  }
0xa3: {  	[sflag:s23] =	ssyncset.done $0x0  }
0xa4: {  	s25 =	simm.s32 $0x1B8E;
	s24 =	sld [smem:$0x3FFE];
	[sflag:s23] =	ssyncadd.s32 $0xFFFFFFFF  }
0xa5: {  	s26 =	simm.s32 $execute0_lowered;
	[smem:$0x3FD2] =	sst s25  }
0xa6: {  	s4 =	sshll.u32 s26, $0x1;
	_ =	strace $0x80000049;
	[dreg:$0x1] =	wrdreg $0xFFFFFFFF  }
0xa7: {  	s28 =	simm.s32 $_size_execute0_lowered;
	s2 =	sadd.s32 s2, s4;
	[dreg:$0x0] =	wrdreg $0x0  }
0xa8: {  	s4 =	sshll.u32 s28, $0x1;
	[dreg:$0x2] =	wrdreg s2  }
0xa9: {  	[dreg:$0x3] =	wrdreg s4  }
0xaa: {  	[dreg:$0x4] =	wrdreg $0xC0  }
0xab: {  	_ =	task [dreg:s6], $0x5FFFF  }
0xac: {  	[dreg:$0x1] =	wrdreg $0xFFFFFFFF  }
0xad: {  	[dreg:$0x0] =	wrdreg $0x60  }
0xae: {  	[dreg:$0x2] =	wrdreg s24  }
0xaf: {  	[dreg:$0x3] =	wrdreg $0x187000  }
0xb0: {  	[dreg:$0x4] =	wrdreg $0x0  }
0xb1: {  	[dreg:$0x5] =	wrdreg $0x9  }
0xb2: {  	_ =	task.clear_ibuf [dreg:s6], $0x6FFFF;
	_ =	strace $0x90000049  }
0xb3: {  	s29 =	simm.s32 $0x9;
	_ =	strace $0x8000004B  }
0xb4: {  	_ =	swait.ge [sflag:s29], $0x1  }
0xb5: {  	[sflag:s29] =	ssyncadd.s32 $0xFFFFFFFF  }
0xb6: {  	_ =	strace $0x9000004B  }
0xb7: {  	_ =	sfence  }
0xb8: {  	s30 =	sld [smem:$0x0];
	_ =	sdelay $0x2  }
0xb9: {  	s31 =	sshll.u32 s1, $0xD;
	s1 =	sshrl.u32 s1, $0x2  }
0xba: {  	s3 =	sand.u32 $0x4000, s31;
	s1 =	sadd.s32 s1, s30  }
0xbb: {  	s0 =	sor.u32 s3, s0;
	s1 =	sshll.u32 s1, $0x11  }
0xbc: {  	s0 =	sor.u32 s1, s0  }
0xbd: {  	s0 =	sadd.s32 $0x8F2B, s0  }
0xbe: {  	[sflag:s0] =	ssyncadd.remote.s32 $0x1  }
0xbf: {  	_ =	sfence.sel $0xFFFF  }
0xc0: {  	[dreg:$0x0] =	wrdreg $0xFFFFFFFF;
	(pc) =	sbr.abs _section_cstart, $3  }
0xc1: {  	[dreg:$0x1] =	wrdreg $0xFFFFFFFF  }
0xc2: {  	_ =	task.clear_ibuf [dreg:s6], $0x2FFFF;
	_ =	strace $0x9FFFFFFF  }
0xc3: {  	(tm) =	ssettm $0x7FFFFFFF  }
tec
execute0_lowered:
.L_overlay_start_1:
0x0: {  	(tag) =	ssettag $0x1  }
0x1: {  	s0 =	rddreg [dreg:$0x0]  }
0x2: {  	s1 =	rddreg [dreg:$0x1]  }
0x3: {  	s2 =	rddreg [dreg:$0x2];
	s3 =	simm.s32 $0x0;
	s4 =	srdreg.scid  }
0x4: {  	s16 =	stileid.u32;
	[smem:$0x7FF] =	sst s3;
	s5 =	sand.u32 $0x1, s4  }
0x5: {  	s4 =	sadd.s32 $0x30200, s0;
	s6 =	sadd.s32 $0x17A00, s0;
	s11 =	smul.u32 $0x61C00, s16  }
0x6: {  	s7 =	sadd.s32 $0xAA600, s0;
	_ =	strace $0x8000004A;
	s8 =	smul.u32 $0x1A0, s5  }
0x7: {  	s9 =	smul.u32 $0x30E00, s5;
	s10 =	ssub.s32 $0x2, s5;
	s23 =	sshrl.u32 s11, $0x2  }
0x8: {  	s13 =	sshrl.u32 s10, $0x1;
	s12 =	sadd.s32 s8, s0;
	s20 =	sadd.s32 s23, s2  }
0x9: {  	s8 =	sadd.s32 $0x48A00, s0;
	s24 =	sadd.s32 $0xC2E00, s12;
	[dreg:$0x6] =	wrdreg s20  }
0xa: {  	s22 =	ssub.s32 s10, s13;
	s29 =	sadd.s32 $0x18000, s20;
	[dreg:$0x5] =	wrdreg s24  }
0xb: {  	s0 =	sadd.s32 s9, s0;
	s9 =	smax.u32 s22, $0x1;
	[dreg:$0x7] =	wrdreg s29  }
0xc: {  	s12 =	sadd.s32 $0x1000, s20;
	[dreg:$0x8] =	wrdreg s9  }
0xd: {  	s25 =	smul.u32 $0x186, s16;
	s18 =	sadd.s32 $0x2000, s20;
	[dreg:$0x9] =	wrdreg s12  }
0xe: {  	s26 =	smin.u32 s16, $0xA;
	s19 =	sadd.s32 $0x3000, s20;
	[dreg:$0xa] =	wrdreg s18  }
0xf: {  	p0 =	slt.u32 s16, $0xA;
	s21 =	sadd.s32 $0x4000, s20;
	[dreg:$0xb] =	wrdreg s19  }
0x10: {  	s17 =	smul.u32 $0x30E0, s16;
	s22 =	sadd.s32 $0x5000, s20;
	[dreg:$0xc] =	wrdreg s21  }
0x11: {  	s11 =	simm.s32 $0x187;
	s23 =	sadd.s32 $0x6000, s20;
	[dreg:$0xd] =	wrdreg s22  }
0x12: {  	s13 =	sadd.s32 s26, s25;
	s25 =	sadd.s32 $0x8000, s20;
	[dreg:$0xe] =	wrdreg s23  }
0x13: {  	s11 =	simm.s32 @!p0 $0x186;
	s26 =	sadd.s32 $0x9000, s20;
	[dreg:$0x10] =	wrdreg s25  }
0x14: {  	s10 =	smul.u32 $0xC350, s5;
	s5 =	sadd.s32 $0xB000, s20;
	[dreg:$0x11] =	wrdreg s26  }
0x15: {  	p0 =	seq.s32 s16, $0x0;
	s16 =	sadd.s32 $0xE000, s20;
	[dreg:$0x13] =	wrdreg s5  }
0x16: {  	s0 =	sadd.s32 s17, s0;
	s17 =	sadd.s32 $0xF000, s20;
	[dreg:$0x16] =	wrdreg s16  }
0x17: {  	s24 =	sadd.s32 $0x7000, s20;
	[dreg:$0x17] =	wrdreg s17  }
0x18: {  	s29 =	sadd.s32 $0xA000, s20;
	[dreg:$0xf] =	wrdreg s24  }
0x19: {  	s28 =	simm.s32 $0x80;
	s9 =	sadd.s32 $0xC000, s20;
	[dreg:$0x12] =	wrdreg s29  }
0x1a: {  	s30 =	simm.s32 $0x9;
	s12 =	sadd.s32 $0xD000, s20;
	[dreg:$0x14] =	wrdreg s9  }
0x1b: {  	s31 =	simm.s32 $0xA;
	s18 =	sadd.s32 $0x10000, s20;
	[dreg:$0x15] =	wrdreg s12  }
0x1c: {  	s14 =	sadd.s32 $0xFFFFFFFF, s11;
	s19 =	sadd.s32 $0x11000, s20;
	[dreg:$0x18] =	wrdreg s18  }
0x1d: {  	s15 =	sadd.s32 $0xFFFFFFFE, s11;
	s21 =	sadd.s32 $0x12000, s20;
	[dreg:$0x19] =	wrdreg s19  }
0x1e: {  	s22 =	sadd.s32 $0x13000, s20;
	s23 =	sadd.s32 $0x14000, s20;
	[dreg:$0x1a] =	wrdreg s21  }
0x1f: {  	s25 =	sadd.s32 $0x15000, s20;
	s26 =	sadd.s32 $0x16000, s20;
	[dreg:$0x1b] =	wrdreg s22  }
0x20: {  	s5 =	simm.s32 $0x1ABD0;
	s16 =	simm.s32 $0x1CC50;
	[dreg:$0x1c] =	wrdreg s23  }
0x21: {  	s17 =	simm.s32 $0x1CDD0;
	s24 =	sadd.s32 $0xC3200, s0;
	[dreg:$0x1d] =	wrdreg s25  }
0x22: {  	[dreg:$0x1e] =	wrdreg s26;
	s29 =	sadd.s32 $0x17000, s20;
	s22 =	simm.s32 $0x189D0  }
0x23: {  	s23 =	simm.s32 $0x10;
	s25 =	simm.s32 $0x4;
	s26 =	simm.s32 $0x5  }
0x24: {  	v1 =	vimm.f32 $0.0e+00;
	v0 =	vmov s10;
	s9 =	simm.s32 $0xE;
	s12 =	simm.s32 $0xF;
	[dreg:$0x1f] =	wrdreg s29  }
.LBB2_1:
0x25: {  	s10 =	sshrl.u32 @p0 s1, $0x3;
	s18 =	simm.s32 @p0 $0x1C10;
	s0 =	rddreg [dreg:$0x5]  }
0x26: {  	[spmem:s10], [sflag:s18] =	dma.local @p0 [hbm:s0], $0x1A0  }
0x27: {  	s10 =	simm.s32 @p0 $0x10  }
0x28: {  	_ =	swait.ge @p0 [sflag:s10], $0x1A0  }
0x29: {  	[sflag:s10] =	ssyncset.done @p0 $0x0  }
0x2a: {  	s18 =	simm.s32 $0x0;
	[sflag:s10] =	ssyncadd.s32 @p0 $0xFFFFFE60;
	s10 =	simm.s32 $0x80  }
.LBB2_2:
0x2b: {  	p1 =	seq.s32 s10, $0x3F80;
	[tilespmem:s18+$0x189D0] =	vst v1;
	s19 =	smov.u32 s10;
	s10 =	sadd.s32 $0x80, s10  }
.Ltmp0:
0x2c: {  	[tilespmem:s18+$0x189E0] =	vst v1;
	(pc) =	sbr.rel @!p1 .LBB2_2-.Ltmp0, $2  }
0x2d: {  	_ =	sdelay $0x2  }
0x2e: {  	s18 =	sshra.s32 s19, $0x2  }
0x2f: {  	[tilespmem:s18+$0x189D0] =	vst v1  }
0x30: {  	[tilespmem:s18+$0x189E0] =	vst v1;
	[dreg:$0x4] =	wrdreg s3  }
0x31: {  	[spmem:s20] =	stream.linear.scatter [tilespmem:s22], [sflag:$0x10], $0x1000, $0x38;
	[tilespmem:$0x1EDD0] =	vst v63  }
0x32: {  	_ =	swait.ge [sflag:s23], $0x1000  }
0x33: {  	[sflag:s23] =	ssyncset.done $0x0  }
0x34: {  	s0 =	rddreg [dreg:$0x9];
	[sflag:s23] =	ssyncadd.s32 $0xFFFFF000  }
0x35: {  	[spmem:s0] =	stream.linear.scatter [tilespmem:s22], [sflag:$0x10], $0x1000, $0x38;
	[tilespmem:$0x1EDD0] =	vst v63  }
0x36: {  	_ =	swait.ge [sflag:s23], $0x1000  }
0x37: {  	[sflag:s23] =	ssyncset.done $0x0  }
0x38: {  	s21 =	rddreg [dreg:$0xa];
	[sflag:s23] =	ssyncadd.s32 $0xFFFFF000  }
0x39: {  	[spmem:s21] =	stream.linear.scatter [tilespmem:s22], [sflag:$0x10], $0x1000, $0x38;
	[tilespmem:$0x1EDD0] =	vst v63  }
0x3a: {  	_ =	swait.ge [sflag:s23], $0x1000  }
0x3b: {  	[sflag:s23] =	ssyncset.done $0x0  }
0x3c: {  	s29 =	rddreg [dreg:$0xb];
	[sflag:s23] =	ssyncadd.s32 $0xFFFFF000  }
0x3d: {  	[spmem:s29] =	stream.linear.scatter [tilespmem:s22], [sflag:$0x10], $0x1000, $0x38;
	[tilespmem:$0x1EDD0] =	vst v63  }
0x3e: {  	_ =	swait.ge [sflag:s23], $0x1000  }
0x3f: {  	[sflag:s23] =	ssyncset.done $0x0  }
0x40: {  	s3 =	rddreg [dreg:$0xc];
	[sflag:s23] =	ssyncadd.s32 $0xFFFFF000  }
0x41: {  	[spmem:s3] =	stream.linear.scatter [tilespmem:s22], [sflag:$0x10], $0x1000, $0x38;
	[tilespmem:$0x1EDD0] =	vst v63  }
0x42: {  	_ =	swait.ge [sflag:s23], $0x1000  }
0x43: {  	[sflag:s23] =	ssyncset.done $0x0  }
0x44: {  	s10 =	rddreg [dreg:$0xd];
	[sflag:s23] =	ssyncadd.s32 $0xFFFFF000  }
0x45: {  	[spmem:s10] =	stream.linear.scatter [tilespmem:s22], [sflag:$0x10], $0x1000, $0x38;
	[tilespmem:$0x1EDD0] =	vst v63  }
0x46: {  	_ =	swait.ge [sflag:s23], $0x1000  }
0x47: {  	[sflag:s23] =	ssyncset.done $0x0  }
0x48: {  	s18 =	rddreg [dreg:$0xe];
	[sflag:s23] =	ssyncadd.s32 $0xFFFFF000  }
0x49: {  	[spmem:s18] =	stream.linear.scatter [tilespmem:s22], [sflag:$0x10], $0x1000, $0x38;
	[tilespmem:$0x1EDD0] =	vst v63  }
0x4a: {  	_ =	swait.ge [sflag:s23], $0x1000  }
0x4b: {  	[sflag:s23] =	ssyncset.done $0x0  }
0x4c: {  	s19 =	rddreg [dreg:$0xf];
	[sflag:s23] =	ssyncadd.s32 $0xFFFFF000  }
0x4d: {  	[spmem:s19] =	stream.linear.scatter [tilespmem:s22], [sflag:$0x10], $0x1000, $0x38;
	[tilespmem:$0x1EDD0] =	vst v63  }
0x4e: {  	_ =	swait.ge [sflag:s23], $0x1000  }
0x4f: {  	[sflag:s23] =	ssyncset.done $0x0  }
0x50: {  	s20 =	rddreg [dreg:$0x10];
	[sflag:s23] =	ssyncadd.s32 $0xFFFFF000  }
0x51: {  	[spmem:s20] =	stream.linear.scatter [tilespmem:s22], [sflag:$0x10], $0x1000, $0x38;
	[tilespmem:$0x1EDD0] =	vst v63  }
0x52: {  	_ =	swait.ge [sflag:s23], $0x1000  }
0x53: {  	[sflag:s23] =	ssyncset.done $0x0  }
0x54: {  	s21 =	rddreg [dreg:$0x11];
	[sflag:s23] =	ssyncadd.s32 $0xFFFFF000  }
0x55: {  	[spmem:s21] =	stream.linear.scatter [tilespmem:s22], [sflag:$0x10], $0x1000, $0x38;
	[tilespmem:$0x1EDD0] =	vst v63  }
0x56: {  	_ =	swait.ge [sflag:s23], $0x1000  }
0x57: {  	[sflag:s23] =	ssyncset.done $0x0  }
0x58: {  	s29 =	rddreg [dreg:$0x12];
	[sflag:s23] =	ssyncadd.s32 $0xFFFFF000  }
0x59: {  	[spmem:s29] =	stream.linear.scatter [tilespmem:s22], [sflag:$0x10], $0x1000, $0x38;
	[tilespmem:$0x1EDD0] =	vst v63  }
0x5a: {  	_ =	swait.ge [sflag:s23], $0x1000  }
0x5b: {  	[sflag:s23] =	ssyncset.done $0x0  }
0x5c: {  	s3 =	rddreg [dreg:$0x13];
	[sflag:s23] =	ssyncadd.s32 $0xFFFFF000  }
0x5d: {  	[spmem:s3] =	stream.linear.scatter [tilespmem:s22], [sflag:$0x10], $0x1000, $0x38;
	[tilespmem:$0x1EDD0] =	vst v63  }
0x5e: {  	_ =	swait.ge [sflag:s23], $0x1000  }
0x5f: {  	[sflag:s23] =	ssyncset.done $0x0  }
0x60: {  	s10 =	rddreg [dreg:$0x14];
	[sflag:s23] =	ssyncadd.s32 $0xFFFFF000  }
0x61: {  	[spmem:s10] =	stream.linear.scatter [tilespmem:s22], [sflag:$0x10], $0x1000, $0x38;
	[tilespmem:$0x1EDD0] =	vst v63  }
0x62: {  	_ =	swait.ge [sflag:s23], $0x1000  }
0x63: {  	[sflag:s23] =	ssyncset.done $0x0  }
0x64: {  	s18 =	rddreg [dreg:$0x15];
	[sflag:s23] =	ssyncadd.s32 $0xFFFFF000  }
0x65: {  	[spmem:s18] =	stream.linear.scatter [tilespmem:s22], [sflag:$0x10], $0x1000, $0x38;
	[tilespmem:$0x1EDD0] =	vst v63  }
0x66: {  	_ =	swait.ge [sflag:s23], $0x1000  }
0x67: {  	[sflag:s23] =	ssyncset.done $0x0  }
0x68: {  	s19 =	rddreg [dreg:$0x16];
	[sflag:s23] =	ssyncadd.s32 $0xFFFFF000  }
0x69: {  	[spmem:s19] =	stream.linear.scatter [tilespmem:s22], [sflag:$0x10], $0x1000, $0x38;
	[tilespmem:$0x1EDD0] =	vst v63  }
0x6a: {  	_ =	swait.ge [sflag:s23], $0x1000  }
0x6b: {  	[sflag:s23] =	ssyncset.done $0x0  }
0x6c: {  	s20 =	rddreg [dreg:$0x17];
	[sflag:s23] =	ssyncadd.s32 $0xFFFFF000  }
0x6d: {  	[spmem:s20] =	stream.linear.scatter [tilespmem:s22], [sflag:$0x10], $0x1000, $0x38;
	[tilespmem:$0x1EDD0] =	vst v63  }
0x6e: {  	_ =	swait.ge [sflag:s23], $0x1000  }
0x6f: {  	[sflag:s23] =	ssyncset.done $0x0  }
0x70: {  	s21 =	rddreg [dreg:$0x18];
	[sflag:s23] =	ssyncadd.s32 $0xFFFFF000  }
0x71: {  	[spmem:s21] =	stream.linear.scatter [tilespmem:s22], [sflag:$0x10], $0x1000, $0x38;
	[tilespmem:$0x1EDD0] =	vst v63  }
0x72: {  	_ =	swait.ge [sflag:s23], $0x1000  }
0x73: {  	[sflag:s23] =	ssyncset.done $0x0  }
0x74: {  	s29 =	rddreg [dreg:$0x19];
	[sflag:s23] =	ssyncadd.s32 $0xFFFFF000  }
0x75: {  	[spmem:s29] =	stream.linear.scatter [tilespmem:s22], [sflag:$0x10], $0x1000, $0x38;
	[tilespmem:$0x1EDD0] =	vst v63  }
0x76: {  	_ =	swait.ge [sflag:s23], $0x1000  }
0x77: {  	[sflag:s23] =	ssyncset.done $0x0  }
0x78: {  	s3 =	rddreg [dreg:$0x1a];
	[sflag:s23] =	ssyncadd.s32 $0xFFFFF000  }
0x79: {  	[spmem:s3] =	stream.linear.scatter [tilespmem:s22], [sflag:$0x10], $0x1000, $0x38;
	[tilespmem:$0x1EDD0] =	vst v63  }
0x7a: {  	_ =	swait.ge [sflag:s23], $0x1000  }
0x7b: {  	[sflag:s23] =	ssyncset.done $0x0  }
0x7c: {  	s10 =	rddreg [dreg:$0x1b];
	[sflag:s23] =	ssyncadd.s32 $0xFFFFF000  }
0x7d: {  	[spmem:s10] =	stream.linear.scatter [tilespmem:s22], [sflag:$0x10], $0x1000, $0x38;
	[tilespmem:$0x1EDD0] =	vst v63  }
0x7e: {  	_ =	swait.ge [sflag:s23], $0x1000  }
0x7f: {  	[sflag:s23] =	ssyncset.done $0x0  }
0x80: {  	s18 =	rddreg [dreg:$0x1c];
	[sflag:s23] =	ssyncadd.s32 $0xFFFFF000  }
0x81: {  	[spmem:s18] =	stream.linear.scatter [tilespmem:s22], [sflag:$0x10], $0x1000, $0x38;
	[tilespmem:$0x1EDD0] =	vst v63  }
0x82: {  	_ =	swait.ge [sflag:s23], $0x1000  }
0x83: {  	[sflag:s23] =	ssyncset.done $0x0  }
0x84: {  	s19 =	rddreg [dreg:$0x1d];
	[sflag:s23] =	ssyncadd.s32 $0xFFFFF000  }
0x85: {  	[spmem:s19] =	stream.linear.scatter [tilespmem:s22], [sflag:$0x10], $0x1000, $0x38;
	[tilespmem:$0x1EDD0] =	vst v63  }
0x86: {  	_ =	swait.ge [sflag:s23], $0x1000  }
0x87: {  	[sflag:s23] =	ssyncset.done $0x0  }
0x88: {  	s20 =	rddreg [dreg:$0x1e];
	[sflag:s23] =	ssyncadd.s32 $0xFFFFF000  }
0x89: {  	[spmem:s20] =	stream.linear.scatter [tilespmem:s22], [sflag:$0x10], $0x1000, $0x38;
	[tilespmem:$0x1EDD0] =	vst v63  }
0x8a: {  	_ =	swait.ge [sflag:s23], $0x1000  }
0x8b: {  	[sflag:s23] =	ssyncset.done $0x0  }
0x8c: {  	s21 =	rddreg [dreg:$0x1f];
	[sflag:s23] =	ssyncadd.s32 $0xFFFFF000  }
0x8d: {  	[spmem:s21] =	stream.linear.scatter [tilespmem:s22], [sflag:$0x10], $0x1000, $0x38;
	[tilespmem:$0x1EDD0] =	vst v63  }
0x8e: {  	_ =	swait.ge [sflag:s23], $0x1000  }
0x8f: {  	[sflag:s23] =	ssyncset.done $0x0  }
0x90: {  	s29 =	rddreg [dreg:$0x7];
	[sflag:s23] =	ssyncadd.s32 $0xFFFFF000  }
0x91: {  	[spmem:s29] =	stream.linear.scatter [tilespmem:s22], [sflag:$0x10], $0x700, $0x38;
	[tilespmem:$0x1EDD0] =	vst v63  }
.Ltmp1:
0x92: {  	_ =	swait.ge [sflag:s23], $0x700;
	(pc) =	sbr.rel .LBB2_4-.Ltmp1, $4  }
0x93: {  	[sflag:s23] =	ssyncset.done $0x0  }
0x94: {  	[sflag:s23] =	ssyncadd.s32 $0xFFFFF900  }
0x95: {  	[bflag:$0x0] =	sbarrier.arrive $0xFFFF  }
0x96: {  	s18 =	simm.s32 $0x0  }
.LBB2_16:
0x97: {  	s0 =	simm.s32 @!p1 $0x1  }
0x98: {  	_ =	swait.ge @!p1 [sflag:s0], $0x1000  }
0x99: {  	[sflag:s0] =	ssyncset.done @!p1 $0x0  }
0x9a: {  	s18 =	sadd.s32 $0x1, s18;
	[sflag:s0] =	ssyncadd.s32 @!p1 $0xFFFFF000;
	s0 =	simm.s32 @!p2 $0x6  }
0x9b: {  	p1 =	sne.s32 s18, $0x83;
	_ =	swait.ge @!p2 [sflag:s0], $0x1000  }
.Ltmp2:
0x9c: {  	[sflag:s0] =	ssyncset.done @!p2 $0x0;
	(pc) =	sbr.rel @!p1 .LBB2_17-.Ltmp2, $4  }
0x9d: {  	[sflag:s0] =	ssyncadd.s32 @!p2 $0xFFFFF000;
	s0 =	simm.s32 @!p3 $0xB  }
0x9e: {  	_ =	swait.ge @!p3 [sflag:s0], $0x1000  }
0x9f: {  	[sflag:s0] =	ssyncset.done @!p3 $0x0  }
0xa0: {  	[sflag:s0] =	ssyncadd.s32 @!p3 $0xFFFFF000  }
.LBB2_4:
0xa1: {  	s19 =	smul.u32 $0x3, s18;
	_ =	sdelay $0x1  }
0xa2: {  	p1 =	sge.u32 s19, s11;
	s21 =	sadd.s32 s19, s13  }
0xa3: {  	s10 =	sshll.u32 @!p1 s21, $0x4  }
0xa4: {  	s3 =	simm.s32 @!p1 $0x0;
	s29 =	simm.s32 @!p1 $0x187D0;
	s20 =	sadd.s32 @!p1 s4, s10  }
0xa5: {  	[tilespmem:s29], [sflag:$0x1] =	stream.linear.gather @!p1 [hbm4b:s20+s3], $0x80, $0x38;
	[tilespmem:$0x1EDD0] =	vst v63  }
0xa6: {  	s20 =	sadd.s32 @!p1 s6, s10;
	s29 =	simm.s32 @!p1 $0x18850  }
0xa7: {  	[tilespmem:s29], [sflag:$0x2] =	stream.linear.gather @!p1 [hbm4b:s20+s3], $0x80, $0x38;
	[tilespmem:$0x1EDD0] =	vst v63  }
0xa8: {  	p2 =	sge.u32 s19, s14;
	s10 =	sadd.s32 @!p1 s7, s10;
	s20 =	simm.s32 @!p1 $0x188D0  }
0xa9: {  	[tilespmem:s20], [sflag:$0x3] =	stream.linear.gather @!p1 [hbm4b:s10+s3], $0x80, $0x38;
	[tilespmem:$0x1EDD0] =	vst v63  }
0xaa: {  	s3 =	sshll.u32 @!p2 s21, $0x4  }
0xab: {  	s3 =	sadd.s32 @!p2 $0x10, s3  }
0xac: {  	s0 =	simm.s32 @!p2 $0x1A9D0;
	s29 =	simm.s32 @!p2 $0x0;
	s10 =	sadd.s32 @!p2 s4, s3  }
0xad: {  	[tilespmem:s0], [sflag:$0x6] =	stream.linear.gather @!p2 [hbm4b:s10+s29], $0x80, $0x38;
	[tilespmem:$0x1EDD0] =	vst v63  }
0xae: {  	s0 =	sadd.s32 @!p2 s6, s3;
	s10 =	simm.s32 @!p2 $0x1AA50  }
0xaf: {  	[tilespmem:s10], [sflag:$0x7] =	stream.linear.gather @!p2 [hbm4b:s0+s29], $0x80, $0x38;
	[tilespmem:$0x1EDD0] =	vst v63  }
0xb0: {  	p3 =	sge.u32 s19, s15;
	s0 =	sadd.s32 @!p2 s7, s3;
	s10 =	simm.s32 @!p2 $0x1AAD0  }
0xb1: {  	[tilespmem:s10], [sflag:$0x8] =	stream.linear.gather @!p2 [hbm4b:s0+s29], $0x80, $0x38;
	[tilespmem:$0x1EDD0] =	vst v63  }
0xb2: {  	s0 =	sshll.u32 @!p3 s21, $0x4  }
0xb3: {  	s0 =	sadd.s32 @!p3 $0x20, s0  }
0xb4: {  	s19 =	simm.s32 @!p3 $0x1CBD0;
	s21 =	simm.s32 @!p3 $0x0;
	s3 =	sadd.s32 @!p3 s4, s0  }
0xb5: {  	[tilespmem:s19], [sflag:$0xB] =	stream.linear.gather @!p3 [hbm4b:s3+s21], $0x80, $0x38;
	[tilespmem:$0x1EDD0] =	vst v63  }
0xb6: {  	s3 =	sadd.s32 @!p3 s6, s0;
	s19 =	simm.s32 @!p3 $0x1CC50  }
0xb7: {  	[tilespmem:s19], [sflag:$0xC] =	stream.linear.gather @!p3 [hbm4b:s3+s21], $0x80, $0x38;
	[tilespmem:$0x1EDD0] =	vst v63  }
0xb8: {  	s0 =	sadd.s32 @!p3 s7, s0;
	s19 =	simm.s32 @!p3 $0x1CCD0  }
0xb9: {  	[tilespmem:s19], [sflag:$0xD] =	stream.linear.gather @!p3 [hbm4b:s0+s21], $0x80, $0x38;
	[tilespmem:$0x1EDD0] =	vst v63  }
0xba: {  	s0 =	simm.s32 @!p1 $0x1  }
0xbb: {  	_ =	swait.ge @!p1 [sflag:s0], $0x80  }
0xbc: {  	[sflag:s0] =	ssyncset.done @!p1 $0x0  }
0xbd: {  	[sflag:s0] =	ssyncadd.s32 @!p1 $0xFFFFFF80;
	s0 =	simm.s32 @!p1 $0x2  }
0xbe: {  	_ =	swait.ge @!p1 [sflag:s0], $0x80  }
0xbf: {  	[sflag:s0] =	ssyncset.done @!p1 $0x0  }
0xc0: {  	[sflag:s0] =	ssyncadd.s32 @!p1 $0xFFFFFF80;
	s0 =	simm.s32 @!p1 $0x3  }
0xc1: {  	_ =	swait.ge @!p1 [sflag:s0], $0x80  }
0xc2: {  	[sflag:s0] =	ssyncset.done @!p1 $0x0  }
0xc3: {  	[sflag:s0] =	ssyncadd.s32 @!p1 $0xFFFFFF80  }
0xc4: {  	v2 =	vld @!p1 [tilespmem:$0x187D0]  }
0xc5: {  	v3 =	vld @!p1 [tilespmem:$0x187E0]  }
0xc6: {  	v4 =	vld @!p1 [tilespmem:$0x187F0]  }
0xc7: {  	v5 =	vld @!p1 [tilespmem:$0x18800]  }
0xc8: {  	v6 =	vld @!p1 [tilespmem:$0x18810]  }
0xc9: {  	v7 =	vld @!p1 [tilespmem:$0x18820];
	v2 =	vadd.s32 @!p1 v0, v2  }
0xca: {  	[tilespmem:$0x18950] =	vst @!p1 v2;
	v2 =	vadd.s32 @!p1 v0, v3;
	v3 =	vld @!p1 [tilespmem:$0x18830]  }
0xcb: {  	[tilespmem:$0x18960] =	vst @!p1 v2;
	v2 =	vadd.s32 @!p1 v0, v4;
	v4 =	vld @!p1 [tilespmem:$0x18840]  }
0xcc: {  	[tilespmem:$0x18970] =	vst @!p1 v2;
	v2 =	vadd.s32 @!p1 v0, v5  }
0xcd: {  	[tilespmem:$0x18980] =	vst @!p1 v2;
	v2 =	vadd.s32 @!p1 v0, v6  }
0xce: {  	[tilespmem:$0x18990] =	vst @!p1 v2;
	v2 =	vadd.s32 @!p1 v0, v7  }
0xcf: {  	[tilespmem:$0x189A0] =	vst @!p1 v2;
	v2 =	vadd.s32 @!p1 v0, v3  }
0xd0: {  	[tilespmem:$0x189B0] =	vst @!p1 v2;
	v2 =	vadd.s32 @!p1 v0, v4  }
0xd1: {  	s3 =	simm.s32 @!p1 $0x18950;
	s21 =	simm.s32 @!p1 $0x199D0;
	s0 =	simm.s32 @!p1 $0x80;
	[tilespmem:$0x189C0] =	vst @!p1 v2  }
0xd2: {  	[tilespmem:s21], [sflag:$0x4] =	stream.indirect.gather @!p1 [hbm4b:s8+s0], $0x20, s3, s0, $0xb8;
	[tilespmem:$0x1EDD0] =	vst v63  }
0xd3: {  	s3 =	simm.s32 @!p1 $0x189D0  }
0xd4: {  	[tilespmem:s3], [sflag:$0x5] =	stream.indirect.gather @!p1 [spmem:s1], $0x20, s20, s0, $0xb8;
	[tilespmem:$0x1EDD0] =	vst v63  }
0xd5: {  	s0 =	simm.s32 @!p2 $0x6  }
0xd6: {  	_ =	swait.ge @!p2 [sflag:s0], $0x80  }
0xd7: {  	[sflag:s0] =	ssyncset.done @!p2 $0x0  }
0xd8: {  	[sflag:s0] =	ssyncadd.s32 @!p2 $0xFFFFFF80;
	s0 =	simm.s32 @!p2 $0x7  }
0xd9: {  	_ =	swait.ge @!p2 [sflag:s0], $0x80  }
0xda: {  	[sflag:s0] =	ssyncset.done @!p2 $0x0  }
0xdb: {  	[sflag:s0] =	ssyncadd.s32 @!p2 $0xFFFFFF80;
	s0 =	simm.s32 @!p2 $0x8  }
0xdc: {  	_ =	swait.ge @!p2 [sflag:s0], $0x80  }
0xdd: {  	[sflag:s0] =	ssyncset.done @!p2 $0x0  }
0xde: {  	[sflag:s0] =	ssyncadd.s32 @!p2 $0xFFFFFF80  }
0xdf: {  	v2 =	vld @!p2 [tilespmem:$0x1A9D0]  }
0xe0: {  	v3 =	vld @!p2 [tilespmem:$0x1A9E0]  }
0xe1: {  	v4 =	vld @!p2 [tilespmem:$0x1A9F0]  }
0xe2: {  	v5 =	vld @!p2 [tilespmem:$0x1AA00]  }
0xe3: {  	v6 =	vld @!p2 [tilespmem:$0x1AA10]  }
0xe4: {  	v7 =	vld @!p2 [tilespmem:$0x1AA20];
	v2 =	vadd.s32 @!p2 v0, v2  }
0xe5: {  	[tilespmem:$0x1AB50] =	vst @!p2 v2;
	v2 =	vadd.s32 @!p2 v0, v3;
	v3 =	vld @!p2 [tilespmem:$0x1AA30]  }
0xe6: {  	[tilespmem:$0x1AB60] =	vst @!p2 v2;
	v2 =	vadd.s32 @!p2 v0, v4;
	v4 =	vld @!p2 [tilespmem:$0x1AA40]  }
0xe7: {  	[tilespmem:$0x1AB70] =	vst @!p2 v2;
	v2 =	vadd.s32 @!p2 v0, v5  }
0xe8: {  	[tilespmem:$0x1AB80] =	vst @!p2 v2;
	v2 =	vadd.s32 @!p2 v0, v6  }
0xe9: {  	[tilespmem:$0x1AB90] =	vst @!p2 v2;
	v2 =	vadd.s32 @!p2 v0, v7  }
0xea: {  	[tilespmem:$0x1ABA0] =	vst @!p2 v2;
	v2 =	vadd.s32 @!p2 v0, v3  }
0xeb: {  	[tilespmem:$0x1ABB0] =	vst @!p2 v2;
	v2 =	vadd.s32 @!p2 v0, v4  }
0xec: {  	s3 =	simm.s32 @!p2 $0x1AB50;
	s20 =	simm.s32 @!p2 $0x1BBD0;
	s0 =	simm.s32 @!p2 $0x80;
	[tilespmem:$0x1ABC0] =	vst @!p2 v2  }
0xed: {  	[tilespmem:s20], [sflag:$0x9] =	stream.indirect.gather @!p2 [hbm4b:s8+s0], $0x20, s3, s0, $0xb8;
	[tilespmem:$0x1EDD0] =	vst v63  }
0xee: {  	s3 =	simm.s32 @!p2 $0x1ABD0  }
0xef: {  	[tilespmem:s3], [sflag:$0xA] =	stream.indirect.gather @!p2 [spmem:s1], $0x20, s10, s0, $0xb8;
	[tilespmem:$0x1EDD0] =	vst v63  }
0xf0: {  	s0 =	simm.s32 @!p3 $0xB  }
0xf1: {  	_ =	swait.ge @!p3 [sflag:s0], $0x80  }
0xf2: {  	[sflag:s0] =	ssyncset.done @!p3 $0x0  }
0xf3: {  	[sflag:s0] =	ssyncadd.s32 @!p3 $0xFFFFFF80;
	s0 =	simm.s32 @!p3 $0xC  }
0xf4: {  	_ =	swait.ge @!p3 [sflag:s0], $0x80  }
0xf5: {  	[sflag:s0] =	ssyncset.done @!p3 $0x0  }
0xf6: {  	[sflag:s0] =	ssyncadd.s32 @!p3 $0xFFFFFF80;
	s0 =	simm.s32 @!p3 $0xD  }
0xf7: {  	_ =	swait.ge @!p3 [sflag:s0], $0x80  }
0xf8: {  	[sflag:s0] =	ssyncset.done @!p3 $0x0  }
0xf9: {  	[sflag:s0] =	ssyncadd.s32 @!p3 $0xFFFFFF80  }
0xfa: {  	v2 =	vld @!p3 [tilespmem:$0x1CBD0]  }
0xfb: {  	v3 =	vld @!p3 [tilespmem:$0x1CBE0]  }
0xfc: {  	v4 =	vld @!p3 [tilespmem:$0x1CBF0]  }
0xfd: {  	v5 =	vld @!p3 [tilespmem:$0x1CC00]  }
0xfe: {  	v6 =	vld @!p3 [tilespmem:$0x1CC10]  }
0xff: {  	v7 =	vld @!p3 [tilespmem:$0x1CC20];
	v2 =	vadd.s32 @!p3 v0, v2  }
0x100: {  	[tilespmem:$0x1CD50] =	vst @!p3 v2;
	v2 =	vadd.s32 @!p3 v0, v3;
	v3 =	vld @!p3 [tilespmem:$0x1CC30]  }
0x101: {  	[tilespmem:$0x1CD60] =	vst @!p3 v2;
	v2 =	vadd.s32 @!p3 v0, v4;
	v4 =	vld @!p3 [tilespmem:$0x1CC40]  }
0x102: {  	[tilespmem:$0x1CD70] =	vst @!p3 v2;
	v2 =	vadd.s32 @!p3 v0, v5  }
0x103: {  	[tilespmem:$0x1CD80] =	vst @!p3 v2;
	v2 =	vadd.s32 @!p3 v0, v6  }
0x104: {  	[tilespmem:$0x1CD90] =	vst @!p3 v2;
	v2 =	vadd.s32 @!p3 v0, v7  }
0x105: {  	[tilespmem:$0x1CDA0] =	vst @!p3 v2;
	v2 =	vadd.s32 @!p3 v0, v3  }
.Ltmp3:
0x106: {  	[tilespmem:$0x1CDB0] =	vst @!p3 v2;
	v2 =	vadd.s32 @!p3 v0, v4;
	(pc) =	sbr.rel @p1 .LBB2_8-.Ltmp3, $4  }
0x107: {  	s3 =	simm.s32 @!p3 $0x1CD50;
	s10 =	simm.s32 @!p3 $0x1DDD0;
	s0 =	simm.s32 @!p3 $0x80;
	[tilespmem:$0x1CDC0] =	vst @!p3 v2  }
0x108: {  	[tilespmem:s10], [sflag:$0xE] =	stream.indirect.gather @!p3 [hbm4b:s8+s0], $0x20, s3, s0, $0xb8;
	[tilespmem:$0x1EDD0] =	vst v63  }
0x109: {  	s3 =	simm.s32 @!p3 $0x1CDD0  }
0x10a: {  	[tilespmem:s3], [sflag:$0xF] =	stream.indirect.gather @!p3 [spmem:s1], $0x20, s19, s0, $0xb8;
	[tilespmem:$0x1EDD0] =	vst v63  }
0x10b: {  	_ =	swait.ge [sflag:s25], $0x1000  }
0x10c: {  	[sflag:s25] =	ssyncset.done $0x0  }
0x10d: {  	[sflag:s25] =	ssyncadd.s32 $0xFFFFF000  }
0x10e: {  	_ =	swait.ge [sflag:s26], $0x1000  }
0x10f: {  	[sflag:s26] =	ssyncset.done $0x0  }
0x110: {  	s0 =	simm.s32 $0x19A50;
	[sflag:s26] =	ssyncadd.s32 $0xFFFFF000  }
0x111: {  	s19 =	simm.s32 $0x18A50;
	v2 =	vld [tilespmem:s0+$0x60]  }
0x112: {  	v3 =	vld [tilespmem:s19+$0x60]  }
0x113: {  	v5 =	vld [tilespmem:s19+$0xFFFFFF80]  }
0x114: {  	v4 =	vld [tilespmem:s0+$0xFFFFFFA0]  }
0x115: {  	v6 =	vld [tilespmem:s19+$0xFFFFFFA0]  }
0x116: {  	v7 =	vld [tilespmem:s0+$0xFFFFFFC0]  }
0x117: {  	v8 =	vld [tilespmem:s0+$0xFFFFFFE0]  }
0x118: {  	v9 =	vld [tilespmem:s19+$0xFFFFFFE0]  }
0x119: {  	v10 =	vld [tilespmem:s19+$0x70]  }
0x11a: {  	v11 =	vld [tilespmem:s19+$0x0]  }
0x11b: {  	v13 =	vld [tilespmem:s0+$0x20]  }
0x11c: {  	v2 =	vadd.f32 v3, v2;
	v3 =	vld [tilespmem:s19+$0xFFFFFFC0]  }
0x11d: {  	v14 =	vld [tilespmem:s0+$0xFFFFFF80]  }
0x11e: {  	v4 =	vadd.f32 v6, v4;
	v6 =	vld [tilespmem:s19+$0x20]  }
0x11f: {  	v8 =	vadd.f32 v9, v8;
	v9 =	vld [tilespmem:s19+$0x40];
	v2 =	vmax.f32 v2, $0.0e+00  }
0x120: {  	[tilespmem:s19+$0x60] =	vst v2;
	v2 =	vld [tilespmem:s0+$0x0]  }
0x121: {  	v12 =	vld [tilespmem:s0+$0x70];
	v3 =	vadd.f32 v3, v7  }
0x122: {  	v4 =	vmax.f32 v4, $0.0e+00;
	v7 =	vld [tilespmem:s0+$0x40]  }
0x123: {  	[tilespmem:s19+$0xFFFFFFA0] =	vst v4;
	v6 =	vadd.f32 v6, v13;
	v13 =	vld [tilespmem:s19+$0xFFFFFF90];
	v3 =	vmax.f32 v3, $0.0e+00  }
0x124: {  	[tilespmem:s19+$0xFFFFFFC0] =	vst v3;
	v3 =	vmax.f32 v8, $0.0e+00;
	v8 =	vld [tilespmem:s0+$0xFFFFFFB0]  }
0x125: {  	v2 =	vadd.f32 v11, v2;
	v11 =	vld [tilespmem:s19+$0xFFFFFFD0]  }
0x126: {  	v6 =	vmax.f32 v6, $0.0e+00;
	[tilespmem:s19+$0xFFFFFFE0] =	vst v3;
	v4 =	vld [tilespmem:s0+$0xFFFFFFD0]  }
0x127: {  	[tilespmem:s19+$0x20] =	vst v6;
	v3 =	vld [tilespmem:s0+$0xFFFFFFF0];
	v7 =	vadd.f32 v9, v7;
	v9 =	vadd.f32 v5, v14  }
0x128: {  	v2 =	vmax.f32 v2, $0.0e+00;
	v5 =	vld [tilespmem:s0+$0x30]  }
0x129: {  	[tilespmem:s19+$0x0] =	vst v2;
	v6 =	vmax.f32 v7, $0.0e+00;
	v7 =	vmax.f32 v9, $0.0e+00;
	v9 =	vld [tilespmem:s19+$0xFFFFFFB0]  }
0x12a: {  	v2 =	vld [tilespmem:s0+$0x10];
	[tilespmem:s19+$0xFFFFFF80] =	vst v7  }
0x12b: {  	v14 =	vld [tilespmem:s0+$0xFFFFFF90]  }
0x12c: {  	[tilespmem:s19+$0x40] =	vst v6;
	v7 =	vadd.f32 v10, v12;
	v10 =	vld [tilespmem:s19+$0xFFFFFFF0]  }
0x12d: {  	v6 =	vld [tilespmem:s0+$0x50]  }
0x12e: {  	v8 =	vadd.f32 v9, v8;
	v9 =	vld [tilespmem:s19+$0x10]  }
0x12f: {  	v12 =	vmax.f32 v7, $0.0e+00;
	v7 =	vld [tilespmem:s19+$0x30]  }
0x130: {  	s20 =	simm.s32 $0x0;
	s21 =	simm.s32 $0x19B50;
	s10 =	simm.s32 $0x18A50;
	[tilespmem:s19+$0x70] =	vst v12;
	v12 =	vadd.f32 v13, v14;
	v13 =	vmax.f32 v8, $0.0e+00;
	v8 =	vld [tilespmem:s19+$0x50]  }
.LBB2_6:
0x131: {  	v14 =	vld [tilespmem:s21+$0x60];
	[tilespmem:s19+$0xFFFFFFB0] =	vst v13;
	v4 =	vadd.f32 v11, v4;
	s10 =	sadd.s32 $0x100, s10  }
0x132: {  	s20 =	sadd.s32 $0x8, s20;
	v11 =	vld [tilespmem:s10+$0x60];
	v12 =	vmax.f32 v12, $0.0e+00;
	v3 =	vadd.f32 v10, v3  }
0x133: {  	p4 =	slt.u32 s20, $0x78;
	v10 =	vld [tilespmem:s10+$0xFFFFFF80];
	[tilespmem:s19+$0xFFFFFF90] =	vst v12;
	v4 =	vmax.f32 v4, $0.0e+00;
	v2 =	vadd.f32 v9, v2  }
0x134: {  	v9 =	vld [tilespmem:s21+$0xFFFFFFA0];
	[tilespmem:s19+$0xFFFFFFD0] =	vst v4;
	v3 =	vmax.f32 v3, $0.0e+00;
	v4 =	vadd.f32 v7, v5  }
0x135: {  	v5 =	vld [tilespmem:s10+$0xFFFFFFA0];
	[tilespmem:s19+$0xFFFFFFF0] =	vst v3;
	v2 =	vmax.f32 v2, $0.0e+00;
	v3 =	vadd.f32 v8, v6  }
0x136: {  	v6 =	vld [tilespmem:s21+$0xFFFFFFC0];
	[tilespmem:s19+$0x10] =	vst v2;
	v2 =	vmax.f32 v4, $0.0e+00  }
0x137: {  	v4 =	vld [tilespmem:s10+$0xFFFFFFC0];
	v7 =	vadd.f32 v11, v14;
	[tilespmem:s19+$0x30] =	vst v2;
	v2 =	vmax.f32 v3, $0.0e+00  }
0x138: {  	v3 =	vld [tilespmem:s21+$0xFFFFFFE0];
	[tilespmem:s19+$0x50] =	vst v2;
	s19 =	smov.u32 s10  }
0x139: {  	v2 =	vld [tilespmem:s10+$0xFFFFFFE0];
	v7 =	vmax.f32 v7, $0.0e+00  }
0x13a: {  	v5 =	vadd.f32 v5, v9;
	[tilespmem:s10+$0x60] =	vst v7;
	v7 =	vld [tilespmem:s10+$0x70]  }
0x13b: {  	v8 =	vld [tilespmem:s21+$0x70]  }
0x13c: {  	v5 =	vmax.f32 v5, $0.0e+00;
	v4 =	vadd.f32 v4, v6;
	v6 =	vld [tilespmem:s21+$0x0]  }
0x13d: {  	[tilespmem:s10+$0xFFFFFFA0] =	vst v5;
	v5 =	vld [tilespmem:s10+$0x0]  }
0x13e: {  	v4 =	vmax.f32 v4, $0.0e+00;
	v2 =	vadd.f32 v2, v3;
	v3 =	vld [tilespmem:s21+$0x20]  }
0x13f: {  	[tilespmem:s10+$0xFFFFFFC0] =	vst v4;
	v9 =	vld [tilespmem:s10+$0x20]  }
0x140: {  	v2 =	vmax.f32 v2, $0.0e+00;
	v11 =	vld [tilespmem:s21+$0x40];
	v4 =	vadd.f32 v7, v8  }
0x141: {  	[tilespmem:s10+$0xFFFFFFE0] =	vst v2;
	v7 =	vld [tilespmem:s10+$0x40]  }
0x142: {  	v8 =	vld [tilespmem:s21+$0xFFFFFF80];
	v2 =	vadd.f32 v5, v6;
	v4 =	vmax.f32 v4, $0.0e+00  }
0x143: {  	v12 =	vld [tilespmem:s21+$0xFFFFFFB0];
	[tilespmem:s10+$0x70] =	vst v4  }
0x144: {  	v4 =	vld [tilespmem:s21+$0xFFFFFFD0];
	v2 =	vmax.f32 v2, $0.0e+00;
	v5 =	vadd.f32 v9, v3  }
0x145: {  	v3 =	vld [tilespmem:s21+$0xFFFFFFF0];
	[tilespmem:s10+$0x0] =	vst v2  }
0x146: {  	v2 =	vld [tilespmem:s21+$0x10];
	v5 =	vmax.f32 v5, $0.0e+00;
	v6 =	vadd.f32 v7, v11  }
0x147: {  	v7 =	vadd.f32 v10, v8;
	v8 =	vld [tilespmem:s10+$0xFFFFFF90];
	[tilespmem:s10+$0x20] =	vst v5  }
0x148: {  	v5 =	vld [tilespmem:s21+$0x30];
	v6 =	vmax.f32 v6, $0.0e+00  }
0x149: {  	v7 =	vmax.f32 v7, $0.0e+00;
	v9 =	vld [tilespmem:s10+$0xFFFFFFB0];
	[tilespmem:s10+$0x40] =	vst v6  }
0x14a: {  	[tilespmem:s10+$0xFFFFFF80] =	vst v7;
	v6 =	vld [tilespmem:s21+$0x50]  }
0x14b: {  	v13 =	vld [tilespmem:s21+$0xFFFFFF90]  }
.Ltmp4:
0x14c: {  	v11 =	vld [tilespmem:s10+$0xFFFFFFD0];
	(pc) =	sbr.rel @p4 .LBB2_6-.Ltmp4, $4  }
0x14d: {  	v10 =	vld [tilespmem:s10+$0xFFFFFFF0]  }
0x14e: {  	v14 =	vadd.f32 v9, v12;
	v9 =	vld [tilespmem:s10+$0x10]  }
0x14f: {  	v7 =	vld [tilespmem:s10+$0x30]  }
0x150: {  	s21 =	sadd.s32 $0x100, s21;
	v12 =	vadd.f32 v8, v13;
	v13 =	vmax.f32 v14, $0.0e+00;
	v8 =	vld [tilespmem:s10+$0x50]  }
0x151: {  	v4 =	vadd.f32 v11, v4  }
0x152: {  	[tilespmem:s19+$0xFFFFFFB0] =	vst v13;
	v62 =	vmax.f32 v12, $0.0e+00;
	v3 =	vadd.f32 v10, v3  }
0x153: {  	[tilespmem:s19+$0xFFFFFF90] =	vst v62;
	v4 =	vmax.f32 v4, $0.0e+00;
	v2 =	vadd.f32 v9, v2  }
0x154: {  	[tilespmem:s19+$0xFFFFFFD0] =	vst v4;
	v3 =	vmax.f32 v3, $0.0e+00;
	v63 =	vadd.f32 v7, v5  }
0x155: {  	[tilespmem:s19+$0xFFFFFFF0] =	vst v3;
	v2 =	vmax.f32 v2, $0.0e+00;
	v3 =	vadd.f32 v8, v6  }
0x156: {  	[tilespmem:s19+$0x10] =	vst v2;
	v2 =	vmax.f32 v63, $0.0e+00  }
0x157: {  	[tilespmem:s19+$0x30] =	vst v2;
	v2 =	vmax.f32 v3, $0.0e+00  }
0x158: {  	s0 =	simm.s32 $0x18850;
	[tilespmem:s19+$0x50] =	vst v2  }
0x159: {  	[spmem:s2] =	stream.indirect.scatter.add.f32 [tilespmem:s22], [sflag:$0x1], $0x20, s0, s28, $0xb8;
	[tilespmem:$0x1EDD0] =	vst v63  }
.LBB2_8:
.Ltmp5:
0x15a: {  	(pc) =	sbr.rel @p2 .LBB2_12-.Ltmp5, $1  }
0x15b: {  	_ =	sdelay $0x3  }
0x15c: {  	_ =	swait.ge [sflag:s30], $0x1000  }
0x15d: {  	[sflag:s30] =	ssyncset.done $0x0  }
0x15e: {  	[sflag:s30] =	ssyncadd.s32 $0xFFFFF000  }
0x15f: {  	_ =	swait.ge [sflag:s31], $0x1000  }
0x160: {  	[sflag:s31] =	ssyncset.done $0x0  }
0x161: {  	s0 =	simm.s32 $0x1BC50;
	[sflag:s31] =	ssyncadd.s32 $0xFFFFF000  }
0x162: {  	s19 =	simm.s32 $0x1AC50;
	v2 =	vld [tilespmem:s0+$0x60]  }
0x163: {  	v3 =	vld [tilespmem:s19+$0x60]  }
0x164: {  	v5 =	vld [tilespmem:s19+$0xFFFFFF80]  }
0x165: {  	v4 =	vld [tilespmem:s0+$0xFFFFFFA0]  }
0x166: {  	v6 =	vld [tilespmem:s19+$0xFFFFFFA0]  }
0x167: {  	v7 =	vld [tilespmem:s0+$0xFFFFFFC0]  }
0x168: {  	v8 =	vld [tilespmem:s0+$0xFFFFFFE0]  }
0x169: {  	v9 =	vld [tilespmem:s19+$0xFFFFFFE0]  }
0x16a: {  	v10 =	vld [tilespmem:s19+$0x70]  }
0x16b: {  	v11 =	vld [tilespmem:s19+$0x0]  }
0x16c: {  	v13 =	vld [tilespmem:s0+$0x20]  }
0x16d: {  	v2 =	vadd.f32 v3, v2;
	v3 =	vld [tilespmem:s19+$0xFFFFFFC0]  }
0x16e: {  	v14 =	vld [tilespmem:s0+$0xFFFFFF80]  }
0x16f: {  	v4 =	vadd.f32 v6, v4;
	v6 =	vld [tilespmem:s19+$0x20]  }
0x170: {  	v8 =	vadd.f32 v9, v8;
	v9 =	vld [tilespmem:s19+$0x40];
	v2 =	vmax.f32 v2, $0.0e+00  }
0x171: {  	[tilespmem:s19+$0x60] =	vst v2;
	v2 =	vld [tilespmem:s0+$0x0]  }
0x172: {  	v12 =	vld [tilespmem:s0+$0x70];
	v3 =	vadd.f32 v3, v7  }
0x173: {  	v4 =	vmax.f32 v4, $0.0e+00;
	v7 =	vld [tilespmem:s0+$0x40]  }
0x174: {  	[tilespmem:s19+$0xFFFFFFA0] =	vst v4;
	v6 =	vadd.f32 v6, v13;
	v13 =	vld [tilespmem:s19+$0xFFFFFF90];
	v3 =	vmax.f32 v3, $0.0e+00  }
0x175: {  	[tilespmem:s19+$0xFFFFFFC0] =	vst v3;
	v3 =	vmax.f32 v8, $0.0e+00;
	v8 =	vld [tilespmem:s0+$0xFFFFFFB0]  }
0x176: {  	v2 =	vadd.f32 v11, v2;
	v11 =	vld [tilespmem:s19+$0xFFFFFFD0]  }
0x177: {  	v6 =	vmax.f32 v6, $0.0e+00;
	[tilespmem:s19+$0xFFFFFFE0] =	vst v3;
	v4 =	vld [tilespmem:s0+$0xFFFFFFD0]  }
0x178: {  	[tilespmem:s19+$0x20] =	vst v6;
	v3 =	vld [tilespmem:s0+$0xFFFFFFF0];
	v7 =	vadd.f32 v9, v7;
	v9 =	vadd.f32 v5, v14  }
0x179: {  	v2 =	vmax.f32 v2, $0.0e+00;
	v5 =	vld [tilespmem:s0+$0x30]  }
0x17a: {  	[tilespmem:s19+$0x0] =	vst v2;
	v6 =	vmax.f32 v7, $0.0e+00;
	v7 =	vmax.f32 v9, $0.0e+00;
	v9 =	vld [tilespmem:s19+$0xFFFFFFB0]  }
0x17b: {  	v2 =	vld [tilespmem:s0+$0x10];
	[tilespmem:s19+$0xFFFFFF80] =	vst v7  }
0x17c: {  	v14 =	vld [tilespmem:s0+$0xFFFFFF90]  }
0x17d: {  	[tilespmem:s19+$0x40] =	vst v6;
	v7 =	vadd.f32 v10, v12;
	v10 =	vld [tilespmem:s19+$0xFFFFFFF0]  }
0x17e: {  	v6 =	vld [tilespmem:s0+$0x50]  }
0x17f: {  	v8 =	vadd.f32 v9, v8;
	v9 =	vld [tilespmem:s19+$0x10]  }
0x180: {  	v12 =	vmax.f32 v7, $0.0e+00;
	v7 =	vld [tilespmem:s19+$0x30]  }
0x181: {  	s20 =	simm.s32 $0x0;
	s21 =	simm.s32 $0x1BD50;
	s10 =	simm.s32 $0x1AC50;
	[tilespmem:s19+$0x70] =	vst v12;
	v12 =	vadd.f32 v13, v14;
	v13 =	vmax.f32 v8, $0.0e+00;
	v8 =	vld [tilespmem:s19+$0x50]  }
.LBB2_10:
0x182: {  	v14 =	vld [tilespmem:s21+$0x60];
	[tilespmem:s19+$0xFFFFFFB0] =	vst v13;
	v4 =	vadd.f32 v11, v4;
	s10 =	sadd.s32 $0x100, s10  }
0x183: {  	s20 =	sadd.s32 $0x8, s20;
	v11 =	vld [tilespmem:s10+$0x60];
	v12 =	vmax.f32 v12, $0.0e+00;
	v3 =	vadd.f32 v10, v3  }
0x184: {  	p4 =	slt.u32 s20, $0x78;
	v10 =	vld [tilespmem:s10+$0xFFFFFF80];
	[tilespmem:s19+$0xFFFFFF90] =	vst v12;
	v4 =	vmax.f32 v4, $0.0e+00;
	v2 =	vadd.f32 v9, v2  }
0x185: {  	v9 =	vld [tilespmem:s21+$0xFFFFFFA0];
	[tilespmem:s19+$0xFFFFFFD0] =	vst v4;
	v3 =	vmax.f32 v3, $0.0e+00;
	v4 =	vadd.f32 v7, v5  }
0x186: {  	v5 =	vld [tilespmem:s10+$0xFFFFFFA0];
	[tilespmem:s19+$0xFFFFFFF0] =	vst v3;
	v2 =	vmax.f32 v2, $0.0e+00;
	v3 =	vadd.f32 v8, v6  }
0x187: {  	v6 =	vld [tilespmem:s21+$0xFFFFFFC0];
	[tilespmem:s19+$0x10] =	vst v2;
	v2 =	vmax.f32 v4, $0.0e+00  }
0x188: {  	v4 =	vld [tilespmem:s10+$0xFFFFFFC0];
	v7 =	vadd.f32 v11, v14;
	[tilespmem:s19+$0x30] =	vst v2;
	v2 =	vmax.f32 v3, $0.0e+00  }
0x189: {  	v3 =	vld [tilespmem:s21+$0xFFFFFFE0];
	[tilespmem:s19+$0x50] =	vst v2;
	s19 =	smov.u32 s10  }
0x18a: {  	v2 =	vld [tilespmem:s10+$0xFFFFFFE0];
	v7 =	vmax.f32 v7, $0.0e+00  }
0x18b: {  	v5 =	vadd.f32 v5, v9;
	[tilespmem:s10+$0x60] =	vst v7;
	v7 =	vld [tilespmem:s10+$0x70]  }
0x18c: {  	v8 =	vld [tilespmem:s21+$0x70]  }
0x18d: {  	v5 =	vmax.f32 v5, $0.0e+00;
	v4 =	vadd.f32 v4, v6;
	v6 =	vld [tilespmem:s21+$0x0]  }
0x18e: {  	[tilespmem:s10+$0xFFFFFFA0] =	vst v5;
	v5 =	vld [tilespmem:s10+$0x0]  }
0x18f: {  	v4 =	vmax.f32 v4, $0.0e+00;
	v2 =	vadd.f32 v2, v3;
	v3 =	vld [tilespmem:s21+$0x20]  }
0x190: {  	[tilespmem:s10+$0xFFFFFFC0] =	vst v4;
	v9 =	vld [tilespmem:s10+$0x20]  }
0x191: {  	v2 =	vmax.f32 v2, $0.0e+00;
	v11 =	vld [tilespmem:s21+$0x40];
	v4 =	vadd.f32 v7, v8  }
0x192: {  	[tilespmem:s10+$0xFFFFFFE0] =	vst v2;
	v7 =	vld [tilespmem:s10+$0x40]  }
0x193: {  	v8 =	vld [tilespmem:s21+$0xFFFFFF80];
	v2 =	vadd.f32 v5, v6;
	v4 =	vmax.f32 v4, $0.0e+00  }
0x194: {  	v12 =	vld [tilespmem:s21+$0xFFFFFFB0];
	[tilespmem:s10+$0x70] =	vst v4  }
0x195: {  	v4 =	vld [tilespmem:s21+$0xFFFFFFD0];
	v2 =	vmax.f32 v2, $0.0e+00;
	v5 =	vadd.f32 v9, v3  }
0x196: {  	v3 =	vld [tilespmem:s21+$0xFFFFFFF0];
	[tilespmem:s10+$0x0] =	vst v2  }
0x197: {  	v2 =	vld [tilespmem:s21+$0x10];
	v5 =	vmax.f32 v5, $0.0e+00;
	v6 =	vadd.f32 v7, v11  }
0x198: {  	v7 =	vadd.f32 v10, v8;
	v8 =	vld [tilespmem:s10+$0xFFFFFF90];
	[tilespmem:s10+$0x20] =	vst v5  }
0x199: {  	v5 =	vld [tilespmem:s21+$0x30];
	v6 =	vmax.f32 v6, $0.0e+00  }
0x19a: {  	v7 =	vmax.f32 v7, $0.0e+00;
	v9 =	vld [tilespmem:s10+$0xFFFFFFB0];
	[tilespmem:s10+$0x40] =	vst v6  }
0x19b: {  	[tilespmem:s10+$0xFFFFFF80] =	vst v7;
	v6 =	vld [tilespmem:s21+$0x50]  }
0x19c: {  	v13 =	vld [tilespmem:s21+$0xFFFFFF90]  }
.Ltmp6:
0x19d: {  	v11 =	vld [tilespmem:s10+$0xFFFFFFD0];
	(pc) =	sbr.rel @p4 .LBB2_10-.Ltmp6, $4  }
0x19e: {  	v10 =	vld [tilespmem:s10+$0xFFFFFFF0]  }
0x19f: {  	v14 =	vadd.f32 v9, v12;
	v9 =	vld [tilespmem:s10+$0x10]  }
0x1a0: {  	v7 =	vld [tilespmem:s10+$0x30]  }
0x1a1: {  	s21 =	sadd.s32 $0x100, s21;
	v12 =	vadd.f32 v8, v13;
	v13 =	vmax.f32 v14, $0.0e+00;
	v8 =	vld [tilespmem:s10+$0x50]  }
0x1a2: {  	v4 =	vadd.f32 v11, v4  }
0x1a3: {  	[tilespmem:s19+$0xFFFFFFB0] =	vst v13;
	v62 =	vmax.f32 v12, $0.0e+00;
	v3 =	vadd.f32 v10, v3  }
0x1a4: {  	[tilespmem:s19+$0xFFFFFF90] =	vst v62;
	v4 =	vmax.f32 v4, $0.0e+00;
	v2 =	vadd.f32 v9, v2  }
0x1a5: {  	[tilespmem:s19+$0xFFFFFFD0] =	vst v4;
	v3 =	vmax.f32 v3, $0.0e+00;
	v63 =	vadd.f32 v7, v5  }
0x1a6: {  	[tilespmem:s19+$0xFFFFFFF0] =	vst v3;
	v2 =	vmax.f32 v2, $0.0e+00;
	v3 =	vadd.f32 v8, v6  }
0x1a7: {  	[tilespmem:s19+$0x10] =	vst v2;
	v2 =	vmax.f32 v63, $0.0e+00  }
0x1a8: {  	[tilespmem:s19+$0x30] =	vst v2;
	v2 =	vmax.f32 v3, $0.0e+00  }
0x1a9: {  	s0 =	simm.s32 $0x1AA50;
	[tilespmem:s19+$0x50] =	vst v2  }
0x1aa: {  	[spmem:s2] =	stream.indirect.scatter.add.f32 [tilespmem:s5], [sflag:$0x6], $0x20, s0, s28, $0xb8;
	[tilespmem:$0x1EDD0] =	vst v63  }
.LBB2_12:
.Ltmp7:
0x1ab: {  	(pc) =	sbr.rel @p3 .LBB2_16-.Ltmp7, $1  }
0x1ac: {  	_ =	sdelay $0x3  }
0x1ad: {  	_ =	swait.ge [sflag:s9], $0x1000  }
0x1ae: {  	[sflag:s9] =	ssyncset.done $0x0  }
0x1af: {  	[sflag:s9] =	ssyncadd.s32 $0xFFFFF000  }
0x1b0: {  	_ =	swait.ge [sflag:s12], $0x1000  }
0x1b1: {  	[sflag:s12] =	ssyncset.done $0x0  }
0x1b2: {  	s0 =	simm.s32 $0x1DE50;
	[sflag:s12] =	ssyncadd.s32 $0xFFFFF000  }
0x1b3: {  	s19 =	simm.s32 $0x1CE50;
	v2 =	vld [tilespmem:s0+$0x60]  }
0x1b4: {  	v3 =	vld [tilespmem:s19+$0x60]  }
0x1b5: {  	v5 =	vld [tilespmem:s19+$0xFFFFFF80]  }
0x1b6: {  	v4 =	vld [tilespmem:s0+$0xFFFFFFA0]  }
0x1b7: {  	v6 =	vld [tilespmem:s19+$0xFFFFFFA0]  }
0x1b8: {  	v7 =	vld [tilespmem:s0+$0xFFFFFFC0]  }
0x1b9: {  	v8 =	vld [tilespmem:s0+$0xFFFFFFE0]  }
0x1ba: {  	v9 =	vld [tilespmem:s19+$0xFFFFFFE0]  }
0x1bb: {  	v10 =	vld [tilespmem:s19+$0x70]  }
0x1bc: {  	v11 =	vld [tilespmem:s19+$0x0]  }
0x1bd: {  	v13 =	vld [tilespmem:s0+$0x20]  }
0x1be: {  	v2 =	vadd.f32 v3, v2;
	v3 =	vld [tilespmem:s19+$0xFFFFFFC0]  }
0x1bf: {  	v14 =	vld [tilespmem:s0+$0xFFFFFF80]  }
0x1c0: {  	v4 =	vadd.f32 v6, v4;
	v6 =	vld [tilespmem:s19+$0x20]  }
0x1c1: {  	v8 =	vadd.f32 v9, v8;
	v9 =	vld [tilespmem:s19+$0x40];
	v2 =	vmax.f32 v2, $0.0e+00  }
0x1c2: {  	[tilespmem:s19+$0x60] =	vst v2;
	v2 =	vld [tilespmem:s0+$0x0]  }
0x1c3: {  	v12 =	vld [tilespmem:s0+$0x70];
	v3 =	vadd.f32 v3, v7  }
0x1c4: {  	v4 =	vmax.f32 v4, $0.0e+00;
	v7 =	vld [tilespmem:s0+$0x40]  }
0x1c5: {  	[tilespmem:s19+$0xFFFFFFA0] =	vst v4;
	v6 =	vadd.f32 v6, v13;
	v13 =	vld [tilespmem:s19+$0xFFFFFF90];
	v3 =	vmax.f32 v3, $0.0e+00  }
0x1c6: {  	[tilespmem:s19+$0xFFFFFFC0] =	vst v3;
	v3 =	vmax.f32 v8, $0.0e+00;
	v8 =	vld [tilespmem:s0+$0xFFFFFFB0]  }
0x1c7: {  	v2 =	vadd.f32 v11, v2;
	v11 =	vld [tilespmem:s19+$0xFFFFFFD0]  }
0x1c8: {  	v6 =	vmax.f32 v6, $0.0e+00;
	[tilespmem:s19+$0xFFFFFFE0] =	vst v3;
	v4 =	vld [tilespmem:s0+$0xFFFFFFD0]  }
0x1c9: {  	[tilespmem:s19+$0x20] =	vst v6;
	v3 =	vld [tilespmem:s0+$0xFFFFFFF0];
	v7 =	vadd.f32 v9, v7;
	v9 =	vadd.f32 v5, v14  }
0x1ca: {  	v2 =	vmax.f32 v2, $0.0e+00;
	v5 =	vld [tilespmem:s0+$0x30]  }
0x1cb: {  	[tilespmem:s19+$0x0] =	vst v2;
	v6 =	vmax.f32 v7, $0.0e+00;
	v7 =	vmax.f32 v9, $0.0e+00;
	v9 =	vld [tilespmem:s19+$0xFFFFFFB0]  }
0x1cc: {  	v2 =	vld [tilespmem:s0+$0x10];
	[tilespmem:s19+$0xFFFFFF80] =	vst v7  }
0x1cd: {  	v14 =	vld [tilespmem:s0+$0xFFFFFF90]  }
0x1ce: {  	[tilespmem:s19+$0x40] =	vst v6;
	v7 =	vadd.f32 v10, v12;
	v10 =	vld [tilespmem:s19+$0xFFFFFFF0]  }
0x1cf: {  	v6 =	vld [tilespmem:s0+$0x50]  }
0x1d0: {  	v8 =	vadd.f32 v9, v8;
	v9 =	vld [tilespmem:s19+$0x10]  }
0x1d1: {  	v12 =	vmax.f32 v7, $0.0e+00;
	v7 =	vld [tilespmem:s19+$0x30]  }
0x1d2: {  	s20 =	simm.s32 $0x0;
	s21 =	simm.s32 $0x1DF50;
	s10 =	simm.s32 $0x1CE50;
	[tilespmem:s19+$0x70] =	vst v12;
	v12 =	vadd.f32 v13, v14;
	v13 =	vmax.f32 v8, $0.0e+00;
	v8 =	vld [tilespmem:s19+$0x50]  }
.LBB2_14:
0x1d3: {  	v14 =	vld [tilespmem:s21+$0x60];
	[tilespmem:s19+$0xFFFFFFB0] =	vst v13;
	v4 =	vadd.f32 v11, v4;
	s10 =	sadd.s32 $0x100, s10  }
0x1d4: {  	s20 =	sadd.s32 $0x8, s20;
	v11 =	vld [tilespmem:s10+$0x60];
	v12 =	vmax.f32 v12, $0.0e+00;
	v3 =	vadd.f32 v10, v3  }
0x1d5: {  	p4 =	slt.u32 s20, $0x78;
	v10 =	vld [tilespmem:s10+$0xFFFFFF80];
	[tilespmem:s19+$0xFFFFFF90] =	vst v12;
	v4 =	vmax.f32 v4, $0.0e+00;
	v2 =	vadd.f32 v9, v2  }
0x1d6: {  	v9 =	vld [tilespmem:s21+$0xFFFFFFA0];
	[tilespmem:s19+$0xFFFFFFD0] =	vst v4;
	v3 =	vmax.f32 v3, $0.0e+00;
	v4 =	vadd.f32 v7, v5  }
0x1d7: {  	v5 =	vld [tilespmem:s10+$0xFFFFFFA0];
	[tilespmem:s19+$0xFFFFFFF0] =	vst v3;
	v2 =	vmax.f32 v2, $0.0e+00;
	v3 =	vadd.f32 v8, v6  }
0x1d8: {  	v6 =	vld [tilespmem:s21+$0xFFFFFFC0];
	[tilespmem:s19+$0x10] =	vst v2;
	v2 =	vmax.f32 v4, $0.0e+00  }
0x1d9: {  	v4 =	vld [tilespmem:s10+$0xFFFFFFC0];
	v7 =	vadd.f32 v11, v14;
	[tilespmem:s19+$0x30] =	vst v2;
	v2 =	vmax.f32 v3, $0.0e+00  }
0x1da: {  	v3 =	vld [tilespmem:s21+$0xFFFFFFE0];
	[tilespmem:s19+$0x50] =	vst v2;
	s19 =	smov.u32 s10  }
0x1db: {  	v2 =	vld [tilespmem:s10+$0xFFFFFFE0];
	v7 =	vmax.f32 v7, $0.0e+00  }
0x1dc: {  	v5 =	vadd.f32 v5, v9;
	[tilespmem:s10+$0x60] =	vst v7;
	v7 =	vld [tilespmem:s10+$0x70]  }
0x1dd: {  	v8 =	vld [tilespmem:s21+$0x70]  }
0x1de: {  	v5 =	vmax.f32 v5, $0.0e+00;
	v4 =	vadd.f32 v4, v6;
	v6 =	vld [tilespmem:s21+$0x0]  }
0x1df: {  	[tilespmem:s10+$0xFFFFFFA0] =	vst v5;
	v5 =	vld [tilespmem:s10+$0x0]  }
0x1e0: {  	v4 =	vmax.f32 v4, $0.0e+00;
	v2 =	vadd.f32 v2, v3;
	v3 =	vld [tilespmem:s21+$0x20]  }
0x1e1: {  	[tilespmem:s10+$0xFFFFFFC0] =	vst v4;
	v9 =	vld [tilespmem:s10+$0x20]  }
0x1e2: {  	v2 =	vmax.f32 v2, $0.0e+00;
	v11 =	vld [tilespmem:s21+$0x40];
	v4 =	vadd.f32 v7, v8  }
0x1e3: {  	[tilespmem:s10+$0xFFFFFFE0] =	vst v2;
	v7 =	vld [tilespmem:s10+$0x40]  }
0x1e4: {  	v8 =	vld [tilespmem:s21+$0xFFFFFF80];
	v2 =	vadd.f32 v5, v6;
	v4 =	vmax.f32 v4, $0.0e+00  }
0x1e5: {  	v12 =	vld [tilespmem:s21+$0xFFFFFFB0];
	[tilespmem:s10+$0x70] =	vst v4  }
0x1e6: {  	v4 =	vld [tilespmem:s21+$0xFFFFFFD0];
	v2 =	vmax.f32 v2, $0.0e+00;
	v5 =	vadd.f32 v9, v3  }
0x1e7: {  	v3 =	vld [tilespmem:s21+$0xFFFFFFF0];
	[tilespmem:s10+$0x0] =	vst v2  }
0x1e8: {  	v2 =	vld [tilespmem:s21+$0x10];
	v5 =	vmax.f32 v5, $0.0e+00;
	v6 =	vadd.f32 v7, v11  }
0x1e9: {  	v7 =	vadd.f32 v10, v8;
	v8 =	vld [tilespmem:s10+$0xFFFFFF90];
	[tilespmem:s10+$0x20] =	vst v5  }
0x1ea: {  	v5 =	vld [tilespmem:s21+$0x30];
	v6 =	vmax.f32 v6, $0.0e+00  }
0x1eb: {  	v7 =	vmax.f32 v7, $0.0e+00;
	v9 =	vld [tilespmem:s10+$0xFFFFFFB0];
	[tilespmem:s10+$0x40] =	vst v6  }
0x1ec: {  	[tilespmem:s10+$0xFFFFFF80] =	vst v7;
	v6 =	vld [tilespmem:s21+$0x50]  }
0x1ed: {  	v13 =	vld [tilespmem:s21+$0xFFFFFF90]  }
.Ltmp8:
0x1ee: {  	v11 =	vld [tilespmem:s10+$0xFFFFFFD0];
	(pc) =	sbr.rel @p4 .LBB2_14-.Ltmp8, $4  }
0x1ef: {  	v10 =	vld [tilespmem:s10+$0xFFFFFFF0]  }
0x1f0: {  	v14 =	vadd.f32 v9, v12;
	v9 =	vld [tilespmem:s10+$0x10]  }
0x1f1: {  	v7 =	vld [tilespmem:s10+$0x30]  }
0x1f2: {  	s21 =	sadd.s32 $0x100, s21;
	v12 =	vadd.f32 v8, v13;
	v13 =	vmax.f32 v14, $0.0e+00;
	v8 =	vld [tilespmem:s10+$0x50]  }
0x1f3: {  	v4 =	vadd.f32 v11, v4  }
0x1f4: {  	[tilespmem:s19+$0xFFFFFFB0] =	vst v13;
	v62 =	vmax.f32 v12, $0.0e+00;
	v3 =	vadd.f32 v10, v3  }
0x1f5: {  	[tilespmem:s19+$0xFFFFFF90] =	vst v62;
	v4 =	vmax.f32 v4, $0.0e+00;
	v2 =	vadd.f32 v9, v2  }
0x1f6: {  	[tilespmem:s19+$0xFFFFFFD0] =	vst v4;
	v3 =	vmax.f32 v3, $0.0e+00;
	v63 =	vadd.f32 v7, v5  }
.Ltmp9:
0x1f7: {  	[tilespmem:s19+$0xFFFFFFF0] =	vst v3;
	v2 =	vmax.f32 v2, $0.0e+00;
	v3 =	vadd.f32 v8, v6;
	(pc) =	sbr.rel .LBB2_16-.Ltmp9, $4  }
0x1f8: {  	[tilespmem:s19+$0x10] =	vst v2;
	v2 =	vmax.f32 v63, $0.0e+00  }
0x1f9: {  	[tilespmem:s19+$0x30] =	vst v2;
	v2 =	vmax.f32 v3, $0.0e+00  }
0x1fa: {  	[tilespmem:s19+$0x50] =	vst v2  }
0x1fb: {  	[spmem:s2] =	stream.indirect.scatter.add.f32 [tilespmem:s17], [sflag:$0xB], $0x20, s16, s28, $0xb8;
	[tilespmem:$0x1EDD0] =	vst v63  }
.LBB2_17:
0x1fc: {  	[bflag:$0x0] =	sbarrier.arrive $0xFFFF;
	s0 =	stileid.u32  }
0x1fd: {  	s0 =	sshll.u32 s0, $0x6;
	s20 =	rddreg [dreg:$0x6]  }
0x1fe: {  	s3 =	sadd.s32 $0x0, s24;
	s10 =	sor.u32 $0x1C10, s0;
	s29 =	sshrl.u32 s20, $0x3  }
0x1ff: {  	[hbm:s3], [sflag:s10] =	dma.local [spmem:s29], $0x220  }
0x200: {  	s18 =	simm.s32 $0x220;
	s19 =	sadd.s32 $0x1100, s20;
	_ =	swait.ge [sflag:s23], $0x220  }
.LBB2_18:
0x201: {  	s0 =	sadd.s32 s18, s24;
	[sflag:s23] =	ssyncset.done $0x0;
	p1 =	sne.s32 s18, $0x2EC0  }
.Ltmp10:
0x202: {  	s3 =	sshrl.u32 s19, $0x3;
	[sflag:s23] =	ssyncadd.s32 $0xFFFFFDE0;
	(pc) =	sbr.rel @p1 .LBB2_18-.Ltmp10, $3  }
0x203: {  	[hbm:s0], [sflag:s10] =	dma.local [spmem:s3], $0x220  }
0x204: {  	s18 =	sadd.s32 $0x220, s18;
	_ =	sdelay $0x1  }
0x205: {  	s19 =	sadd.s32 $0x1100, s19;
	_ =	swait.ge [sflag:s23], $0x220  }
0x206: {  	s3 =	rddreg [dreg:$0x4]  }
0x207: {  	s0 =	rddreg [dreg:$0x8];
	s3 =	sadd.s32 $0x1, s3  }
0x208: {  	p1 =	sne.s32 s3, s0  }
.Ltmp11:
0x209: {  	_ = 	snop;
	(pc) =	sbr.rel @p1 .LBB2_1-.Ltmp11, $3  }
0x20a: {  	_ =	sdelay $0x1  }
0x20b: {  	[sflag:s23] =	ssyncset.done $0x0  }
0x20c: {  	[sflag:s23] =	ssyncadd.s32 $0xFFFFFDE0  }
0x20d: {  	_ =	sfence.sel $0x180000  }
0x20e: {  	[bflag:$0x0] =	sbarrier.arrive $0xFFFF  }
0x20f: {  	_ =	strace $0x9000004A  }
0x210: {  	s0 =	stileid.u32;
	[bflag:$0x2] =	sbarrier.arrive $0xFFFF  }
0x211: {  	p0 =	sne.s32 s0, $0x0;
	s0 =	rddreg [dreg:$0x3]  }
0x212: {  	s0 =	sadd.s32 @!p0 $0x100000, s0  }
0x213: {  	[sflag:s0] =	ssyncadd.tile.s32 @!p0 $0x1;
	_ =	shalt  }
.Lfunc_end2:
_tile_overlayer_lowered:
.L_overlay_start_2:
0x214: {  	(tag) =	ssettag $0x2  }
0x215: {  	s0 =	rddreg [dreg:$0x0];
	s2 =	stileid.u32  }
0x216: {  	s1 =	rddreg [dreg:$0x1];
	p0 =	sne.s32 s2, $0x0  }
0x217: {  	s3 =	rddreg [dreg:$0x2];
	[bflag:$0x3] =	sbarrier.arrive $0xFFFF;
	s2 =	simm.s32 @!p0 $0x1C10  }
0x218: {  	[timem:s3], [sflag:s2] =	dma.local @!p0 [hbm:s0], s1  }
0x219: {  	s0 =	simm.s32 @!p0 $0x10  }
0x21a: {  	_ =	swait.ge @!p0 [sflag:s0], s1  }
0x21b: {  	s1 =	ssub.s32 @!p0 $0x0, s1;
	[sflag:s0] =	ssyncset.done @!p0 $0x0  }
0x21c: {  	[sflag:s0] =	ssyncadd.s32 @!p0 s1  }
0x21d: {  	[bflag:$0x3] =	sbarrier.arrive $0xFFFF  }
0x21e: {  	_ =	shalt  }

// kernel: kernel.7.cloned.1.call-start
scs
__scs_entry_jumppad:
0x0: {  	(pc) =	sbr.rel $0x88, $3  }
0x1: {  	(tag) =	ssettag $0x0;
	lr =	simm.s32 $0x1  }
0x2: {  	[smem:$0x3F91] =	sst lr;
	_ =	strace $0xD0000000  }
0x3: {  	_ = 	snop  }
0x4: {  	_ = 	snop  }
0x5: {  	_ = 	snop  }
0x6: {  	_ = 	snop  }
0x7: {  	_ = 	snop  }
__scs_overlays_trampoline_lowered:
0x8: {  	[smem:$0x3FA0] =	sst s0  }
0x9: {  	[smem:$0x3FA1] =	sst s1  }
0xa: {  	[smem:$0x3FA2] =	sst s2  }
0xb: {  	[smem:$0x3FA3] =	sst s3  }
0xc: {  	[smem:$0x3FA4] =	sst s4  }
0xd: {  	[smem:$0x3FA5] =	sst s5  }
0xe: {  	[smem:$0x3FA6] =	sst s6  }
0xf: {  	[smem:$0x3FA7] =	sst s7  }
0x10: {  	[smem:$0x3FA8] =	sst s8  }
0x11: {  	[smem:$0x3FA9] =	sst s9;
	s0 =	simm.s32 @!p0 $0x0  }
0x12: {  	s1 =	sld [smem:$0x3F8F];
	s0 =	simm.s32 @p0 $0x1  }
0x13: {  	[smem:$0x3FAA] =	sst s0;
	s0 =	simm.s32 @!p1 $0x0  }
0x14: {  	s2 =	sld [smem:$0x3F8E];
	s0 =	simm.s32 @p1 $0x1  }
0x15: {  	[smem:$0x3FAB] =	sst s0;
	s0 =	simm.s32 @!p2 $0x0  }
0x16: {  	s3 =	sld [smem:$0x3FDB];
	s0 =	simm.s32 @p2 $0x1  }
0x17: {  	s4 =	simm.s32 $0x1BF5;
	[smem:$0x3FAD] =	sst s0  }
0x18: {  	s0 =	sld [smem:$0x3F90];
	_ =	swait.ge [sflag:s4], $0x0  }
0x19: {  	s7 =	sld [smem:$0x3F91]  }
0x1a: {  	s8 =	sadd.s32 $0xFFFFE003, lr  }
0x1b: {  	s9 =	sadd.s32 $0xFFFFFEF7, lr;
	s5 =	simm.s32 $0xFFFFFFFF;
	p2 =	slt.u32 s8, $0xFFFFF086  }
0x1c: {  	p1 =	slt.u32 s9, $0xF7A;
	s5 =	simm.s32 @!p2 $0x0  }
0x1d: {  	s5 =	simm.s32 @p1 $0x1;
	p0 =	seq.s32 s7, s2  }
0x1e: {  	s7 =	smul.u32 @!p0 $0xF7A, s2;
	p2 =	seq.s32 @!p0 s5, $0x0  }
0x1f: {  	s9 =	smul.u32 $0xF7A, s1;
	s8 =	simm.s32 @!p0 $0x1BF5;
	p2 =	por !p2, p0  }
0x20: {  	[sflag:s8] =	ssyncset.s32 @!p0 $0xFFFFF086;
	s6 =	sadd.s32 @!p0 s3, s7;
	s7 =	simm.s32 @!p0 $0x108  }
0x21: {  	s3 =	sadd.s32 s3, s9;
	s6 =	sadd.s32 @!p0 $0x88, s6;
	s7 =	simm.s32 @p2 $0x1082  }
0x22: {  	[simem:s7], [sflag:s8] =	dma.local @!p0 [hbm:s6], $0xF7A  }
0x23: {  	s9 =	sor.u32 $0xD0000000, s2;
	s6 =	simm.s32 $0x108;
	_ =	swait.ge @!p0 [sflag:s8], $0x0  }
0x24: {  	s3 =	sadd.s32 $0x88, s3;
	s6 =	simm.s32 @!p1 $0x1082;
	[sflag:s4] =	ssyncset.s32 $0xFFFFF086  }
0x25: {  	[simem:s6], [sflag:s4] =	dma.local [hbm:s3], $0xF7A  }
0x26: {  	[smem:$0x3F91] =	sst s1;
	(tag) =	ssettag s2;
	_ =	strace s9  }
0x27: {  	s1 =	sld [smem:$0x3FA1]  }
0x28: {  	s2 =	sld [smem:$0x3FA2]  }
0x29: {  	s4 =	sld [smem:$0x3FA4]  }
0x2a: {  	p0 =	seq.s32 s5, $0x0;
	s5 =	sld [smem:$0x3FA5]  }
0x2b: {  	s6 =	sld [smem:$0x3FA6]  }
0x2c: {  	s7 =	sld [smem:$0x3FA7]  }
0x2d: {  	s3 =	simm.s32 $0x108;
	s8 =	sld [smem:$0x3FA8]  }
0x2e: {  	s3 =	simm.s32 @!p0 $0x1082;
	s9 =	sld [smem:$0x3FA9]  }
0x2f: {  	lr =	sadd.s32 s0, s3;
	s0 =	sld [smem:$0x3FA0]  }
0x30: {  	s3 =	sld [smem:$0x3FA3]  }
0x31: {  	[smem:$0x3FAC] =	sst s10  }
0x32: {  	s10 =	sld [smem:$0x3FAA];
	_ =	sdelay $0x3  }
0x33: {  	p0 =	seq.s32 s10, $0x1;
	s10 =	sld [smem:$0x3FAC];
	_ =	sdelay $0x3  }
0x34: {  	[smem:$0x3FAC] =	sst s10  }
0x35: {  	s10 =	sld [smem:$0x3FAB];
	_ =	sdelay $0x3  }
0x36: {  	p1 =	seq.s32 s10, $0x1;
	s10 =	sld [smem:$0x3FAC];
	_ =	sdelay $0x3  }
0x37: {  	[smem:$0x3FAC] =	sst s10  }
0x38: {  	s10 =	sld [smem:$0x3FAD]  }
0x39: {  	_ = 	snop;
	(pc) =	sbr.ind lr, $3  }
0x3a: {  	_ = 	snop  }
0x3b: {  	_ = 	snop  }
0x3c: {  	p2 =	seq.s32 s10, $0x1;
	s10 =	sld [smem:$0x3FAC]  }
0x3d: {  	_ =	shalt  }
0x3e: {  	_ =	shalt  }
0x3f: {  	_ =	shalt  }
0x40: {  	_ =	shalt  }
0x41: {  	_ =	shalt  }
0x42: {  	_ =	shalt  }
0x43: {  	_ =	shalt  }
0x44: {  	_ =	shalt  }
0x45: {  	_ =	shalt  }
0x46: {  	_ =	shalt  }
0x47: {  	_ =	shalt  }
0x48: {  	_ =	shalt  }
0x49: {  	_ =	shalt  }
0x4a: {  	_ =	shalt  }
0x4b: {  	_ =	shalt  }
0x4c: {  	_ =	shalt  }
0x4d: {  	_ =	shalt  }
0x4e: {  	_ =	shalt  }
0x4f: {  	_ =	shalt  }
0x50: {  	_ =	shalt  }
0x51: {  	_ =	shalt  }
0x52: {  	_ =	shalt  }
0x53: {  	_ =	shalt  }
0x54: {  	_ =	shalt  }
0x55: {  	_ =	shalt  }
0x56: {  	_ =	shalt  }
0x57: {  	_ =	shalt  }
0x58: {  	_ =	shalt  }
0x59: {  	_ =	shalt  }
0x5a: {  	_ =	shalt  }
0x5b: {  	_ =	shalt  }
0x5c: {  	_ =	shalt  }
0x5d: {  	_ =	shalt  }
0x5e: {  	_ =	shalt  }
0x5f: {  	_ =	shalt  }
0x60: {  	_ =	shalt  }
0x61: {  	_ =	shalt  }
0x62: {  	_ =	shalt  }
0x63: {  	_ =	shalt  }
0x64: {  	_ =	shalt  }
0x65: {  	_ =	shalt  }
0x66: {  	_ =	shalt  }
0x67: {  	_ =	shalt  }
0x68: {  	_ =	shalt  }
0x69: {  	_ =	shalt  }
0x6a: {  	_ =	shalt  }
0x6b: {  	_ =	shalt  }
0x6c: {  	_ =	shalt  }
0x6d: {  	_ =	shalt  }
0x6e: {  	_ =	shalt  }
0x6f: {  	_ =	shalt  }
0x70: {  	_ =	shalt  }
0x71: {  	_ =	shalt  }
0x72: {  	_ =	shalt  }
0x73: {  	_ =	shalt  }
0x74: {  	_ =	shalt  }
0x75: {  	_ =	shalt  }
0x76: {  	_ =	shalt  }
0x77: {  	_ =	shalt  }
0x78: {  	_ =	shalt  }
0x79: {  	_ =	shalt  }
0x7a: {  	_ =	shalt  }
0x7b: {  	_ =	shalt  }
0x7c: {  	_ =	shalt  }
0x7d: {  	_ =	shalt  }
0x7e: {  	_ =	shalt  }
0x7f: {  	_ =	shalt  }
0x80: {  	_ =	shalt  }
0x81: {  	_ =	shalt  }
0x82: {  	_ =	shalt  }
0x83: {  	_ =	shalt  }
0x84: {  	_ =	shalt  }
0x85: {  	_ =	shalt  }
0x86: {  	_ =	shalt  }
0x87: {  	_ =	shalt  }
.Lfunc_end0:
.L_simem_size_0:
called_computation_lowered:
.L_overlay_start_0:
0x88: {  	s2 =	sld [smem:$0x3FD9]  }
0x89: {  	s3 =	sld [smem:$0x3FFE];
	_ =	sdelay $0x1  }
0x8a: {  	s1 =	srdreg.scid  }
0x8b: {  	s0 =	sand.u32 $0x1, s1  }
0x8c: {  	s16 =	sshll.u32 s0, $0xA;
	s2 =	sadd.s32 s3, s2  }
0x8d: {  	s2 =	sadd.s32 s2, s16  }
0x8e: {  	[smem:$0x3FB8] =	sst s2  }
0x8f: {  	_ = 	snop  }
0x90: {  	(tm) =	ssettm $0x1  }
0x91: {  	s17 =	sld [smem:$0x3FFB];
	_ =	sdelay $0x3  }
0x92: {  	_ =	strace s17  }
0x93: {  	s2 =	sld [smem:$0x3FFC];
	_ =	sdelay $0x3  }
0x94: {  	_ =	strace s2  }
0x95: {  	s2 =	sld [smem:$0x3FFD];
	_ =	sdelay $0x3  }
0x96: {  	_ =	strace s2  }
0x97: {  	_ =	strace $0x8FFFFFFF  }
0x98: {  	s18 =	sld [smem:$0x3FDB];
	_ =	sdelay $0x1  }
0x99: {  	s19 =	simm.s32 $_scs_section_size  }
0x9a: {  	s4 =	simm.s32 $_size__tile_overlayer_lowered;
	s5 =	simm.s32 $_tile_overlayer_lowered  }
0x9b: {  	s22 =	simm.s32 $0x1BFF;
	s21 =	sshll.u32 s5, $0x1;
	s2 =	sadd.s32 s19, s18  }
0x9c: {  	s6 =	simm.s32 $0x0;
	s20 =	sshll.u32 s4, $0x1;
	s4 =	sadd.s32 s21, s2  }
0x9d: {  	[timem:s6], [sflag:s22] =	dma.local [hbm:s4], s20  }
0x9e: {  	_ =	swait.ge [sflag:s22], s20  }
0x9f: {  	s3 =	ssub.s32 $0x0, s20;
	[sflag:s22] =	ssyncset.done $0x0  }
0xa0: {  	[sflag:s22] =	ssyncadd.s32 s3;
	_ =	sdelay $0x1  }
0xa1: {  	s23 =	simm.s32 $0x1B8B  }
0xa2: {  	_ =	swait.ge [sflag:s23], $0x1  }
0xa3: {  	[sflag:s23] =	ssyncset.done $0x0  }
0xa4: {  	s25 =	simm.s32 $0x1B8E;
	s24 =	sld [smem:$0x3FFE];
	[sflag:s23] =	ssyncadd.s32 $0xFFFFFFFF  }
0xa5: {  	s26 =	simm.s32 $execute0_lowered;
	[smem:$0x3FD2] =	sst s25  }
0xa6: {  	s4 =	sshll.u32 s26, $0x1;
	_ =	strace $0x80000046;
	[dreg:$0x1] =	wrdreg $0xFFFFFFFF  }
0xa7: {  	s28 =	simm.s32 $_size_execute0_lowered;
	s2 =	sadd.s32 s2, s4;
	[dreg:$0x0] =	wrdreg $0x0  }
0xa8: {  	s4 =	sshll.u32 s28, $0x1;
	[dreg:$0x2] =	wrdreg s2  }
0xa9: {  	[dreg:$0x3] =	wrdreg s4  }
0xaa: {  	[dreg:$0x4] =	wrdreg $0xC0  }
0xab: {  	_ =	task [dreg:s6], $0x5FFFF  }
0xac: {  	[dreg:$0x1] =	wrdreg $0xFFFFFFFF  }
0xad: {  	[dreg:$0x0] =	wrdreg $0x60  }
0xae: {  	[dreg:$0x2] =	wrdreg s24  }
0xaf: {  	[dreg:$0x3] =	wrdreg $0x187000  }
0xb0: {  	[dreg:$0x4] =	wrdreg $0x0  }
0xb1: {  	[dreg:$0x5] =	wrdreg $0x9  }
0xb2: {  	_ =	task.clear_ibuf [dreg:s6], $0x6FFFF;
	_ =	strace $0x90000046  }
0xb3: {  	s29 =	simm.s32 $0x9;
	_ =	strace $0x80000048  }
0xb4: {  	_ =	swait.ge [sflag:s29], $0x1  }
0xb5: {  	[sflag:s29] =	ssyncadd.s32 $0xFFFFFFFF  }
0xb6: {  	_ =	strace $0x90000048  }
0xb7: {  	_ =	sfence  }
0xb8: {  	s30 =	sld [smem:$0x0];
	_ =	sdelay $0x2  }
0xb9: {  	s31 =	sshll.u32 s1, $0xD;
	s1 =	sshrl.u32 s1, $0x2  }
0xba: {  	s3 =	sand.u32 $0x4000, s31;
	s1 =	sadd.s32 s1, s30  }
0xbb: {  	s0 =	sor.u32 s3, s0;
	s1 =	sshll.u32 s1, $0x11  }
0xbc: {  	s0 =	sor.u32 s1, s0  }
0xbd: {  	s0 =	sadd.s32 $0x8F2B, s0  }
0xbe: {  	[sflag:s0] =	ssyncadd.remote.s32 $0x1  }
0xbf: {  	_ =	sfence.sel $0xFFFF  }
0xc0: {  	[dreg:$0x0] =	wrdreg $0xFFFFFFFF;
	(pc) =	sbr.abs _section_cstart, $3  }
0xc1: {  	[dreg:$0x1] =	wrdreg $0xFFFFFFFF  }
0xc2: {  	_ =	task.clear_ibuf [dreg:s6], $0x2FFFF;
	_ =	strace $0x9FFFFFFF  }
0xc3: {  	(tm) =	ssettm $0x7FFFFFFF  }
tec
execute0_lowered:
.L_overlay_start_1:
0x0: {  	(tag) =	ssettag $0x1  }
0x1: {  	s7 =	rddreg [dreg:$0x0]  }
0x2: {  	s26 =	rddreg [dreg:$0x1]  }
0x3: {  	s13 =	rddreg [dreg:$0x2];
	s12 =	simm.s32 $0x0;
	s0 =	srdreg.scid  }
0x4: {  	s19 =	stileid.u32;
	[smem:$0x7FF] =	sst s12  }
0x5: {  	s4 =	sadd.s32 $0x30200, s7;
	s5 =	sadd.s32 $0x17A00, s7;
	s0 =	sand.u32 $0x1, s0  }
0x6: {  	s3 =	sadd.s32 $0x2600, s7;
	s6 =	sadd.s32 $0x4000, s7;
	s9 =	smul.u32 $0x61C00, s19  }
0x7: {  	s14 =	smin.u32 s19, $0xA;
	s11 =	smul.u32 $0xC300, s19;
	p0 =	slt.u32 s19, $0xA  }
0x8: {  	_ =	strace $0x80000047;
	[dreg:$0x14] =	wrdreg s3;
	s8 =	ssub.s32 $0x2, s0  }
0x9: {  	s24 =	smul.u32 $0x30E00, s0;
	s10 =	sshrl.u32 s8, $0x1;
	s9 =	sshrl.u32 s9, $0x2  }
0xa: {  	s25 =	sshll.u32 s14, $0x7;
	s15 =	ssub.s32 s8, s10;
	s10 =	sadd.s32 s9, s13  }
0xb: {  	s9 =	sadd.s32 s25, s11;
	s28 =	sadd.s32 $0x18000, s10;
	[dreg:$0x15] =	wrdreg s10  }
0xc: {  	s11 =	simm.s32 $0x187;
	s15 =	smax.u32 s15, $0x1;
	[dreg:$0x16] =	wrdreg s28  }
0xd: {  	s11 =	simm.s32 @!p0 $0x186;
	[dreg:$0x1b] =	wrdreg s15;
	s15 =	sadd.s32 $0xC000, s10  }
0xe: {  	s3 =	sadd.s32 s24, s7;
	s2 =	sadd.s32 $0xFFFFFFFF, s11;
	[smem:$0x7F2] =	sst s15  }
0xf: {  	s7 =	sadd.s32 $0xAA600, s7;
	s20 =	sadd.s32 $0xFFFFFFFE, s11;
	[dreg:$0x17] =	wrdreg s2  }
0x10: {  	s29 =	sadd.s32 $0x200, s9;
	s21 =	sadd.s32 $0xFFFFFFFD, s11;
	[dreg:$0x18] =	wrdreg s20  }
0x11: {  	s8 =	sshrl.u32 s29, $0x3;
	s1 =	sadd.s32 $0xFFFFFFFC, s11;
	[dreg:$0x19] =	wrdreg s21  }
0x12: {  	s16 =	sadd.s32 s8, s7;
	[dreg:$0x1a] =	wrdreg s1  }
0x13: {  	s17 =	sadd.s32 $0x180, s9;
	s30 =	sadd.s32 s8, s5;
	[dreg:$0x4] =	wrdreg s16  }
0x14: {  	s17 =	sshrl.u32 s17, $0x3;
	s31 =	sadd.s32 s8, s4;
	[dreg:$0x5] =	wrdreg s30  }
0x15: {  	s18 =	sadd.s32 s17, s7;
	[dreg:$0x6] =	wrdreg s31  }
0x16: {  	p1 =	sne.s32 s0, $0x0;
	s22 =	sadd.s32 s17, s5;
	[dreg:$0x7] =	wrdreg s18  }
0x17: {  	p0 =	seq.s32 s19, $0x0;
	s23 =	sadd.s32 s17, s4;
	[dreg:$0x8] =	wrdreg s22  }
0x18: {  	s8 =	smul.u32 $0x2710, s0;
	[dreg:$0x9] =	wrdreg s23;
	s30 =	sadd.s32 $0x1000, s10  }
0x19: {  	s0 =	simm.s32 @!p0 $0x0;
	s23 =	sadd.s32 $0x3000, s10;
	[dreg:$0x1c] =	wrdreg s30  }
0x1a: {  	s18 =	sadd.s32 $0x100, s9;
	s0 =	simm.s32 @p0 $0x1;
	[dreg:$0x1e] =	wrdreg s23  }
0x1b: {  	s22 =	sshll.u32 s14, $0x4;
	s14 =	sadd.s32 $0xB000, s10;
	[smem:$0x7EF] =	sst s0  }
0x1c: {  	s24 =	sshrl.u32 s18, $0x3;
	s18 =	sadd.s32 $0x2000, s10;
	[smem:$0x7F1] =	sst s14  }
0x1d: {  	s30 =	sadd.s32 $0x6000, s10;
	[dreg:$0x1d] =	wrdreg s18  }
0x1e: {  	s23 =	sadd.s32 $0x12000, s10;
	[smem:$0x7EB] =	sst s30  }
0x1f: {  	s25 =	sadd.s32 s24, s7;
	[smem:$0x7F8] =	sst s23  }
0x20: {  	s9 =	sadd.s32 $0x80, s9;
	s28 =	sadd.s32 s24, s5;
	[dreg:$0xa] =	wrdreg s25  }
0x21: {  	s9 =	sshrl.u32 s9, $0x3;
	s29 =	sadd.s32 s24, s4;
	[dreg:$0xb] =	wrdreg s28  }
0x22: {  	s31 =	sadd.s32 s9, s7;
	[dreg:$0xc] =	wrdreg s29  }
0x23: {  	s16 =	sadd.s32 s9, s5;
	[dreg:$0xd] =	wrdreg s31  }
0x24: {  	s9 =	sadd.s32 s9, s4;
	[dreg:$0xe] =	wrdreg s16  }
0x25: {  	s17 =	smul.u32 $0x1860, s19;
	s24 =	sadd.s32 $0x4000, s10;
	[dreg:$0xf] =	wrdreg s9  }
0x26: {  	s18 =	sadd.s32 $0xF000, s10;
	[dreg:$0x1f] =	wrdreg s24  }
0x27: {  	s5 =	sadd.s32 s17, s5;
	s30 =	sadd.s32 $0x16000, s10;
	[smem:$0x7F5] =	sst s18  }
0x28: {  	s4 =	sadd.s32 s17, s4;
	s5 =	sadd.s32 s22, s5;
	[smem:$0x7FC] =	sst s30  }
0x29: {  	s4 =	sadd.s32 s22, s4;
	[dreg:$0x10] =	wrdreg s5  }
0x2a: {  	s29 =	sadd.s32 $0x5000, s10;
	[dreg:$0x11] =	wrdreg s4  }
0x2b: {  	s31 =	sadd.s32 $0x7000, s10;
	[smem:$0x7EA] =	sst s29  }
0x2c: {  	s25 =	sadd.s32 s17, s7;
	s7 =	sadd.s32 $0x9000, s10;
	[smem:$0x7EC] =	sst s31  }
0x2d: {  	s9 =	sadd.s32 $0xA000, s10;
	[smem:$0x7EE] =	sst s7  }
0x2e: {  	s16 =	sadd.s32 $0xD000, s10;
	[smem:$0x7F0] =	sst s9  }
0x2f: {  	s17 =	sadd.s32 $0xE000, s10;
	[smem:$0x7F3] =	sst s16  }
0x30: {  	s28 =	smul.u32 $0x30E0, s19;
	s19 =	sadd.s32 $0x10000, s10;
	[smem:$0x7F4] =	sst s17  }
0x31: {  	s4 =	sadd.s32 s22, s25;
	[smem:$0x7F6] =	sst s19  }
0x32: {  	s5 =	sadd.s32 $0x8000, s10;
	[dreg:$0x12] =	wrdreg s4  }
0x33: {  	s22 =	sadd.s32 $0x11000, s10;
	[smem:$0x7ED] =	sst s5  }
0x34: {  	s25 =	sadd.s32 $0x13000, s10;
	[smem:$0x7F7] =	sst s22  }
0x35: {  	s29 =	sadd.s32 $0x15000, s10;
	[smem:$0x7F9] =	sst s25  }
0x36: {  	s31 =	sadd.s32 $0x17000, s10;
	[smem:$0x7FB] =	sst s29  }
0x37: {  	s3 =	sadd.s32 s28, s3;
	s28 =	sadd.s32 $0x14000, s10;
	[smem:$0x7FD] =	sst s31  }
0x38: {  	v1 =	vimm.f32 $0.0e+00;
	v0 =	vmov s8;
	s19 =	simm.s32 $0x1A;
	s24 =	sadd.s32 $0x48A00, s3;
	[smem:$0x7FA] =	sst s28  }
.LBB2_1:
0x39: {  	s0 =	sld [smem:$0x7EF];
	_ =	sdelay $0x2  }
0x3a: {  	p0 =	seq.s32 s0, $0x1  }
0x3b: {  	s4 =	rddreg [dreg:$0x14];
	s0 =	sshrl.u32 @p0 s26, $0x3;
	s3 =	simm.s32 @p0 $0x1C1A  }
0x3c: {  	[spmem:s0], [sflag:s3] =	dma.local @p0 [hbm:s4], $0x186A  }
0x3d: {  	s0 =	simm.s32 @p0 $0x1A  }
0x3e: {  	_ =	swait.ge @p0 [sflag:s0], $0x186A  }
0x3f: {  	[sflag:s0] =	ssyncset.done @p0 $0x0  }
0x40: {  	s3 =	simm.s32 $0x0;
	[sflag:s0] =	ssyncadd.s32 @p0 $0xFFFFE796;
	s0 =	simm.s32 $0x80  }
.LBB2_2:
0x41: {  	p2 =	seq.s32 s0, $0x3F80;
	[tilespmem:s3+$0x195B8] =	vst v1;
	s4 =	smov.u32 s0;
	s0 =	sadd.s32 $0x80, s0  }
.Ltmp0:
0x42: {  	[tilespmem:s3+$0x195C8] =	vst v1;
	(pc) =	sbr.rel @!p2 .LBB2_2-.Ltmp0, $2  }
0x43: {  	_ =	sdelay $0x2  }
0x44: {  	s3 =	sshra.s32 s4, $0x2  }
0x45: {  	[tilespmem:s3+$0x195B8] =	vst v1  }
0x46: {  	[dreg:$0x13] =	wrdreg s12;
	[tilespmem:s3+$0x195C8] =	vst v1;
	s2 =	simm.s32 $0x195B8  }
0x47: {  	[spmem:s10] =	stream.linear.scatter [tilespmem:s2], [sflag:$0x1A], $0x1000, $0x38;
	[tilespmem:$0x1EFB8] =	vst v63  }
0x48: {  	_ =	swait.ge [sflag:s19], $0x1000  }
0x49: {  	[sflag:s19] =	ssyncset.done $0x0  }
0x4a: {  	s0 =	rddreg [dreg:$0x1c];
	[sflag:s19] =	ssyncadd.s32 $0xFFFFF000  }
0x4b: {  	[spmem:s0] =	stream.linear.scatter [tilespmem:s2], [sflag:$0x1A], $0x1000, $0x38;
	[tilespmem:$0x1EFB8] =	vst v63  }
0x4c: {  	_ =	swait.ge [sflag:s19], $0x1000  }
0x4d: {  	[sflag:s19] =	ssyncset.done $0x0  }
0x4e: {  	s1 =	rddreg [dreg:$0x1d];
	[sflag:s19] =	ssyncadd.s32 $0xFFFFF000  }
0x4f: {  	[spmem:s1] =	stream.linear.scatter [tilespmem:s2], [sflag:$0x1A], $0x1000, $0x38;
	[tilespmem:$0x1EFB8] =	vst v63  }
0x50: {  	_ =	swait.ge [sflag:s19], $0x1000  }
0x51: {  	[sflag:s19] =	ssyncset.done $0x0  }
0x52: {  	s3 =	rddreg [dreg:$0x1e];
	[sflag:s19] =	ssyncadd.s32 $0xFFFFF000  }
0x53: {  	[spmem:s3] =	stream.linear.scatter [tilespmem:s2], [sflag:$0x1A], $0x1000, $0x38;
	[tilespmem:$0x1EFB8] =	vst v63  }
0x54: {  	_ =	swait.ge [sflag:s19], $0x1000  }
0x55: {  	[sflag:s19] =	ssyncset.done $0x0  }
0x56: {  	s4 =	rddreg [dreg:$0x1f];
	[sflag:s19] =	ssyncadd.s32 $0xFFFFF000  }
0x57: {  	[spmem:s4] =	stream.linear.scatter [tilespmem:s2], [sflag:$0x1A], $0x1000, $0x38;
	[tilespmem:$0x1EFB8] =	vst v63  }
0x58: {  	_ =	swait.ge [sflag:s19], $0x1000  }
0x59: {  	s5 =	sld [smem:$0x7EA]  }
0x5a: {  	[sflag:s19] =	ssyncset.done $0x0  }
0x5b: {  	[sflag:s19] =	ssyncadd.s32 $0xFFFFF000  }
0x5c: {  	[spmem:s5] =	stream.linear.scatter [tilespmem:s2], [sflag:$0x1A], $0x1000, $0x38;
	[tilespmem:$0x1EFB8] =	vst v63  }
0x5d: {  	_ =	swait.ge [sflag:s19], $0x1000  }
0x5e: {  	s7 =	sld [smem:$0x7EB]  }
0x5f: {  	[sflag:s19] =	ssyncset.done $0x0  }
0x60: {  	[sflag:s19] =	ssyncadd.s32 $0xFFFFF000  }
0x61: {  	[spmem:s7] =	stream.linear.scatter [tilespmem:s2], [sflag:$0x1A], $0x1000, $0x38;
	[tilespmem:$0x1EFB8] =	vst v63  }
0x62: {  	_ =	swait.ge [sflag:s19], $0x1000  }
0x63: {  	s8 =	sld [smem:$0x7EC]  }
0x64: {  	[sflag:s19] =	ssyncset.done $0x0  }
0x65: {  	[sflag:s19] =	ssyncadd.s32 $0xFFFFF000  }
0x66: {  	[spmem:s8] =	stream.linear.scatter [tilespmem:s2], [sflag:$0x1A], $0x1000, $0x38;
	[tilespmem:$0x1EFB8] =	vst v63  }
0x67: {  	_ =	swait.ge [sflag:s19], $0x1000  }
0x68: {  	s9 =	sld [smem:$0x7ED]  }
0x69: {  	[sflag:s19] =	ssyncset.done $0x0  }
0x6a: {  	[sflag:s19] =	ssyncadd.s32 $0xFFFFF000  }
0x6b: {  	[spmem:s9] =	stream.linear.scatter [tilespmem:s2], [sflag:$0x1A], $0x1000, $0x38;
	[tilespmem:$0x1EFB8] =	vst v63  }
0x6c: {  	_ =	swait.ge [sflag:s19], $0x1000  }
0x6d: {  	s10 =	sld [smem:$0x7EE]  }
0x6e: {  	[sflag:s19] =	ssyncset.done $0x0  }
0x6f: {  	[sflag:s19] =	ssyncadd.s32 $0xFFFFF000  }
0x70: {  	[spmem:s10] =	stream.linear.scatter [tilespmem:s2], [sflag:$0x1A], $0x1000, $0x38;
	[tilespmem:$0x1EFB8] =	vst v63  }
0x71: {  	_ =	swait.ge [sflag:s19], $0x1000  }
0x72: {  	s12 =	sld [smem:$0x7F0]  }
0x73: {  	[sflag:s19] =	ssyncset.done $0x0  }
0x74: {  	[sflag:s19] =	ssyncadd.s32 $0xFFFFF000  }
0x75: {  	[spmem:s12] =	stream.linear.scatter [tilespmem:s2], [sflag:$0x1A], $0x1000, $0x38;
	[tilespmem:$0x1EFB8] =	vst v63  }
0x76: {  	_ =	swait.ge [sflag:s19], $0x1000  }
0x77: {  	s14 =	sld [smem:$0x7F1]  }
0x78: {  	[sflag:s19] =	ssyncset.done $0x0  }
0x79: {  	[sflag:s19] =	ssyncadd.s32 $0xFFFFF000  }
0x7a: {  	[spmem:s14] =	stream.linear.scatter [tilespmem:s2], [sflag:$0x1A], $0x1000, $0x38;
	[tilespmem:$0x1EFB8] =	vst v63  }
0x7b: {  	_ =	swait.ge [sflag:s19], $0x1000  }
0x7c: {  	s15 =	sld [smem:$0x7F2]  }
0x7d: {  	[sflag:s19] =	ssyncset.done $0x0  }
0x7e: {  	[sflag:s19] =	ssyncadd.s32 $0xFFFFF000  }
0x7f: {  	[spmem:s15] =	stream.linear.scatter [tilespmem:s2], [sflag:$0x1A], $0x1000, $0x38;
	[tilespmem:$0x1EFB8] =	vst v63  }
0x80: {  	_ =	swait.ge [sflag:s19], $0x1000  }
0x81: {  	s16 =	sld [smem:$0x7F3]  }
0x82: {  	[sflag:s19] =	ssyncset.done $0x0  }
0x83: {  	[sflag:s19] =	ssyncadd.s32 $0xFFFFF000  }
0x84: {  	[spmem:s16] =	stream.linear.scatter [tilespmem:s2], [sflag:$0x1A], $0x1000, $0x38;
	[tilespmem:$0x1EFB8] =	vst v63  }
0x85: {  	_ =	swait.ge [sflag:s19], $0x1000  }
0x86: {  	s17 =	sld [smem:$0x7F4]  }
0x87: {  	[sflag:s19] =	ssyncset.done $0x0  }
0x88: {  	[sflag:s19] =	ssyncadd.s32 $0xFFFFF000  }
0x89: {  	[spmem:s17] =	stream.linear.scatter [tilespmem:s2], [sflag:$0x1A], $0x1000, $0x38;
	[tilespmem:$0x1EFB8] =	vst v63  }
0x8a: {  	_ =	swait.ge [sflag:s19], $0x1000  }
0x8b: {  	s18 =	sld [smem:$0x7F5]  }
0x8c: {  	[sflag:s19] =	ssyncset.done $0x0  }
0x8d: {  	[sflag:s19] =	ssyncadd.s32 $0xFFFFF000  }
0x8e: {  	[spmem:s18] =	stream.linear.scatter [tilespmem:s2], [sflag:$0x1A], $0x1000, $0x38;
	[tilespmem:$0x1EFB8] =	vst v63  }
0x8f: {  	_ =	swait.ge [sflag:s19], $0x1000  }
0x90: {  	s20 =	sld [smem:$0x7F6]  }
0x91: {  	[sflag:s19] =	ssyncset.done $0x0  }
0x92: {  	[sflag:s19] =	ssyncadd.s32 $0xFFFFF000  }
0x93: {  	[spmem:s20] =	stream.linear.scatter [tilespmem:s2], [sflag:$0x1A], $0x1000, $0x38;
	[tilespmem:$0x1EFB8] =	vst v63  }
0x94: {  	_ =	swait.ge [sflag:s19], $0x1000  }
0x95: {  	s21 =	sld [smem:$0x7F7]  }
0x96: {  	[sflag:s19] =	ssyncset.done $0x0  }
0x97: {  	[sflag:s19] =	ssyncadd.s32 $0xFFFFF000  }
0x98: {  	[spmem:s21] =	stream.linear.scatter [tilespmem:s2], [sflag:$0x1A], $0x1000, $0x38;
	[tilespmem:$0x1EFB8] =	vst v63  }
0x99: {  	_ =	swait.ge [sflag:s19], $0x1000  }
0x9a: {  	s22 =	sld [smem:$0x7F8]  }
0x9b: {  	[sflag:s19] =	ssyncset.done $0x0  }
0x9c: {  	[sflag:s19] =	ssyncadd.s32 $0xFFFFF000  }
0x9d: {  	[spmem:s22] =	stream.linear.scatter [tilespmem:s2], [sflag:$0x1A], $0x1000, $0x38;
	[tilespmem:$0x1EFB8] =	vst v63  }
0x9e: {  	_ =	swait.ge [sflag:s19], $0x1000  }
0x9f: {  	s23 =	sld [smem:$0x7F9]  }
0xa0: {  	[sflag:s19] =	ssyncset.done $0x0  }
0xa1: {  	[sflag:s19] =	ssyncadd.s32 $0xFFFFF000  }
0xa2: {  	[spmem:s23] =	stream.linear.scatter [tilespmem:s2], [sflag:$0x1A], $0x1000, $0x38;
	[tilespmem:$0x1EFB8] =	vst v63  }
0xa3: {  	_ =	swait.ge [sflag:s19], $0x1000  }
0xa4: {  	s25 =	sld [smem:$0x7FA]  }
0xa5: {  	[sflag:s19] =	ssyncset.done $0x0  }
0xa6: {  	[sflag:s19] =	ssyncadd.s32 $0xFFFFF000  }
0xa7: {  	[spmem:s25] =	stream.linear.scatter [tilespmem:s2], [sflag:$0x1A], $0x1000, $0x38;
	[tilespmem:$0x1EFB8] =	vst v63  }
0xa8: {  	_ =	swait.ge [sflag:s19], $0x1000  }
0xa9: {  	s28 =	sld [smem:$0x7FB]  }
0xaa: {  	[sflag:s19] =	ssyncset.done $0x0  }
0xab: {  	[sflag:s19] =	ssyncadd.s32 $0xFFFFF000  }
0xac: {  	[spmem:s28] =	stream.linear.scatter [tilespmem:s2], [sflag:$0x1A], $0x1000, $0x38;
	[tilespmem:$0x1EFB8] =	vst v63  }
0xad: {  	_ =	swait.ge [sflag:s19], $0x1000  }
0xae: {  	s29 =	sld [smem:$0x7FC]  }
0xaf: {  	[sflag:s19] =	ssyncset.done $0x0  }
0xb0: {  	[sflag:s19] =	ssyncadd.s32 $0xFFFFF000  }
0xb1: {  	[spmem:s29] =	stream.linear.scatter [tilespmem:s2], [sflag:$0x1A], $0x1000, $0x38;
	[tilespmem:$0x1EFB8] =	vst v63  }
0xb2: {  	_ =	swait.ge [sflag:s19], $0x1000  }
0xb3: {  	s30 =	sld [smem:$0x7FD]  }
0xb4: {  	[sflag:s19] =	ssyncset.done $0x0  }
0xb5: {  	[sflag:s19] =	ssyncadd.s32 $0xFFFFF000  }
0xb6: {  	[spmem:s30] =	stream.linear.scatter [tilespmem:s2], [sflag:$0x1A], $0x1000, $0x38;
	[tilespmem:$0x1EFB8] =	vst v63  }
0xb7: {  	_ =	swait.ge [sflag:s19], $0x1000  }
0xb8: {  	[sflag:s19] =	ssyncset.done $0x0  }
0xb9: {  	s31 =	rddreg [dreg:$0x16];
	[sflag:s19] =	ssyncadd.s32 $0xFFFFF000  }
0xba: {  	[spmem:s31] =	stream.linear.scatter [tilespmem:s2], [sflag:$0x1A], $0x700, $0x38;
	[tilespmem:$0x1EFB8] =	vst v63  }
0xbb: {  	_ =	swait.ge [sflag:s19], $0x700  }
0xbc: {  	[sflag:s19] =	ssyncset.done $0x0  }
0xbd: {  	[sflag:s19] =	ssyncadd.s32 $0xFFFFF900  }
0xbe: {  	s20 =	simm.s32 $0x0;
	s21 =	simm.s32 $0x0;
	[bflag:$0x0] =	sbarrier.arrive $0xFFFF  }
.LBB2_4:
0xbf: {  	s0 =	rddreg [dreg:$0x11]  }
0xc0: {  	s3 =	rddreg [dreg:$0x10]  }
0xc1: {  	s22 =	rddreg [dreg:$0x18]  }
0xc2: {  	p0 =	sge.u32 s20, s11;
	s23 =	rddreg [dreg:$0x19]  }
0xc3: {  	s25 =	rddreg [dreg:$0x1a];
	s1 =	simm.s32 @!p0 $0x0  }
0xc4: {  	s0 =	sadd.s32 @!p0 s21, s0;
	s4 =	simm.s32 @!p0 $0x0;
	s7 =	simm.s32 @!p0 $0x19338  }
0xc5: {  	[tilespmem:s7], [sflag:$0x1] =	stream.linear.gather @!p0 [hbm4b:s0+s4], $0x80, $0x38;
	[tilespmem:$0x1EFB8] =	vst v63  }
0xc6: {  	s1 =	simm.s32 @p0 $0x1;
	s0 =	sadd.s32 @!p0 s21, s3;
	s3 =	rddreg [dreg:$0xf]  }
0xc7: {  	[smem:$0x7E9] =	sst s1;
	s1 =	simm.s32 @!p0 $0x193B8  }
0xc8: {  	[tilespmem:s1], [sflag:$0x2] =	stream.linear.gather @!p0 [hbm4b:s0+s4], $0x80, $0x38;
	[tilespmem:$0x1EFB8] =	vst v63  }
0xc9: {  	p4 =	sge.u32 s20, s22;
	s1 =	rddreg [dreg:$0x17]  }
0xca: {  	s15 =	simm.s32 @!p4 $0x1B838;
	s0 =	rddreg [dreg:$0xe];
	p3 =	sge.u32 s20, s1  }
0xcb: {  	s3 =	sadd.s32 @!p3 s21, s3;
	s4 =	simm.s32 @!p3 $0x0;
	s8 =	simm.s32 @!p3 $0x1A5B8  }
0xcc: {  	[tilespmem:s8], [sflag:$0x6] =	stream.linear.gather @!p3 [hbm4b:s3+s4], $0x80, $0x38;
	[tilespmem:$0x1EFB8] =	vst v63  }
0xcd: {  	s0 =	sadd.s32 @!p3 s21, s0;
	s2 =	simm.s32 @!p3 $0x1A638;
	s3 =	rddreg [dreg:$0xc]  }
0xce: {  	[tilespmem:s2], [sflag:$0x7] =	stream.linear.gather @!p3 [hbm4b:s0+s4], $0x80, $0x38;
	[tilespmem:$0x1EFB8] =	vst v63  }
0xcf: {  	s3 =	sadd.s32 @!p4 s21, s3;
	s0 =	rddreg [dreg:$0xb];
	s4 =	simm.s32 @!p4 $0x0  }
0xd0: {  	[tilespmem:s15], [sflag:$0xB] =	stream.linear.gather @!p4 [hbm4b:s3+s4], $0x80, $0x38;
	[tilespmem:$0x1EFB8] =	vst v63  }
0xd1: {  	p5 =	sge.u32 s20, s23;
	s3 =	rddreg [dreg:$0x9]  }
0xd2: {  	s5 =	simm.s32 @!p4 $0x1B8B8;
	s0 =	sadd.s32 @!p4 s21, s0;
	s3 =	sadd.s32 @!p5 s21, s3  }
0xd3: {  	[tilespmem:s5], [sflag:$0xC] =	stream.linear.gather @!p4 [hbm4b:s0+s4], $0x80, $0x38;
	[tilespmem:$0x1EFB8] =	vst v63  }
0xd4: {  	s0 =	rddreg [dreg:$0x8];
	s4 =	simm.s32 @!p5 $0x0;
	s5 =	simm.s32 @!p5 $0x1CAB8  }
0xd5: {  	[tilespmem:s5], [sflag:$0x10] =	stream.linear.gather @!p5 [hbm4b:s3+s4], $0x80, $0x38;
	[tilespmem:$0x1EFB8] =	vst v63  }
0xd6: {  	s9 =	simm.s32 @!p5 $0x1CB38;
	s0 =	sadd.s32 @!p5 s21, s0;
	s3 =	rddreg [dreg:$0x6]  }
0xd7: {  	[tilespmem:s9], [sflag:$0x11] =	stream.linear.gather @!p5 [hbm4b:s0+s4], $0x80, $0x38;
	[tilespmem:$0x1EFB8] =	vst v63  }
0xd8: {  	p6 =	sge.u32 s20, s25;
	s0 =	rddreg [dreg:$0x5]  }
0xd9: {  	s4 =	sadd.s32 @!p6 s21, s3;
	s9 =	simm.s32 @!p6 $0x0;
	s3 =	simm.s32 @!p6 $0x1DD38  }
0xda: {  	[tilespmem:s3], [sflag:$0x15] =	stream.linear.gather @!p6 [hbm4b:s4+s9], $0x80, $0x38;
	[tilespmem:$0x1EFB8] =	vst v63  }
0xdb: {  	s28 =	simm.s32 @!p0 $0x1;
	s0 =	sadd.s32 @!p6 s21, s0;
	s4 =	simm.s32 @!p6 $0x1DDB8  }
0xdc: {  	[tilespmem:s4], [sflag:$0x16] =	stream.linear.gather @!p6 [hbm4b:s0+s9], $0x80, $0x38;
	[tilespmem:$0x1EFB8] =	vst v63  }
0xdd: {  	_ =	swait.ge @!p0 [sflag:s28], $0x80  }
0xde: {  	[sflag:s28] =	ssyncset.done @!p0 $0x0  }
0xdf: {  	s0 =	simm.s32 @!p0 $0x2;
	[sflag:s28] =	ssyncadd.s32 @!p0 $0xFFFFFF80  }
0xe0: {  	_ =	swait.ge @!p0 [sflag:s0], $0x80  }
0xe1: {  	[sflag:s0] =	ssyncset.done @!p0 $0x0  }
0xe2: {  	s4 =	simm.s32 @!p0 $0x80;
	[sflag:s0] =	ssyncadd.s32 @!p0 $0xFFFFFF80;
	s0 =	simm.s32 @!p0 $0x19438  }
0xe3: {  	[tilespmem:s0], [sflag:$0x3] =	stream.indirect.gather @!p0 [spmem:s26], $0x1, s7, s4, $0xb8;
	[tilespmem:$0x1EFB8] =	vst v63  }
0xe4: {  	s14 =	simm.s32 @!p0 $0x193B8;
	s30 =	simm.s32 @!p3 $0x6;
	s0 =	simm.s32 @!p0 $0x194B8  }
0xe5: {  	[tilespmem:s0], [sflag:$0x4] =	stream.indirect.gather @!p0 [spmem:s26], $0x1, s14, s4, $0xb8;
	[tilespmem:$0x1EFB8] =	vst v63  }
0xe6: {  	_ =	swait.ge @!p3 [sflag:s30], $0x80  }
0xe7: {  	[sflag:s30] =	ssyncset.done @!p3 $0x0  }
0xe8: {  	s0 =	simm.s32 @!p3 $0x7;
	[sflag:s30] =	ssyncadd.s32 @!p3 $0xFFFFFF80  }
0xe9: {  	_ =	swait.ge @!p3 [sflag:s0], $0x80  }
0xea: {  	[sflag:s0] =	ssyncset.done @!p3 $0x0  }
0xeb: {  	s17 =	simm.s32 @!p3 $0x80;
	[sflag:s0] =	ssyncadd.s32 @!p3 $0xFFFFFF80;
	s0 =	simm.s32 @!p3 $0x1A6B8  }
0xec: {  	[tilespmem:s0], [sflag:$0x8] =	stream.indirect.gather @!p3 [spmem:s26], $0x1, s8, s17, $0xb8;
	[tilespmem:$0x1EFB8] =	vst v63  }
0xed: {  	s31 =	simm.s32 @!p4 $0xB;
	s2 =	simm.s32 @!p3 $0x1A638;
	s0 =	simm.s32 @!p3 $0x1A738  }
0xee: {  	[tilespmem:s0], [sflag:$0x9] =	stream.indirect.gather @!p3 [spmem:s26], $0x1, s2, s17, $0xb8;
	[tilespmem:$0x1EFB8] =	vst v63  }
0xef: {  	_ =	swait.ge @!p4 [sflag:s31], $0x80  }
0xf0: {  	[sflag:s31] =	ssyncset.done @!p4 $0x0  }
0xf1: {  	s0 =	simm.s32 @!p4 $0xC;
	[sflag:s31] =	ssyncadd.s32 @!p4 $0xFFFFFF80  }
0xf2: {  	_ =	swait.ge @!p4 [sflag:s0], $0x80  }
0xf3: {  	[sflag:s0] =	ssyncset.done @!p4 $0x0  }
0xf4: {  	s9 =	simm.s32 @!p4 $0x80;
	[sflag:s0] =	ssyncadd.s32 @!p4 $0xFFFFFF80;
	s0 =	simm.s32 @!p4 $0x1B938  }
0xf5: {  	[tilespmem:s0], [sflag:$0xD] =	stream.indirect.gather @!p4 [spmem:s26], $0x1, s15, s9, $0xb8;
	[tilespmem:$0x1EFB8] =	vst v63  }
0xf6: {  	s10 =	simm.s32 @!p4 $0x1B8B8;
	s0 =	simm.s32 @!p4 $0x1B9B8  }
0xf7: {  	[tilespmem:s0], [sflag:$0xE] =	stream.indirect.gather @!p4 [spmem:s26], $0x1, s10, s9, $0xb8;
	[tilespmem:$0x1EFB8] =	vst v63  }
0xf8: {  	s0 =	simm.s32 @!p5 $0x10  }
0xf9: {  	_ =	swait.ge @!p5 [sflag:s0], $0x80  }
0xfa: {  	[sflag:s0] =	ssyncset.done @!p5 $0x0  }
0xfb: {  	s7 =	simm.s32 @!p5 $0x11;
	[sflag:s0] =	ssyncadd.s32 @!p5 $0xFFFFFF80  }
0xfc: {  	_ =	swait.ge @!p5 [sflag:s7], $0x80  }
0xfd: {  	[sflag:s7] =	ssyncset.done @!p5 $0x0  }
0xfe: {  	s15 =	simm.s32 @!p5 $0x80;
	[sflag:s7] =	ssyncadd.s32 @!p5 $0xFFFFFF80;
	s7 =	simm.s32 @!p5 $0x1CBB8  }
0xff: {  	[tilespmem:s7], [sflag:$0x12] =	stream.indirect.gather @!p5 [spmem:s26], $0x1, s5, s15, $0xb8;
	[tilespmem:$0x1EFB8] =	vst v63  }
0x100: {  	s12 =	simm.s32 @!p5 $0x1CB38;
	s5 =	simm.s32 @!p5 $0x1CC38  }
0x101: {  	[tilespmem:s5], [sflag:$0x13] =	stream.indirect.gather @!p5 [spmem:s26], $0x1, s12, s15, $0xb8;
	[tilespmem:$0x1EFB8] =	vst v63  }
0x102: {  	s5 =	simm.s32 @!p6 $0x15  }
0x103: {  	_ =	swait.ge @!p6 [sflag:s5], $0x80  }
0x104: {  	[sflag:s5] =	ssyncset.done @!p6 $0x0  }
0x105: {  	s7 =	simm.s32 @!p6 $0x16;
	[sflag:s5] =	ssyncadd.s32 @!p6 $0xFFFFFF80  }
0x106: {  	_ =	swait.ge @!p6 [sflag:s7], $0x80  }
0x107: {  	[sflag:s7] =	ssyncset.done @!p6 $0x0  }
0x108: {  	s16 =	simm.s32 @!p6 $0x80;
	[sflag:s7] =	ssyncadd.s32 @!p6 $0xFFFFFF80;
	s7 =	simm.s32 @!p6 $0x1DE38  }
0x109: {  	[tilespmem:s7], [sflag:$0x17] =	stream.indirect.gather @!p6 [spmem:s26], $0x1, s3, s16, $0xb8;
	[tilespmem:$0x1EFB8] =	vst v63  }
0x10a: {  	s18 =	simm.s32 @!p6 $0x1DDB8;
	s3 =	simm.s32 @!p6 $0x1DEB8  }
0x10b: {  	[tilespmem:s3], [sflag:$0x18] =	stream.indirect.gather @!p6 [spmem:s26], $0x1, s18, s16, $0xb8;
	[tilespmem:$0x1EFB8] =	vst v63  }
0x10c: {  	s3 =	simm.s32 @!p0 $0x3  }
0x10d: {  	_ =	swait.ge @!p0 [sflag:s3], $0x80  }
0x10e: {  	[sflag:s3] =	ssyncset.done @!p0 $0x0  }
0x10f: {  	[sflag:s3] =	ssyncadd.s32 @!p0 $0xFFFFFF80;
	s3 =	simm.s32 @!p0 $0x4  }
0x110: {  	_ =	swait.ge @!p0 [sflag:s3], $0x80  }
0x111: {  	[sflag:s3] =	ssyncset.done @!p0 $0x0  }
0x112: {  	[sflag:s3] =	ssyncadd.s32 @!p0 $0xFFFFFF80  }
0x113: {  	v2 =	vld @!p0 [tilespmem:$0x19438]  }
0x114: {  	v3 =	vld @!p0 [tilespmem:$0x194B8]  }
0x115: {  	v4 =	vld @!p0 [tilespmem:$0x19448]  }
0x116: {  	v5 =	vld @!p0 [tilespmem:$0x194C8]  }
0x117: {  	v6 =	vld @!p0 [tilespmem:$0x19458]  }
0x118: {  	v7 =	vld @!p0 [tilespmem:$0x194D8]  }
0x119: {  	v8 =	vld @!p0 [tilespmem:$0x19468]  }
0x11a: {  	v9 =	vld @!p0 [tilespmem:$0x194E8]  }
0x11b: {  	v10 =	vld @!p0 [tilespmem:$0x19478]  }
0x11c: {  	v11 =	vld @!p0 [tilespmem:$0x194F8]  }
0x11d: {  	v12 =	vld @!p0 [tilespmem:$0x19488]  }
0x11e: {  	v13 =	vld @!p0 [tilespmem:$0x19508]  }
0x11f: {  	v14 =	vld @!p0 [tilespmem:$0x19498];
	v2 =	vmul.u32 @!p0 $0x64, v2  }
0x120: {  	v15 =	vld @!p0 [tilespmem:$0x19518];
	v3 =	vadd.s32 @!p0 v0, v3;
	v4 =	vmul.u32 @!p0 $0x64, v4  }
0x121: {  	v2 =	vadd.s32 @!p0 v2, v3;
	v3 =	vadd.s32 @!p0 v0, v5;
	v5 =	vmul.u32 @!p0 $0x64, v6;
	v6 =	vld @!p0 [tilespmem:$0x194A8]  }
0x122: {  	[tilespmem:$0x19538] =	vst @!p0 v2;
	v2 =	vadd.s32 @!p0 v4, v3;
	v3 =	vadd.s32 @!p0 v0, v7;
	v4 =	vmul.u32 @!p0 $0x64, v8;
	v7 =	vld @!p0 [tilespmem:$0x19528]  }
0x123: {  	[tilespmem:$0x19548] =	vst @!p0 v2;
	v2 =	vadd.s32 @!p0 v5, v3;
	v3 =	vadd.s32 @!p0 v0, v9;
	v5 =	vmul.u32 @!p0 $0x64, v10  }
0x124: {  	[tilespmem:$0x19558] =	vst @!p0 v2;
	v2 =	vadd.s32 @!p0 v4, v3;
	v3 =	vadd.s32 @!p0 v0, v11;
	v4 =	vmul.u32 @!p0 $0x64, v12  }
0x125: {  	[tilespmem:$0x19568] =	vst @!p0 v2;
	v2 =	vadd.s32 @!p0 v5, v3;
	v3 =	vadd.s32 @!p0 v0, v13;
	v5 =	vmul.u32 @!p0 $0x64, v14  }
0x126: {  	[tilespmem:$0x19578] =	vst @!p0 v2;
	v2 =	vadd.s32 @!p0 v4, v3;
	v3 =	vadd.s32 @!p0 v0, v15;
	v4 =	vmul.u32 @!p0 $0x64, v6  }
0x127: {  	[tilespmem:$0x19588] =	vst @!p0 v2;
	v2 =	vadd.s32 @!p0 v5, v3;
	v3 =	vadd.s32 @!p0 v0, v7  }
0x128: {  	[tilespmem:$0x19598] =	vst @!p0 v2;
	v2 =	vadd.s32 @!p0 v4, v3  }
0x129: {  	s29 =	simm.s32 @!p0 $0x195B8;
	s3 =	simm.s32 @!p0 $0x19538;
	[tilespmem:$0x195A8] =	vst @!p0 v2  }
0x12a: {  	[tilespmem:s29], [sflag:$0x5] =	stream.indirect.gather @!p0 [hbm4b:s6+s4], $0x20, s3, s4, $0xb8;
	[tilespmem:$0x1EFB8] =	vst v63  }
0x12b: {  	s3 =	simm.s32 @!p3 $0x8  }
0x12c: {  	_ =	swait.ge @!p3 [sflag:s3], $0x80  }
0x12d: {  	[sflag:s3] =	ssyncset.done @!p3 $0x0  }
0x12e: {  	[sflag:s3] =	ssyncadd.s32 @!p3 $0xFFFFFF80;
	s3 =	simm.s32 @!p3 $0x9  }
0x12f: {  	_ =	swait.ge @!p3 [sflag:s3], $0x80  }
0x130: {  	[sflag:s3] =	ssyncset.done @!p3 $0x0  }
0x131: {  	[sflag:s3] =	ssyncadd.s32 @!p3 $0xFFFFFF80  }
0x132: {  	v2 =	vld @!p3 [tilespmem:$0x1A6B8]  }
0x133: {  	v3 =	vld @!p3 [tilespmem:$0x1A738]  }
0x134: {  	v4 =	vld @!p3 [tilespmem:$0x1A6C8]  }
0x135: {  	v5 =	vld @!p3 [tilespmem:$0x1A748]  }
0x136: {  	v6 =	vld @!p3 [tilespmem:$0x1A6D8]  }
0x137: {  	v7 =	vld @!p3 [tilespmem:$0x1A758]  }
0x138: {  	v8 =	vld @!p3 [tilespmem:$0x1A6E8]  }
0x139: {  	v9 =	vld @!p3 [tilespmem:$0x1A768]  }
0x13a: {  	v10 =	vld @!p3 [tilespmem:$0x1A6F8]  }
0x13b: {  	v11 =	vld @!p3 [tilespmem:$0x1A778]  }
0x13c: {  	v12 =	vld @!p3 [tilespmem:$0x1A708]  }
0x13d: {  	v13 =	vld @!p3 [tilespmem:$0x1A788]  }
0x13e: {  	v14 =	vld @!p3 [tilespmem:$0x1A718];
	v2 =	vmul.u32 @!p3 $0x64, v2  }
0x13f: {  	v15 =	vld @!p3 [tilespmem:$0x1A798];
	v3 =	vadd.s32 @!p3 v0, v3;
	v4 =	vmul.u32 @!p3 $0x64, v4  }
0x140: {  	v2 =	vadd.s32 @!p3 v2, v3;
	v3 =	vadd.s32 @!p3 v0, v5;
	v5 =	vmul.u32 @!p3 $0x64, v6;
	v6 =	vld @!p3 [tilespmem:$0x1A728]  }
0x141: {  	[tilespmem:$0x1A7B8] =	vst @!p3 v2;
	v2 =	vadd.s32 @!p3 v4, v3;
	v3 =	vadd.s32 @!p3 v0, v7;
	v4 =	vmul.u32 @!p3 $0x64, v8;
	v7 =	vld @!p3 [tilespmem:$0x1A7A8]  }
0x142: {  	[tilespmem:$0x1A7C8] =	vst @!p3 v2;
	v2 =	vadd.s32 @!p3 v5, v3;
	v3 =	vadd.s32 @!p3 v0, v9;
	v5 =	vmul.u32 @!p3 $0x64, v10  }
0x143: {  	[tilespmem:$0x1A7D8] =	vst @!p3 v2;
	v2 =	vadd.s32 @!p3 v4, v3;
	v3 =	vadd.s32 @!p3 v0, v11;
	v4 =	vmul.u32 @!p3 $0x64, v12  }
0x144: {  	[tilespmem:$0x1A7E8] =	vst @!p3 v2;
	v2 =	vadd.s32 @!p3 v5, v3;
	v3 =	vadd.s32 @!p3 v0, v13;
	v5 =	vmul.u32 @!p3 $0x64, v14  }
0x145: {  	[tilespmem:$0x1A7F8] =	vst @!p3 v2;
	v2 =	vadd.s32 @!p3 v4, v3;
	v3 =	vadd.s32 @!p3 v0, v15;
	v4 =	vmul.u32 @!p3 $0x64, v6  }
0x146: {  	[tilespmem:$0x1A808] =	vst @!p3 v2;
	v2 =	vadd.s32 @!p3 v5, v3;
	v3 =	vadd.s32 @!p3 v0, v7  }
0x147: {  	[tilespmem:$0x1A818] =	vst @!p3 v2;
	v2 =	vadd.s32 @!p3 v4, v3  }
0x148: {  	s7 =	simm.s32 @!p3 $0x1A838;
	s3 =	simm.s32 @!p3 $0x1A7B8;
	[tilespmem:$0x1A828] =	vst @!p3 v2  }
0x149: {  	[tilespmem:s7], [sflag:$0xA] =	stream.indirect.gather @!p3 [hbm4b:s6+s17], $0x20, s3, s17, $0xb8;
	[tilespmem:$0x1EFB8] =	vst v63  }
0x14a: {  	s3 =	simm.s32 @!p4 $0xD  }
0x14b: {  	_ =	swait.ge @!p4 [sflag:s3], $0x80  }
0x14c: {  	[sflag:s3] =	ssyncset.done @!p4 $0x0  }
0x14d: {  	[sflag:s3] =	ssyncadd.s32 @!p4 $0xFFFFFF80;
	s3 =	simm.s32 @!p4 $0xE  }
0x14e: {  	_ =	swait.ge @!p4 [sflag:s3], $0x80  }
0x14f: {  	[sflag:s3] =	ssyncset.done @!p4 $0x0  }
0x150: {  	[sflag:s3] =	ssyncadd.s32 @!p4 $0xFFFFFF80  }
0x151: {  	v2 =	vld @!p4 [tilespmem:$0x1B938]  }
0x152: {  	v3 =	vld @!p4 [tilespmem:$0x1B9B8]  }
0x153: {  	v4 =	vld @!p4 [tilespmem:$0x1B948]  }
0x154: {  	v5 =	vld @!p4 [tilespmem:$0x1B9C8]  }
0x155: {  	v6 =	vld @!p4 [tilespmem:$0x1B958]  }
0x156: {  	v7 =	vld @!p4 [tilespmem:$0x1B9D8]  }
0x157: {  	v8 =	vld @!p4 [tilespmem:$0x1B968]  }
0x158: {  	v9 =	vld @!p4 [tilespmem:$0x1B9E8]  }
0x159: {  	v10 =	vld @!p4 [tilespmem:$0x1B978]  }
0x15a: {  	v11 =	vld @!p4 [tilespmem:$0x1B9F8]  }
0x15b: {  	v12 =	vld @!p4 [tilespmem:$0x1B988]  }
0x15c: {  	v13 =	vld @!p4 [tilespmem:$0x1BA08]  }
0x15d: {  	v14 =	vld @!p4 [tilespmem:$0x1B998];
	v2 =	vmul.u32 @!p4 $0x64, v2  }
0x15e: {  	v15 =	vld @!p4 [tilespmem:$0x1BA18];
	v3 =	vadd.s32 @!p4 v0, v3;
	v4 =	vmul.u32 @!p4 $0x64, v4  }
0x15f: {  	v2 =	vadd.s32 @!p4 v2, v3;
	v3 =	vadd.s32 @!p4 v0, v5;
	v5 =	vmul.u32 @!p4 $0x64, v6;
	v6 =	vld @!p4 [tilespmem:$0x1B9A8]  }
0x160: {  	[tilespmem:$0x1BA38] =	vst @!p4 v2;
	v2 =	vadd.s32 @!p4 v4, v3;
	v3 =	vadd.s32 @!p4 v0, v7;
	v4 =	vmul.u32 @!p4 $0x64, v8;
	v7 =	vld @!p4 [tilespmem:$0x1BA28]  }
0x161: {  	[tilespmem:$0x1BA48] =	vst @!p4 v2;
	v2 =	vadd.s32 @!p4 v5, v3;
	v3 =	vadd.s32 @!p4 v0, v9;
	v5 =	vmul.u32 @!p4 $0x64, v10  }
0x162: {  	[tilespmem:$0x1BA58] =	vst @!p4 v2;
	v2 =	vadd.s32 @!p4 v4, v3;
	v3 =	vadd.s32 @!p4 v0, v11;
	v4 =	vmul.u32 @!p4 $0x64, v12  }
0x163: {  	[tilespmem:$0x1BA68] =	vst @!p4 v2;
	v2 =	vadd.s32 @!p4 v5, v3;
	v3 =	vadd.s32 @!p4 v0, v13;
	v5 =	vmul.u32 @!p4 $0x64, v14  }
0x164: {  	[tilespmem:$0x1BA78] =	vst @!p4 v2;
	v2 =	vadd.s32 @!p4 v4, v3;
	v3 =	vadd.s32 @!p4 v0, v15;
	v4 =	vmul.u32 @!p4 $0x64, v6  }
0x165: {  	[tilespmem:$0x1BA88] =	vst @!p4 v2;
	v2 =	vadd.s32 @!p4 v5, v3;
	v3 =	vadd.s32 @!p4 v0, v7  }
0x166: {  	[tilespmem:$0x1BA98] =	vst @!p4 v2;
	v2 =	vadd.s32 @!p4 v4, v3  }
0x167: {  	s8 =	simm.s32 @!p4 $0x1BA38;
	s3 =	simm.s32 @!p4 $0x1BAB8;
	[tilespmem:$0x1BAA8] =	vst @!p4 v2  }
0x168: {  	[tilespmem:s3], [sflag:$0xF] =	stream.indirect.gather @!p4 [hbm4b:s6+s9], $0x20, s8, s9, $0xb8;
	[tilespmem:$0x1EFB8] =	vst v63  }
0x169: {  	s8 =	simm.s32 @!p5 $0x12  }
0x16a: {  	_ =	swait.ge @!p5 [sflag:s8], $0x80  }
0x16b: {  	[sflag:s8] =	ssyncset.done @!p5 $0x0  }
0x16c: {  	[sflag:s8] =	ssyncadd.s32 @!p5 $0xFFFFFF80;
	s8 =	simm.s32 @!p5 $0x13  }
0x16d: {  	_ =	swait.ge @!p5 [sflag:s8], $0x80  }
0x16e: {  	[sflag:s8] =	ssyncset.done @!p5 $0x0  }
0x16f: {  	[sflag:s8] =	ssyncadd.s32 @!p5 $0xFFFFFF80  }
0x170: {  	v2 =	vld @!p5 [tilespmem:$0x1CBB8]  }
0x171: {  	v3 =	vld @!p5 [tilespmem:$0x1CC38]  }
0x172: {  	v4 =	vld @!p5 [tilespmem:$0x1CBC8]  }
0x173: {  	v5 =	vld @!p5 [tilespmem:$0x1CC48]  }
0x174: {  	v6 =	vld @!p5 [tilespmem:$0x1CBD8]  }
0x175: {  	v7 =	vld @!p5 [tilespmem:$0x1CC58]  }
0x176: {  	v8 =	vld @!p5 [tilespmem:$0x1CBE8]  }
0x177: {  	v9 =	vld @!p5 [tilespmem:$0x1CC68]  }
0x178: {  	v10 =	vld @!p5 [tilespmem:$0x1CBF8]  }
0x179: {  	v11 =	vld @!p5 [tilespmem:$0x1CC78]  }
0x17a: {  	v12 =	vld @!p5 [tilespmem:$0x1CC08]  }
0x17b: {  	v13 =	vld @!p5 [tilespmem:$0x1CC88]  }
0x17c: {  	v14 =	vld @!p5 [tilespmem:$0x1CC18];
	v2 =	vmul.u32 @!p5 $0x64, v2  }
0x17d: {  	v15 =	vld @!p5 [tilespmem:$0x1CC98];
	v3 =	vadd.s32 @!p5 v0, v3;
	v4 =	vmul.u32 @!p5 $0x64, v4  }
0x17e: {  	v2 =	vadd.s32 @!p5 v2, v3;
	v3 =	vadd.s32 @!p5 v0, v5;
	v5 =	vmul.u32 @!p5 $0x64, v6;
	v6 =	vld @!p5 [tilespmem:$0x1CC28]  }
0x17f: {  	[tilespmem:$0x1CCB8] =	vst @!p5 v2;
	v2 =	vadd.s32 @!p5 v4, v3;
	v3 =	vadd.s32 @!p5 v0, v7;
	v4 =	vmul.u32 @!p5 $0x64, v8;
	v7 =	vld @!p5 [tilespmem:$0x1CCA8]  }
0x180: {  	[tilespmem:$0x1CCC8] =	vst @!p5 v2;
	v2 =	vadd.s32 @!p5 v5, v3;
	v3 =	vadd.s32 @!p5 v0, v9;
	v5 =	vmul.u32 @!p5 $0x64, v10  }
0x181: {  	[tilespmem:$0x1CCD8] =	vst @!p5 v2;
	v2 =	vadd.s32 @!p5 v4, v3;
	v3 =	vadd.s32 @!p5 v0, v11;
	v4 =	vmul.u32 @!p5 $0x64, v12  }
0x182: {  	[tilespmem:$0x1CCE8] =	vst @!p5 v2;
	v2 =	vadd.s32 @!p5 v5, v3;
	v3 =	vadd.s32 @!p5 v0, v13;
	v5 =	vmul.u32 @!p5 $0x64, v14  }
0x183: {  	[tilespmem:$0x1CCF8] =	vst @!p5 v2;
	v2 =	vadd.s32 @!p5 v4, v3;
	v3 =	vadd.s32 @!p5 v0, v15;
	v4 =	vmul.u32 @!p5 $0x64, v6  }
0x184: {  	[tilespmem:$0x1CD08] =	vst @!p5 v2;
	v2 =	vadd.s32 @!p5 v5, v3;
	v3 =	vadd.s32 @!p5 v0, v7  }
0x185: {  	[tilespmem:$0x1CD18] =	vst @!p5 v2;
	v2 =	vadd.s32 @!p5 v4, v3  }
0x186: {  	s18 =	simm.s32 @!p5 $0x1CD38;
	s8 =	simm.s32 @!p5 $0x1CCB8;
	[tilespmem:$0x1CD28] =	vst @!p5 v2  }
0x187: {  	[tilespmem:s18], [sflag:$0x14] =	stream.indirect.gather @!p5 [hbm4b:s6+s15], $0x20, s8, s15, $0xb8;
	[tilespmem:$0x1EFB8] =	vst v63  }
0x188: {  	s8 =	simm.s32 @!p6 $0x17  }
0x189: {  	_ =	swait.ge @!p6 [sflag:s8], $0x80  }
0x18a: {  	[sflag:s8] =	ssyncset.done @!p6 $0x0  }
0x18b: {  	[sflag:s8] =	ssyncadd.s32 @!p6 $0xFFFFFF80;
	s8 =	simm.s32 @!p6 $0x18  }
0x18c: {  	_ =	swait.ge @!p6 [sflag:s8], $0x80  }
0x18d: {  	[sflag:s8] =	ssyncset.done @!p6 $0x0  }
0x18e: {  	[sflag:s8] =	ssyncadd.s32 @!p6 $0xFFFFFF80  }
0x18f: {  	v2 =	vld @!p6 [tilespmem:$0x1DE38]  }
0x190: {  	v3 =	vld @!p6 [tilespmem:$0x1DEB8]  }
0x191: {  	v4 =	vld @!p6 [tilespmem:$0x1DE48]  }
0x192: {  	v5 =	vld @!p6 [tilespmem:$0x1DEC8]  }
0x193: {  	v6 =	vld @!p6 [tilespmem:$0x1DE58]  }
0x194: {  	v7 =	vld @!p6 [tilespmem:$0x1DED8]  }
0x195: {  	v8 =	vld @!p6 [tilespmem:$0x1DE68]  }
0x196: {  	v9 =	vld @!p6 [tilespmem:$0x1DEE8]  }
0x197: {  	v10 =	vld @!p6 [tilespmem:$0x1DE78]  }
0x198: {  	v11 =	vld @!p6 [tilespmem:$0x1DEF8]  }
0x199: {  	v12 =	vld @!p6 [tilespmem:$0x1DE88]  }
0x19a: {  	v13 =	vld @!p6 [tilespmem:$0x1DF08]  }
0x19b: {  	v14 =	vld @!p6 [tilespmem:$0x1DE98];
	v2 =	vmul.u32 @!p6 $0x64, v2  }
0x19c: {  	v15 =	vld @!p6 [tilespmem:$0x1DF18];
	v3 =	vadd.s32 @!p6 v0, v3;
	v4 =	vmul.u32 @!p6 $0x64, v4  }
0x19d: {  	v2 =	vadd.s32 @!p6 v2, v3;
	v3 =	vadd.s32 @!p6 v0, v5;
	v5 =	vmul.u32 @!p6 $0x64, v6;
	v6 =	vld @!p6 [tilespmem:$0x1DEA8]  }
0x19e: {  	[tilespmem:$0x1DF38] =	vst @!p6 v2;
	v2 =	vadd.s32 @!p6 v4, v3;
	v3 =	vadd.s32 @!p6 v0, v7;
	v4 =	vmul.u32 @!p6 $0x64, v8;
	v7 =	vld @!p6 [tilespmem:$0x1DF28]  }
0x19f: {  	[tilespmem:$0x1DF48] =	vst @!p6 v2;
	v2 =	vadd.s32 @!p6 v5, v3;
	v3 =	vadd.s32 @!p6 v0, v9;
	v5 =	vmul.u32 @!p6 $0x64, v10  }
0x1a0: {  	[tilespmem:$0x1DF58] =	vst @!p6 v2;
	v2 =	vadd.s32 @!p6 v4, v3;
	v3 =	vadd.s32 @!p6 v0, v11;
	v4 =	vmul.u32 @!p6 $0x64, v12  }
0x1a1: {  	[tilespmem:$0x1DF68] =	vst @!p6 v2;
	v2 =	vadd.s32 @!p6 v5, v3;
	v3 =	vadd.s32 @!p6 v0, v13;
	v5 =	vmul.u32 @!p6 $0x64, v14  }
0x1a2: {  	[tilespmem:$0x1DF78] =	vst @!p6 v2;
	v2 =	vadd.s32 @!p6 v4, v3;
	v3 =	vadd.s32 @!p6 v0, v15;
	v4 =	vmul.u32 @!p6 $0x64, v6  }
0x1a3: {  	[tilespmem:$0x1DF88] =	vst @!p6 v2;
	v2 =	vadd.s32 @!p6 v5, v3;
	v3 =	vadd.s32 @!p6 v0, v7  }
0x1a4: {  	p2 =	por p1, p1;
	p1 =	sge.u32 @!p1 s20, s11;
	[tilespmem:$0x1DF98] =	vst @!p6 v2;
	v2 =	vadd.s32 @!p6 v4, v3  }
0x1a5: {  	p1 =	por p1, p2;
	s10 =	simm.s32 @!p6 $0x1DF38;
	s8 =	simm.s32 @!p6 $0x1DFB8;
	[tilespmem:$0x1DFA8] =	vst @!p6 v2  }
0x1a6: {  	[tilespmem:s8], [sflag:$0x19] =	stream.indirect.gather @!p6 [hbm4b:s6+s16], $0x20, s10, s16, $0xb8;
	[tilespmem:$0x1EFB8] =	vst v63  }
0x1a7: {  	s2 =	smov.u32 s13;
	s13 =	smov.u32 s11;
	s10 =	rddreg [dreg:$0x12]  }
0x1a8: {  	s11 =	simm.s32 @!p1 $0x0;
	s12 =	simm.s32 @!p1 $0x194B8;
	s10 =	sadd.s32 @!p1 s21, s10  }
0x1a9: {  	[hbm4b:s10+s11] =	stream.linear.scatter @!p1 [tilespmem:s12], [sflag:$0x1A], $0x80, $0x38;
	[tilespmem:$0x1EFB8] =	vst v63  }
0x1aa: {  	p0 =	sge.u32 @!p2 s20, s1;
	s10 =	simm.s32 @!p1 $0x1A  }
0x1ab: {  	p0 =	por p0, p2;
	_ =	swait.ge @!p1 [sflag:s10], $0x80  }
0x1ac: {  	s12 =	simm.s32 @!p0 $0x1A738;
	s11 =	rddreg [dreg:$0xd];
	[sflag:s10] =	ssyncset.done @!p1 $0x0  }
0x1ad: {  	[sflag:s10] =	ssyncadd.s32 @!p1 $0xFFFFFF80;
	s10 =	sadd.s32 @!p0 s21, s11;
	s11 =	simm.s32 @!p0 $0x0  }
0x1ae: {  	[hbm4b:s10+s11] =	stream.linear.scatter @!p0 [tilespmem:s12], [sflag:$0x1A], $0x80, $0x38;
	[tilespmem:$0x1EFB8] =	vst v63  }
0x1af: {  	s10 =	simm.s32 @!p0 $0x1A  }
0x1b0: {  	_ =	swait.ge @!p0 [sflag:s10], $0x80  }
0x1b1: {  	p1 =	sge.u32 @!p2 s20, s22;
	[sflag:s10] =	ssyncset.done @!p0 $0x0  }
0x1b2: {  	s11 =	rddreg [dreg:$0xa];
	[sflag:s10] =	ssyncadd.s32 @!p0 $0xFFFFFF80;
	p0 =	por p1, p2  }
0x1b3: {  	s10 =	sadd.s32 @!p0 s21, s11;
	s11 =	simm.s32 @!p0 $0x0;
	s12 =	simm.s32 @!p0 $0x1B9B8  }
0x1b4: {  	[hbm4b:s10+s11] =	stream.linear.scatter @!p0 [tilespmem:s12], [sflag:$0x1A], $0x80, $0x38;
	[tilespmem:$0x1EFB8] =	vst v63  }
0x1b5: {  	s10 =	simm.s32 @!p0 $0x1A  }
0x1b6: {  	_ =	swait.ge @!p0 [sflag:s10], $0x80  }
0x1b7: {  	p1 =	sge.u32 @!p2 s20, s23;
	[sflag:s10] =	ssyncset.done @!p0 $0x0  }
0x1b8: {  	s11 =	rddreg [dreg:$0x7];
	[sflag:s10] =	ssyncadd.s32 @!p0 $0xFFFFFF80;
	p0 =	por p1, p2  }
0x1b9: {  	s10 =	sadd.s32 @!p0 s21, s11;
	s11 =	simm.s32 @!p0 $0x0;
	s12 =	simm.s32 @!p0 $0x1CC38  }
0x1ba: {  	[hbm4b:s10+s11] =	stream.linear.scatter @!p0 [tilespmem:s12], [sflag:$0x1A], $0x80, $0x38;
	[tilespmem:$0x1EFB8] =	vst v63  }
0x1bb: {  	s10 =	simm.s32 @!p0 $0x1A  }
0x1bc: {  	_ =	swait.ge @!p0 [sflag:s10], $0x80  }
0x1bd: {  	p1 =	sge.u32 @!p2 s20, s25;
	[sflag:s10] =	ssyncset.done @!p0 $0x0  }
0x1be: {  	s11 =	rddreg [dreg:$0x4];
	[sflag:s10] =	ssyncadd.s32 @!p0 $0xFFFFFF80;
	p0 =	por p1, p2  }
0x1bf: {  	s10 =	sadd.s32 @!p0 s21, s11;
	s11 =	simm.s32 @!p0 $0x0;
	s12 =	simm.s32 @!p0 $0x1DEB8  }
0x1c0: {  	[hbm4b:s10+s11] =	stream.linear.scatter @!p0 [tilespmem:s12], [sflag:$0x1A], $0x80, $0x38;
	[tilespmem:$0x1EFB8] =	vst v63  }
0x1c1: {  	s10 =	simm.s32 @!p0 $0x1A  }
0x1c2: {  	_ =	swait.ge @!p0 [sflag:s10], $0x80  }
0x1c3: {  	s25 =	sld [smem:$0x7E9];
	_ =	sdelay $0x1  }
0x1c4: {  	[sflag:s10] =	ssyncset.done @!p0 $0x0  }
0x1c5: {  	[sflag:s10] =	ssyncadd.s32 @!p0 $0xFFFFFF80;
	p0 =	seq.s32 s25, $0x1  }
0x1c6: {  	s10 =	simm.s32 @!p0 $0x5  }
0x1c7: {  	_ =	swait.ge @!p0 [sflag:s10], $0x1000  }
0x1c8: {  	[sflag:s10] =	ssyncset.done @!p0 $0x0  }
0x1c9: {  	[sflag:s10] =	ssyncadd.s32 @!p0 $0xFFFFF000  }
0x1ca: {  	[spmem:s2] =	stream.indirect.scatter.add.f32 @!p0 [tilespmem:s29], [sflag:$0x1], $0x20, s14, s4, $0xb8;
	[tilespmem:$0x1EFB8] =	vst v63  }
0x1cb: {  	s4 =	simm.s32 @!p3 $0xA  }
0x1cc: {  	_ =	swait.ge @!p3 [sflag:s4], $0x1000  }
0x1cd: {  	[sflag:s4] =	ssyncset.done @!p3 $0x0  }
0x1ce: {  	s1 =	simm.s32 @!p3 $0x1A638;
	[sflag:s4] =	ssyncadd.s32 @!p3 $0xFFFFF000;
	s4 =	simm.s32 @!p4 $0xF  }
0x1cf: {  	[spmem:s2] =	stream.indirect.scatter.add.f32 @!p3 [tilespmem:s7], [sflag:$0x6], $0x20, s1, s17, $0xb8;
	[tilespmem:$0x1EFB8] =	vst v63  }
0x1d0: {  	_ =	swait.ge @!p4 [sflag:s4], $0x1000  }
0x1d1: {  	[sflag:s4] =	ssyncset.done @!p4 $0x0  }
0x1d2: {  	s1 =	simm.s32 @!p4 $0x1B8B8;
	[sflag:s4] =	ssyncadd.s32 @!p4 $0xFFFFF000  }
0x1d3: {  	[spmem:s2] =	stream.indirect.scatter.add.f32 @!p4 [tilespmem:s3], [sflag:$0xB], $0x20, s1, s9, $0xb8;
	[tilespmem:$0x1EFB8] =	vst v63  }
0x1d4: {  	s3 =	simm.s32 @!p5 $0x14  }
0x1d5: {  	_ =	swait.ge @!p5 [sflag:s3], $0x1000  }
0x1d6: {  	[sflag:s3] =	ssyncset.done @!p5 $0x0  }
0x1d7: {  	s1 =	simm.s32 @!p5 $0x1CB38;
	[sflag:s3] =	ssyncadd.s32 @!p5 $0xFFFFF000;
	s3 =	simm.s32 @!p6 $0x19  }
0x1d8: {  	[spmem:s2] =	stream.indirect.scatter.add.f32 @!p5 [tilespmem:s18], [sflag:$0x10], $0x20, s1, s15, $0xb8;
	[tilespmem:$0x1EFB8] =	vst v63  }
0x1d9: {  	_ =	swait.ge @!p6 [sflag:s3], $0x1000  }
0x1da: {  	[sflag:s3] =	ssyncset.done @!p6 $0x0  }
0x1db: {  	s1 =	simm.s32 @!p6 $0x1DDB8;
	[sflag:s3] =	ssyncadd.s32 @!p6 $0xFFFFF000  }
0x1dc: {  	[spmem:s2] =	stream.indirect.scatter.add.f32 @!p6 [tilespmem:s8], [sflag:$0x15], $0x20, s1, s16, $0xb8;
	[tilespmem:$0x1EFB8] =	vst v63  }
0x1dd: {  	_ =	swait.ge @!p0 [sflag:s28], $0x1000  }
0x1de: {  	[sflag:s28] =	ssyncset.done @!p0 $0x0  }
0x1df: {  	[sflag:s28] =	ssyncadd.s32 @!p0 $0xFFFFF000  }
0x1e0: {  	_ =	swait.ge @!p3 [sflag:s30], $0x1000  }
0x1e1: {  	[sflag:s30] =	ssyncset.done @!p3 $0x0  }
0x1e2: {  	[sflag:s30] =	ssyncadd.s32 @!p3 $0xFFFFF000  }
0x1e3: {  	_ =	swait.ge @!p4 [sflag:s31], $0x1000  }
0x1e4: {  	[sflag:s31] =	ssyncset.done @!p4 $0x0  }
0x1e5: {  	s21 =	sadd.s32 $0x50, s21;
	[sflag:s31] =	ssyncadd.s32 @!p4 $0xFFFFF000  }
0x1e6: {  	p0 =	sne.s32 s21, $0x18B0;
	_ =	swait.ge @!p5 [sflag:s0], $0x1000  }
.Ltmp1:
0x1e7: {  	[sflag:s0] =	ssyncset.done @!p5 $0x0;
	(pc) =	sbr.rel @p0 .LBB2_4-.Ltmp1, $4  }
0x1e8: {  	[sflag:s0] =	ssyncadd.s32 @!p5 $0xFFFFF000  }
0x1e9: {  	_ =	swait.ge @!p6 [sflag:s5], $0x1000  }
0x1ea: {  	s20 =	sadd.s32 $0x5, s20;
	p1 =	por p2, p2;
	[sflag:s5] =	ssyncset.done @!p6 $0x0  }
0x1eb: {  	s11 =	smov.u32 s13;
	s13 =	smov.u32 s2;
	[sflag:s5] =	ssyncadd.s32 @!p6 $0xFFFFF000  }
0x1ec: {  	[bflag:$0x0] =	sbarrier.arrive $0xFFFF;
	s0 =	stileid.u32  }
0x1ed: {  	s0 =	sshll.u32 s0, $0x6;
	s10 =	rddreg [dreg:$0x15]  }
0x1ee: {  	s3 =	sadd.s32 $0x0, s24;
	s0 =	sor.u32 $0x1C1A, s0;
	s4 =	sshrl.u32 s10, $0x3  }
0x1ef: {  	[hbm:s3], [sflag:s0] =	dma.local [spmem:s4], $0x220  }
0x1f0: {  	s3 =	simm.s32 $0x220;
	s4 =	sadd.s32 $0x1100, s10;
	_ =	swait.ge [sflag:s19], $0x220  }
.LBB2_6:
0x1f1: {  	s5 =	sadd.s32 s3, s24;
	[sflag:s19] =	ssyncset.done $0x0;
	p0 =	sne.s32 s3, $0x2EC0  }
.Ltmp2:
0x1f2: {  	s7 =	sshrl.u32 s4, $0x3;
	[sflag:s19] =	ssyncadd.s32 $0xFFFFFDE0;
	(pc) =	sbr.rel @p0 .LBB2_6-.Ltmp2, $3  }
0x1f3: {  	[hbm:s5], [sflag:s0] =	dma.local [spmem:s7], $0x220  }
0x1f4: {  	s3 =	sadd.s32 $0x220, s3;
	_ =	sdelay $0x1  }
0x1f5: {  	s4 =	sadd.s32 $0x1100, s4;
	_ =	swait.ge [sflag:s19], $0x220  }
0x1f6: {  	s12 =	rddreg [dreg:$0x13]  }
0x1f7: {  	s0 =	rddreg [dreg:$0x1b];
	s12 =	sadd.s32 $0x1, s12  }
0x1f8: {  	p0 =	sne.s32 s12, s0  }
.Ltmp3:
0x1f9: {  	_ = 	snop;
	(pc) =	sbr.rel @p0 .LBB2_1-.Ltmp3, $3  }
0x1fa: {  	_ =	sdelay $0x1  }
0x1fb: {  	[sflag:s19] =	ssyncset.done $0x0  }
0x1fc: {  	[sflag:s19] =	ssyncadd.s32 $0xFFFFFDE0  }
0x1fd: {  	_ =	sfence.sel $0x180000  }
0x1fe: {  	[bflag:$0x0] =	sbarrier.arrive $0xFFFF  }
0x1ff: {  	_ =	strace $0x90000047  }
0x200: {  	s0 =	stileid.u32;
	[bflag:$0x2] =	sbarrier.arrive $0xFFFF  }
0x201: {  	p0 =	sne.s32 s0, $0x0;
	s0 =	rddreg [dreg:$0x3]  }
0x202: {  	s0 =	sadd.s32 @!p0 $0x100000, s0  }
0x203: {  	[sflag:s0] =	ssyncadd.tile.s32 @!p0 $0x1;
	_ =	shalt  }
.Lfunc_end2:
_tile_overlayer_lowered:
.L_overlay_start_2:
0x204: {  	(tag) =	ssettag $0x2  }
0x205: {  	s0 =	rddreg [dreg:$0x0];
	s2 =	stileid.u32  }
0x206: {  	s1 =	rddreg [dreg:$0x1];
	p0 =	sne.s32 s2, $0x0  }
0x207: {  	s3 =	rddreg [dreg:$0x2];
	[bflag:$0x3] =	sbarrier.arrive $0xFFFF;
	s2 =	simm.s32 @!p0 $0x1C1A  }
0x208: {  	[timem:s3], [sflag:s2] =	dma.local @!p0 [hbm:s0], s1  }
0x209: {  	s0 =	simm.s32 @!p0 $0x1A  }
0x20a: {  	_ =	swait.ge @!p0 [sflag:s0], s1  }
0x20b: {  	s1 =	ssub.s32 @!p0 $0x0, s1;
	[sflag:s0] =	ssyncset.done @!p0 $0x0  }
0x20c: {  	[sflag:s0] =	ssyncadd.s32 @!p0 s1  }
0x20d: {  	[bflag:$0x3] =	sbarrier.arrive $0xFFFF  }
0x20e: {  	_ =	shalt  }

</sc_bundles>
